<compile_context>
chip_gen: v7x
topology: tpu7x:2x2x1
jax: 0.10.2.dev20260603
libtpu: 0.0.44.dev20260713+nightly
codegen_flags: <defaults>
</compile_context>

<pallas_src>
import jax
import jax.numpy as jnp
import numpy as np
from jax import lax
from jax.experimental import pallas as pl
from jax.experimental.pallas import tpu as pltpu

N = 10000
C = 256
K = 5000
KP = 5120
NP = 10240
NEG_SLOPE = 0.2


def _mm_body(a_ref, b_ref, o_ref, acc_ref):
    @pl.when(pl.program_id(2) == 0)
    def _init():
        acc_ref[...] = jnp.zeros_like(acc_ref)
    acc_ref[...] += jnp.dot(a_ref[...], b_ref[...],
                            preferred_element_type=jnp.float32)

    @pl.when(pl.program_id(2) == pl.num_programs(2) - 1)
    def _flush():
        o_ref[...] = acc_ref[...].astype(o_ref.dtype)


def _mm(a, b, bm, bk, bn, out_dtype):
    m, kd = a.shape
    _, n = b.shape
    return pl.pallas_call(
        _mm_body,
        grid=(m // bm, n // bn, kd // bk),
        in_specs=[pl.BlockSpec((bm, bk), lambda i, j, k: (i, k)),
                  pl.BlockSpec((bk, bn), lambda i, j, k: (k, j))],
        out_specs=pl.BlockSpec((bm, bn), lambda i, j, k: (i, j)),
        out_shape=jax.ShapeDtypeStruct((m, n), out_dtype),
        scratch_shapes=[pltpu.VMEM((bm, bn), jnp.float32)],
        compiler_params=pltpu.CompilerParams(
            dimension_semantics=("parallel", "parallel", "arbitrary")),
    )(a, b)


def kernel(x, edge_index, Wq, bq, Wa, ba, W1, b1, W2, W3, b3):
    n = x.shape[0]
    loops = jnp.arange(n, dtype=edge_index.dtype)
    ei = jnp.concatenate([edge_index, jnp.stack([loops, loops])], axis=1)
    row, col = ei[0], ei[1]
    xpj = x[col]
    Xq = jax.ops.segment_max(xpj, row, num_segments=n)
    Mq = Xq @ Wq + bq
    Mqe = Mq[row]
    sc = jnp.concatenate([Mqe, xpj], axis=-1) @ Wa + ba
    sc = jax.nn.leaky_relu(sc, negative_slope=NEG_SLOPE)
    s1 = sc[:, 0]
    smax = jax.ops.segment_max(s1, row, num_segments=n)
    ex = jnp.exp(s1 - smax[row])
    den = jax.ops.segment_sum(ex, row, num_segments=n)
    score = ex / den[row]
    vj = x[col] * score[:, None]
    out = jax.ops.segment_sum(vj, row, num_segments=n)
    a = out @ W1 + b1
    bb = out @ W2
    msg = a[col] - bb[row]
    agg = jax.ops.segment_sum(msg, row, num_segments=n)
    fitness = jax.nn.sigmoid(agg + out @ W3 + b3)[:, 0]
    _, perm = jax.lax.top_k(fitness, K)
    x_out = out[perm] * fitness[perm][:, None]

    rank = jnp.full((n,), K, jnp.int32).at[perm].set(
        jnp.arange(K, dtype=jnp.int32))
    cle = rank[row]
    w = jnp.where(cle < K, score, 0.0)
    cle = jnp.minimum(cle, KP - 1)
    Sb = jnp.zeros((NP, KP), jnp.bfloat16).at[(col, cle)].add(
        w.astype(jnp.bfloat16))
    A = jnp.zeros((NP, NP), jnp.bfloat16).at[(row, col)].add(
        jnp.ones((row.shape[0],), jnp.bfloat16))
    B = _mm(A, Sb, 1024, 2048, 1024, jnp.bfloat16)
    St = jnp.swapaxes(Sb, 0, 1)
    Em_full = _mm(St, B, 1024, 2048, 1024, jnp.float32)
    Em = Em_full[:K, :K]
    dix = jnp.arange(K)
    Em = Em.at[dix, dix].set(1.0)

    batch_out = jnp.zeros((K,), jnp.int32)
    return (x_out, Em, batch_out, perm)

# --- scband reference (transcript-rebuilt; emitter-appended) ---
"""Pipeline reference for scband-asap-pooling-38414187496034 (READ-ONLY COPY).

The authoritative reference and input builder live on the scoring server;
editing this copy changes nothing except your own understanding.
"""

import jax, jax.numpy as jnp
import numpy as np

N = 10000
DEG = 16
C = 256
RATIO = 0.5


def setup_inputs(seed: int = 0):
    key = jax.random.key(seed)
    ks = jax.random.split(key, 12)
    x = jax.random.normal(ks[0], (N, C), dtype=jnp.float32)
    src = jax.random.randint(ks[1], (N * DEG,), 0, N)
    off = jax.random.randint(ks[2], (N * DEG,), 1, N)
    dst = (src + off) % N  # guarantees no self loops in raw edges
    edge_index = jnp.stack([src, dst]).astype(jnp.int32)
    s = 0.05
    Wq = jax.random.normal(ks[3], (C, C), jnp.float32) * s
    bq = jnp.zeros((C,), jnp.float32)
    Wa = jax.random.normal(ks[4], (2 * C, 1), jnp.float32) * s
    ba = jnp.zeros((1,), jnp.float32)
    W1 = jax.random.normal(ks[5], (C, 1), jnp.float32) * s
    b1 = jnp.zeros((1,), jnp.float32)
    W2 = jax.random.normal(ks[6], (C, 1), jnp.float32) * s
    W3 = jax.random.normal(ks[7], (C, 1), jnp.float32) * s
    b3 = jnp.zeros((1,), jnp.float32)
    return {"x": x, "edge_index": edge_index, "Wq": Wq, "bq": bq, "Wa": Wa,
            "ba": ba, "W1": W1, "b1": b1, "W2": W2, "W3": W3, "b3": b3}


def reference(x, edge_index, Wq, bq, Wa, ba, W1, b1, W2, W3, b3):
    n = x.shape[0]
    # add_remaining_self_loops (raw edges contain none, edge_weight=None -> ones)
    loops = jnp.arange(n, dtype=edge_index.dtype)
    ei = jnp.concatenate([edge_index, jnp.stack([loops, loops])], axis=1)
    row, col = ei[0], ei[1]
    x_pool = x  # GNN=None
    xpj = x_pool[col]
    xj = x[col]
    # master query via scatter_max over dst=row
    Xq = jax.ops.segment_max(xpj, row, num_segments=n)
    Mq = Xq @ Wq + bq
    Mqe = Mq[row]
    sc = jnp.concatenate([Mqe, xpj], axis=-1) @ Wa + ba
    sc = jax.nn.leaky_relu(sc, negative_slope=0.2)
    s1 = sc[:, 0]
    # segment softmax over row
    smax = jax.ops.segment_max(s1, row, num_segments=n)
    ex = jnp.exp(s1 - smax[row])
    den = jax.ops.segment_sum(ex, row, num_segments=n)
    score = ex / den[row]
    vj = xj * score[:, None]
    out = jax.ops.segment_sum(vj, row, num_segments=n)
    # LEConv -> fitness
    a = out @ W1 + b1
    bb = out @ W2
    msg = a[col] - bb[row]
    agg = jax.ops.segment_sum(msg, row, num_segments=n)
    fitness = jax.nn.sigmoid(agg + out @ W3 + b3)[:, 0]
    k = int(np.ceil(RATIO * n))
    _, perm = jax.lax.top_k(fitness, k)
    x_out = out[perm] * fitness[perm][:, None]
    # graph_connectivity: E = S^T A S (score detached, A unit-weighted), dense in cluster dim
    n_idx = jnp.zeros((n,), jnp.int32).at[perm].set(jnp.arange(k, dtype=jnp.int32))
    in_perm = jnp.zeros((n,), dtype=bool).at[perm].set(True)
    w = jnp.where(in_perm[row], jax.lax.stop_gradient(score), 0.0)
    cl = n_idx[row]
    # S[node=col_e, cluster=cl_e] += w_e  (coalesce sums duplicates)
    S = jnp.zeros((n, k), jnp.float32).at[(col, cl)].add(w)
    B = jnp.zeros((n, k), jnp.float32)
    Em = jnp.zeros((k, k), jnp.float32)
    E_tot = ei.shape[1]
    chunk = 10000
    for st in range(0, E_tot, chunk):
        r = row[st:st + chunk]
        c = col[st:st + chunk]
        B = B.at[r].add(S[c])  # B = A @ S (value_A = ones)
    for st in range(0, E_tot, chunk):
        c = col[st:st + chunk]
        cc = cl[st:st + chunk]
        ww = w[st:st + chunk]
        Em = Em.at[cc].add(ww[:, None] * B[c])  # Em = S^T @ B
    eye = jnp.eye(k, dtype=jnp.float32)
    Em = Em * (1.0 - eye) + eye  # remove self loops, add remaining self loops fill=1
    batch_out = jnp.zeros((k,), jnp.int32)
    return (x_out, Em, batch_out, perm)

if __name__ == "__main__":
    import jax
    _d = setup_inputs()
    print(jax.jit(kernel)(*tuple(_d.values())))

</pallas_src>

<mosaic_0001>
module attributes {stable_mosaic.version = 14 : i64} {
  func.func @_mm_body(%arg0: i32, %arg1: i32, %arg2: i32, %arg3: memref<1024x2048xbf16, #tpu.memory_space<vmem>>, %arg4: memref<2048x1024xbf16, #tpu.memory_space<vmem>>, %arg5: memref<1024x1024xbf16, #tpu.memory_space<vmem>>, %arg6: memref<1024x1024xf32, #tpu.memory_space<vmem>>) attributes {dimension_semantics = [#tpu.dimension_semantics<parallel>, #tpu.dimension_semantics<parallel>, #tpu.dimension_semantics<arbitrary>], iteration_bounds = array<i64: 10, 5, 5>, scalar_prefetch = 0 : i64, scratch_operands = 1 : i64, tpu.core_type = #tpu.core_type<tc>, window_params = [{transform_indices = @transform_0, window_bounds = array<i64: 1024, 2048>}, {transform_indices = @transform_1, window_bounds = array<i64: 2048, 1024>}, {transform_indices = @transform_2, window_bounds = array<i64: 1024, 1024>}]} {
    %eq3A = arith.constant 0 : i32
    %eq3A_0 = arith.cmpi eq, %arg2, %eq3A : i32
    %convert_element_type3A = arith.extui %eq3A_0 : i1 to i32
    %cond3A = arith.constant 0 : i32
    %cond3A_1 = arith.cmpi ne, %convert_element_type3A, %cond3A : i32
    scf.if %cond3A_1 {
      %broadcast_in_dim3A = arith.constant 0.000000e+00 : f32
      %broadcast_in_dim3A_18 = vector.broadcast %broadcast_in_dim3A : f32 to vector<1024x1024xf32>
      %swap3A_19 = arith.constant 0 : index
      %swap3A_20 = arith.constant 0 : index
      %swap3A_21 = vector.load %arg6[%swap3A_19, %swap3A_20] : memref<1024x1024xf32, #tpu.memory_space<vmem>>, vector<1024x1024xf32>
      tpu.vector_store %arg6[%swap3A_19, %swap3A_20], %broadcast_in_dim3A_18 {strides = array<i32>} : memref<1024x1024xf32, #tpu.memory_space<vmem>>, vector<1024x1024xf32>,
    } else {
    }
    %get3A = arith.constant 0 : index
    %get3A_2 = arith.constant 0 : index
    %get3A_3 = vector.load %arg6[%get3A, %get3A_2] : memref<1024x1024xf32, #tpu.memory_space<vmem>>, vector<1024x1024xf32>
    %get3A_4 = arith.constant 0 : index
    %get3A_5 = arith.constant 0 : index
    %get3A_6 = vector.load %arg3[%get3A_4, %get3A_5] : memref<1024x2048xbf16, #tpu.memory_space<vmem>>, vector<1024x2048xbf16>
    %get3A_7 = arith.constant 0 : index
    %get3A_8 = arith.constant 0 : index
    %get3A_9 = vector.load %arg4[%get3A_7, %get3A_8] : memref<2048x1024xbf16, #tpu.memory_space<vmem>>, vector<2048x1024xbf16>
    %dot_general3A = arith.constant dense<0.000000e+00> : vector<1024x1024xf32>
    %dot_general3A_10 = tpu.matmul %get3A_6, %get3A_9, %dot_general3A {dimension_numbers = #tpu.dot_dimension_numbers<[1], [0], [0], [1], [0, 0, 1, 1], [], []>, transpose_lhs_hint = false} : vector<1024x2048xbf16>, vector<2048x1024xbf16>, vector<1024x1024xf32> -> vector<1024x1024xf32>
    %add3A = arith.addf %get3A_3, %dot_general3A_10 : vector<1024x1024xf32>
    %swap3A = arith.constant 0 : index
    %swap3A_11 = arith.constant 0 : index
    %swap3A_12 = vector.load %arg6[%swap3A, %swap3A_11] : memref<1024x1024xf32, #tpu.memory_space<vmem>>, vector<1024x1024xf32>
    tpu.vector_store %arg6[%swap3A, %swap3A_11], %add3A {strides = array<i32>} : memref<1024x1024xf32, #tpu.memory_space<vmem>>, vector<1024x1024xf32>,
    %eq3A_13 = arith.constant 4 : i32
    %eq3A_14 = arith.cmpi eq, %arg2, %eq3A_13 : i32
    %convert_element_type3A_15 = arith.extui %eq3A_14 : i1 to i32
    %cond3A_16 = arith.constant 0 : i32
    %cond3A_17 = arith.cmpi ne, %convert_element_type3A_15, %cond3A_16 : i32
    scf.if %cond3A_17 {
      %get3A_18 = arith.constant 0 : index
      %get3A_19 = arith.constant 0 : index
      %get3A_20 = vector.load %arg6[%get3A_18, %get3A_19] : memref<1024x1024xf32, #tpu.memory_space<vmem>>, vector<1024x1024xf32>
      %convert_element_type3A_21 = arith.truncf %get3A_20 : vector<1024x1024xf32> to vector<1024x1024xbf16>
      %swap3A_22 = arith.constant 0 : index
      %swap3A_23 = arith.constant 0 : index
      %swap3A_24 = vector.load %arg5[%swap3A_22, %swap3A_23] : memref<1024x1024xbf16, #tpu.memory_space<vmem>>, vector<1024x1024xbf16>
      tpu.vector_store %arg5[%swap3A_22, %swap3A_23], %convert_element_type3A_21 {strides = array<i32>} : memref<1024x1024xbf16, #tpu.memory_space<vmem>>, vector<1024x1024xbf16>,
    } else {
    }
    return
  }
  func.func @transform_0(%arg0: i32, %arg1: i32, %arg2: i32) -> (i32, i32) {
    %c0_i32 = arith.constant 0 : i32
    return %arg0, %arg2 : i32, i32
  }
  func.func @transform_1(%arg0: i32, %arg1: i32, %arg2: i32) -> (i32, i32) {
    %c0_i32 = arith.constant 0 : i32
    return %arg2, %arg1 : i32, i32
  }
  func.func @transform_2(%arg0: i32, %arg1: i32, %arg2: i32) -> (i32, i32) {
    %c0_i32 = arith.constant 0 : i32
    return %arg0, %arg1 : i32, i32
  }
}

module attributes {stable_mosaic.version = 14 : i64} {
  func.func @_mm_body(%arg0: i32, %arg1: i32, %arg2: i32, %arg3: memref<1024x2048xbf16, #tpu.memory_space<vmem>>, %arg4: memref<2048x1024xbf16, #tpu.memory_space<vmem>>, %arg5: memref<1024x1024xf32, #tpu.memory_space<vmem>>, %arg6: memref<1024x1024xf32, #tpu.memory_space<vmem>>) attributes {dimension_semantics = [#tpu.dimension_semantics<parallel>, #tpu.dimension_semantics<parallel>, #tpu.dimension_semantics<arbitrary>], iteration_bounds = array<i64: 5, 5, 5>, scalar_prefetch = 0 : i64, scratch_operands = 1 : i64, tpu.core_type = #tpu.core_type<tc>, window_params = [{transform_indices = @transform_0, window_bounds = array<i64: 1024, 2048>}, {transform_indices = @transform_1, window_bounds = array<i64: 2048, 1024>}, {transform_indices = @transform_2, window_bounds = array<i64: 1024, 1024>}]} {
    %eq3A = arith.constant 0 : i32
    %eq3A_0 = arith.cmpi eq, %arg2, %eq3A : i32
    %convert_element_type3A = arith.extui %eq3A_0 : i1 to i32
    %cond3A = arith.constant 0 : i32
    %cond3A_1 = arith.cmpi ne, %convert_element_type3A, %cond3A : i32
    scf.if %cond3A_1 {
      %broadcast_in_dim3A = arith.constant 0.000000e+00 : f32
      %broadcast_in_dim3A_18 = vector.broadcast %broadcast_in_dim3A : f32 to vector<1024x1024xf32>
      %swap3A_19 = arith.constant 0 : index
      %swap3A_20 = arith.constant 0 : index
      %swap3A_21 = vector.load %arg6[%swap3A_19, %swap3A_20] : memref<1024x1024xf32, #tpu.memory_space<vmem>>, vector<1024x1024xf32>
      tpu.vector_store %arg6[%swap3A_19, %swap3A_20], %broadcast_in_dim3A_18 {strides = array<i32>} : memref<1024x1024xf32, #tpu.memory_space<vmem>>, vector<1024x1024xf32>,
    } else {
    }
    %get3A = arith.constant 0 : index
    %get3A_2 = arith.constant 0 : index
    %get3A_3 = vector.load %arg6[%get3A, %get3A_2] : memref<1024x1024xf32, #tpu.memory_space<vmem>>, vector<1024x1024xf32>
    %get3A_4 = arith.constant 0 : index
    %get3A_5 = arith.constant 0 : index
    %get3A_6 = vector.load %arg3[%get3A_4, %get3A_5] : memref<1024x2048xbf16, #tpu.memory_space<vmem>>, vector<1024x2048xbf16>
    %get3A_7 = arith.constant 0 : index
    %get3A_8 = arith.constant 0 : index
    %get3A_9 = vector.load %arg4[%get3A_7, %get3A_8] : memref<2048x1024xbf16, #tpu.memory_space<vmem>>, vector<2048x1024xbf16>
    %dot_general3A = arith.constant dense<0.000000e+00> : vector<1024x1024xf32>
    %dot_general3A_10 = tpu.matmul %get3A_6, %get3A_9, %dot_general3A {dimension_numbers = #tpu.dot_dimension_numbers<[1], [0], [0], [1], [0, 0, 1, 1], [], []>, transpose_lhs_hint = false} : vector<1024x2048xbf16>, vector<2048x1024xbf16>, vector<1024x1024xf32> -> vector<1024x1024xf32>
    %add3A = arith.addf %get3A_3, %dot_general3A_10 : vector<1024x1024xf32>
    %swap3A = arith.constant 0 : index
    %swap3A_11 = arith.constant 0 : index
    %swap3A_12 = vector.load %arg6[%swap3A, %swap3A_11] : memref<1024x1024xf32, #tpu.memory_space<vmem>>, vector<1024x1024xf32>
    tpu.vector_store %arg6[%swap3A, %swap3A_11], %add3A {strides = array<i32>} : memref<1024x1024xf32, #tpu.memory_space<vmem>>, vector<1024x1024xf32>,
    %eq3A_13 = arith.constant 4 : i32
    %eq3A_14 = arith.cmpi eq, %arg2, %eq3A_13 : i32
    %convert_element_type3A_15 = arith.extui %eq3A_14 : i1 to i32
    %cond3A_16 = arith.constant 0 : i32
    %cond3A_17 = arith.cmpi ne, %convert_element_type3A_15, %cond3A_16 : i32
    scf.if %cond3A_17 {
      %get3A_18 = arith.constant 0 : index
      %get3A_19 = arith.constant 0 : index
      %get3A_20 = vector.load %arg6[%get3A_18, %get3A_19] : memref<1024x1024xf32, #tpu.memory_space<vmem>>, vector<1024x1024xf32>
      %swap3A_21 = arith.constant 0 : index
      %swap3A_22 = arith.constant 0 : index
      %swap3A_23 = vector.load %arg5[%swap3A_21, %swap3A_22] : memref<1024x1024xf32, #tpu.memory_space<vmem>>, vector<1024x1024xf32>
      tpu.vector_store %arg5[%swap3A_21, %swap3A_22], %get3A_20 {strides = array<i32>} : memref<1024x1024xf32, #tpu.memory_space<vmem>>, vector<1024x1024xf32>,
    } else {
    }
    return
  }
  func.func @transform_0(%arg0: i32, %arg1: i32, %arg2: i32) -> (i32, i32) {
    %c0_i32 = arith.constant 0 : i32
    return %arg0, %arg2 : i32, i32
  }
  func.func @transform_1(%arg0: i32, %arg1: i32, %arg2: i32) -> (i32, i32) {
    %c0_i32 = arith.constant 0 : i32
    return %arg2, %arg1 : i32, i32
  }
  func.func @transform_2(%arg0: i32, %arg1: i32, %arg2: i32) -> (i32, i32) {
    %c0_i32 = arith.constant 0 : i32
    return %arg0, %arg1 : i32, i32
  }
}

</mosaic_0001>

<sc_bundles>
// kernel: gather_offload_async_start.1
scs
__scs_entry_jumppad:
0x0: {  	(pc) =	sbr.rel $0x88, $3  }
0x1: {  	(tag) =	ssettag $0x0;
	lr =	simm.s32 $0x1  }
0x2: {  	[smem:$0x3F96] =	sst lr;
	_ =	strace $0xD0000000  }
0x3: {  	_ = 	snop  }
0x4: {  	_ = 	snop  }
0x5: {  	_ = 	snop  }
0x6: {  	_ = 	snop  }
0x7: {  	_ = 	snop  }
__scs_overlays_trampoline_lowered:
0x8: {  	[smem:$0x3FA5] =	sst s0  }
0x9: {  	[smem:$0x3FA6] =	sst s1  }
0xa: {  	[smem:$0x3FA7] =	sst s2  }
0xb: {  	[smem:$0x3FA8] =	sst s3  }
0xc: {  	[smem:$0x3FA9] =	sst s4  }
0xd: {  	[smem:$0x3FAA] =	sst s5  }
0xe: {  	[smem:$0x3FAB] =	sst s6  }
0xf: {  	[smem:$0x3FAC] =	sst s7  }
0x10: {  	[smem:$0x3FAD] =	sst s8  }
0x11: {  	[smem:$0x3FAE] =	sst s9;
	s0 =	simm.s32 @!p0 $0x0  }
0x12: {  	s1 =	sld [smem:$0x3F94];
	s0 =	simm.s32 @p0 $0x1  }
0x13: {  	[smem:$0x3FAF] =	sst s0;
	s0 =	simm.s32 @!p1 $0x0  }
0x14: {  	s2 =	sld [smem:$0x3F93];
	s0 =	simm.s32 @p1 $0x1  }
0x15: {  	[smem:$0x3FB0] =	sst s0;
	s0 =	simm.s32 @!p2 $0x0  }
0x16: {  	s3 =	sld [smem:$0x3FDB];
	s0 =	simm.s32 @p2 $0x1  }
0x17: {  	s4 =	simm.s32 $0x1BF5;
	[smem:$0x3FB2] =	sst s0  }
0x18: {  	s0 =	sld [smem:$0x3F95];
	_ =	swait.ge [sflag:s4], $0x0  }
0x19: {  	s7 =	sld [smem:$0x3F96]  }
0x1a: {  	s8 =	sadd.s32 $0xFFFFE003, lr  }
0x1b: {  	s9 =	sadd.s32 $0xFFFFFEF7, lr;
	s5 =	simm.s32 $0xFFFFFFFF;
	p2 =	slt.u32 s8, $0xFFFFF086  }
0x1c: {  	p1 =	slt.u32 s9, $0xF7A;
	s5 =	simm.s32 @!p2 $0x0  }
0x1d: {  	s5 =	simm.s32 @p1 $0x1;
	p0 =	seq.s32 s7, s2  }
0x1e: {  	s7 =	smul.u32 @!p0 $0xF7A, s2;
	p2 =	seq.s32 @!p0 s5, $0x0  }
0x1f: {  	s9 =	smul.u32 $0xF7A, s1;
	s8 =	simm.s32 @!p0 $0x1BF5;
	p2 =	por !p2, p0  }
0x20: {  	[sflag:s8] =	ssyncset.s32 @!p0 $0xFFFFF086;
	s6 =	sadd.s32 @!p0 s3, s7;
	s7 =	simm.s32 @!p0 $0x108  }
0x21: {  	s3 =	sadd.s32 s3, s9;
	s6 =	sadd.s32 @!p0 $0x88, s6;
	s7 =	simm.s32 @p2 $0x1082  }
0x22: {  	[simem:s7], [sflag:s8] =	dma.local @!p0 [hbm:s6], $0xF7A  }
0x23: {  	s9 =	sor.u32 $0xD0000000, s2;
	s6 =	simm.s32 $0x108;
	_ =	swait.ge @!p0 [sflag:s8], $0x0  }
0x24: {  	s3 =	sadd.s32 $0x88, s3;
	s6 =	simm.s32 @!p1 $0x1082;
	[sflag:s4] =	ssyncset.s32 $0xFFFFF086  }
0x25: {  	[simem:s6], [sflag:s4] =	dma.local [hbm:s3], $0xF7A  }
0x26: {  	[smem:$0x3F96] =	sst s1;
	(tag) =	ssettag s2;
	_ =	strace s9  }
0x27: {  	s1 =	sld [smem:$0x3FA6]  }
0x28: {  	s2 =	sld [smem:$0x3FA7]  }
0x29: {  	s4 =	sld [smem:$0x3FA9]  }
0x2a: {  	p0 =	seq.s32 s5, $0x0;
	s5 =	sld [smem:$0x3FAA]  }
0x2b: {  	s6 =	sld [smem:$0x3FAB]  }
0x2c: {  	s7 =	sld [smem:$0x3FAC]  }
0x2d: {  	s3 =	simm.s32 $0x108;
	s8 =	sld [smem:$0x3FAD]  }
0x2e: {  	s3 =	simm.s32 @!p0 $0x1082;
	s9 =	sld [smem:$0x3FAE]  }
0x2f: {  	lr =	sadd.s32 s0, s3;
	s0 =	sld [smem:$0x3FA5]  }
0x30: {  	s3 =	sld [smem:$0x3FA8]  }
0x31: {  	[smem:$0x3FB1] =	sst s10  }
0x32: {  	s10 =	sld [smem:$0x3FAF];
	_ =	sdelay $0x3  }
0x33: {  	p0 =	seq.s32 s10, $0x1;
	s10 =	sld [smem:$0x3FB1];
	_ =	sdelay $0x3  }
0x34: {  	[smem:$0x3FB1] =	sst s10  }
0x35: {  	s10 =	sld [smem:$0x3FB0];
	_ =	sdelay $0x3  }
0x36: {  	p1 =	seq.s32 s10, $0x1;
	s10 =	sld [smem:$0x3FB1];
	_ =	sdelay $0x3  }
0x37: {  	[smem:$0x3FB1] =	sst s10  }
0x38: {  	s10 =	sld [smem:$0x3FB2]  }
0x39: {  	_ = 	snop;
	(pc) =	sbr.ind lr, $3  }
0x3a: {  	_ = 	snop  }
0x3b: {  	_ = 	snop  }
0x3c: {  	p2 =	seq.s32 s10, $0x1;
	s10 =	sld [smem:$0x3FB1]  }
0x3d: {  	_ =	shalt  }
0x3e: {  	_ =	shalt  }
0x3f: {  	_ =	shalt  }
0x40: {  	_ =	shalt  }
0x41: {  	_ =	shalt  }
0x42: {  	_ =	shalt  }
0x43: {  	_ =	shalt  }
0x44: {  	_ =	shalt  }
0x45: {  	_ =	shalt  }
0x46: {  	_ =	shalt  }
0x47: {  	_ =	shalt  }
0x48: {  	_ =	shalt  }
0x49: {  	_ =	shalt  }
0x4a: {  	_ =	shalt  }
0x4b: {  	_ =	shalt  }
0x4c: {  	_ =	shalt  }
0x4d: {  	_ =	shalt  }
0x4e: {  	_ =	shalt  }
0x4f: {  	_ =	shalt  }
0x50: {  	_ =	shalt  }
0x51: {  	_ =	shalt  }
0x52: {  	_ =	shalt  }
0x53: {  	_ =	shalt  }
0x54: {  	_ =	shalt  }
0x55: {  	_ =	shalt  }
0x56: {  	_ =	shalt  }
0x57: {  	_ =	shalt  }
0x58: {  	_ =	shalt  }
0x59: {  	_ =	shalt  }
0x5a: {  	_ =	shalt  }
0x5b: {  	_ =	shalt  }
0x5c: {  	_ =	shalt  }
0x5d: {  	_ =	shalt  }
0x5e: {  	_ =	shalt  }
0x5f: {  	_ =	shalt  }
0x60: {  	_ =	shalt  }
0x61: {  	_ =	shalt  }
0x62: {  	_ =	shalt  }
0x63: {  	_ =	shalt  }
0x64: {  	_ =	shalt  }
0x65: {  	_ =	shalt  }
0x66: {  	_ =	shalt  }
0x67: {  	_ =	shalt  }
0x68: {  	_ =	shalt  }
0x69: {  	_ =	shalt  }
0x6a: {  	_ =	shalt  }
0x6b: {  	_ =	shalt  }
0x6c: {  	_ =	shalt  }
0x6d: {  	_ =	shalt  }
0x6e: {  	_ =	shalt  }
0x6f: {  	_ =	shalt  }
0x70: {  	_ =	shalt  }
0x71: {  	_ =	shalt  }
0x72: {  	_ =	shalt  }
0x73: {  	_ =	shalt  }
0x74: {  	_ =	shalt  }
0x75: {  	_ =	shalt  }
0x76: {  	_ =	shalt  }
0x77: {  	_ =	shalt  }
0x78: {  	_ =	shalt  }
0x79: {  	_ =	shalt  }
0x7a: {  	_ =	shalt  }
0x7b: {  	_ =	shalt  }
0x7c: {  	_ =	shalt  }
0x7d: {  	_ =	shalt  }
0x7e: {  	_ =	shalt  }
0x7f: {  	_ =	shalt  }
0x80: {  	_ =	shalt  }
0x81: {  	_ =	shalt  }
0x82: {  	_ =	shalt  }
0x83: {  	_ =	shalt  }
0x84: {  	_ =	shalt  }
0x85: {  	_ =	shalt  }
0x86: {  	_ =	shalt  }
0x87: {  	_ =	shalt  }
.Lfunc_end0:
.L_simem_size_0:
called_computation.7_lowered:
.L_overlay_start_0:
0x88: {  	s0 =	sld [smem:$0x3FD9]  }
0x89: {  	s1 =	sld [smem:$0x3FFE];
	_ =	sdelay $0x3  }
0x8a: {  	s0 =	sadd.s32 s1, s0  }
0x8b: {  	[smem:$0x3FBD] =	sst s0  }
0x8c: {  	_ = 	snop  }
0x8d: {  	s0 =	sld [smem:$0x3FD0];
	_ =	sdelay $0x2  }
0x8e: {  	s13 =	simm.s32 $0xC;
	s2 =	simm.s32 $0x10  }
0x8f: {  	[smem:s2], [sflag:s13] =	dma.local [hbm:s0], $0x1  }
0x90: {  	_ =	swait.eq [sflag:s13], $0x1  }
0x91: {  	[sflag:s13] =	ssyncset.done $0x0  }
0x92: {  	[sflag:s13] =	ssyncadd.s32 $0xFFFFFFFF  }
0x93: {  	s14 =	sld [smem:$0x12];
	(tm) =	ssettm $0x1  }
0x94: {  	s15 =	sld [smem:$0x3FFB];
	_ =	sdelay $0x3  }
0x95: {  	_ =	strace s15  }
0x96: {  	s1 =	sld [smem:$0x3FFC];
	_ =	sdelay $0x3  }
0x97: {  	_ =	strace s1  }
0x98: {  	s1 =	sld [smem:$0x3FFD];
	_ =	sdelay $0x3  }
0x99: {  	_ =	strace s1  }
0x9a: {  	_ =	strace $0x8FFFFFFF  }
0x9b: {  	s16 =	sld [smem:$0x3FDB];
	_ =	sdelay $0x1  }
0x9c: {  	s17 =	simm.s32 $_scs_section_size  }
0x9d: {  	s3 =	simm.s32 $_size__tile_overlayer_lowered;
	s4 =	simm.s32 $_tile_overlayer_lowered  }
0x9e: {  	s20 =	simm.s32 $0x1BFF;
	s19 =	sshll.u32 s4, $0x1;
	s1 =	sadd.s32 s17, s16  }
0x9f: {  	s5 =	simm.s32 $0x0;
	s18 =	sshll.u32 s3, $0x1;
	s3 =	sadd.s32 s19, s1  }
0xa0: {  	[timem:s5], [sflag:s20] =	dma.local [hbm:s3], s18  }
0xa1: {  	_ =	swait.ge [sflag:s20], s18  }
0xa2: {  	s2 =	ssub.s32 $0x0, s18;
	[sflag:s20] =	ssyncset.done $0x0  }
0xa3: {  	[sflag:s20] =	ssyncadd.s32 s2;
	_ =	sdelay $0x1  }
0xa4: {  	s21 =	simm.s32 $0x1B8B  }
0xa5: {  	_ =	swait.ge [sflag:s21], $0x1  }
0xa6: {  	[sflag:s21] =	ssyncset.done $0x0  }
0xa7: {  	s23 =	simm.s32 $0x1B8E;
	s22 =	sld [smem:$0x3FFE];
	[sflag:s21] =	ssyncadd.s32 $0xFFFFFFFF  }
0xa8: {  	s24 =	simm.s32 $execute0_lowered;
	[smem:$0x3FD2] =	sst s23  }
0xa9: {  	s3 =	sshll.u32 s24, $0x1;
	_ =	strace $0x80000055;
	[dreg:$0x1] =	wrdreg $0xFFFFFFFF  }
0xaa: {  	s25 =	simm.s32 $_size_execute0_lowered;
	s1 =	sadd.s32 s1, s3;
	[dreg:$0x0] =	wrdreg $0x0  }
0xab: {  	s3 =	sshll.u32 s25, $0x1;
	[dreg:$0x2] =	wrdreg s1  }
0xac: {  	[dreg:$0x3] =	wrdreg s3  }
0xad: {  	[dreg:$0x4] =	wrdreg $0xC0  }
0xae: {  	_ =	task [dreg:s5], $0x5FFFF  }
0xaf: {  	[dreg:$0x1] =	wrdreg $0xFFFFFFFF  }
0xb0: {  	[dreg:$0x0] =	wrdreg $0x60  }
0xb1: {  	[dreg:$0x2] =	wrdreg s22  }
0xb2: {  	[dreg:$0x3] =	wrdreg s14  }
0xb3: {  	[dreg:$0x4] =	wrdreg $0xB  }
0xb4: {  	_ =	task.clear_ibuf [dreg:s5], $0x5FFFF;
	_ =	strace $0x90000055  }
0xb5: {  	s26 =	simm.s32 $0xB;
	_ =	strace $0x80000057  }
0xb6: {  	_ =	swait.ge [sflag:s26], $0x1  }
0xb7: {  	[sflag:s26] =	ssyncadd.s32 $0xFFFFFFFF  }
0xb8: {  	_ =	strace $0x90000057  }
0xb9: {  	_ =	sfence  }
0xba: {  	s28 =	sld [smem:$0x0];
	_ =	sdelay $0x1  }
0xbb: {  	s29 =	srdreg.scid  }
0xbc: {  	s30 =	sshll.u32 s29, $0xD;
	s31 =	sshrl.u32 s29, $0x2  }
0xbd: {  	s2 =	sand.u32 $0x4000, s30;
	s1 =	sand.u32 $0x1, s29;
	s0 =	sadd.s32 s31, s28  }
0xbe: {  	s1 =	sor.u32 s2, s1;
	s0 =	sshll.u32 s0, $0x11  }
0xbf: {  	s0 =	sor.u32 s0, s1  }
0xc0: {  	s0 =	sadd.s32 $0x8F2B, s0  }
0xc1: {  	[sflag:s0] =	ssyncadd.remote.s32 $0x1  }
0xc2: {  	_ =	sfence.sel $0xFFFF  }
0xc3: {  	[dreg:$0x0] =	wrdreg $0xFFFFFFFF;
	(pc) =	sbr.abs _section_cstart, $3  }
0xc4: {  	[dreg:$0x1] =	wrdreg $0xFFFFFFFF  }
0xc5: {  	_ =	task.clear_ibuf [dreg:s5], $0x2FFFF;
	_ =	strace $0x9FFFFFFF  }
0xc6: {  	(tm) =	ssettm $0x7FFFFFFF  }
0xc7: {  	_ =	shalt  }
tec
execute0_lowered:
.L_overlay_start_1:
0x0: {  	(tag) =	ssettag $0x1  }
0x1: {  	s5 =	rddreg [dreg:$0x0]  }
0x2: {  	s2 =	rddreg [dreg:$0x1]  }
0x3: {  	s0 =	rddreg [dreg:$0x2];
	s1 =	stileid.u32;
	_ =	strace $0x80000056  }
0x4: {  	s6 =	simm.s32 $0x1;
	s8 =	simm.s32 $0x2;
	s30 =	simm.s32 $0x3  }
0x5: {  	s12 =	simm.s32 $0x0;
	s9 =	simm.s32 $0x0;
	s4 =	sshll.u32 s1, $0x4  }
0x6: {  	s10 =	simm.s32 $0x0;
	s3 =	sadd.s32 $0xFC00, s5;
	s7 =	ssub.s32 $0x1380, s4  }
0x7: {  	s5 =	sadd.s32 $0x1600, s5;
	[sflag:s6] =	ssyncpa.u1 $0x0;
	s6 =	sshrl.u32 s7, $0x8  }
0x8: {  	[sflag:s8] =	ssyncpa.u1 $0x0;
	s11 =	smov.u32 s4;
	s31 =	sshll.u32 s6, $0x4  }
0x9: {  	[sflag:s30] =	ssyncpa.u1 $0x0;
	s7 =	sadd.s32 $0x2, s6;
	s8 =	sadd.s32 $0x30, s31  }
.LBB2_1:
0xa: {  	p0 =	sgt.u32 s10, s6  }
0xb: {  	s13 =	sxor.u32 @!p0 $0xFFFFFFFF, s9;
	s14 =	sshrl.u32 @!p0 s11, $0x3  }
0xc: {  	s15 =	sand.u32 @!p0 $0x7, s11;
	s13 =	sand.u32 @!p0 $0x10, s13;
	s14 =	sadd.s32 @!p0 s2, s14  }
0xd: {  	[tilespmem:s13], [sflag:$0x2] =	stream.linear.gather @!p0 [hbm4b:s14+s15], $0x10, $0x38;
	[tilespmem:$0x40] =	vst v63  }
0xe: {  	p0 =	seq.s32 s9, $0x0  }
0xf: {  	p1 =	sge.u32 @!p0 s10, s7  }
0x10: {  	p0 =	por p1, p0  }
0x11: {  	s13 =	simm.s32 @!p0 $0x2  }
0x12: {  	_ =	swait.ge @!p0 [sflag:s13], $0x10  }
0x13: {  	[sflag:s13] =	ssyncset.done @!p0 $0x0  }
0x14: {  	[sflag:s13] =	ssyncadd.s32 @!p0 $0xFFFFFFF0;
	s13 =	sand.u32 @!p0 $0x10, s9  }
0x15: {  	(ifvalue) =	ssetifvalue @!p0 $0x7FFFFFFF;
	v0 =	vld.msk @!p0 [tilespmem:s13+$0x0 ss:$0x1], $0xffff;
	_ =	sdelay $0x4  }
0x16: {  	vm0 =	vgt.s32 @!p0 v0, $0x0  }
0x17: {  	v0 =	vnsel @!p0 vm0, $0x0, v0  }
0x18: {  	v0 =	vmin.u32 @!p0 v0, $0x270F;
	_ =	sdelay $0x3  }
0x19: {  	s14 =	simm.s32 @!p0 $0x0;
	s13 =	sor.u32 @!p0 $0x20, s13;
	(ifvalue) =	ssetifvalue @!p0 $0x7FFFFFFF;
	vm0 =	vmmov @!p0 $0xffff  }
0x1a: {  	[tilespmem:s13], [sflag:$0x1] =	stream.indirect_vreg.gather @!p0 [hbm4b:s3+s14], $0x1, v0, vm0, $0x4038;
	[tilespmem:$0x40] =	vst v63  }
0x1b: {  	s14 =	simm.s32 @!p0 $0x1  }
0x1c: {  	_ =	swait.ge @!p0 [sflag:s14], $0x10  }
0x1d: {  	s15 =	sshrl.u32 @!p0 s12, $0x3;
	[sflag:s14] =	ssyncset.done @!p0 $0x0  }
0x1e: {  	s12 =	sand.u32 @!p0 $0x7, s12;
	[sflag:s14] =	ssyncadd.s32 @!p0 $0xFFFFFFF0;
	s14 =	sadd.s32 @!p0 s5, s15  }
0x1f: {  	[hbm4b:s14+s12] =	stream.linear.scatter @!p0 [tilespmem:s13], [sflag:$0x3], $0x10, $0x38;
	[tilespmem:$0x40] =	vst v63  }
0x20: {  	s14 =	sadd.s32 $0x100, s11  }
0x21: {  	s9 =	sadd.s32 $0x10, s9;
	p1 =	sgt.s32 s14, $0x1387  }
0x22: {  	s14 =	smov.u32 @p1 s4;
	p1 =	sne.s32 s8, s9  }
.Ltmp0:
0x23: {  	p0 =	slt.u32 s10, $0x2;
	(pc) =	sbr.rel @p1 .LBB2_1-.Ltmp0, $4  }
0x24: {  	s13 =	simm.s32 @!p0 $0x3  }
0x25: {  	_ =	swait.ge @!p0 [sflag:s13], $0x10  }
0x26: {  	s12 =	smov.u32 s11;
	[sflag:s13] =	ssyncset.done @!p0 $0x0  }
0x27: {  	s10 =	sadd.s32 $0x1, s10;
	s11 =	smov.u32 s14;
	[sflag:s13] =	ssyncadd.s32 @!p0 $0xFFFFFFF0  }
0x28: {  	_ =	sfence.sel $0x180000  }
0x29: {  	s2 =	simm.s32 $0x2;
	[bflag:$0x0] =	sbarrier.arrive $0xFFFF  }
0x2a: {  	s30 =	simm.s32 $0x3;
	[sflag:s2] =	ssyncpa.u1 $0x1  }
0x2b: {  	s31 =	simm.s32 $0x1;
	[sflag:s30] =	ssyncpa.u1 $0x1  }
0x2c: {  	[sflag:s31] =	ssyncpa.u1 $0x1  }
0x2d: {  	p0 =	sne.s32 s1, $0x0;
	_ =	strace $0x90000056  }
0x2e: {  	s0 =	sadd.s32 @!p0 $0x100000, s0;
	[bflag:$0x2] =	sbarrier.arrive $0xFFFF  }
0x2f: {  	[sflag:s0] =	ssyncadd.tile.s32 @!p0 $0x1;
	_ =	shalt  }
.Lfunc_end2:
_tile_overlayer_lowered:
.L_overlay_start_2:
0x30: {  	(tag) =	ssettag $0x2  }
0x31: {  	s0 =	rddreg [dreg:$0x0];
	s2 =	stileid.u32  }
0x32: {  	s1 =	rddreg [dreg:$0x1];
	p0 =	sne.s32 s2, $0x0  }
0x33: {  	s3 =	rddreg [dreg:$0x2];
	[bflag:$0x3] =	sbarrier.arrive $0xFFFF;
	s2 =	simm.s32 @!p0 $0x1C01  }
0x34: {  	[timem:s3], [sflag:s2] =	dma.local @!p0 [hbm:s0], s1  }
0x35: {  	s0 =	simm.s32 @!p0 $0x1  }
0x36: {  	_ =	swait.ge @!p0 [sflag:s0], s1  }
0x37: {  	s1 =	ssub.s32 @!p0 $0x0, s1;
	[sflag:s0] =	ssyncset.done @!p0 $0x0  }
0x38: {  	[sflag:s0] =	ssyncadd.s32 @!p0 s1  }
0x39: {  	[bflag:$0x3] =	sbarrier.arrive $0xFFFF  }
0x3a: {  	_ =	shalt  }

// kernel: gather_offload_async_start
scs
__scs_entry_jumppad:
0x0: {  	(pc) =	sbr.rel $0x88, $3  }
0x1: {  	(tag) =	ssettag $0x0;
	lr =	simm.s32 $0x1  }
0x2: {  	[smem:$0x3F96] =	sst lr;
	_ =	strace $0xD0000000  }
0x3: {  	_ = 	snop  }
0x4: {  	_ = 	snop  }
0x5: {  	_ = 	snop  }
0x6: {  	_ = 	snop  }
0x7: {  	_ = 	snop  }
__scs_overlays_trampoline_lowered:
0x8: {  	[smem:$0x3FA5] =	sst s0  }
0x9: {  	[smem:$0x3FA6] =	sst s1  }
0xa: {  	[smem:$0x3FA7] =	sst s2  }
0xb: {  	[smem:$0x3FA8] =	sst s3  }
0xc: {  	[smem:$0x3FA9] =	sst s4  }
0xd: {  	[smem:$0x3FAA] =	sst s5  }
0xe: {  	[smem:$0x3FAB] =	sst s6  }
0xf: {  	[smem:$0x3FAC] =	sst s7  }
0x10: {  	[smem:$0x3FAD] =	sst s8  }
0x11: {  	[smem:$0x3FAE] =	sst s9;
	s0 =	simm.s32 @!p0 $0x0  }
0x12: {  	s1 =	sld [smem:$0x3F94];
	s0 =	simm.s32 @p0 $0x1  }
0x13: {  	[smem:$0x3FAF] =	sst s0;
	s0 =	simm.s32 @!p1 $0x0  }
0x14: {  	s2 =	sld [smem:$0x3F93];
	s0 =	simm.s32 @p1 $0x1  }
0x15: {  	[smem:$0x3FB0] =	sst s0;
	s0 =	simm.s32 @!p2 $0x0  }
0x16: {  	s3 =	sld [smem:$0x3FDB];
	s0 =	simm.s32 @p2 $0x1  }
0x17: {  	s4 =	simm.s32 $0x1BF5;
	[smem:$0x3FB2] =	sst s0  }
0x18: {  	s0 =	sld [smem:$0x3F95];
	_ =	swait.ge [sflag:s4], $0x0  }
0x19: {  	s7 =	sld [smem:$0x3F96]  }
0x1a: {  	s8 =	sadd.s32 $0xFFFFE003, lr  }
0x1b: {  	s9 =	sadd.s32 $0xFFFFFEF7, lr;
	s5 =	simm.s32 $0xFFFFFFFF;
	p2 =	slt.u32 s8, $0xFFFFF086  }
0x1c: {  	p1 =	slt.u32 s9, $0xF7A;
	s5 =	simm.s32 @!p2 $0x0  }
0x1d: {  	s5 =	simm.s32 @p1 $0x1;
	p0 =	seq.s32 s7, s2  }
0x1e: {  	s7 =	smul.u32 @!p0 $0xF7A, s2;
	p2 =	seq.s32 @!p0 s5, $0x0  }
0x1f: {  	s9 =	smul.u32 $0xF7A, s1;
	s8 =	simm.s32 @!p0 $0x1BF5;
	p2 =	por !p2, p0  }
0x20: {  	[sflag:s8] =	ssyncset.s32 @!p0 $0xFFFFF086;
	s6 =	sadd.s32 @!p0 s3, s7;
	s7 =	simm.s32 @!p0 $0x108  }
0x21: {  	s3 =	sadd.s32 s3, s9;
	s6 =	sadd.s32 @!p0 $0x88, s6;
	s7 =	simm.s32 @p2 $0x1082  }
0x22: {  	[simem:s7], [sflag:s8] =	dma.local @!p0 [hbm:s6], $0xF7A  }
0x23: {  	s9 =	sor.u32 $0xD0000000, s2;
	s6 =	simm.s32 $0x108;
	_ =	swait.ge @!p0 [sflag:s8], $0x0  }
0x24: {  	s3 =	sadd.s32 $0x88, s3;
	s6 =	simm.s32 @!p1 $0x1082;
	[sflag:s4] =	ssyncset.s32 $0xFFFFF086  }
0x25: {  	[simem:s6], [sflag:s4] =	dma.local [hbm:s3], $0xF7A  }
0x26: {  	[smem:$0x3F96] =	sst s1;
	(tag) =	ssettag s2;
	_ =	strace s9  }
0x27: {  	s1 =	sld [smem:$0x3FA6]  }
0x28: {  	s2 =	sld [smem:$0x3FA7]  }
0x29: {  	s4 =	sld [smem:$0x3FA9]  }
0x2a: {  	p0 =	seq.s32 s5, $0x0;
	s5 =	sld [smem:$0x3FAA]  }
0x2b: {  	s6 =	sld [smem:$0x3FAB]  }
0x2c: {  	s7 =	sld [smem:$0x3FAC]  }
0x2d: {  	s3 =	simm.s32 $0x108;
	s8 =	sld [smem:$0x3FAD]  }
0x2e: {  	s3 =	simm.s32 @!p0 $0x1082;
	s9 =	sld [smem:$0x3FAE]  }
0x2f: {  	lr =	sadd.s32 s0, s3;
	s0 =	sld [smem:$0x3FA5]  }
0x30: {  	s3 =	sld [smem:$0x3FA8]  }
0x31: {  	[smem:$0x3FB1] =	sst s10  }
0x32: {  	s10 =	sld [smem:$0x3FAF];
	_ =	sdelay $0x3  }
0x33: {  	p0 =	seq.s32 s10, $0x1;
	s10 =	sld [smem:$0x3FB1];
	_ =	sdelay $0x3  }
0x34: {  	[smem:$0x3FB1] =	sst s10  }
0x35: {  	s10 =	sld [smem:$0x3FB0];
	_ =	sdelay $0x3  }
0x36: {  	p1 =	seq.s32 s10, $0x1;
	s10 =	sld [smem:$0x3FB1];
	_ =	sdelay $0x3  }
0x37: {  	[smem:$0x3FB1] =	sst s10  }
0x38: {  	s10 =	sld [smem:$0x3FB2]  }
0x39: {  	_ = 	snop;
	(pc) =	sbr.ind lr, $3  }
0x3a: {  	_ = 	snop  }
0x3b: {  	_ = 	snop  }
0x3c: {  	p2 =	seq.s32 s10, $0x1;
	s10 =	sld [smem:$0x3FB1]  }
0x3d: {  	_ =	shalt  }
0x3e: {  	_ =	shalt  }
0x3f: {  	_ =	shalt  }
0x40: {  	_ =	shalt  }
0x41: {  	_ =	shalt  }
0x42: {  	_ =	shalt  }
0x43: {  	_ =	shalt  }
0x44: {  	_ =	shalt  }
0x45: {  	_ =	shalt  }
0x46: {  	_ =	shalt  }
0x47: {  	_ =	shalt  }
0x48: {  	_ =	shalt  }
0x49: {  	_ =	shalt  }
0x4a: {  	_ =	shalt  }
0x4b: {  	_ =	shalt  }
0x4c: {  	_ =	shalt  }
0x4d: {  	_ =	shalt  }
0x4e: {  	_ =	shalt  }
0x4f: {  	_ =	shalt  }
0x50: {  	_ =	shalt  }
0x51: {  	_ =	shalt  }
0x52: {  	_ =	shalt  }
0x53: {  	_ =	shalt  }
0x54: {  	_ =	shalt  }
0x55: {  	_ =	shalt  }
0x56: {  	_ =	shalt  }
0x57: {  	_ =	shalt  }
0x58: {  	_ =	shalt  }
0x59: {  	_ =	shalt  }
0x5a: {  	_ =	shalt  }
0x5b: {  	_ =	shalt  }
0x5c: {  	_ =	shalt  }
0x5d: {  	_ =	shalt  }
0x5e: {  	_ =	shalt  }
0x5f: {  	_ =	shalt  }
0x60: {  	_ =	shalt  }
0x61: {  	_ =	shalt  }
0x62: {  	_ =	shalt  }
0x63: {  	_ =	shalt  }
0x64: {  	_ =	shalt  }
0x65: {  	_ =	shalt  }
0x66: {  	_ =	shalt  }
0x67: {  	_ =	shalt  }
0x68: {  	_ =	shalt  }
0x69: {  	_ =	shalt  }
0x6a: {  	_ =	shalt  }
0x6b: {  	_ =	shalt  }
0x6c: {  	_ =	shalt  }
0x6d: {  	_ =	shalt  }
0x6e: {  	_ =	shalt  }
0x6f: {  	_ =	shalt  }
0x70: {  	_ =	shalt  }
0x71: {  	_ =	shalt  }
0x72: {  	_ =	shalt  }
0x73: {  	_ =	shalt  }
0x74: {  	_ =	shalt  }
0x75: {  	_ =	shalt  }
0x76: {  	_ =	shalt  }
0x77: {  	_ =	shalt  }
0x78: {  	_ =	shalt  }
0x79: {  	_ =	shalt  }
0x7a: {  	_ =	shalt  }
0x7b: {  	_ =	shalt  }
0x7c: {  	_ =	shalt  }
0x7d: {  	_ =	shalt  }
0x7e: {  	_ =	shalt  }
0x7f: {  	_ =	shalt  }
0x80: {  	_ =	shalt  }
0x81: {  	_ =	shalt  }
0x82: {  	_ =	shalt  }
0x83: {  	_ =	shalt  }
0x84: {  	_ =	shalt  }
0x85: {  	_ =	shalt  }
0x86: {  	_ =	shalt  }
0x87: {  	_ =	shalt  }
.Lfunc_end0:
.L_simem_size_0:
called_computation.6_lowered:
.L_overlay_start_0:
0x88: {  	s0 =	sld [smem:$0x3FD9]  }
0x89: {  	s1 =	sld [smem:$0x3FFE];
	_ =	sdelay $0x3  }
0x8a: {  	s0 =	sadd.s32 s1, s0  }
0x8b: {  	[smem:$0x3FBD] =	sst s0  }
0x8c: {  	_ = 	snop  }
0x8d: {  	s0 =	sld [smem:$0x3FD0];
	_ =	sdelay $0x2  }
0x8e: {  	s14 =	simm.s32 $0xC;
	s2 =	simm.s32 $0x10  }
0x8f: {  	[smem:s2], [sflag:s14] =	dma.local [hbm:s0], $0x1  }
0x90: {  	_ =	swait.eq [sflag:s14], $0x1  }
0x91: {  	s15 =	sld [smem:$0x10];
	[sflag:s14] =	ssyncset.done $0x0  }
0x92: {  	s16 =	sld [smem:$0x11];
	[sflag:s14] =	ssyncadd.s32 $0xFFFFFFFF  }
0x93: {  	s17 =	sld [smem:$0x12];
	(tm) =	ssettm $0x1  }
0x94: {  	s3 =	sld [smem:$0x3FFB];
	_ =	sdelay $0x3  }
0x95: {  	_ =	strace s3  }
0x96: {  	s3 =	sld [smem:$0x3FFC];
	_ =	sdelay $0x3  }
0x97: {  	_ =	strace s3  }
0x98: {  	s3 =	sld [smem:$0x3FFD];
	_ =	sdelay $0x3  }
0x99: {  	_ =	strace s3  }
0x9a: {  	_ =	strace $0x8FFFFFFF  }
0x9b: {  	s18 =	sld [smem:$0x3FDB];
	_ =	sdelay $0x1  }
0x9c: {  	s4 =	simm.s32 $_scs_section_size  }
0x9d: {  	s5 =	simm.s32 $_size__tile_overlayer_lowered;
	s6 =	simm.s32 $_tile_overlayer_lowered  }
0x9e: {  	s21 =	simm.s32 $0x1BFF;
	s20 =	sshll.u32 s6, $0x1;
	s3 =	sadd.s32 s4, s18  }
0x9f: {  	s7 =	simm.s32 $0x0;
	s19 =	sshll.u32 s5, $0x1;
	s5 =	sadd.s32 s20, s3  }
0xa0: {  	[timem:s7], [sflag:s21] =	dma.local [hbm:s5], s19  }
0xa1: {  	_ =	swait.ge [sflag:s21], s19  }
0xa2: {  	s4 =	ssub.s32 $0x0, s19;
	[sflag:s21] =	ssyncset.done $0x0  }
0xa3: {  	[sflag:s21] =	ssyncadd.s32 s4;
	_ =	sdelay $0x1  }
0xa4: {  	s22 =	simm.s32 $0x1B8B  }
0xa5: {  	_ =	swait.ge [sflag:s22], $0x1  }
0xa6: {  	[sflag:s22] =	ssyncset.done $0x0  }
0xa7: {  	s23 =	simm.s32 $0x1B8E;
	[sflag:s22] =	ssyncadd.s32 $0xFFFFFFFF  }
0xa8: {  	s24 =	simm.s32 $execute0_lowered;
	[smem:$0x3FD2] =	sst s23  }
0xa9: {  	s4 =	sshll.u32 s24, $0x1;
	_ =	strace $0x80000058;
	[dreg:$0x1] =	wrdreg $0xFFFFFFFF  }
0xaa: {  	s25 =	simm.s32 $_size_execute0_lowered;
	s3 =	sadd.s32 s3, s4;
	[dreg:$0x0] =	wrdreg $0x0  }
0xab: {  	s4 =	sshll.u32 s25, $0x1;
	[dreg:$0x2] =	wrdreg s3  }
0xac: {  	[dreg:$0x3] =	wrdreg s4  }
0xad: {  	[dreg:$0x4] =	wrdreg $0xC0  }
0xae: {  	_ =	task [dreg:s7], $0x5FFFF  }
0xaf: {  	[dreg:$0x1] =	wrdreg $0xFFFFFFFF  }
0xb0: {  	[dreg:$0x0] =	wrdreg $0x60  }
0xb1: {  	[dreg:$0x2] =	wrdreg s16  }
0xb2: {  	[dreg:$0x3] =	wrdreg s17  }
0xb3: {  	[dreg:$0x4] =	wrdreg s15  }
0xb4: {  	[dreg:$0x5] =	wrdreg $0xA  }
0xb5: {  	_ =	task.clear_ibuf [dreg:s7], $0x6FFFF;
	_ =	strace $0x90000058  }
0xb6: {  	s26 =	simm.s32 $0xA;
	_ =	strace $0x8000005A  }
0xb7: {  	_ =	swait.ge [sflag:s26], $0x1  }
0xb8: {  	[sflag:s26] =	ssyncadd.s32 $0xFFFFFFFF  }
0xb9: {  	_ =	strace $0x9000005A  }
0xba: {  	_ =	sfence  }
0xbb: {  	s28 =	sld [smem:$0x0];
	_ =	sdelay $0x1  }
0xbc: {  	s29 =	srdreg.scid  }
0xbd: {  	s30 =	sshll.u32 s29, $0xD;
	s31 =	sshrl.u32 s29, $0x2  }
0xbe: {  	s1 =	sand.u32 $0x1, s29;
	s2 =	sand.u32 $0x4000, s30;
	s0 =	sadd.s32 s31, s28  }
0xbf: {  	s1 =	sor.u32 s2, s1;
	s0 =	sshll.u32 s0, $0x11  }
0xc0: {  	s0 =	sor.u32 s0, s1  }
0xc1: {  	s0 =	sadd.s32 $0x8F2B, s0  }
0xc2: {  	[sflag:s0] =	ssyncadd.remote.s32 $0x1  }
0xc3: {  	_ =	sfence.sel $0xFFFF  }
0xc4: {  	[dreg:$0x0] =	wrdreg $0xFFFFFFFF;
	(pc) =	sbr.abs _section_cstart, $3  }
0xc5: {  	[dreg:$0x1] =	wrdreg $0xFFFFFFFF  }
0xc6: {  	_ =	task.clear_ibuf [dreg:s7], $0x2FFFF;
	_ =	strace $0x9FFFFFFF  }
0xc7: {  	(tm) =	ssettm $0x7FFFFFFF  }
tec
execute0_lowered:
.L_overlay_start_1:
0x0: {  	(tag) =	ssettag $0x1  }
0x1: {  	s0 =	stileid.u32  }
0x2: {  	s1 =	smin.u32 s0, $0x9  }
0x3: {  	s1 =	sadd.s32 s0, s1  }
0x4: {  	s2 =	simm.s32 $0x190;
	p0 =	slt.u32 s0, $0x9;
	s1 =	smul.u32 $0xC8, s1  }
0x5: {  	s2 =	simm.s32 @!p0 $0xC8  }
0x6: {  	s2 =	sadd.s32 s2, s1  }
0x7: {  	s3 =	smin.u32 s2, $0x1388  }
0x8: {  	s8 =	ssub.s32 s3, s1  }
0x9: {  	p0 =	sgt.s32 s8, $0x0  }
0xa: {  	s8 =	simm.s32 @!p0 $0x0  }
0xb: {  	s31 =	sand.u32 $0xFFF8, s8  }
0xc: {  	s2 =	sshrl.u32 s31, $0x3  }
0xd: {  	s4 =	rddreg [dreg:$0x0];
	s2 =	smul.u32 $0x147B, s2  }
0xe: {  	s5 =	rddreg [dreg:$0x1]  }
0xf: {  	s6 =	rddreg [dreg:$0x2];
	s7 =	simm.s32 $0x1;
	s9 =	sshrl.u32 s2, $0x11  }
0x10: {  	s11 =	simm.s32 $0x3;
	s13 =	simm.s32 $0x0;
	s10 =	smul.u32 $0xC8, s9  }
.Ltmp0:
0x11: {  	s12 =	simm.s32 $0x0;
	s2 =	rddreg [dreg:$0x3];
	(pc) =	sbr.rel .LBB2_1-.Ltmp0, $4  }
0x12: {  	_ =	strace $0x80000059;
	p0 =	sne.s32 s8, s10;
	s10 =	simm.s32 $0x1  }
0x13: {  	[sflag:s7] =	ssyncpa.u1 $0x0;
	s8 =	simm.s32 $0x2;
	s10 =	simm.s32 @!p0 $0x0  }
0x14: {  	[sflag:s8] =	ssyncpa.u1 $0x0;
	p0 =	por $0x0, $0x0;
	s9 =	sadd.s32 s9, s10  }
0x15: {  	vm0 =	vmmov $0xff;
	vm1 =	vcmask $0x3F20;
	[sflag:s11] =	ssyncpa.u1 $0x0;
	s11 =	smov.u32 s1;
	s10 =	sadd.s32 $0x1, s9  }
.LBB2_10:
0x16: {  	[hbm:s17] =	stream.linear.scatter [tilespmem:s14], [sflag:$0x3], $0x800, $0x38;
	[tilespmem:$0x19190] =	vst v63  }
.LBB2_11:
0x17: {  	s13 =	sadd.s32 $0xC8, s11  }
0x18: {  	s15 =	smov.u32 s1;
	p2 =	slt.s32 s13, s3  }
0x19: {  	s15 =	smov.u32 @p2 s13;
	p2 =	sne.s32 s12, s10  }
.Ltmp1:
0x1a: {  	p1 =	slt.u32 s12, $0x2;
	(pc) =	sbr.rel @!p2 .LBB2_12-.Ltmp1, $4  }
0x1b: {  	s14 =	simm.s32 @!p1 $0x3  }
0x1c: {  	s16 =	sadd.s32 $0x1, s12;
	_ =	swait.ge @!p1 [sflag:s14], $0xC800  }
0x1d: {  	p0 =	por !p0, !p0;
	s13 =	smov.u32 s11;
	[sflag:s14] =	ssyncset.done @!p1 $0x0  }
0x1e: {  	s12 =	smov.u32 s16;
	s11 =	smov.u32 s15;
	[sflag:s14] =	ssyncadd.s32 @!p1 $0xFFFF3800  }
.LBB2_1:
0x1f: {  	p1 =	sge.u32 s12, s9  }
0x20: {  	s14 =	sxor.u32 @!p1 $0xFFFFFFFF, s12  }
0x21: {  	s14 =	sand.u32 @!p1 $0x1, s14  }
0x22: {  	s14 =	smul.u32 @!p1 $0x320, s14  }
0x23: {  	s31 =	sadd.s32 $0xFFFFFFFF, s12;
	s15 =	sshrl.u32 @!p1 s11, $0x3  }
0x24: {  	s16 =	sand.u32 @!p1 $0x7, s11;
	s15 =	sadd.s32 @!p1 s5, s15;
	s14 =	sshrl.u32 @!p1 s14, $0x2  }
0x25: {  	[tilespmem:s14], [sflag:$0x2] =	stream.linear.gather @!p1 [hbm4b:s15+s16], $0xC8, $0x38;
	[tilespmem:$0x19190] =	vst v63  }
0x26: {  	p1 =	sge.u32 s31, s9  }
.Ltmp2:
0x27: {  	_ = 	snop;
	(pc) =	sbr.rel @p1 .LBB2_11-.Ltmp2, $1  }
0x28: {  	_ =	sdelay $0x3  }
0x29: {  	s15 =	sand.u32 $0x1, s12  }
0x2a: {  	s14 =	simm.s32 $0x1;
	s16 =	smul.u32 $0x32000, s15  }
0x2b: {  	_ =	swait.ge [sflag:s8], $0xC8;
	s14 =	simm.s32 @!p0 $0x0;
	s15 =	smul.u32 $0x320, s15  }
0x2c: {  	[sflag:s8] =	ssyncset.done $0x0;
	s14 =	smul.u32 $0x32000, s14  }
0x2d: {  	[sflag:s8] =	ssyncadd.s32 $0xFFFFFF38  }
0x2e: {  	s17 =	sshrl.u32 s16, $0x2;
	s16 =	sshrl.u32 s15, $0x2;
	s14 =	sshrl.u32 s14, $0x2  }
0x2f: {  	s15 =	sor.u32 $0x190, s17;
	s17 =	simm.s32 $0x0;
	s14 =	sor.u32 $0x190, s14  }
.LBB2_3:
0x30: {  	s18 =	sshll.u32 s17, $0x4  }
0x31: {  	s18 =	sand.u32 $0x3FFFFFF0, s18  }
0x32: {  	s18 =	sadd.s32 s18, s16  }
0x33: {  	v0 =	vld.msk [tilespmem:s18+$0x0 ss:$0x1], $0xffff;
	_ =	sdelay $0x4  }
0x34: {  	vm2 =	vgt.s32 v0, $0x0  }
0x35: {  	v0 =	vnsel vm2, $0x0, v0  }
0x36: {  	v0 =	vmin.u32 v0, $0x270F  }
0x37: {  	s31 =	sshll.u32 s17, $0xC;
	v1 =	vshll.u32 v0, $0x5;
	v0 =	vshll.u32 v0, $0x4  }
0x38: {  	s18 =	sand.u32 $0x3FFFF000, s31;
	v1 =	vand.u32 $0x7FF00, v1;
	v0 =	vand.u32 $0x70, v0  }
0x39: {  	p1 =	por $0x1, $0x1;
	s19 =	simm.s32 $0x0;
	s18 =	sadd.s32 s18, s15;
	v0 =	vor.u32 v0, v1  }
.LBB2_4:
0x3a: {  	_ =	sdelay $0x1  }
0x3b: {  	s19 =	sshra.s32 s19, $0x2;
	p2 =	por p1, p1  }
.Ltmp3:
0x3c: {  	s19 =	sadd.s32 s19, s18;
	(pc) =	sbr.rel @p2 .LBB2_4-.Ltmp3, $4  }
0x3d: {  	[tilespmem:s19], [sflag:$0x1] =	stream.indirect_vreg.gather [hbm:s4], $0x80, v0, vm0, $0x38;
	[tilespmem:$0x19190] =	vst v63  }
0x3e: {  	s19 =	sadd.s32 $0x800, s19  }
0x3f: {  	[tilespmem:s19], [sflag:$0x1] =	stream.indirect_vreg.gather [hbm:s4], $0x80, v0, vm1, $0x38;
	[tilespmem:$0x19190] =	vst v63  }
0x40: {  	p1 =	por $0x0, $0x0;
	v0 =	vadd.s32 $0x80, v0;
	s19 =	simm.s32 $0x1000  }
0x41: {  	s17 =	sadd.s32 $0x1, s17  }
0x42: {  	p1 =	sne.s32 s17, $0xC  }
.Ltmp4:
0x43: {  	_ = 	snop;
	(pc) =	sbr.rel @p1 .LBB2_3-.Ltmp4, $1  }
0x44: {  	_ =	sdelay $0x3  }
0x45: {  	v0 =	vld.msk [tilespmem:s16+$0xC0 ss:$0x1], $0xff;
	_ =	sdelay $0x4  }
0x46: {  	vm2 =	vgt.s32 v0, $0x0  }
0x47: {  	v0 =	vnsel vm2, $0x0, v0  }
0x48: {  	v0 =	vmin.u32 v0, $0x270F  }
0x49: {  	v1 =	vshll.u32 v0, $0x5;
	v0 =	vshll.u32 v0, $0x4  }
0x4a: {  	v1 =	vand.u32 $0x7FF00, v1;
	v0 =	vand.u32 $0x70, v0  }
0x4b: {  	s16 =	simm.s32 $0x0;
	p1 =	por $0x1, $0x1;
	v0 =	vor.u32 v0, v1  }
.LBB2_7:
0x4c: {  	p2 =	por p1, p1  }
.Ltmp5:
0x4d: {  	s16 =	sshra.s32 s16, $0x2;
	(pc) =	sbr.rel @p2 .LBB2_7-.Ltmp5, $4  }
0x4e: {  	s16 =	sadd.s32 s16, s15  }
0x4f: {  	s16 =	sadd.s32 $0xC000, s16  }
0x50: {  	[tilespmem:s16], [sflag:$0x1] =	stream.indirect_vreg.gather [hbm:s4], $0x80, v0, vm0, $0x38;
	[tilespmem:$0x19190] =	vst v63  }
0x51: {  	p1 =	por $0x0, $0x0;
	v0 =	vadd.s32 $0x80, v0;
	s16 =	simm.s32 $0x1000  }
0x52: {  	s15 =	sshll.u32 s13, $0x5  }
0x53: {  	s31 =	sshll.u32 s13, $0x4;
	s15 =	sand.u32 $0xFFFFFF00, s15  }
0x54: {  	_ =	swait.ge [sflag:s7], $0xC800;
	s13 =	sand.u32 $0x70, s31;
	s15 =	sadd.s32 s15, s6  }
0x55: {  	s16 =	sadd.s32 $0x800, s14;
	[sflag:s7] =	ssyncset.done $0x0;
	s13 =	sadd.s32 s13, s15  }
0x56: {  	[sflag:s7] =	ssyncadd.s32 $0xFFFF3800;
	s15 =	simm.s32 $0x100;
	s17 =	sadd.s32 $0x0, s13  }
.LBB2_9:
0x57: {  	[hbm:s17] =	stream.linear.scatter [tilespmem:s14], [sflag:$0x3], $0x800, $0x38;
	[tilespmem:$0x19190] =	vst v63  }
0x58: {  	s17 =	smov.u32 s15;
	s14 =	smov.u32 s16;
	p1 =	sne.s32 s15, $0x1800  }
.Ltmp6:
0x59: {  	s15 =	sadd.s32 $0x100, s15;
	(pc) =	sbr.rel @p1 .LBB2_9-.Ltmp6, $2  }
0x5a: {  	_ =	sdelay $0x2  }
0x5b: {  	s16 =	sadd.s32 $0x800, s16;
	s17 =	sadd.s32 s17, s13  }
.Ltmp7:
0x5c: {  	_ = 	snop;
	(pc) =	sbr.rel .LBB2_10-.Ltmp7, $1  }
0x5d: {  	_ =	sdelay $0x3  }
.LBB2_12:
0x5e: {  	_ =	sfence.sel $0x180000  }
0x5f: {  	s1 =	simm.s32 $0x2;
	[bflag:$0x0] =	sbarrier.arrive $0xFFFF  }
0x60: {  	s30 =	simm.s32 $0x3;
	[sflag:s1] =	ssyncpa.u1 $0x1  }
0x61: {  	s31 =	simm.s32 $0x1;
	[sflag:s30] =	ssyncpa.u1 $0x1  }
0x62: {  	[sflag:s31] =	ssyncpa.u1 $0x1  }
0x63: {  	p0 =	sne.s32 s0, $0x0;
	_ =	strace $0x90000059  }
0x64: {  	s0 =	sadd.s32 @!p0 $0x100000, s2;
	[bflag:$0x2] =	sbarrier.arrive $0xFFFF  }
0x65: {  	[sflag:s0] =	ssyncadd.tile.s32 @!p0 $0x1;
	_ =	shalt  }
.Lfunc_end2:
_tile_overlayer_lowered:
.L_overlay_start_2:
0x66: {  	(tag) =	ssettag $0x2  }
0x67: {  	s0 =	rddreg [dreg:$0x0];
	s2 =	stileid.u32  }
0x68: {  	s1 =	rddreg [dreg:$0x1];
	p0 =	sne.s32 s2, $0x0  }
0x69: {  	s3 =	rddreg [dreg:$0x2];
	[bflag:$0x3] =	sbarrier.arrive $0xFFFF;
	s2 =	simm.s32 @!p0 $0x1C01  }
0x6a: {  	[timem:s3], [sflag:s2] =	dma.local @!p0 [hbm:s0], s1  }
0x6b: {  	s0 =	simm.s32 @!p0 $0x1  }
0x6c: {  	_ =	swait.ge @!p0 [sflag:s0], s1  }
0x6d: {  	s1 =	ssub.s32 @!p0 $0x0, s1;
	[sflag:s0] =	ssyncset.done @!p0 $0x0  }
0x6e: {  	[sflag:s0] =	ssyncadd.s32 @!p0 s1  }
0x6f: {  	[bflag:$0x3] =	sbarrier.arrive $0xFFFF  }
0x70: {  	_ =	shalt  }

// kernel: scatter_offload_async_start.1
scs
__scs_entry_jumppad:
0x0: {  	(pc) =	sbr.rel $0x88, $3  }
0x1: {  	(tag) =	ssettag $0x0;
	lr =	simm.s32 $0x1  }
0x2: {  	[smem:$0x3F96] =	sst lr;
	_ =	strace $0xD0000000  }
0x3: {  	_ = 	snop  }
0x4: {  	_ = 	snop  }
0x5: {  	_ = 	snop  }
0x6: {  	_ = 	snop  }
0x7: {  	_ = 	snop  }
__scs_overlays_trampoline_lowered:
0x8: {  	[smem:$0x3FA5] =	sst s0  }
0x9: {  	[smem:$0x3FA6] =	sst s1  }
0xa: {  	[smem:$0x3FA7] =	sst s2  }
0xb: {  	[smem:$0x3FA8] =	sst s3  }
0xc: {  	[smem:$0x3FA9] =	sst s4  }
0xd: {  	[smem:$0x3FAA] =	sst s5  }
0xe: {  	[smem:$0x3FAB] =	sst s6  }
0xf: {  	[smem:$0x3FAC] =	sst s7  }
0x10: {  	[smem:$0x3FAD] =	sst s8  }
0x11: {  	[smem:$0x3FAE] =	sst s9;
	s0 =	simm.s32 @!p0 $0x0  }
0x12: {  	s1 =	sld [smem:$0x3F94];
	s0 =	simm.s32 @p0 $0x1  }
0x13: {  	[smem:$0x3FAF] =	sst s0;
	s0 =	simm.s32 @!p1 $0x0  }
0x14: {  	s2 =	sld [smem:$0x3F93];
	s0 =	simm.s32 @p1 $0x1  }
0x15: {  	[smem:$0x3FB0] =	sst s0;
	s0 =	simm.s32 @!p2 $0x0  }
0x16: {  	s3 =	sld [smem:$0x3FDB];
	s0 =	simm.s32 @p2 $0x1  }
0x17: {  	s4 =	simm.s32 $0x1BF5;
	[smem:$0x3FB2] =	sst s0  }
0x18: {  	s0 =	sld [smem:$0x3F95];
	_ =	swait.ge [sflag:s4], $0x0  }
0x19: {  	s7 =	sld [smem:$0x3F96]  }
0x1a: {  	s8 =	sadd.s32 $0xFFFFE003, lr  }
0x1b: {  	s9 =	sadd.s32 $0xFFFFFEF7, lr;
	s5 =	simm.s32 $0xFFFFFFFF;
	p2 =	slt.u32 s8, $0xFFFFF086  }
0x1c: {  	p1 =	slt.u32 s9, $0xF7A;
	s5 =	simm.s32 @!p2 $0x0  }
0x1d: {  	s5 =	simm.s32 @p1 $0x1;
	p0 =	seq.s32 s7, s2  }
0x1e: {  	s7 =	smul.u32 @!p0 $0xF7A, s2;
	p2 =	seq.s32 @!p0 s5, $0x0  }
0x1f: {  	s9 =	smul.u32 $0xF7A, s1;
	s8 =	simm.s32 @!p0 $0x1BF5;
	p2 =	por !p2, p0  }
0x20: {  	[sflag:s8] =	ssyncset.s32 @!p0 $0xFFFFF086;
	s6 =	sadd.s32 @!p0 s3, s7;
	s7 =	simm.s32 @!p0 $0x108  }
0x21: {  	s3 =	sadd.s32 s3, s9;
	s6 =	sadd.s32 @!p0 $0x88, s6;
	s7 =	simm.s32 @p2 $0x1082  }
0x22: {  	[simem:s7], [sflag:s8] =	dma.local @!p0 [hbm:s6], $0xF7A  }
0x23: {  	s9 =	sor.u32 $0xD0000000, s2;
	s6 =	simm.s32 $0x108;
	_ =	swait.ge @!p0 [sflag:s8], $0x0  }
0x24: {  	s3 =	sadd.s32 $0x88, s3;
	s6 =	simm.s32 @!p1 $0x1082;
	[sflag:s4] =	ssyncset.s32 $0xFFFFF086  }
0x25: {  	[simem:s6], [sflag:s4] =	dma.local [hbm:s3], $0xF7A  }
0x26: {  	[smem:$0x3F96] =	sst s1;
	(tag) =	ssettag s2;
	_ =	strace s9  }
0x27: {  	s1 =	sld [smem:$0x3FA6]  }
0x28: {  	s2 =	sld [smem:$0x3FA7]  }
0x29: {  	s4 =	sld [smem:$0x3FA9]  }
0x2a: {  	p0 =	seq.s32 s5, $0x0;
	s5 =	sld [smem:$0x3FAA]  }
0x2b: {  	s6 =	sld [smem:$0x3FAB]  }
0x2c: {  	s7 =	sld [smem:$0x3FAC]  }
0x2d: {  	s3 =	simm.s32 $0x108;
	s8 =	sld [smem:$0x3FAD]  }
0x2e: {  	s3 =	simm.s32 @!p0 $0x1082;
	s9 =	sld [smem:$0x3FAE]  }
0x2f: {  	lr =	sadd.s32 s0, s3;
	s0 =	sld [smem:$0x3FA5]  }
0x30: {  	s3 =	sld [smem:$0x3FA8]  }
0x31: {  	[smem:$0x3FB1] =	sst s10  }
0x32: {  	s10 =	sld [smem:$0x3FAF];
	_ =	sdelay $0x3  }
0x33: {  	p0 =	seq.s32 s10, $0x1;
	s10 =	sld [smem:$0x3FB1];
	_ =	sdelay $0x3  }
0x34: {  	[smem:$0x3FB1] =	sst s10  }
0x35: {  	s10 =	sld [smem:$0x3FB0];
	_ =	sdelay $0x3  }
0x36: {  	p1 =	seq.s32 s10, $0x1;
	s10 =	sld [smem:$0x3FB1];
	_ =	sdelay $0x3  }
0x37: {  	[smem:$0x3FB1] =	sst s10  }
0x38: {  	s10 =	sld [smem:$0x3FB2]  }
0x39: {  	_ = 	snop;
	(pc) =	sbr.ind lr, $3  }
0x3a: {  	_ = 	snop  }
0x3b: {  	_ = 	snop  }
0x3c: {  	p2 =	seq.s32 s10, $0x1;
	s10 =	sld [smem:$0x3FB1]  }
0x3d: {  	_ =	shalt  }
0x3e: {  	_ =	shalt  }
0x3f: {  	_ =	shalt  }
0x40: {  	_ =	shalt  }
0x41: {  	_ =	shalt  }
0x42: {  	_ =	shalt  }
0x43: {  	_ =	shalt  }
0x44: {  	_ =	shalt  }
0x45: {  	_ =	shalt  }
0x46: {  	_ =	shalt  }
0x47: {  	_ =	shalt  }
0x48: {  	_ =	shalt  }
0x49: {  	_ =	shalt  }
0x4a: {  	_ =	shalt  }
0x4b: {  	_ =	shalt  }
0x4c: {  	_ =	shalt  }
0x4d: {  	_ =	shalt  }
0x4e: {  	_ =	shalt  }
0x4f: {  	_ =	shalt  }
0x50: {  	_ =	shalt  }
0x51: {  	_ =	shalt  }
0x52: {  	_ =	shalt  }
0x53: {  	_ =	shalt  }
0x54: {  	_ =	shalt  }
0x55: {  	_ =	shalt  }
0x56: {  	_ =	shalt  }
0x57: {  	_ =	shalt  }
0x58: {  	_ =	shalt  }
0x59: {  	_ =	shalt  }
0x5a: {  	_ =	shalt  }
0x5b: {  	_ =	shalt  }
0x5c: {  	_ =	shalt  }
0x5d: {  	_ =	shalt  }
0x5e: {  	_ =	shalt  }
0x5f: {  	_ =	shalt  }
0x60: {  	_ =	shalt  }
0x61: {  	_ =	shalt  }
0x62: {  	_ =	shalt  }
0x63: {  	_ =	shalt  }
0x64: {  	_ =	shalt  }
0x65: {  	_ =	shalt  }
0x66: {  	_ =	shalt  }
0x67: {  	_ =	shalt  }
0x68: {  	_ =	shalt  }
0x69: {  	_ =	shalt  }
0x6a: {  	_ =	shalt  }
0x6b: {  	_ =	shalt  }
0x6c: {  	_ =	shalt  }
0x6d: {  	_ =	shalt  }
0x6e: {  	_ =	shalt  }
0x6f: {  	_ =	shalt  }
0x70: {  	_ =	shalt  }
0x71: {  	_ =	shalt  }
0x72: {  	_ =	shalt  }
0x73: {  	_ =	shalt  }
0x74: {  	_ =	shalt  }
0x75: {  	_ =	shalt  }
0x76: {  	_ =	shalt  }
0x77: {  	_ =	shalt  }
0x78: {  	_ =	shalt  }
0x79: {  	_ =	shalt  }
0x7a: {  	_ =	shalt  }
0x7b: {  	_ =	shalt  }
0x7c: {  	_ =	shalt  }
0x7d: {  	_ =	shalt  }
0x7e: {  	_ =	shalt  }
0x7f: {  	_ =	shalt  }
0x80: {  	_ =	shalt  }
0x81: {  	_ =	shalt  }
0x82: {  	_ =	shalt  }
0x83: {  	_ =	shalt  }
0x84: {  	_ =	shalt  }
0x85: {  	_ =	shalt  }
0x86: {  	_ =	shalt  }
0x87: {  	_ =	shalt  }
.Lfunc_end0:
.L_simem_size_0:
called_computation.1_lowered:
.L_overlay_start_0:
0x88: {  	s0 =	sld [smem:$0x3FD9]  }
0x89: {  	s1 =	sld [smem:$0x3FFE];
	_ =	sdelay $0x3  }
0x8a: {  	s0 =	sadd.s32 s1, s0  }
0x8b: {  	[smem:$0x3FBD] =	sst s0  }
0x8c: {  	_ = 	snop  }
0x8d: {  	s0 =	sld [smem:$0x3FD0];
	_ =	sdelay $0x2  }
0x8e: {  	s13 =	simm.s32 $0xC;
	s2 =	simm.s32 $0x10  }
0x8f: {  	[smem:s2], [sflag:s13] =	dma.local [hbm:s0], $0x1  }
0x90: {  	_ =	swait.eq [sflag:s13], $0x1  }
0x91: {  	[sflag:s13] =	ssyncset.done $0x0  }
0x92: {  	[sflag:s13] =	ssyncadd.s32 $0xFFFFFFFF  }
0x93: {  	s14 =	sld [smem:$0x11];
	(tm) =	ssettm $0x1  }
0x94: {  	s15 =	sld [smem:$0x3FFB];
	_ =	sdelay $0x3  }
0x95: {  	_ =	strace s15  }
0x96: {  	s1 =	sld [smem:$0x3FFC];
	_ =	sdelay $0x3  }
0x97: {  	_ =	strace s1  }
0x98: {  	s1 =	sld [smem:$0x3FFD];
	_ =	sdelay $0x3  }
0x99: {  	_ =	strace s1  }
0x9a: {  	_ =	strace $0x8FFFFFFF  }
0x9b: {  	s16 =	sld [smem:$0x3FDB];
	_ =	sdelay $0x1  }
0x9c: {  	s17 =	simm.s32 $_scs_section_size  }
0x9d: {  	s3 =	simm.s32 $_size__tile_overlayer_lowered;
	s4 =	simm.s32 $_tile_overlayer_lowered  }
0x9e: {  	s20 =	simm.s32 $0x1BFF;
	s19 =	sshll.u32 s4, $0x1;
	s1 =	sadd.s32 s17, s16  }
0x9f: {  	s5 =	simm.s32 $0x0;
	s18 =	sshll.u32 s3, $0x1;
	s3 =	sadd.s32 s19, s1  }
0xa0: {  	[timem:s5], [sflag:s20] =	dma.local [hbm:s3], s18  }
0xa1: {  	_ =	swait.ge [sflag:s20], s18  }
0xa2: {  	s2 =	ssub.s32 $0x0, s18;
	[sflag:s20] =	ssyncset.done $0x0  }
0xa3: {  	[sflag:s20] =	ssyncadd.s32 s2;
	_ =	sdelay $0x1  }
0xa4: {  	s21 =	simm.s32 $0x1B8B  }
0xa5: {  	_ =	swait.ge [sflag:s21], $0x1  }
0xa6: {  	[sflag:s21] =	ssyncset.done $0x0  }
0xa7: {  	s23 =	simm.s32 $0x1B8E;
	s22 =	sld [smem:$0x3FFE];
	[sflag:s21] =	ssyncadd.s32 $0xFFFFFFFF  }
0xa8: {  	s24 =	simm.s32 $execute0_lowered;
	[smem:$0x3FD2] =	sst s23  }
0xa9: {  	s3 =	sshll.u32 s24, $0x1;
	_ =	strace $0x80000049;
	[dreg:$0x1] =	wrdreg $0xFFFFFFFF  }
0xaa: {  	s25 =	simm.s32 $_size_execute0_lowered;
	s1 =	sadd.s32 s1, s3;
	[dreg:$0x0] =	wrdreg $0x0  }
0xab: {  	s3 =	sshll.u32 s25, $0x1;
	[dreg:$0x2] =	wrdreg s1  }
0xac: {  	[dreg:$0x3] =	wrdreg s3  }
0xad: {  	[dreg:$0x4] =	wrdreg $0xC0  }
0xae: {  	_ =	task [dreg:s5], $0x5FFFF  }
0xaf: {  	[dreg:$0x1] =	wrdreg $0xFFFFFFFF  }
0xb0: {  	[dreg:$0x0] =	wrdreg $0x60  }
0xb1: {  	[dreg:$0x2] =	wrdreg s22  }
0xb2: {  	[dreg:$0x3] =	wrdreg s14  }
0xb3: {  	[dreg:$0x4] =	wrdreg $0x9  }
0xb4: {  	_ =	task.clear_ibuf [dreg:s5], $0x5FFFF;
	_ =	strace $0x90000049  }
0xb5: {  	s26 =	simm.s32 $0x9;
	_ =	strace $0x8000004B  }
0xb6: {  	_ =	swait.ge [sflag:s26], $0x1  }
0xb7: {  	[sflag:s26] =	ssyncadd.s32 $0xFFFFFFFF  }
0xb8: {  	_ =	strace $0x9000004B  }
0xb9: {  	_ =	sfence  }
0xba: {  	s28 =	sld [smem:$0x0];
	_ =	sdelay $0x1  }
0xbb: {  	s29 =	srdreg.scid  }
0xbc: {  	s30 =	sshll.u32 s29, $0xD;
	s31 =	sshrl.u32 s29, $0x2  }
0xbd: {  	s2 =	sand.u32 $0x4000, s30;
	s1 =	sand.u32 $0x1, s29;
	s0 =	sadd.s32 s31, s28  }
0xbe: {  	s1 =	sor.u32 s2, s1;
	s0 =	sshll.u32 s0, $0x11  }
0xbf: {  	s0 =	sor.u32 s0, s1  }
0xc0: {  	s0 =	sadd.s32 $0x8F2B, s0  }
0xc1: {  	[sflag:s0] =	ssyncadd.remote.s32 $0x1  }
0xc2: {  	_ =	sfence.sel $0xFFFF  }
0xc3: {  	[dreg:$0x0] =	wrdreg $0xFFFFFFFF;
	(pc) =	sbr.abs _section_cstart, $3  }
0xc4: {  	[dreg:$0x1] =	wrdreg $0xFFFFFFFF  }
0xc5: {  	_ =	task.clear_ibuf [dreg:s5], $0x2FFFF;
	_ =	strace $0x9FFFFFFF  }
0xc6: {  	(tm) =	ssettm $0x7FFFFFFF  }
0xc7: {  	_ =	shalt  }
tec
execute0_lowered:
.L_overlay_start_1:
0x0: {  	(tag) =	ssettag $0x1  }
0x1: {  	s0 =	rddreg [dreg:$0x0]  }
0x2: {  	s6 =	stileid.u32;
	_ =	strace $0x8000004A;
	s2 =	simm.s32 $0x1  }
0x3: {  	v1 =	vimm.s32 $0xFFFFFFFF;
	s1 =	smin.u32 s6, $0x9;
	[sflag:s2] =	ssyncpa.u1 $0x0  }
0x4: {  	s1 =	sadd.s32 s6, s1;
	[tilespmem:$0x10] =	vst v1  }
0x5: {  	v0 =	vimm.f32 $-Inf;
	p0 =	slt.u32 s6, $0x9;
	[tilespmem:$0x20] =	vst v1;
	s4 =	smul.u32 $0x1A90, s1;
	s1 =	simm.s32 $0x3520  }
0x6: {  	[tilespmem:$0x30] =	vst v0;
	s1 =	simm.s32 @!p0 $0x1A90  }
0x7: {  	[tilespmem:$0x40] =	vst v0;
	s1 =	sadd.s32 s1, s4  }
0x8: {  	[tilespmem:$0x50] =	vst v0;
	s5 =	smin.u32 s1, $0x29810  }
0x9: {  	s7 =	simm.s32 $0x2;
	[tilespmem:$0x60] =	vst v1;
	s3 =	ssub.s32 s5, s4  }
0xa: {  	s8 =	simm.s32 $0x8;
	s30 =	simm.s32 $0x9;
	[tilespmem:$0x70] =	vst v1;
	p0 =	sgt.s32 s3, $0x0  }
0xb: {  	s16 =	simm.s32 $0x0;
	s17 =	simm.s32 $0xF0;
	[tilespmem:$0x80] =	vst v1;
	s3 =	simm.s32 @!p0 $0x0  }
0xc: {  	s18 =	simm.s32 $0xFFFFFFFF;
	s19 =	simm.s32 $0xFFFFCBE0;
	v1 =	vimm.s32 $0x0;
	[tilespmem:$0xB0] =	vst v0;
	s29 =	smulhi.u32 $0x134679AD, s3  }
0xd: {  	s20 =	simm.s32 $0xFFFFFFFE;
	s21 =	simm.s32 $0xF;
	s25 =	simm.s32 $0x0;
	[tilespmem:$0x90] =	vst v1  }
0xe: {  	[tilespmem:$0xA0] =	vst v1;
	[sflag:s7] =	ssyncpa.u1 $0x0;
	s7 =	simm.s32 $0x7;
	s9 =	sshrl.u32 s29, $0x9  }
0xf: {  	s24 =	simm.s32 $0x0;
	[sflag:s7] =	ssyncpa.u1 $0x0;
	s10 =	smul.u32 $0x1A90, s9  }
0x10: {  	s14 =	sshllo.u32 s6, $0x1;
	[sflag:s8] =	ssyncpa.u1 $0x0;
	s23 =	smov.u32 s4  }
.Ltmp0:
0x11: {  	s1 =	sadd.s32 $0x55A200, s0;
	p0 =	sne.s32 s3, s10;
	(pc) =	sbr.rel .LBB2_1-.Ltmp0, $4  }
0x12: {  	s0 =	sadd.s32 $0x554E00, s0;
	[sflag:s30] =	ssyncpa.u1 $0x0;
	s2 =	simm.s32 @!p0 $0x0  }
0x13: {  	[dreg:$0x3] =	wrdreg s0;
	s10 =	sshll.u32 s6, $0x1;
	s9 =	sadd.s32 s2, s9  }
0x14: {  	vm0 =	vmmov $0xffff;
	v2 =	vlaneseq.u32;
	vm1 =	vmxor vm1, vm1;
	s13 =	sor.u32 $0x81, s10;
	s15 =	sor.u32 $0x80, s10;
	s31 =	sadd.s32 $0x1, s9  }
0x15: {  	vm2 =	vmmov $0x1;
	v3 =	vimm.f32 $0.0e+00;
	vm3 =	vcmask $0x3F3C;
	p0 =	por $0x0, $0x0;
	s12 =	sadd.s32 $0x2, s9;
	[dreg:$0x4] =	wrdreg s31  }
.LBB2_9:
0x16: {  	p1 =	slt.u32 s24, $0x3  }
0x17: {  	s0 =	simm.s32 @!p1 $0x2  }
0x18: {  	_ =	swait.ge @!p1 [sflag:s0], $0x1A90  }
0x19: {  	[sflag:s0] =	ssyncset.done @!p1 $0x0  }
0x1a: {  	[sflag:s0] =	ssyncadd.s32 @!p1 $0xFFFFE570;
	s0 =	simm.s32 @!p1 $0x9  }
0x1b: {  	_ =	swait.ge @!p1 [sflag:s0], $0x10  }
0x1c: {  	[sflag:s0] =	ssyncset.done @!p1 $0x0  }
0x1d: {  	[sflag:s0] =	ssyncadd.s32 @!p1 $0xFFFFFFF0;
	p1 =	sne.s32 s24, s12  }
.Ltmp1:
0x1e: {  	s2 =	sadd.s32 $0x1A90, s23;
	(pc) =	sbr.rel @!p1 .LBB2_10-.Ltmp1, $4  }
0x1f: {  	s3 =	smov.u32 s4;
	s31 =	sadd.s32 $0x1, s24;
	s17 =	sadd.s32 $0x1A90, s17  }
0x20: {  	s18 =	sadd.s32 $0x1, s18;
	s25 =	smov.u32 s23;
	p2 =	slt.s32 s2, s5  }
0x21: {  	p0 =	por !p0, !p0;
	s19 =	sadd.s32 $0x1A90, s19;
	s3 =	smov.u32 @p2 s2  }
0x22: {  	s20 =	sadd.s32 $0x1, s20;
	s23 =	smov.u32 s3;
	s24 =	smov.u32 s31  }
.LBB2_1:
0x23: {  	p1 =	sge.u32 s24, s9  }
0x24: {  	s0 =	smulhi.u32 @!p1 $0xAAAAAAAB, s24;
	_ =	sdelay $0x1  }
0x25: {  	s0 =	sshrl.u32 @!p1 s0, $0x1  }
0x26: {  	s0 =	smul.u32 @!p1 $0x3, s0;
	_ =	sdelay $0x1  }
0x27: {  	s0 =	ssub.s32 @!p1 s24, s0  }
0x28: {  	s0 =	smul.u32 @!p1 $0x6A40, s0;
	_ =	sdelay $0x1  }
0x29: {  	s3 =	rddreg [dreg:$0x1];
	s2 =	sshrl.u32 @!p1 s23, $0x3;
	s0 =	sshrl.u32 @!p1 s0, $0x2  }
0x2a: {  	s2 =	sadd.s32 @!p1 s3, s2;
	s3 =	sand.u32 @!p1 $0x7, s23;
	s0 =	sadd.s32 @!p1 $0x100, s0  }
0x2b: {  	[tilespmem:s0], [sflag:$0x7] =	stream.linear.gather @!p1 [hbm4b:s2+s3], $0x1A90, $0x38;
	[tilespmem:$0xF030] =	vst v63  }
0x2c: {  	s0 =	sadd.s32 $0xFFFFFFFF, s24  }
0x2d: {  	p1 =	sge.u32 s0, s9  }
.Ltmp2:
0x2e: {  	_ = 	snop;
	(pc) =	sbr.rel @p1 .LBB2_5-.Ltmp2, $1  }
0x2f: {  	_ =	sdelay $0x3  }
0x30: {  	s2 =	smulhi.u32 $0xAAAAAAAB, s0;
	_ =	sdelay $0x1  }
0x31: {  	s2 =	sshrl.u32 s2, $0x1  }
0x32: {  	s2 =	smul.u32 $0x3, s2;
	_ =	sdelay $0x1  }
0x33: {  	s2 =	ssub.s32 s0, s2  }
0x34: {  	s2 =	smul.u32 $0x6A40, s2  }
0x35: {  	_ =	swait.ge [sflag:s7], $0x1A90  }
0x36: {  	[sflag:s7] =	ssyncset.done $0x0;
	s2 =	sshrl.u32 s2, $0x2  }
0x37: {  	[sflag:s7] =	ssyncadd.s32 $0xFFFFE570;
	(ifvalue) =	ssetifvalue $0xFFFFFFFF;
	v4 =	vld.msk [tilespmem:s2+$0x100 ss:$0x1], $0xffff;
	_ =	sdelay $0x2  }
0x38: {  	s29 =	smulhi.u32 $0xAAAAAAAB, s18;
	p1 =	sne.s32 s24, $0x1  }
0x39: {  	v5 =	vimm.s32 @!p1 $0x0  }
0x3a: {  	s2 =	sshrl.u32 s29, $0x1;
	v5 =	vperm.xlane @!p1 v4, v5  }
0x3b: {  	s3 =	sshll.u32 s24, $0x4;
	s2 =	smul.u32 $0xFFFEC140, s2;
	vm4 =	vlt.u32 v4, $0x2800  }
0x3c: {  	s3 =	sand.u32 $0x10, s3;
	v4 =	vnsel vm4, $0xFFFFFFFE, v4;
	vm4 =	vlt.u32 @!p1 v5, $0x2800  }
0x3d: {  	s2 =	sshra.s32 s2, $0x2;
	[tilespmem:s3+$0x60] =	vst v4;
	v4 =	vnsel @!p1 vm4, $0xFFFFFFFE, v5  }
0x3e: {  	s30 =	sadd.s32 s2, s17;
	[tilespmem:$0x80] =	vst @!p1 v4  }
0x3f: {  	v4 =	vld.msk [tilespmem:s30+$0x0 ss:$0x1], $0xffff;
	_ =	sdelay $0x4  }
0x40: {  	(xrf1) =	vunique.msk.u32 $0xffff, v4;
	_ =	sdelay $0xd  }
0x41: {  	v5 =	vimm.s32 $0xFFFFFFFF;
	v6, _, _ =	vpop (xrf1)  }
0x42: {  	vm5 =	vne.s32 v4, v5;
	vm4 =	veq.s32 v6, v2  }
0x43: {  	vm6 =	vlt.u32 v4, $0x2800;
	vm4 =	vmand vm5, vm4  }
0x44: {  	vm4 =	vmand vm6, vm4  }
0x45: {  	v5 =	vnsel vm4, $0xFFFFFFFF, v4  }
0x46: {  	s31 =	sand.u32 $0x1, s0  }
0x47: {  	s26 =	simm.s32 $0x1A90;
	p1 =	seq.s32 s31, $0x1  }
0x48: {  	s26 =	simm.s32 @!p1 $0x0  }
0x49: {  	s28 =	sadd.s32 $0x6B30, s26;
	(ifvalue) =	ssetifvalue $0xFFFFFFFF  }
0x4a: {  	v4 =	vperm.xlane v4, v1;
	[tilespmem:s28], [sflag:$0x8] =	stream.indirect_vreg.gather [hbm4b:s1+s16], $0x1, v5, vm0, $0x4038;
	v5 =	vnsel vm6, $0xFFFFFFFE, v5;
	[tilespmem:$0xF030] =	vst v63  }
0x4b: {  	s0 =	simm.s32 $0x0;
	s2 =	sadd.s32 $0xFFFFFFF0, s30;
	[tilespmem:s30+$0x0] =	vst v5  }
.LBB2_3:
0x4c: {  	v5 =	vld.msk [tilespmem:s2+$0x0 ss:$0x1], $0xffff;
	s0 =	sadd.s32 $0x10, s0;
	v6 =	vmov v4;
	s3 =	smov.u32 s2  }
0x4d: {  	p1 =	slt.u32 s0, $0x1A80;
	_ =	sdelay $0x4  }
0x4e: {  	v4 =	vperm.xlane v5, v1;
	(xrf1) =	vunique.msk.u32 $0xffff, v5;
	_ =	sdelay $0xd  }
0x4f: {  	v7, _, _ =	vpop (xrf1)  }
0x50: {  	vm5 =	vne.s32 v5, v6;
	vm4 =	veq.s32 v7, v2  }
0x51: {  	vm6 =	vlt.u32 v5, $0x2800;
	vm4 =	vmand vm5, vm4  }
0x52: {  	vm4 =	vmand vm6, vm4  }
0x53: {  	v5 =	vnsel vm4, $0xFFFFFFFF, v5  }
.Ltmp3:
0x54: {  	v6 =	vnsel vm6, $0xFFFFFFFE, v5;
	(pc) =	sbr.rel @p1 .LBB2_3-.Ltmp3, $3  }
0x55: {  	_ =	sdelay $0x1  }
0x56: {  	s2 =	sadd.s32 $0xFFFFFFF0, s2;
	s28 =	sadd.s32 $0xFFFFFFF0, s28;
	(ifvalue) =	ssetifvalue $0xFFFFFFFF  }
0x57: {  	[tilespmem:s28], [sflag:$0x8] =	stream.indirect_vreg.gather [hbm4b:s1+s16], $0x1, v5, vm0, $0x4038;
	[tilespmem:s3+$0x0] =	vst v6  }
0x58: {  	s0 =	sshrl.u32 s25, $0x3;
	s2 =	rddreg [dreg:$0x3]  }
0x59: {  	s31 =	sadd.s32 $0x85D0, s26;
	s0 =	sadd.s32 s2, s0  }
0x5a: {  	[tilespmem:s31], [sflag:$0x8] =	stream.linear.gather [hbm:s0], $0x1A90, $0x38;
	[tilespmem:$0xF030] =	vst v63  }
.LBB2_5:
0x5b: {  	p1 =	slt.u32 s24, $0x2  }
0x5c: {  	p2 =	sge.u32 @!p1 s24, s12  }
0x5d: {  	p1 =	por p1, p2  }
.Ltmp4:
0x5e: {  	_ = 	snop;
	(pc) =	sbr.rel @p1 .LBB2_9-.Ltmp4, $1  }
0x5f: {  	_ =	sdelay $0x3  }
0x60: {  	s0 =	sadd.s32 $0xFFFFFFFE, s24  }
0x61: {  	s2 =	smulhi.u32 $0xAAAAAAAB, s0;
	_ =	sdelay $0x1  }
0x62: {  	s2 =	sshrl.u32 s2, $0x1  }
0x63: {  	s2 =	smul.u32 $0x3, s2;
	_ =	sdelay $0x1  }
0x64: {  	_ =	swait.ge [sflag:s8], $0x3520;
	s0 =	ssub.s32 s0, s2  }
0x65: {  	s6 =	rddreg [dreg:$0x4];
	s0 =	smul.u32 $0x1A90, s0  }
0x66: {  	[sflag:s8] =	ssyncset.done $0x0;
	p1 =	sne.s32 s24, s6  }
0x67: {  	[sflag:s8] =	ssyncadd.s32 $0xFFFFCAE0;
	s2 =	sadd.s32 @!p1 $0x1B8F, s0  }
0x68: {  	[spmem:s13] =	stream.linear.scatter @!p1 [tilespmem:s2], [sflag:$0x1], $0x1, $0x38;
	[tilespmem:$0xF030] =	vst v63  }
0x69: {  	s2 =	simm.s32 @!p1 $0x1  }
0x6a: {  	_ =	swait.ge @!p1 [sflag:s2], $0x1  }
0x6b: {  	s3 =	sshll.u32 s24, $0x4;
	[sflag:s2] =	ssyncset.done @!p1 $0x0  }
0x6c: {  	s25 =	sand.u32 $0x10, s3;
	[sflag:s2] =	ssyncadd.s32 @!p1 $0xFFFFFFFF  }
0x6d: {  	s2 =	sxor.u32 $0x10, s25;
	v5 =	vld [tilespmem:s25+$0x10]  }
0x6e: {  	v6 =	vld [tilespmem:s2+$0x60]  }
0x6f: {  	v4 =	vld [tilespmem:$0x80];
	_ =	sdelay $0x2  }
0x70: {  	(v2sf) =	vpush v5, $0x0  }
0x71: {  	(v2sf) =	vpush v6, $0x0  }
0x72: {  	(v2sf) =	vpush v4, $0x0;
	_ =	sdelay $0xc  }
0x73: {  	s11 =	spop (v2sf)  }
0x74: {  	s22 =	spop (v2sf)  }
0x75: {  	s26 =	spop (v2sf)  }
0x76: {  	p2 =	seq.s32 s11, s22;
	p3 =	seq.s32 s26, s11  }
0x77: {  	p3 =	por p2, p3  }
0x78: {  	s22 =	sand.u32 $0x1, s24;
	v5 =	vpsel p3, $0xFFFFFFFF, v5  }
0x79: {  	s28 =	smul.u32 $0x1A90, s22;
	[tilespmem:s25+$0x10] =	vst.msk $0x1, v5  }
0x7a: {  	v5 =	vld [tilespmem:$0x30]  }
0x7b: {  	v6 =	vld [tilespmem:s28+$0x85D0]  }
0x7c: {  	v7 =	vld [tilespmem:s25+$0x40];
	_ =	sdelay $0x2  }
0x7d: {  	vm4 =	vmmov vm1  }
0x7e: {  	vm5 =	vmmov vm2;
	vm4 =	vmmov @p2 vm2;
	v6 =	vmax.f32 v5, v6  }
0x7f: {  	s3 =	sshll.u32 s22, $0x4;
	vm5 =	vmmov @p3 vm1;
	v5 =	vmax.f32 v5, v7;
	[tilespmem:s28+$0x85D0] =	vst.msk vm4, v6  }
0x80: {  	[tilespmem:s3+$0xF010] =	vst.msk vm5, v5  }
0x81: {  	v5 =	vld [tilespmem:s28+$0x6B30];
	_ =	sdelay $0x4  }
0x82: {  	v5 =	vshift.insert v5, v3, s21  }
0x83: {  	s6 =	sor.u32 $0x40, s2  }
0x84: {  	v6 =	vimm.f32 $-Inf;
	[tilespmem:s6+$0x0] =	vst.msk $0x1, v5  }
0x85: {  	[tilespmem:s28+$0x6B3F] =	vst.msk $0x1, v6  }
0x86: {  	v5 =	vld [tilespmem:s0+$0x1B80]  }
0x87: {  	s11 =	smulhi.u32 $0xAAAAAAAB, s20;
	_ =	sdelay $0x1  }
0x88: {  	s22 =	simm.s32 $0x1;
	s0 =	sshrl.u32 s11, $0x1  }
0x89: {  	s22 =	simm.s32 @!p0 $0x0;
	s0 =	smul.u32 $0xFFFEC140, s0  }
0x8a: {  	s22 =	smul.u32 $0x6A40, s22;
	v5 =	vshift.insert v5, v1, s21  }
0x8b: {  	s0 =	sshra.s32 s0, $0x2  }
0x8c: {  	s22 =	sshrl.u32 s22, $0x2;
	s6 =	sadd.s32 s0, s19;
	[tilespmem:s2+$0x10] =	vst.msk $0x1, v5  }
0x8d: {  	s2 =	sadd.s32 $0x85D0, s22;
	v7 =	vld [tilespmem:s6+$0x0]  }
0x8e: {  	v8 =	vld [tilespmem:s2+$0x0];
	_ =	sdelay $0x4  }
0x8f: {  	vm4 =	vne.s32 v7, $0xFFFFFFFF;
	v6 =	vmax.f32 v8, v6  }
0x90: {  	(xrf0) =	vmax.seg.scan.f32 vm4, v6  }
0x91: {  	s11 =	sadd.s32 $0x50B0, s22;
	v8 =	vld [tilespmem:$0xA0]  }
0x92: {  	v9 =	vld [tilespmem:s11+$0x0];
	_ =	sdelay $0x1  }
0x93: {  	v6 =	vperm.xlane v5, v1;
	_ =	sdelay $0x1  }
0x94: {  	vm6 =	veq.s32 v7, v4;
	vm7 =	veq.s32 v7, v6;
	vm5 =	veq.s32 v8, $0x1;
	v8, _, _ =	vpop (xrf0)  }
0x95: {  	vm8 =	vgt.u32 v7, $0xFFFFFFFD;
	vm7 =	vmor vm7, vm6;
	v9 =	vmax.f32 v8, v9  }
0x96: {  	s30 =	sadd.s32 $0xBAF0, s22;
	v10 =	vld [tilespmem:$0x90];
	vm7 =	vmor vm7, vm8;
	v9 =	vsel vm6, v8, v9  }
0x97: {  	[tilespmem:s30+$0x0] =	vst v9;
	v9 =	vsel vm7, $0xFFFFFFFF, v7;
	_ =	sdelay $0x1  }
0x98: {  	s31 =	simm.s32 $0x0;
	vm9 =	vmand vm4, vm3  }
0x99: {  	s29 =	sadd.s32 $0xF010, s3;
	s3 =	sadd.s32 $0x10, s11;
	s22 =	sadd.s32 $0x10, s30;
	v11 =	vsel vm9, $0xFF800000, v8  }
0x9a: {  	s0 =	sadd.s32 $0x10, s2;
	s2 =	sadd.s32 $0x10, s6;
	vm4 =	vmor vm5, vm6;
	v7 =	vsel vm6, v8, v10;
	v8 =	vshift.insert v11, v0, s21;
	(ifvalue) =	ssetifvalue $0xFFFFFFFF  }
.LBB2_7:
0x9b: {  	[hbm4b:s1+s16] =	stream.indirect_vreg.scatter [tilespmem:s30], [sflag:$0x2], $0x1, v9, vm0, $0x4038;
	[tilespmem:$0xF030] =	vst v63  }
0x9c: {  	s31 =	sadd.s32 $0x10, s31;
	s30 =	smov.u32 s22;
	v9 =	vld [tilespmem:s2+$0x0]  }
0x9d: {  	p2 =	slt.u32 s31, $0x1A80;
	v10 =	vld [tilespmem:s0+$0x0];
	_ =	sdelay $0x4  }
0x9e: {  	vm5 =	vne.s32 v9, $0xFFFFFFFF;
	v8 =	vmax.f32 v10, v8  }
0x9f: {  	(xrf0) =	vmax.seg.scan.f32 vm5, v8;
	_ =	sdelay $0x1  }
0xa0: {  	v8 =	vld [tilespmem:s3+$0x0]  }
0xa1: {  	vm6 =	veq.s32 v9, v4;
	vm7 =	veq.s32 v9, v6  }
0xa2: {  	vm8 =	vgt.u32 v9, $0xFFFFFFFD;
	vm4 =	vmor vm4, vm6;
	vm7 =	vmor vm7, vm6  }
0xa3: {  	vm7 =	vmor vm7, vm8  }
.Ltmp5:
0xa4: {  	vm5 =	vmand vm5, vm3;
	v9 =	vsel vm7, $0xFFFFFFFF, v9;
	v10, _, _ =	vpop (xrf0);
	(pc) =	sbr.rel @p2 .LBB2_7-.Ltmp5, $4  }
0xa5: {  	v7 =	vsel vm6, v10, v7;
	v8 =	vmax.f32 v10, v8;
	v11 =	vsel vm5, $0xFF800000, v10  }
0xa6: {  	v10 =	vsel vm6, v10, v8;
	v8 =	vshift.insert v11, v0, s21  }
0xa7: {  	s2 =	sadd.s32 $0x10, s2;
	s0 =	sadd.s32 $0x10, s0;
	[tilespmem:s22+$0x0] =	vst v10  }
0xa8: {  	s3 =	sadd.s32 $0x10, s3;
	s22 =	sadd.s32 $0x10, s22;
	(ifvalue) =	ssetifvalue $0xFFFFFFFF  }
0xa9: {  	_ =	sdelay $0x3  }
0xaa: {  	[hbm4b:s1+s16] =	stream.indirect_vreg.scatter [tilespmem:s30], [sflag:$0x2], $0x1, v9, vm0, $0x4038;
	[tilespmem:$0xF030] =	vst v63  }
0xab: {  	v4 =	vld [tilespmem:s28+$0xD570];
	_ =	sdelay $0x4  }
0xac: {  	v4 =	vshift.insert v4, v3, s21  }
0xad: {  	s0 =	simm.s32 $0x30  }
0xae: {  	[tilespmem:s0+$0x0] =	vst.msk $0x1, v4  }
0xaf: {  	v4 =	vsel vm4, $0x1, v1;
	[tilespmem:$0x90] =	vst v7  }
0xb0: {  	s0 =	sadd.s32 @!p1 $0xD57F, s28;
	[tilespmem:$0xA0] =	vst v4  }
0xb1: {  	[spmem:s14] =	stream.linear.scatter @!p1 [tilespmem:s0], [sflag:$0x1], $0x1, $0x38;
	[tilespmem:$0xF030] =	vst v63  }
0xb2: {  	s0 =	simm.s32 @!p1 $0x1  }
0xb3: {  	v4 =	vmctz.xlane @!p1 vm4;
	_ =	swait.ge @!p1 [sflag:s0], $0x1  }
0xb4: {  	(v2sf) =	vpush @!p1 v5, $0x0  }
0xb5: {  	(v2sf) =	vpush @!p1 v4, $0x0;
	_ =	sdelay $0xd  }
0xb6: {  	s2 =	spop @!p1 (v2sf)  }
0xb7: {  	s3 =	spop @!p1 (v2sf)  }
0xb8: {  	p2 =	sne.s32 @!p1 s26, s2;
	p3 =	slt.s32 @!p1 s3, $0xF  }
0xb9: {  	[sflag:s0] =	ssyncset.done @!p1 $0x0;
	p2 =	por p2, p1;
	p3 =	por !p3, p1  }
0xba: {  	[sflag:s0] =	ssyncadd.s32 @!p1 $0xFFFFFFFF;
	v4 =	vimm.s32 @!p2 $0xFFFFFFFF;
	s3 =	simm.s32 @p3 $0xF  }
0xbb: {  	[tilespmem:$0x80] =	vst @!p2 v4;
	s2 =	sadd.s32 @!p1 $0x90, s3  }
0xbc: {  	[spmem:s10] =	stream.linear.scatter @!p1 [tilespmem:s2], [sflag:$0x1], $0x1, $0x38;
	[tilespmem:$0xF030] =	vst v63  }
0xbd: {  	_ =	swait.ge @!p1 [sflag:s0], $0x1  }
0xbe: {  	[sflag:s0] =	ssyncset.done @!p1 $0x0  }
0xbf: {  	s2 =	simm.s32 @!p1 $0x80;
	[sflag:s0] =	ssyncadd.s32 @!p1 $0xFFFFFFFF  }
0xc0: {  	[spmem:s15] =	stream.linear.scatter @!p1 [tilespmem:s2], [sflag:$0x1], $0x1, $0x38;
	[tilespmem:$0xF030] =	vst v63  }
0xc1: {  	_ =	swait.ge @!p1 [sflag:s0], $0x1  }
0xc2: {  	[sflag:s0] =	ssyncset.done @!p1 $0x0  }
0xc3: {  	[sflag:s0] =	ssyncadd.s32 @!p1 $0xFFFFFFFF;
	(ifvalue) =	ssetifvalue $0xFFFFFFFF;
	v4 =	vld [tilespmem:s25+$0x10];
	_ =	sdelay $0x3  }
.Ltmp6:
0xc4: {  	_ = 	snop;
	(pc) =	sbr.rel .LBB2_9-.Ltmp6, $3  }
0xc5: {  	_ =	sdelay $0x1  }
0xc6: {  	(ifvalue) =	ssetifvalue $0xFFFFFFFF  }
0xc7: {  	[hbm4b:s1+s16] =	stream.indirect_vreg.scatter [tilespmem:s29], [sflag:$0x9], $0x1, v4, vm0, $0x4038;
	[tilespmem:$0xF030] =	vst v63  }
.LBB2_10:
0xc8: {  	_ =	sfence.sel $0x180000  }
0xc9: {  	s0 =	simm.s32 $0x7;
	[bflag:$0x0] =	sbarrier.arrive $0xFFFF  }
0xca: {  	s26 =	simm.s32 $0x8;
	[sflag:s0] =	ssyncpa.u1 $0x1  }
0xcb: {  	s28 =	simm.s32 $0x9;
	[sflag:s26] =	ssyncpa.u1 $0x1  }
0xcc: {  	[sflag:s28] =	ssyncpa.u1 $0x1  }
0xcd: {  	_ =	sfence.stream.spmem  }
0xce: {  	s29 =	simm.s32 $0x3;
	[bflag:$0x0] =	sbarrier.arrive $0xFFFF  }
0xcf: {  	s30 =	simm.s32 $0x4;
	[sflag:s29] =	ssyncpa.u1 $0x1  }
0xd0: {  	s31 =	simm.s32 $0x3C;
	s2 =	stileid.u32;
	[sflag:s30] =	ssyncpa.u1 $0x1  }
0xd1: {  	p0 =	sne.s32 s2, $0x0;
	[sflag:s31] =	ssyncpa.u1 $0x1  }
0xd2: {  	s0 =	simm.s32 @p0 $0x1;
	_ =	sfence @p0  }
0xd3: {  	[sflag:s0] =	ssyncpa.u1 @p0 $0x1;
	s0 =	simm.s32 @p0 $0x2  }
0xd4: {  	[sflag:s0] =	ssyncpa.u1 @p0 $0x1  }
0xd5: {  	_ =	strace @p0 $0x9000004A  }
0xd6: {  	[bflag:$0x2] =	sbarrier.arrive @p0 $0xFFFF  }
0xd7: {  	_ =	shalt @p0  }
.LBB2_11:
0xd8: {  	_ =	sfence.stream.spmem;
	s0 =	simm.s32 $0x5  }
0xd9: {  	s2 =	simm.s32 $0x80;
	s3 =	simm.s32 $0xC0;
	[sflag:s0] =	ssyncpa.u1 $0x0  }
0xda: {  	[tilespmem:s3], [sflag:$0x5] =	stream.linear.gather [spmem:s2], $0x20, $0x38;
	[tilespmem:$0xF030] =	vst v63  }
0xdb: {  	s30 =	simm.s32 $0xE0;
	s2 =	simm.s32 $0x0  }
0xdc: {  	[tilespmem:s30], [sflag:$0x5] =	stream.linear.gather [spmem:s2], $0x20, $0x38;
	[tilespmem:$0xF030] =	vst v63  }
.Ltmp7:
0xdd: {  	_ = 	snop;
	(pc) =	sbr.rel .LBB2_12-.Ltmp7, $4  }
0xde: {  	_ =	swait.ge [sflag:s0], $0x40  }
0xdf: {  	[sflag:s0] =	ssyncset.done $0x0  }
0xe0: {  	s31 =	simm.s32 $0x6;
	[sflag:s0] =	ssyncadd.s32 $0xFFFFFFC0  }
0xe1: {  	s3 =	simm.s32 $0x0;
	[sflag:s31] =	ssyncpa.u1 $0x0  }
.LBB2_17:
0xe2: {  	p0 =	sgt.u32 s4, $0x27FF  }
0xe3: {  	s0 =	sshrl.u32 @!p0 s4, $0x3  }
0xe4: {  	s4 =	sand.u32 @!p0 $0x7, s4;
	s5 =	simm.s32 @!p0 $0xB0;
	s0 =	sadd.s32 @!p0 s1, s0  }
0xe5: {  	[tilespmem:s5], [sflag:$0x6] =	stream.linear.gather @!p0 [hbm4b:s0+s4], $0x1, $0x38;
	[tilespmem:$0xF030] =	vst v63  }
0xe6: {  	s0 =	simm.s32 @!p0 $0x6  }
0xe7: {  	_ =	swait.ge @!p0 [sflag:s0], $0x1  }
0xe8: {  	[sflag:s0] =	ssyncset.done @!p0 $0x0  }
0xe9: {  	[sflag:s0] =	ssyncadd.s32 @!p0 $0xFFFFFFFF  }
0xea: {  	v1 =	vld.msk @!p0 [tilespmem:$0xB0], $0x1  }
0xeb: {  	v2 =	vld.msk @!p0 [tilespmem:s3+$0xE0], $0x1;
	_ =	sdelay $0x4  }
0xec: {  	v1 =	vmax.f32 @!p0 v2, v1  }
0xed: {  	[tilespmem:s3+$0xE0] =	vst.msk @!p0 $0x1, v1  }
0xee: {  	[tilespmem:s2+$0xC0] =	vst.msk $0x1, v0  }
0xef: {  	v0 =	vld.msk [tilespmem:s3+$0xE0], $0x1;
	_ =	sdelay $0x4  }
0xf0: {  	[tilespmem:s2+$0xE0] =	vst.msk $0x1, v0;
	s2 =	sadd.s32 $0x1, s2  }
.LBB2_19:
0xf1: {  	s3 =	sadd.s32 $0x1, s3  }
0xf2: {  	p0 =	sne.s32 s3, $0x20  }
.Ltmp8:
0xf3: {  	_ = 	snop;
	(pc) =	sbr.rel @!p0 .LBB2_20-.Ltmp8, $1  }
0xf4: {  	_ =	sdelay $0x3  }
.LBB2_12:
0xf5: {  	v0 =	vld.msk [tilespmem:s3+$0xC0], $0x1;
	_ =	sdelay $0x4  }
0xf6: {  	(v2sf) =	vpush v0, $0x0;
	_ =	sdelay $0xe  }
0xf7: {  	s4 =	spop (v2sf)  }
0xf8: {  	p0 =	seq.s32 s4, $0xFFFFFFFF  }
.Ltmp9:
0xf9: {  	_ = 	snop;
	(pc) =	sbr.rel @p0 .LBB2_19-.Ltmp9, $1  }
0xfa: {  	_ =	sdelay $0x3  }
0xfb: {  	p0 =	slt.s32 s2, $0x1  }
.Ltmp10:
0xfc: {  	_ = 	snop;
	(pc) =	sbr.rel @p0 .LBB2_17-.Ltmp10, $1  }
0xfd: {  	_ =	sdelay $0x3  }
0xfe: {  	s0 =	simm.s32 $0xC0;
	p0 =	por $0x0, $0x0  }
0xff: {  	v1 =	vld.msk @!p0 [tilespmem:s0+$0x0], $0x1;
	_ =	sdelay $0x4  }
0x100: {  	(v2sf) =	vpush @!p0 v1, $0x0;
	_ =	sdelay $0xd  }
0x101: {  	p2 =	sne.s32 s2, $0x1  }
.Ltmp11:
0x102: {  	s5 =	spop @!p0 (v2sf);
	(pc) =	sbr.rel @!p2 .LBB2_16-.Ltmp11, $4  }
0x103: {  	p1 =	seq.s32 @!p0 s4, s5  }
0x104: {  	s5 =	simm.s32 $0x0;
	p1 =	por !p1, p0  }
0x105: {  	s7 =	simm.s32 $0xFFFFFFFF;
	s5 =	simm.s32 @p1 $0xFFFFFFFF  }
0x106: {  	s6 =	simm.s32 $0x1;
	s5 =	smov.u32 @p0 s7  }
.LBB2_15:
0x107: {  	s7 =	smov.u32 s5;
	p0 =	sne.s32 s5, $0xFFFFFFFF  }
0x108: {  	s0 =	sadd.s32 $0x1, s0;
	s5 =	smov.u32 s6;
	s6 =	sadd.s32 $0x1, s6  }
0x109: {  	p1 =	sne.s32 s2, s6;
	v1 =	vld.msk @!p0 [tilespmem:s0+$0x0], $0x1;
	_ =	sdelay $0x4  }
0x10a: {  	(v2sf) =	vpush @!p0 v1, $0x0;
	_ =	sdelay $0xe  }
.Ltmp12:
0x10b: {  	s8 =	spop @!p0 (v2sf);
	(pc) =	sbr.rel @p1 .LBB2_15-.Ltmp12, $4  }
0x10c: {  	p2 =	seq.s32 @!p0 s4, s8  }
0x10d: {  	p2 =	por !p2, p0  }
0x10e: {  	s5 =	simm.s32 @p2 $0xFFFFFFFF  }
0x10f: {  	s5 =	smov.u32 @p0 s7  }
.LBB2_16:
0x110: {  	p0 =	sne.s32 s5, $0xFFFFFFFF  }
.Ltmp13:
0x111: {  	_ = 	snop;
	(pc) =	sbr.rel @!p0 .LBB2_17-.Ltmp13, $1  }
0x112: {  	_ =	sdelay $0x3  }
0x113: {  	v0 =	vld.msk [tilespmem:s3+$0xE0], $0x1  }
0x114: {  	v1 =	vld.msk [tilespmem:s5+$0xE0], $0x1;
	_ =	sdelay $0x1  }
.Ltmp14:
0x115: {  	_ = 	snop;
	(pc) =	sbr.rel .LBB2_19-.Ltmp14, $3  }
0x116: {  	_ =	sdelay $0x1  }
0x117: {  	v0 =	vmax.f32 v1, v0  }
0x118: {  	[tilespmem:s5+$0xE0] =	vst.msk $0x1, v0  }
.LBB2_20:
0x119: {  	p0 =	slt.s32 s2, $0x1  }
.Ltmp15:
0x11a: {  	_ = 	snop;
	(pc) =	sbr.rel @p0 .LBB2_24-.Ltmp15, $3  }
0x11b: {  	_ =	sdelay $0x1  }
0x11c: {  	s0 =	simm.s32 $0x6  }
0x11d: {  	s3 =	simm.s32 $0x0;
	[sflag:s0] =	ssyncpa.u1 $0x1  }
0x11e: {  	s0 =	simm.s32 $0xC0  }
0x11f: {  	v0 =	vld.msk [tilespmem:s0+$0x0], $0x1;
	_ =	sdelay $0x4  }
0x120: {  	(v2sf) =	vpush v0, $0x0;
	_ =	sdelay $0xe  }
0x121: {  	s2 =	sadd.s32 $0xFFFFFFFF, s2;
	s4 =	spop (v2sf)  }
0x122: {  	p1 =	sne.s32 s2, $0x0;
	p0 =	sgt.u32 s4, $0x27FF  }
.Ltmp16:
0x123: {  	s5 =	sshrl.u32 @!p0 s4, $0x3;
	(pc) =	sbr.rel @!p1 .LBB2_23-.Ltmp16, $4  }
0x124: {  	s0 =	simm.s32 $0xE0;
	s4 =	sand.u32 @!p0 $0x7, s4;
	s5 =	sadd.s32 @!p0 s1, s5  }
0x125: {  	[hbm4b:s5+s4] =	stream.linear.scatter @!p0 [tilespmem:s0], [sflag:$0x5], $0x1, $0x38;
	[tilespmem:$0xF030] =	vst v63  }
0x126: {  	s5 =	simm.s32 $0x0  }
0x127: {  	s4 =	simm.s32 $0xC1;
	s5 =	simm.s32 @!p0 $0x4  }
.LBB2_22:
0x128: {  	v0 =	vld.msk [tilespmem:s4+$0x0], $0x1;
	s2 =	sadd.s32 $0xFFFFFFFF, s2;
	s3 =	sadd.s32 s3, s5  }
0x129: {  	p0 =	sne.s32 s2, $0x0;
	_ =	sdelay $0x3  }
0x12a: {  	(v2sf) =	vpush v0, $0x0;
	_ =	sdelay $0xe  }
.Ltmp17:
0x12b: {  	s6 =	spop (v2sf);
	(pc) =	sbr.rel @p0 .LBB2_22-.Ltmp17, $4  }
0x12c: {  	s5 =	simm.s32 $0x0;
	p1 =	sgt.u32 s6, $0x27FF  }
0x12d: {  	s0 =	sadd.s32 $0x1, s0;
	s5 =	simm.s32 @!p1 $0x4;
	s7 =	sshrl.u32 @!p1 s6, $0x3  }
0x12e: {  	s4 =	sadd.s32 $0x1, s4;
	s6 =	sand.u32 @!p1 $0x7, s6;
	s7 =	sadd.s32 @!p1 s1, s7  }
0x12f: {  	[hbm4b:s7+s6] =	stream.linear.scatter @!p1 [tilespmem:s0], [sflag:$0x5], $0x1, $0x38;
	[tilespmem:$0xF030] =	vst v63  }
.LBB2_23:
0x130: {  	s0 =	sadd.s32 s3, s5  }
0x131: {  	s3 =	sshrl.u32 s0, $0x2  }
.LBB2_24:
0x132: {  	s0 =	simm.s32 $0x5  }
0x133: {  	_ =	swait.ge [sflag:s0], s3  }
0x134: {  	s1 =	ssub.s32 $0x0, s3;
	[sflag:s0] =	ssyncset.done $0x0  }
0x135: {  	[sflag:s0] =	ssyncadd.s32 s1  }
0x136: {  	[sflag:s0] =	ssyncpa.u1 $0x1  }
0x137: {  	s29 =	simm.s32 $0x1;
	_ =	sfence  }
0x138: {  	s30 =	simm.s32 $0x2;
	[sflag:s29] =	ssyncpa.u1 $0x1  }
0x139: {  	[sflag:s30] =	ssyncpa.u1 $0x1  }
0x13a: {  	_ =	strace $0x9000004A  }
0x13b: {  	[bflag:$0x2] =	sbarrier.arrive $0xFFFF  }
0x13c: {  	s31 =	rddreg [dreg:$0x2]  }
0x13d: {  	s0 =	sadd.s32 $0x100000, s31  }
0x13e: {  	[sflag:s0] =	ssyncadd.tile.s32 $0x1;
	_ =	shalt  }
.Lfunc_end2:
_tile_overlayer_lowered:
.L_overlay_start_2:
0x13f: {  	(tag) =	ssettag $0x2  }
0x140: {  	s0 =	rddreg [dreg:$0x0];
	s2 =	stileid.u32  }
0x141: {  	s1 =	rddreg [dreg:$0x1];
	p0 =	sne.s32 s2, $0x0  }
0x142: {  	s3 =	rddreg [dreg:$0x2];
	[bflag:$0x3] =	sbarrier.arrive $0xFFFF;
	s2 =	simm.s32 @!p0 $0x1C01  }
0x143: {  	[timem:s3], [sflag:s2] =	dma.local @!p0 [hbm:s0], s1  }
0x144: {  	s0 =	simm.s32 @!p0 $0x1  }
0x145: {  	_ =	swait.ge @!p0 [sflag:s0], s1  }
0x146: {  	s1 =	ssub.s32 @!p0 $0x0, s1;
	[sflag:s0] =	ssyncset.done @!p0 $0x0  }
0x147: {  	[sflag:s0] =	ssyncadd.s32 @!p0 s1  }
0x148: {  	[bflag:$0x3] =	sbarrier.arrive $0xFFFF  }
0x149: {  	_ =	shalt  }

// kernel: scatter_offload_async_start.2
scs
__scs_entry_jumppad:
0x0: {  	(pc) =	sbr.rel $0x88, $3  }
0x1: {  	(tag) =	ssettag $0x0;
	lr =	simm.s32 $0x1  }
0x2: {  	[smem:$0x3F96] =	sst lr;
	_ =	strace $0xD0000000  }
0x3: {  	_ = 	snop  }
0x4: {  	_ = 	snop  }
0x5: {  	_ = 	snop  }
0x6: {  	_ = 	snop  }
0x7: {  	_ = 	snop  }
__scs_overlays_trampoline_lowered:
0x8: {  	[smem:$0x3FA5] =	sst s0  }
0x9: {  	[smem:$0x3FA6] =	sst s1  }
0xa: {  	[smem:$0x3FA7] =	sst s2  }
0xb: {  	[smem:$0x3FA8] =	sst s3  }
0xc: {  	[smem:$0x3FA9] =	sst s4  }
0xd: {  	[smem:$0x3FAA] =	sst s5  }
0xe: {  	[smem:$0x3FAB] =	sst s6  }
0xf: {  	[smem:$0x3FAC] =	sst s7  }
0x10: {  	[smem:$0x3FAD] =	sst s8  }
0x11: {  	[smem:$0x3FAE] =	sst s9;
	s0 =	simm.s32 @!p0 $0x0  }
0x12: {  	s1 =	sld [smem:$0x3F94];
	s0 =	simm.s32 @p0 $0x1  }
0x13: {  	[smem:$0x3FAF] =	sst s0;
	s0 =	simm.s32 @!p1 $0x0  }
0x14: {  	s2 =	sld [smem:$0x3F93];
	s0 =	simm.s32 @p1 $0x1  }
0x15: {  	[smem:$0x3FB0] =	sst s0;
	s0 =	simm.s32 @!p2 $0x0  }
0x16: {  	s3 =	sld [smem:$0x3FDB];
	s0 =	simm.s32 @p2 $0x1  }
0x17: {  	s4 =	simm.s32 $0x1BF5;
	[smem:$0x3FB2] =	sst s0  }
0x18: {  	s0 =	sld [smem:$0x3F95];
	_ =	swait.ge [sflag:s4], $0x0  }
0x19: {  	s7 =	sld [smem:$0x3F96]  }
0x1a: {  	s8 =	sadd.s32 $0xFFFFE003, lr  }
0x1b: {  	s9 =	sadd.s32 $0xFFFFFEF7, lr;
	s5 =	simm.s32 $0xFFFFFFFF;
	p2 =	slt.u32 s8, $0xFFFFF086  }
0x1c: {  	p1 =	slt.u32 s9, $0xF7A;
	s5 =	simm.s32 @!p2 $0x0  }
0x1d: {  	s5 =	simm.s32 @p1 $0x1;
	p0 =	seq.s32 s7, s2  }
0x1e: {  	s7 =	smul.u32 @!p0 $0xF7A, s2;
	p2 =	seq.s32 @!p0 s5, $0x0  }
0x1f: {  	s9 =	smul.u32 $0xF7A, s1;
	s8 =	simm.s32 @!p0 $0x1BF5;
	p2 =	por !p2, p0  }
0x20: {  	[sflag:s8] =	ssyncset.s32 @!p0 $0xFFFFF086;
	s6 =	sadd.s32 @!p0 s3, s7;
	s7 =	simm.s32 @!p0 $0x108  }
0x21: {  	s3 =	sadd.s32 s3, s9;
	s6 =	sadd.s32 @!p0 $0x88, s6;
	s7 =	simm.s32 @p2 $0x1082  }
0x22: {  	[simem:s7], [sflag:s8] =	dma.local @!p0 [hbm:s6], $0xF7A  }
0x23: {  	s9 =	sor.u32 $0xD0000000, s2;
	s6 =	simm.s32 $0x108;
	_ =	swait.ge @!p0 [sflag:s8], $0x0  }
0x24: {  	s3 =	sadd.s32 $0x88, s3;
	s6 =	simm.s32 @!p1 $0x1082;
	[sflag:s4] =	ssyncset.s32 $0xFFFFF086  }
0x25: {  	[simem:s6], [sflag:s4] =	dma.local [hbm:s3], $0xF7A  }
0x26: {  	[smem:$0x3F96] =	sst s1;
	(tag) =	ssettag s2;
	_ =	strace s9  }
0x27: {  	s1 =	sld [smem:$0x3FA6]  }
0x28: {  	s2 =	sld [smem:$0x3FA7]  }
0x29: {  	s4 =	sld [smem:$0x3FA9]  }
0x2a: {  	p0 =	seq.s32 s5, $0x0;
	s5 =	sld [smem:$0x3FAA]  }
0x2b: {  	s6 =	sld [smem:$0x3FAB]  }
0x2c: {  	s7 =	sld [smem:$0x3FAC]  }
0x2d: {  	s3 =	simm.s32 $0x108;
	s8 =	sld [smem:$0x3FAD]  }
0x2e: {  	s3 =	simm.s32 @!p0 $0x1082;
	s9 =	sld [smem:$0x3FAE]  }
0x2f: {  	lr =	sadd.s32 s0, s3;
	s0 =	sld [smem:$0x3FA5]  }
0x30: {  	s3 =	sld [smem:$0x3FA8]  }
0x31: {  	[smem:$0x3FB1] =	sst s10  }
0x32: {  	s10 =	sld [smem:$0x3FAF];
	_ =	sdelay $0x3  }
0x33: {  	p0 =	seq.s32 s10, $0x1;
	s10 =	sld [smem:$0x3FB1];
	_ =	sdelay $0x3  }
0x34: {  	[smem:$0x3FB1] =	sst s10  }
0x35: {  	s10 =	sld [smem:$0x3FB0];
	_ =	sdelay $0x3  }
0x36: {  	p1 =	seq.s32 s10, $0x1;
	s10 =	sld [smem:$0x3FB1];
	_ =	sdelay $0x3  }
0x37: {  	[smem:$0x3FB1] =	sst s10  }
0x38: {  	s10 =	sld [smem:$0x3FB2]  }
0x39: {  	_ = 	snop;
	(pc) =	sbr.ind lr, $3  }
0x3a: {  	_ = 	snop  }
0x3b: {  	_ = 	snop  }
0x3c: {  	p2 =	seq.s32 s10, $0x1;
	s10 =	sld [smem:$0x3FB1]  }
0x3d: {  	_ =	shalt  }
0x3e: {  	_ =	shalt  }
0x3f: {  	_ =	shalt  }
0x40: {  	_ =	shalt  }
0x41: {  	_ =	shalt  }
0x42: {  	_ =	shalt  }
0x43: {  	_ =	shalt  }
0x44: {  	_ =	shalt  }
0x45: {  	_ =	shalt  }
0x46: {  	_ =	shalt  }
0x47: {  	_ =	shalt  }
0x48: {  	_ =	shalt  }
0x49: {  	_ =	shalt  }
0x4a: {  	_ =	shalt  }
0x4b: {  	_ =	shalt  }
0x4c: {  	_ =	shalt  }
0x4d: {  	_ =	shalt  }
0x4e: {  	_ =	shalt  }
0x4f: {  	_ =	shalt  }
0x50: {  	_ =	shalt  }
0x51: {  	_ =	shalt  }
0x52: {  	_ =	shalt  }
0x53: {  	_ =	shalt  }
0x54: {  	_ =	shalt  }
0x55: {  	_ =	shalt  }
0x56: {  	_ =	shalt  }
0x57: {  	_ =	shalt  }
0x58: {  	_ =	shalt  }
0x59: {  	_ =	shalt  }
0x5a: {  	_ =	shalt  }
0x5b: {  	_ =	shalt  }
0x5c: {  	_ =	shalt  }
0x5d: {  	_ =	shalt  }
0x5e: {  	_ =	shalt  }
0x5f: {  	_ =	shalt  }
0x60: {  	_ =	shalt  }
0x61: {  	_ =	shalt  }
0x62: {  	_ =	shalt  }
0x63: {  	_ =	shalt  }
0x64: {  	_ =	shalt  }
0x65: {  	_ =	shalt  }
0x66: {  	_ =	shalt  }
0x67: {  	_ =	shalt  }
0x68: {  	_ =	shalt  }
0x69: {  	_ =	shalt  }
0x6a: {  	_ =	shalt  }
0x6b: {  	_ =	shalt  }
0x6c: {  	_ =	shalt  }
0x6d: {  	_ =	shalt  }
0x6e: {  	_ =	shalt  }
0x6f: {  	_ =	shalt  }
0x70: {  	_ =	shalt  }
0x71: {  	_ =	shalt  }
0x72: {  	_ =	shalt  }
0x73: {  	_ =	shalt  }
0x74: {  	_ =	shalt  }
0x75: {  	_ =	shalt  }
0x76: {  	_ =	shalt  }
0x77: {  	_ =	shalt  }
0x78: {  	_ =	shalt  }
0x79: {  	_ =	shalt  }
0x7a: {  	_ =	shalt  }
0x7b: {  	_ =	shalt  }
0x7c: {  	_ =	shalt  }
0x7d: {  	_ =	shalt  }
0x7e: {  	_ =	shalt  }
0x7f: {  	_ =	shalt  }
0x80: {  	_ =	shalt  }
0x81: {  	_ =	shalt  }
0x82: {  	_ =	shalt  }
0x83: {  	_ =	shalt  }
0x84: {  	_ =	shalt  }
0x85: {  	_ =	shalt  }
0x86: {  	_ =	shalt  }
0x87: {  	_ =	shalt  }
.Lfunc_end0:
.L_simem_size_0:
called_computation.2_lowered:
.L_overlay_start_0:
0x88: {  	s0 =	sld [smem:$0x3FD9]  }
0x89: {  	s1 =	sld [smem:$0x3FFE];
	_ =	sdelay $0x3  }
0x8a: {  	s0 =	sadd.s32 s1, s0  }
0x8b: {  	[smem:$0x3FBD] =	sst s0  }
0x8c: {  	_ = 	snop  }
0x8d: {  	(tm) =	ssettm $0x1  }
0x8e: {  	s15 =	sld [smem:$0x3FFB];
	_ =	sdelay $0x3  }
0x8f: {  	_ =	strace s15  }
0x90: {  	s0 =	sld [smem:$0x3FFC];
	_ =	sdelay $0x3  }
0x91: {  	_ =	strace s0  }
0x92: {  	s0 =	sld [smem:$0x3FFD];
	_ =	sdelay $0x3  }
0x93: {  	_ =	strace s0  }
0x94: {  	_ =	strace $0x8FFFFFFF  }
0x95: {  	s16 =	sld [smem:$0x3FDB];
	_ =	sdelay $0x1  }
0x96: {  	s17 =	simm.s32 $_scs_section_size  }
0x97: {  	s2 =	simm.s32 $_size__tile_overlayer_lowered;
	s3 =	simm.s32 $_tile_overlayer_lowered  }
0x98: {  	s20 =	simm.s32 $0x1BFF;
	s19 =	sshll.u32 s3, $0x1;
	s0 =	sadd.s32 s17, s16  }
0x99: {  	s4 =	simm.s32 $0x0;
	s18 =	sshll.u32 s2, $0x1;
	s2 =	sadd.s32 s19, s0  }
0x9a: {  	[timem:s4], [sflag:s20] =	dma.local [hbm:s2], s18  }
0x9b: {  	_ =	swait.ge [sflag:s20], s18  }
0x9c: {  	s1 =	ssub.s32 $0x0, s18;
	[sflag:s20] =	ssyncset.done $0x0  }
0x9d: {  	[sflag:s20] =	ssyncadd.s32 s1;
	_ =	sdelay $0x1  }
0x9e: {  	s21 =	simm.s32 $0x1B8B  }
0x9f: {  	_ =	swait.ge [sflag:s21], $0x1  }
0xa0: {  	[sflag:s21] =	ssyncset.done $0x0  }
0xa1: {  	s23 =	simm.s32 $0x1B8E;
	s22 =	sld [smem:$0x3FFE];
	[sflag:s21] =	ssyncadd.s32 $0xFFFFFFFF  }
0xa2: {  	s24 =	simm.s32 $execute0_lowered;
	[smem:$0x3FD2] =	sst s23  }
0xa3: {  	s2 =	sshll.u32 s24, $0x1;
	_ =	strace $0x8000004C;
	[dreg:$0x1] =	wrdreg $0xFFFFFFFF  }
0xa4: {  	s25 =	simm.s32 $_size_execute0_lowered;
	s0 =	sadd.s32 s0, s2;
	[dreg:$0x0] =	wrdreg $0x0  }
0xa5: {  	s2 =	sshll.u32 s25, $0x1;
	[dreg:$0x2] =	wrdreg s0  }
0xa6: {  	[dreg:$0x3] =	wrdreg s2  }
0xa7: {  	[dreg:$0x4] =	wrdreg $0xC0  }
0xa8: {  	_ =	task [dreg:s4], $0x5FFFF  }
0xa9: {  	[dreg:$0x1] =	wrdreg $0xFFFFFFFF  }
0xaa: {  	[dreg:$0x0] =	wrdreg $0x60  }
0xab: {  	[dreg:$0x2] =	wrdreg s22  }
0xac: {  	[dreg:$0x3] =	wrdreg $0x9  }
0xad: {  	_ =	task.clear_ibuf [dreg:s4], $0x4FFFF;
	_ =	strace $0x9000004C  }
0xae: {  	s26 =	simm.s32 $0x9;
	_ =	strace $0x8000004E  }
0xaf: {  	_ =	swait.ge [sflag:s26], $0x1  }
0xb0: {  	[sflag:s26] =	ssyncadd.s32 $0xFFFFFFFF  }
0xb1: {  	_ =	strace $0x9000004E  }
0xb2: {  	_ =	sfence  }
0xb3: {  	s28 =	sld [smem:$0x0];
	_ =	sdelay $0x1  }
0xb4: {  	s29 =	srdreg.scid  }
0xb5: {  	s30 =	sshll.u32 s29, $0xD;
	s31 =	sshrl.u32 s29, $0x2  }
0xb6: {  	s1 =	sand.u32 $0x1, s29;
	s2 =	sand.u32 $0x4000, s30;
	s0 =	sadd.s32 s31, s28  }
0xb7: {  	s1 =	sor.u32 s2, s1;
	s0 =	sshll.u32 s0, $0x11  }
0xb8: {  	s0 =	sor.u32 s0, s1  }
0xb9: {  	s0 =	sadd.s32 $0x8F2B, s0  }
0xba: {  	[sflag:s0] =	ssyncadd.remote.s32 $0x1  }
0xbb: {  	_ =	sfence.sel $0xFFFF  }
0xbc: {  	[dreg:$0x0] =	wrdreg $0xFFFFFFFF;
	(pc) =	sbr.abs _section_cstart, $3  }
0xbd: {  	[dreg:$0x1] =	wrdreg $0xFFFFFFFF  }
0xbe: {  	_ =	task.clear_ibuf [dreg:s4], $0x2FFFF;
	_ =	strace $0x9FFFFFFF  }
0xbf: {  	(tm) =	ssettm $0x7FFFFFFF  }
tec
execute0_lowered:
.L_overlay_start_1:
0x0: {  	(tag) =	ssettag $0x1  }
0x1: {  	s0 =	rddreg [dreg:$0x0]  }
0x2: {  	s6 =	stileid.u32;
	_ =	strace $0x8000004D;
	s2 =	simm.s32 $0x1  }
0x3: {  	v1 =	vimm.s32 $0xFFFFFFFF;
	s1 =	smin.u32 s6, $0x9;
	[sflag:s2] =	ssyncpa.u1 $0x0  }
0x4: {  	s1 =	sadd.s32 s6, s1;
	[tilespmem:$0x10] =	vst v1  }
0x5: {  	v0 =	vimm.f32 $0.0e+00;
	p0 =	slt.u32 s6, $0x9;
	[tilespmem:$0x20] =	vst v1;
	s3 =	smul.u32 $0x1A90, s1;
	s1 =	simm.s32 $0x3520  }
0x6: {  	[tilespmem:$0x30] =	vst v0;
	s1 =	simm.s32 @!p0 $0x1A90  }
0x7: {  	[tilespmem:$0x40] =	vst v0;
	s1 =	sadd.s32 s1, s3  }
0x8: {  	[tilespmem:$0x50] =	vst v0;
	s4 =	smin.u32 s1, $0x29810  }
0x9: {  	s7 =	simm.s32 $0x2;
	[tilespmem:$0x60] =	vst v1;
	s9 =	ssub.s32 s4, s3  }
0xa: {  	s8 =	simm.s32 $0x8;
	s31 =	simm.s32 $0x9;
	[tilespmem:$0x70] =	vst v1;
	p0 =	sgt.s32 s9, $0x0  }
0xb: {  	s16 =	simm.s32 $0x0;
	s17 =	simm.s32 $0xF0;
	[tilespmem:$0x80] =	vst v1;
	s9 =	simm.s32 @!p0 $0x0  }
0xc: {  	s18 =	simm.s32 $0xFFFFFFFF;
	s19 =	simm.s32 $0xFFFFCBE0;
	v1 =	vimm.s32 $0x0;
	[tilespmem:$0xB0] =	vst v0;
	s5 =	smulhi.u32 $0x134679AD, s9  }
0xd: {  	s20 =	simm.s32 $0xFFFFFFFE;
	s21 =	simm.s32 $0xF;
	s25 =	simm.s32 $0x0;
	[tilespmem:$0x90] =	vst v1  }
0xe: {  	[tilespmem:$0xA0] =	vst v1;
	[sflag:s7] =	ssyncpa.u1 $0x0;
	s7 =	simm.s32 $0x7;
	s10 =	sshrl.u32 s5, $0x9  }
0xf: {  	s24 =	simm.s32 $0x0;
	[sflag:s7] =	ssyncpa.u1 $0x0;
	s11 =	smul.u32 $0x1A90, s10  }
0x10: {  	s14 =	sshllo.u32 s6, $0x1;
	[sflag:s8] =	ssyncpa.u1 $0x0;
	s23 =	smov.u32 s3  }
.Ltmp0:
0x11: {  	s1 =	sadd.s32 $0x55A200, s0;
	p0 =	sne.s32 s9, s11;
	(pc) =	sbr.rel .LBB2_1-.Ltmp0, $4  }
0x12: {  	s5 =	sadd.s32 $0x54FA00, s0;
	s0 =	sadd.s32 $0x554E00, s0;
	s2 =	simm.s32 @!p0 $0x0  }
0x13: {  	[sflag:s31] =	ssyncpa.u1 $0x0;
	[dreg:$0x2] =	wrdreg s0;
	s9 =	sadd.s32 s2, s10  }
0x14: {  	vm0 =	vmmov $0xffff;
	v2 =	vlaneseq.u32;
	p0 =	por $0x0, $0x0;
	s10 =	sshll.u32 s6, $0x1;
	s11 =	sadd.s32 $0x1, s9  }
0x15: {  	vm1 =	vmxor vm1, vm1;
	vm2 =	vmmov $0x1;
	vm3 =	vcmask $0x3F3C;
	s12 =	sadd.s32 $0x2, s9;
	s13 =	sor.u32 $0x81, s10;
	s15 =	sor.u32 $0x80, s10  }
.LBB2_9:
0x16: {  	p1 =	slt.u32 s24, $0x3  }
0x17: {  	s0 =	simm.s32 @!p1 $0x2  }
0x18: {  	_ =	swait.ge @!p1 [sflag:s0], $0x1A90  }
0x19: {  	[sflag:s0] =	ssyncset.done @!p1 $0x0  }
0x1a: {  	[sflag:s0] =	ssyncadd.s32 @!p1 $0xFFFFE570;
	s0 =	simm.s32 @!p1 $0x9  }
0x1b: {  	_ =	swait.ge @!p1 [sflag:s0], $0x10  }
0x1c: {  	[sflag:s0] =	ssyncset.done @!p1 $0x0  }
0x1d: {  	[sflag:s0] =	ssyncadd.s32 @!p1 $0xFFFFFFF0;
	p1 =	sne.s32 s24, s12  }
.Ltmp1:
0x1e: {  	s2 =	sadd.s32 $0x1A90, s23;
	(pc) =	sbr.rel @!p1 .LBB2_10-.Ltmp1, $4  }
0x1f: {  	s6 =	smov.u32 s3;
	s31 =	sadd.s32 $0x1, s24;
	s17 =	sadd.s32 $0x1A90, s17  }
0x20: {  	s18 =	sadd.s32 $0x1, s18;
	s25 =	smov.u32 s23;
	p2 =	slt.s32 s2, s4  }
0x21: {  	p0 =	por !p0, !p0;
	s19 =	sadd.s32 $0x1A90, s19;
	s6 =	smov.u32 @p2 s2  }
0x22: {  	s20 =	sadd.s32 $0x1, s20;
	s23 =	smov.u32 s6;
	s24 =	smov.u32 s31  }
.LBB2_1:
0x23: {  	p1 =	sge.u32 s24, s9  }
0x24: {  	s0 =	smulhi.u32 @!p1 $0xAAAAAAAB, s24;
	_ =	sdelay $0x1  }
0x25: {  	s0 =	sshrl.u32 @!p1 s0, $0x1  }
0x26: {  	s0 =	smul.u32 @!p1 $0x3, s0;
	_ =	sdelay $0x1  }
0x27: {  	s0 =	ssub.s32 @!p1 s24, s0  }
0x28: {  	s0 =	smul.u32 @!p1 $0x6A40, s0;
	_ =	sdelay $0x1  }
0x29: {  	s2 =	sshrl.u32 @!p1 s23, $0x3;
	s0 =	sshrl.u32 @!p1 s0, $0x2  }
0x2a: {  	s22 =	sand.u32 @!p1 $0x7, s23;
	s2 =	sadd.s32 @!p1 s5, s2;
	s0 =	sadd.s32 @!p1 $0x100, s0  }
0x2b: {  	[tilespmem:s0], [sflag:$0x7] =	stream.linear.gather @!p1 [hbm4b:s2+s22], $0x1A90, $0x38;
	[tilespmem:$0xF030] =	vst v63  }
0x2c: {  	s0 =	sadd.s32 $0xFFFFFFFF, s24  }
0x2d: {  	p1 =	sge.u32 s0, s9  }
.Ltmp2:
0x2e: {  	_ = 	snop;
	(pc) =	sbr.rel @p1 .LBB2_5-.Ltmp2, $1  }
0x2f: {  	_ =	sdelay $0x3  }
0x30: {  	s2 =	smulhi.u32 $0xAAAAAAAB, s0;
	_ =	sdelay $0x1  }
0x31: {  	s2 =	sshrl.u32 s2, $0x1  }
0x32: {  	s2 =	smul.u32 $0x3, s2;
	_ =	sdelay $0x1  }
0x33: {  	s2 =	ssub.s32 s0, s2  }
0x34: {  	s2 =	smul.u32 $0x6A40, s2  }
0x35: {  	_ =	swait.ge [sflag:s7], $0x1A90  }
0x36: {  	[sflag:s7] =	ssyncset.done $0x0;
	s2 =	sshrl.u32 s2, $0x2  }
0x37: {  	[sflag:s7] =	ssyncadd.s32 $0xFFFFE570;
	(ifvalue) =	ssetifvalue $0xFFFFFFFF;
	v3 =	vld.msk [tilespmem:s2+$0x100 ss:$0x1], $0xffff;
	_ =	sdelay $0x2  }
0x38: {  	s30 =	smulhi.u32 $0xAAAAAAAB, s18;
	p1 =	sne.s32 s24, $0x1  }
0x39: {  	v4 =	vimm.s32 @!p1 $0x0  }
0x3a: {  	s2 =	sshrl.u32 s30, $0x1;
	v4 =	vperm.xlane @!p1 v3, v4  }
0x3b: {  	s22 =	sshll.u32 s24, $0x4;
	s2 =	smul.u32 $0xFFFEC140, s2;
	vm4 =	vlt.u32 v3, $0x2800  }
0x3c: {  	s22 =	sand.u32 $0x10, s22;
	v3 =	vnsel vm4, $0xFFFFFFFE, v3;
	vm4 =	vlt.u32 @!p1 v4, $0x2800  }
0x3d: {  	s2 =	sshra.s32 s2, $0x2;
	[tilespmem:s22+$0x60] =	vst v3;
	v3 =	vnsel @!p1 vm4, $0xFFFFFFFE, v4  }
0x3e: {  	s28 =	sadd.s32 s2, s17;
	[tilespmem:$0x80] =	vst @!p1 v3  }
0x3f: {  	v3 =	vld.msk [tilespmem:s28+$0x0 ss:$0x1], $0xffff;
	_ =	sdelay $0x4  }
0x40: {  	(xrf1) =	vunique.msk.u32 $0xffff, v3;
	_ =	sdelay $0xd  }
0x41: {  	v4 =	vimm.s32 $0xFFFFFFFF;
	v5, _, _ =	vpop (xrf1)  }
0x42: {  	vm5 =	vne.s32 v3, v4;
	vm4 =	veq.s32 v5, v2  }
0x43: {  	vm6 =	vlt.u32 v3, $0x2800;
	vm4 =	vmand vm5, vm4  }
0x44: {  	vm4 =	vmand vm6, vm4  }
0x45: {  	v4 =	vnsel vm4, $0xFFFFFFFF, v3  }
0x46: {  	s31 =	sand.u32 $0x1, s0  }
0x47: {  	s0 =	simm.s32 $0x1A90;
	p1 =	seq.s32 s31, $0x1  }
0x48: {  	s0 =	simm.s32 @!p1 $0x0  }
0x49: {  	s26 =	sadd.s32 $0x6B30, s0;
	(ifvalue) =	ssetifvalue $0xFFFFFFFF  }
0x4a: {  	v3 =	vperm.xlane v3, v1;
	[tilespmem:s26], [sflag:$0x8] =	stream.indirect_vreg.gather [hbm4b:s1+s16], $0x1, v4, vm0, $0x4038;
	v4 =	vnsel vm6, $0xFFFFFFFE, v4;
	[tilespmem:$0xF030] =	vst v63  }
0x4b: {  	s2 =	simm.s32 $0x0;
	s22 =	sadd.s32 $0xFFFFFFF0, s28;
	[tilespmem:s28+$0x0] =	vst v4  }
.LBB2_3:
0x4c: {  	v4 =	vld.msk [tilespmem:s22+$0x0 ss:$0x1], $0xffff;
	s2 =	sadd.s32 $0x10, s2;
	v5 =	vmov v3;
	s28 =	smov.u32 s22  }
0x4d: {  	p1 =	slt.u32 s2, $0x1A80;
	_ =	sdelay $0x4  }
0x4e: {  	v3 =	vperm.xlane v4, v1;
	(xrf1) =	vunique.msk.u32 $0xffff, v4;
	_ =	sdelay $0xd  }
0x4f: {  	v6, _, _ =	vpop (xrf1)  }
0x50: {  	vm5 =	vne.s32 v4, v5;
	vm4 =	veq.s32 v6, v2  }
0x51: {  	vm6 =	vlt.u32 v4, $0x2800;
	vm4 =	vmand vm5, vm4  }
0x52: {  	vm4 =	vmand vm6, vm4  }
0x53: {  	v4 =	vnsel vm4, $0xFFFFFFFF, v4  }
.Ltmp3:
0x54: {  	v5 =	vnsel vm6, $0xFFFFFFFE, v4;
	(pc) =	sbr.rel @p1 .LBB2_3-.Ltmp3, $3  }
0x55: {  	_ =	sdelay $0x1  }
0x56: {  	s22 =	sadd.s32 $0xFFFFFFF0, s22;
	s26 =	sadd.s32 $0xFFFFFFF0, s26;
	(ifvalue) =	ssetifvalue $0xFFFFFFFF  }
0x57: {  	[tilespmem:s26], [sflag:$0x8] =	stream.indirect_vreg.gather [hbm4b:s1+s16], $0x1, v4, vm0, $0x4038;
	[tilespmem:s28+$0x0] =	vst v5  }
0x58: {  	s2 =	sshrl.u32 s25, $0x3;
	s6 =	rddreg [dreg:$0x2]  }
0x59: {  	s0 =	sadd.s32 $0x85D0, s0;
	s2 =	sadd.s32 s6, s2  }
0x5a: {  	[tilespmem:s0], [sflag:$0x8] =	stream.linear.gather [hbm:s2], $0x1A90, $0x38;
	[tilespmem:$0xF030] =	vst v63  }
.LBB2_5:
0x5b: {  	p1 =	slt.u32 s24, $0x2  }
0x5c: {  	p2 =	sge.u32 @!p1 s24, s12  }
0x5d: {  	p1 =	por p1, p2  }
.Ltmp4:
0x5e: {  	_ = 	snop;
	(pc) =	sbr.rel @p1 .LBB2_9-.Ltmp4, $1  }
0x5f: {  	_ =	sdelay $0x3  }
0x60: {  	s0 =	sadd.s32 $0xFFFFFFFE, s24  }
0x61: {  	s2 =	smulhi.u32 $0xAAAAAAAB, s0;
	_ =	sdelay $0x1  }
0x62: {  	s2 =	sshrl.u32 s2, $0x1  }
0x63: {  	s2 =	smul.u32 $0x3, s2;
	_ =	sdelay $0x1  }
0x64: {  	s0 =	ssub.s32 s0, s2  }
0x65: {  	_ =	swait.ge [sflag:s8], $0x3520;
	s0 =	smul.u32 $0x1A90, s0  }
0x66: {  	p1 =	sne.s32 s24, s11;
	[sflag:s8] =	ssyncset.done $0x0  }
0x67: {  	[sflag:s8] =	ssyncadd.s32 $0xFFFFCAE0;
	s2 =	sadd.s32 @!p1 $0x1B8F, s0  }
0x68: {  	[spmem:s13] =	stream.linear.scatter @!p1 [tilespmem:s2], [sflag:$0x1], $0x1, $0x38;
	[tilespmem:$0xF030] =	vst v63  }
0x69: {  	s2 =	simm.s32 @!p1 $0x1  }
0x6a: {  	_ =	swait.ge @!p1 [sflag:s2], $0x1  }
0x6b: {  	s22 =	sshll.u32 s24, $0x4;
	[sflag:s2] =	ssyncset.done @!p1 $0x0  }
0x6c: {  	s25 =	sand.u32 $0x10, s22;
	[sflag:s2] =	ssyncadd.s32 @!p1 $0xFFFFFFFF  }
0x6d: {  	s2 =	sxor.u32 $0x10, s25;
	v4 =	vld [tilespmem:s25+$0x10]  }
0x6e: {  	v5 =	vld [tilespmem:s2+$0x60]  }
0x6f: {  	v3 =	vld [tilespmem:$0x80];
	_ =	sdelay $0x2  }
0x70: {  	(v2sf) =	vpush v4, $0x0  }
0x71: {  	(v2sf) =	vpush v5, $0x0  }
0x72: {  	(v2sf) =	vpush v3, $0x0;
	_ =	sdelay $0xc  }
0x73: {  	s6 =	spop (v2sf)  }
0x74: {  	s28 =	spop (v2sf)  }
0x75: {  	s26 =	spop (v2sf)  }
0x76: {  	p2 =	seq.s32 s6, s28;
	p3 =	seq.s32 s26, s6  }
0x77: {  	p3 =	por p2, p3  }
0x78: {  	s6 =	sand.u32 $0x1, s24;
	v4 =	vpsel p3, $0xFFFFFFFF, v4  }
0x79: {  	s28 =	smul.u32 $0x1A90, s6;
	[tilespmem:s25+$0x10] =	vst.msk $0x1, v4  }
0x7a: {  	v4 =	vld [tilespmem:$0x30]  }
0x7b: {  	v5 =	vld [tilespmem:s28+$0x85D0]  }
0x7c: {  	v6 =	vld [tilespmem:s25+$0x40];
	_ =	sdelay $0x3  }
0x7d: {  	vm4 =	vmmov vm1;
	v5 =	vadd.f32 v5, v4  }
0x7e: {  	vm5 =	vmmov vm2;
	vm4 =	vmmov @p2 vm2;
	v4 =	vadd.f32 v6, v4  }
0x7f: {  	s22 =	sshll.u32 s6, $0x4;
	vm5 =	vmmov @p3 vm1;
	[tilespmem:s28+$0x85D0] =	vst.msk vm4, v5  }
0x80: {  	[tilespmem:s22+$0xF010] =	vst.msk vm5, v4  }
0x81: {  	v4 =	vld [tilespmem:s28+$0x6B30];
	_ =	sdelay $0x3  }
0x82: {  	v5 =	vimm.f32 $0.0e+00  }
0x83: {  	v4 =	vshift.insert v4, v5, s21  }
0x84: {  	s29 =	sor.u32 $0x40, s2  }
0x85: {  	[tilespmem:s29+$0x0] =	vst.msk $0x1, v4  }
0x86: {  	[tilespmem:s28+$0x6B3F] =	vst.msk $0x1, v5  }
0x87: {  	v4 =	vld [tilespmem:s0+$0x1B80];
	_ =	sdelay $0x1  }
0x88: {  	s29 =	smulhi.u32 $0xAAAAAAAB, s20;
	s0 =	simm.s32 $0x1  }
0x89: {  	s0 =	simm.s32 @!p0 $0x0  }
0x8a: {  	s29 =	sshrl.u32 s29, $0x1;
	s0 =	smul.u32 $0x6A40, s0  }
0x8b: {  	s29 =	smul.u32 $0xFFFEC140, s29;
	v4 =	vshift.insert v4, v1, s21  }
0x8c: {  	s0 =	sshrl.u32 s0, $0x2  }
0x8d: {  	s29 =	sshra.s32 s29, $0x2;
	s30 =	sadd.s32 $0x85D0, s0;
	[tilespmem:s2+$0x10] =	vst.msk $0x1, v4  }
0x8e: {  	s6 =	sadd.s32 s29, s19;
	v6 =	vld [tilespmem:s30+$0x0]  }
0x8f: {  	v7 =	vld [tilespmem:s6+$0x0];
	_ =	sdelay $0x3  }
0x90: {  	v5 =	vadd.f32 v6, v5  }
0x91: {  	vm4 =	vne.s32 v7, $0xFFFFFFFF  }
0x92: {  	(xrf2) =	vadd.seg.scan.f32 vm4, v5;
	_ =	sdelay $0x3  }
0x93: {  	s31 =	sadd.s32 $0x50B0, s0;
	v5 =	vperm.xlane v4, v1  }
0x94: {  	v6 =	vld [tilespmem:s31+$0x0]  }
0x95: {  	vm5 =	veq.s32 v7, v3;
	vm6 =	veq.s32 v7, v5  }
0x96: {  	vm7 =	vgt.u32 v7, $0xFFFFFFFD;
	vm6 =	vmor vm6, vm5  }
0x97: {  	vm6 =	vmor vm6, vm7  }
0x98: {  	v9 =	vld [tilespmem:$0xA0];
	v7 =	vsel vm6, $0xFFFFFFFF, v7  }
0x99: {  	v10 =	vld [tilespmem:$0x90];
	v6 =	vsel vm5, $0x0, v6;
	v8, _, _ =	vpop (xrf2)  }
0x9a: {  	v6 =	vadd.f32 v8, v6  }
0x9b: {  	s0 =	sadd.s32 $0xBAF0, s0  }
0x9c: {  	vm4 =	vmand vm4, vm3;
	[tilespmem:s0+$0x0] =	vst v6;
	(ifvalue) =	ssetifvalue $0xFFFFFFFF  }
0x9d: {  	vm6 =	veq.s32 v9, $0x1;
	[hbm4b:s1+s16] =	stream.indirect_vreg.scatter [tilespmem:s0], [sflag:$0x2], $0x1, v7, vm0, $0x4038;
	v7 =	vsel vm4, $0x0, v8;
	[tilespmem:$0xF030] =	vst v63  }
0x9e: {  	s29 =	sadd.s32 $0xF010, s22;
	s22 =	sadd.s32 $0x10, s6;
	s2 =	simm.s32 $0x0;
	vm4 =	vmor vm6, vm5;
	v6 =	vsel vm5, v8, v10;
	v7 =	vshift.insert v7, v0, s21  }
.LBB2_7:
0x9f: {  	v8 =	vld [tilespmem:s22+$0x0];
	s30 =	sadd.s32 $0x10, s30  }
0xa0: {  	s31 =	sadd.s32 $0x10, s31;
	v9 =	vld [tilespmem:s30+$0x0]  }
0xa1: {  	s2 =	sadd.s32 $0x10, s2;
	v10 =	vld [tilespmem:s31+$0x0]  }
0xa2: {  	p2 =	slt.u32 s2, $0x1A80;
	_ =	sdelay $0x2  }
0xa3: {  	v7 =	vadd.f32 v9, v7  }
0xa4: {  	vm5 =	vne.s32 v8, $0xFFFFFFFF  }
0xa5: {  	vm6 =	vmand vm5, vm3;
	(xrf2) =	vadd.seg.scan.f32 vm5, v7;
	_ =	sdelay $0x5  }
0xa6: {  	vm7 =	veq.s32 v8, v5;
	vm5 =	veq.s32 v8, v3  }
0xa7: {  	vm8 =	vgt.u32 v8, $0xFFFFFFFD;
	vm4 =	vmor vm4, vm5;
	vm7 =	vmor vm7, vm5  }
0xa8: {  	vm7 =	vmor vm7, vm8  }
0xa9: {  	v8 =	vsel vm7, $0xFFFFFFFF, v8  }
.Ltmp5:
0xaa: {  	v7 =	vsel vm5, $0x0, v10;
	v9, _, _ =	vpop (xrf2);
	(pc) =	sbr.rel @p2 .LBB2_7-.Ltmp5, $4  }
0xab: {  	v6 =	vsel vm5, v9, v6;
	v10 =	vadd.f32 v9, v7;
	v7 =	vsel vm6, $0x0, v9  }
0xac: {  	s0 =	sadd.s32 $0x10, s0;
	v7 =	vshift.insert v7, v0, s21  }
0xad: {  	s22 =	sadd.s32 $0x10, s22;
	[tilespmem:s0+$0x0] =	vst v10;
	(ifvalue) =	ssetifvalue $0xFFFFFFFF  }
0xae: {  	[hbm4b:s1+s16] =	stream.indirect_vreg.scatter [tilespmem:s0], [sflag:$0x2], $0x1, v8, vm0, $0x4038;
	[tilespmem:$0xF030] =	vst v63  }
0xaf: {  	v3 =	vld [tilespmem:s28+$0xD570];
	_ =	sdelay $0x4  }
0xb0: {  	v3 =	vshift.insert v3, v0, s21  }
0xb1: {  	s0 =	simm.s32 $0x30  }
0xb2: {  	[tilespmem:s0+$0x0] =	vst.msk $0x1, v3  }
0xb3: {  	v3 =	vsel vm4, $0x1, v1;
	[tilespmem:$0x90] =	vst v6  }
0xb4: {  	s0 =	sadd.s32 @!p1 $0xD57F, s28;
	[tilespmem:$0xA0] =	vst v3  }
0xb5: {  	[spmem:s14] =	stream.linear.scatter @!p1 [tilespmem:s0], [sflag:$0x1], $0x1, $0x38;
	[tilespmem:$0xF030] =	vst v63  }
0xb6: {  	s0 =	simm.s32 @!p1 $0x1  }
0xb7: {  	v3 =	vmctz.xlane @!p1 vm4;
	_ =	swait.ge @!p1 [sflag:s0], $0x1  }
0xb8: {  	(v2sf) =	vpush @!p1 v4, $0x0  }
0xb9: {  	(v2sf) =	vpush @!p1 v3, $0x0;
	_ =	sdelay $0xd  }
0xba: {  	s2 =	spop @!p1 (v2sf)  }
0xbb: {  	s6 =	spop @!p1 (v2sf)  }
0xbc: {  	p2 =	sne.s32 @!p1 s26, s2;
	p3 =	slt.s32 @!p1 s6, $0xF  }
0xbd: {  	[sflag:s0] =	ssyncset.done @!p1 $0x0;
	p2 =	por p2, p1;
	p3 =	por !p3, p1  }
0xbe: {  	[sflag:s0] =	ssyncadd.s32 @!p1 $0xFFFFFFFF;
	v3 =	vimm.s32 @!p2 $0xFFFFFFFF;
	s6 =	simm.s32 @p3 $0xF  }
0xbf: {  	[tilespmem:$0x80] =	vst @!p2 v3;
	s2 =	sadd.s32 @!p1 $0x90, s6  }
0xc0: {  	[spmem:s10] =	stream.linear.scatter @!p1 [tilespmem:s2], [sflag:$0x1], $0x1, $0x38;
	[tilespmem:$0xF030] =	vst v63  }
0xc1: {  	_ =	swait.ge @!p1 [sflag:s0], $0x1  }
0xc2: {  	[sflag:s0] =	ssyncset.done @!p1 $0x0  }
0xc3: {  	s2 =	simm.s32 @!p1 $0x80;
	[sflag:s0] =	ssyncadd.s32 @!p1 $0xFFFFFFFF  }
0xc4: {  	[spmem:s15] =	stream.linear.scatter @!p1 [tilespmem:s2], [sflag:$0x1], $0x1, $0x38;
	[tilespmem:$0xF030] =	vst v63  }
0xc5: {  	_ =	swait.ge @!p1 [sflag:s0], $0x1  }
0xc6: {  	[sflag:s0] =	ssyncset.done @!p1 $0x0  }
0xc7: {  	[sflag:s0] =	ssyncadd.s32 @!p1 $0xFFFFFFFF;
	(ifvalue) =	ssetifvalue $0xFFFFFFFF;
	v3 =	vld [tilespmem:s25+$0x10];
	_ =	sdelay $0x3  }
.Ltmp6:
0xc8: {  	_ = 	snop;
	(pc) =	sbr.rel .LBB2_9-.Ltmp6, $3  }
0xc9: {  	_ =	sdelay $0x1  }
0xca: {  	(ifvalue) =	ssetifvalue $0xFFFFFFFF  }
0xcb: {  	[hbm4b:s1+s16] =	stream.indirect_vreg.scatter [tilespmem:s29], [sflag:$0x9], $0x1, v3, vm0, $0x4038;
	[tilespmem:$0xF030] =	vst v63  }
.LBB2_10:
0xcc: {  	_ =	sfence.sel $0x180000  }
0xcd: {  	s0 =	simm.s32 $0x7;
	[bflag:$0x0] =	sbarrier.arrive $0xFFFF  }
0xce: {  	s26 =	simm.s32 $0x8;
	[sflag:s0] =	ssyncpa.u1 $0x1  }
0xcf: {  	s28 =	simm.s32 $0x9;
	[sflag:s26] =	ssyncpa.u1 $0x1  }
0xd0: {  	[sflag:s28] =	ssyncpa.u1 $0x1  }
0xd1: {  	_ =	sfence.stream.spmem  }
0xd2: {  	s29 =	simm.s32 $0x3;
	[bflag:$0x0] =	sbarrier.arrive $0xFFFF  }
0xd3: {  	s30 =	simm.s32 $0x4;
	[sflag:s29] =	ssyncpa.u1 $0x1  }
0xd4: {  	s31 =	simm.s32 $0x3C;
	s2 =	stileid.u32;
	[sflag:s30] =	ssyncpa.u1 $0x1  }
0xd5: {  	p0 =	sne.s32 s2, $0x0;
	[sflag:s31] =	ssyncpa.u1 $0x1  }
0xd6: {  	s0 =	simm.s32 @p0 $0x1;
	_ =	sfence @p0  }
0xd7: {  	[sflag:s0] =	ssyncpa.u1 @p0 $0x1;
	s0 =	simm.s32 @p0 $0x2  }
0xd8: {  	[sflag:s0] =	ssyncpa.u1 @p0 $0x1  }
0xd9: {  	_ =	strace @p0 $0x9000004D  }
0xda: {  	[bflag:$0x2] =	sbarrier.arrive @p0 $0xFFFF  }
0xdb: {  	_ =	shalt @p0  }
.LBB2_11:
0xdc: {  	_ =	sfence.stream.spmem;
	s0 =	simm.s32 $0x5  }
0xdd: {  	s2 =	simm.s32 $0x80;
	s3 =	simm.s32 $0xC0;
	[sflag:s0] =	ssyncpa.u1 $0x0  }
0xde: {  	[tilespmem:s3], [sflag:$0x5] =	stream.linear.gather [spmem:s2], $0x20, $0x38;
	[tilespmem:$0xF030] =	vst v63  }
0xdf: {  	s2 =	simm.s32 $0x0;
	s3 =	simm.s32 $0xE0  }
0xe0: {  	[tilespmem:s3], [sflag:$0x5] =	stream.linear.gather [spmem:s2], $0x20, $0x38;
	[tilespmem:$0xF030] =	vst v63  }
.Ltmp7:
0xe1: {  	_ = 	snop;
	(pc) =	sbr.rel .LBB2_12-.Ltmp7, $4  }
0xe2: {  	_ =	swait.ge [sflag:s0], $0x40  }
0xe3: {  	[sflag:s0] =	ssyncset.done $0x0  }
0xe4: {  	s31 =	simm.s32 $0x6;
	[sflag:s0] =	ssyncadd.s32 $0xFFFFFFC0  }
0xe5: {  	s4 =	simm.s32 $0x0;
	[sflag:s31] =	ssyncpa.u1 $0x0  }
.LBB2_17:
0xe6: {  	p0 =	sgt.u32 s5, $0x27FF  }
0xe7: {  	s0 =	sshrl.u32 @!p0 s5, $0x3  }
0xe8: {  	s5 =	sand.u32 @!p0 $0x7, s5;
	s6 =	simm.s32 @!p0 $0xB0;
	s0 =	sadd.s32 @!p0 s1, s0  }
0xe9: {  	[tilespmem:s6], [sflag:$0x6] =	stream.linear.gather @!p0 [hbm4b:s0+s5], $0x1, $0x38;
	[tilespmem:$0xF030] =	vst v63  }
0xea: {  	s0 =	simm.s32 @!p0 $0x6  }
0xeb: {  	_ =	swait.ge @!p0 [sflag:s0], $0x1  }
0xec: {  	[sflag:s0] =	ssyncset.done @!p0 $0x0  }
0xed: {  	[sflag:s0] =	ssyncadd.s32 @!p0 $0xFFFFFFFF  }
0xee: {  	v2 =	vmov @!p0 s4;
	v1 =	vld.msk @!p0 [tilespmem:$0xB0], $0x1;
	_ =	sdelay $0x3  }
0xef: {  	s0 =	simm.s32 @!p0 $0xE0  }
0xf0: {  	[tilespmem:v2+s0+$0x0], v1 =	vst.idx.ret.add.f32.msk @!p0 $0x1, v1  }
0xf1: {  	[tilespmem:s2+$0xC0] =	vst.msk $0x1, v0  }
0xf2: {  	v0 =	vld.msk [tilespmem:s4+$0xE0], $0x1;
	_ =	sdelay $0x4  }
0xf3: {  	[tilespmem:s2+$0xE0] =	vst.msk $0x1, v0;
	s2 =	sadd.s32 $0x1, s2  }
.LBB2_19:
0xf4: {  	s4 =	sadd.s32 $0x1, s4  }
0xf5: {  	p0 =	sne.s32 s4, $0x20  }
.Ltmp8:
0xf6: {  	_ = 	snop;
	(pc) =	sbr.rel @!p0 .LBB2_20-.Ltmp8, $1  }
0xf7: {  	_ =	sdelay $0x3  }
.LBB2_12:
0xf8: {  	v0 =	vld.msk [tilespmem:s4+$0xC0], $0x1;
	_ =	sdelay $0x4  }
0xf9: {  	(v2sf) =	vpush v0, $0x0;
	_ =	sdelay $0xe  }
0xfa: {  	s5 =	spop (v2sf)  }
0xfb: {  	p0 =	seq.s32 s5, $0xFFFFFFFF  }
.Ltmp9:
0xfc: {  	_ = 	snop;
	(pc) =	sbr.rel @p0 .LBB2_19-.Ltmp9, $1  }
0xfd: {  	_ =	sdelay $0x3  }
0xfe: {  	p0 =	slt.s32 s2, $0x1  }
.Ltmp10:
0xff: {  	_ = 	snop;
	(pc) =	sbr.rel @p0 .LBB2_17-.Ltmp10, $1  }
0x100: {  	_ =	sdelay $0x3  }
0x101: {  	s0 =	simm.s32 $0xC0;
	p0 =	por $0x0, $0x0  }
0x102: {  	v1 =	vld.msk @!p0 [tilespmem:s0+$0x0], $0x1;
	_ =	sdelay $0x4  }
0x103: {  	(v2sf) =	vpush @!p0 v1, $0x0;
	_ =	sdelay $0xd  }
0x104: {  	p2 =	sne.s32 s2, $0x1  }
.Ltmp11:
0x105: {  	s6 =	spop @!p0 (v2sf);
	(pc) =	sbr.rel @!p2 .LBB2_16-.Ltmp11, $4  }
0x106: {  	p1 =	seq.s32 @!p0 s5, s6  }
0x107: {  	s6 =	simm.s32 $0x0;
	p1 =	por !p1, p0  }
0x108: {  	s8 =	simm.s32 $0xFFFFFFFF;
	s6 =	simm.s32 @p1 $0xFFFFFFFF  }
0x109: {  	s7 =	simm.s32 $0x1;
	s6 =	smov.u32 @p0 s8  }
.LBB2_15:
0x10a: {  	s8 =	smov.u32 s6;
	p0 =	sne.s32 s6, $0xFFFFFFFF  }
0x10b: {  	s0 =	sadd.s32 $0x1, s0;
	s6 =	smov.u32 s7;
	s7 =	sadd.s32 $0x1, s7  }
0x10c: {  	p1 =	sne.s32 s2, s7;
	v1 =	vld.msk @!p0 [tilespmem:s0+$0x0], $0x1;
	_ =	sdelay $0x4  }
0x10d: {  	(v2sf) =	vpush @!p0 v1, $0x0;
	_ =	sdelay $0xe  }
.Ltmp12:
0x10e: {  	s9 =	spop @!p0 (v2sf);
	(pc) =	sbr.rel @p1 .LBB2_15-.Ltmp12, $4  }
0x10f: {  	p2 =	seq.s32 @!p0 s5, s9  }
0x110: {  	p2 =	por !p2, p0  }
0x111: {  	s6 =	simm.s32 @p2 $0xFFFFFFFF  }
0x112: {  	s6 =	smov.u32 @p0 s8  }
.LBB2_16:
0x113: {  	p0 =	sne.s32 s6, $0xFFFFFFFF  }
.Ltmp13:
0x114: {  	_ = 	snop;
	(pc) =	sbr.rel @!p0 .LBB2_17-.Ltmp13, $1  }
0x115: {  	_ =	sdelay $0x3  }
0x116: {  	v0 =	vld.msk [tilespmem:s4+$0xE0], $0x1;
	v1 =	vmov s6  }
.Ltmp14:
0x117: {  	_ = 	snop;
	(pc) =	sbr.rel .LBB2_19-.Ltmp14, $2  }
0x118: {  	_ =	sdelay $0x2  }
0x119: {  	[tilespmem:v1+s3+$0x0], v0 =	vst.idx.ret.add.f32.msk $0x1, v0  }
.LBB2_20:
0x11a: {  	p0 =	slt.s32 s2, $0x1  }
.Ltmp15:
0x11b: {  	_ = 	snop;
	(pc) =	sbr.rel @p0 .LBB2_24-.Ltmp15, $3  }
0x11c: {  	_ =	sdelay $0x1  }
0x11d: {  	s0 =	simm.s32 $0x6  }
0x11e: {  	s3 =	simm.s32 $0x0;
	[sflag:s0] =	ssyncpa.u1 $0x1  }
0x11f: {  	s0 =	simm.s32 $0xC0  }
0x120: {  	v0 =	vld.msk [tilespmem:s0+$0x0], $0x1;
	_ =	sdelay $0x4  }
0x121: {  	(v2sf) =	vpush v0, $0x0;
	_ =	sdelay $0xe  }
0x122: {  	s2 =	sadd.s32 $0xFFFFFFFF, s2;
	s4 =	spop (v2sf)  }
0x123: {  	p1 =	sne.s32 s2, $0x0;
	p0 =	sgt.u32 s4, $0x27FF  }
.Ltmp16:
0x124: {  	s5 =	sshrl.u32 @!p0 s4, $0x3;
	(pc) =	sbr.rel @!p1 .LBB2_23-.Ltmp16, $4  }
0x125: {  	s0 =	simm.s32 $0xE0;
	s4 =	sand.u32 @!p0 $0x7, s4;
	s5 =	sadd.s32 @!p0 s1, s5  }
0x126: {  	[hbm4b:s5+s4] =	stream.linear.scatter @!p0 [tilespmem:s0], [sflag:$0x5], $0x1, $0x38;
	[tilespmem:$0xF030] =	vst v63  }
0x127: {  	s5 =	simm.s32 $0x0  }
0x128: {  	s4 =	simm.s32 $0xC1;
	s5 =	simm.s32 @!p0 $0x4  }
.LBB2_22:
0x129: {  	v0 =	vld.msk [tilespmem:s4+$0x0], $0x1;
	s2 =	sadd.s32 $0xFFFFFFFF, s2;
	s3 =	sadd.s32 s3, s5  }
0x12a: {  	p0 =	sne.s32 s2, $0x0;
	_ =	sdelay $0x3  }
0x12b: {  	(v2sf) =	vpush v0, $0x0;
	_ =	sdelay $0xe  }
.Ltmp17:
0x12c: {  	s6 =	spop (v2sf);
	(pc) =	sbr.rel @p0 .LBB2_22-.Ltmp17, $4  }
0x12d: {  	s5 =	simm.s32 $0x0;
	p1 =	sgt.u32 s6, $0x27FF  }
0x12e: {  	s0 =	sadd.s32 $0x1, s0;
	s5 =	simm.s32 @!p1 $0x4;
	s7 =	sshrl.u32 @!p1 s6, $0x3  }
0x12f: {  	s4 =	sadd.s32 $0x1, s4;
	s6 =	sand.u32 @!p1 $0x7, s6;
	s7 =	sadd.s32 @!p1 s1, s7  }
0x130: {  	[hbm4b:s7+s6] =	stream.linear.scatter @!p1 [tilespmem:s0], [sflag:$0x5], $0x1, $0x38;
	[tilespmem:$0xF030] =	vst v63  }
.LBB2_23:
0x131: {  	s0 =	sadd.s32 s3, s5  }
0x132: {  	s3 =	sshrl.u32 s0, $0x2  }
.LBB2_24:
0x133: {  	s0 =	simm.s32 $0x5  }
0x134: {  	_ =	swait.ge [sflag:s0], s3  }
0x135: {  	s1 =	ssub.s32 $0x0, s3;
	[sflag:s0] =	ssyncset.done $0x0  }
0x136: {  	[sflag:s0] =	ssyncadd.s32 s1  }
0x137: {  	[sflag:s0] =	ssyncpa.u1 $0x1  }
0x138: {  	s29 =	simm.s32 $0x1;
	_ =	sfence  }
0x139: {  	s30 =	simm.s32 $0x2;
	[sflag:s29] =	ssyncpa.u1 $0x1  }
0x13a: {  	[sflag:s30] =	ssyncpa.u1 $0x1  }
0x13b: {  	_ =	strace $0x9000004D  }
0x13c: {  	[bflag:$0x2] =	sbarrier.arrive $0xFFFF  }
0x13d: {  	s31 =	rddreg [dreg:$0x1]  }
0x13e: {  	s0 =	sadd.s32 $0x100000, s31  }
0x13f: {  	[sflag:s0] =	ssyncadd.tile.s32 $0x1;
	_ =	shalt  }
.Lfunc_end2:
_tile_overlayer_lowered:
.L_overlay_start_2:
0x140: {  	(tag) =	ssettag $0x2  }
0x141: {  	s0 =	rddreg [dreg:$0x0];
	s2 =	stileid.u32  }
0x142: {  	s1 =	rddreg [dreg:$0x1];
	p0 =	sne.s32 s2, $0x0  }
0x143: {  	s3 =	rddreg [dreg:$0x2];
	[bflag:$0x3] =	sbarrier.arrive $0xFFFF;
	s2 =	simm.s32 @!p0 $0x1C01  }
0x144: {  	[timem:s3], [sflag:s2] =	dma.local @!p0 [hbm:s0], s1  }
0x145: {  	s0 =	simm.s32 @!p0 $0x1  }
0x146: {  	_ =	swait.ge @!p0 [sflag:s0], s1  }
0x147: {  	s1 =	ssub.s32 @!p0 $0x0, s1;
	[sflag:s0] =	ssyncset.done @!p0 $0x0  }
0x148: {  	[sflag:s0] =	ssyncadd.s32 @!p0 s1  }
0x149: {  	[bflag:$0x3] =	sbarrier.arrive $0xFFFF  }
0x14a: {  	_ =	shalt  }

// kernel: scatter_offload_async_start.3
scs
__scs_entry_jumppad:
0x0: {  	(pc) =	sbr.rel $0x88, $3  }
0x1: {  	(tag) =	ssettag $0x0;
	lr =	simm.s32 $0x1  }
0x2: {  	[smem:$0x3F96] =	sst lr;
	_ =	strace $0xD0000000  }
0x3: {  	_ = 	snop  }
0x4: {  	_ = 	snop  }
0x5: {  	_ = 	snop  }
0x6: {  	_ = 	snop  }
0x7: {  	_ = 	snop  }
__scs_overlays_trampoline_lowered:
0x8: {  	[smem:$0x3FA5] =	sst s0  }
0x9: {  	[smem:$0x3FA6] =	sst s1  }
0xa: {  	[smem:$0x3FA7] =	sst s2  }
0xb: {  	[smem:$0x3FA8] =	sst s3  }
0xc: {  	[smem:$0x3FA9] =	sst s4  }
0xd: {  	[smem:$0x3FAA] =	sst s5  }
0xe: {  	[smem:$0x3FAB] =	sst s6  }
0xf: {  	[smem:$0x3FAC] =	sst s7  }
0x10: {  	[smem:$0x3FAD] =	sst s8  }
0x11: {  	[smem:$0x3FAE] =	sst s9;
	s0 =	simm.s32 @!p0 $0x0  }
0x12: {  	s1 =	sld [smem:$0x3F94];
	s0 =	simm.s32 @p0 $0x1  }
0x13: {  	[smem:$0x3FAF] =	sst s0;
	s0 =	simm.s32 @!p1 $0x0  }
0x14: {  	s2 =	sld [smem:$0x3F93];
	s0 =	simm.s32 @p1 $0x1  }
0x15: {  	[smem:$0x3FB0] =	sst s0;
	s0 =	simm.s32 @!p2 $0x0  }
0x16: {  	s3 =	sld [smem:$0x3FDB];
	s0 =	simm.s32 @p2 $0x1  }
0x17: {  	s4 =	simm.s32 $0x1BF5;
	[smem:$0x3FB2] =	sst s0  }
0x18: {  	s0 =	sld [smem:$0x3F95];
	_ =	swait.ge [sflag:s4], $0x0  }
0x19: {  	s7 =	sld [smem:$0x3F96]  }
0x1a: {  	s8 =	sadd.s32 $0xFFFFE003, lr  }
0x1b: {  	s9 =	sadd.s32 $0xFFFFFEF7, lr;
	s5 =	simm.s32 $0xFFFFFFFF;
	p2 =	slt.u32 s8, $0xFFFFF086  }
0x1c: {  	p1 =	slt.u32 s9, $0xF7A;
	s5 =	simm.s32 @!p2 $0x0  }
0x1d: {  	s5 =	simm.s32 @p1 $0x1;
	p0 =	seq.s32 s7, s2  }
0x1e: {  	s7 =	smul.u32 @!p0 $0xF7A, s2;
	p2 =	seq.s32 @!p0 s5, $0x0  }
0x1f: {  	s9 =	smul.u32 $0xF7A, s1;
	s8 =	simm.s32 @!p0 $0x1BF5;
	p2 =	por !p2, p0  }
0x20: {  	[sflag:s8] =	ssyncset.s32 @!p0 $0xFFFFF086;
	s6 =	sadd.s32 @!p0 s3, s7;
	s7 =	simm.s32 @!p0 $0x108  }
0x21: {  	s3 =	sadd.s32 s3, s9;
	s6 =	sadd.s32 @!p0 $0x88, s6;
	s7 =	simm.s32 @p2 $0x1082  }
0x22: {  	[simem:s7], [sflag:s8] =	dma.local @!p0 [hbm:s6], $0xF7A  }
0x23: {  	s9 =	sor.u32 $0xD0000000, s2;
	s6 =	simm.s32 $0x108;
	_ =	swait.ge @!p0 [sflag:s8], $0x0  }
0x24: {  	s3 =	sadd.s32 $0x88, s3;
	s6 =	simm.s32 @!p1 $0x1082;
	[sflag:s4] =	ssyncset.s32 $0xFFFFF086  }
0x25: {  	[simem:s6], [sflag:s4] =	dma.local [hbm:s3], $0xF7A  }
0x26: {  	[smem:$0x3F96] =	sst s1;
	(tag) =	ssettag s2;
	_ =	strace s9  }
0x27: {  	s1 =	sld [smem:$0x3FA6]  }
0x28: {  	s2 =	sld [smem:$0x3FA7]  }
0x29: {  	s4 =	sld [smem:$0x3FA9]  }
0x2a: {  	p0 =	seq.s32 s5, $0x0;
	s5 =	sld [smem:$0x3FAA]  }
0x2b: {  	s6 =	sld [smem:$0x3FAB]  }
0x2c: {  	s7 =	sld [smem:$0x3FAC]  }
0x2d: {  	s3 =	simm.s32 $0x108;
	s8 =	sld [smem:$0x3FAD]  }
0x2e: {  	s3 =	simm.s32 @!p0 $0x1082;
	s9 =	sld [smem:$0x3FAE]  }
0x2f: {  	lr =	sadd.s32 s0, s3;
	s0 =	sld [smem:$0x3FA5]  }
0x30: {  	s3 =	sld [smem:$0x3FA8]  }
0x31: {  	[smem:$0x3FB1] =	sst s10  }
0x32: {  	s10 =	sld [smem:$0x3FAF];
	_ =	sdelay $0x3  }
0x33: {  	p0 =	seq.s32 s10, $0x1;
	s10 =	sld [smem:$0x3FB1];
	_ =	sdelay $0x3  }
0x34: {  	[smem:$0x3FB1] =	sst s10  }
0x35: {  	s10 =	sld [smem:$0x3FB0];
	_ =	sdelay $0x3  }
0x36: {  	p1 =	seq.s32 s10, $0x1;
	s10 =	sld [smem:$0x3FB1];
	_ =	sdelay $0x3  }
0x37: {  	[smem:$0x3FB1] =	sst s10  }
0x38: {  	s10 =	sld [smem:$0x3FB2]  }
0x39: {  	_ = 	snop;
	(pc) =	sbr.ind lr, $3  }
0x3a: {  	_ = 	snop  }
0x3b: {  	_ = 	snop  }
0x3c: {  	p2 =	seq.s32 s10, $0x1;
	s10 =	sld [smem:$0x3FB1]  }
0x3d: {  	_ =	shalt  }
0x3e: {  	_ =	shalt  }
0x3f: {  	_ =	shalt  }
0x40: {  	_ =	shalt  }
0x41: {  	_ =	shalt  }
0x42: {  	_ =	shalt  }
0x43: {  	_ =	shalt  }
0x44: {  	_ =	shalt  }
0x45: {  	_ =	shalt  }
0x46: {  	_ =	shalt  }
0x47: {  	_ =	shalt  }
0x48: {  	_ =	shalt  }
0x49: {  	_ =	shalt  }
0x4a: {  	_ =	shalt  }
0x4b: {  	_ =	shalt  }
0x4c: {  	_ =	shalt  }
0x4d: {  	_ =	shalt  }
0x4e: {  	_ =	shalt  }
0x4f: {  	_ =	shalt  }
0x50: {  	_ =	shalt  }
0x51: {  	_ =	shalt  }
0x52: {  	_ =	shalt  }
0x53: {  	_ =	shalt  }
0x54: {  	_ =	shalt  }
0x55: {  	_ =	shalt  }
0x56: {  	_ =	shalt  }
0x57: {  	_ =	shalt  }
0x58: {  	_ =	shalt  }
0x59: {  	_ =	shalt  }
0x5a: {  	_ =	shalt  }
0x5b: {  	_ =	shalt  }
0x5c: {  	_ =	shalt  }
0x5d: {  	_ =	shalt  }
0x5e: {  	_ =	shalt  }
0x5f: {  	_ =	shalt  }
0x60: {  	_ =	shalt  }
0x61: {  	_ =	shalt  }
0x62: {  	_ =	shalt  }
0x63: {  	_ =	shalt  }
0x64: {  	_ =	shalt  }
0x65: {  	_ =	shalt  }
0x66: {  	_ =	shalt  }
0x67: {  	_ =	shalt  }
0x68: {  	_ =	shalt  }
0x69: {  	_ =	shalt  }
0x6a: {  	_ =	shalt  }
0x6b: {  	_ =	shalt  }
0x6c: {  	_ =	shalt  }
0x6d: {  	_ =	shalt  }
0x6e: {  	_ =	shalt  }
0x6f: {  	_ =	shalt  }
0x70: {  	_ =	shalt  }
0x71: {  	_ =	shalt  }
0x72: {  	_ =	shalt  }
0x73: {  	_ =	shalt  }
0x74: {  	_ =	shalt  }
0x75: {  	_ =	shalt  }
0x76: {  	_ =	shalt  }
0x77: {  	_ =	shalt  }
0x78: {  	_ =	shalt  }
0x79: {  	_ =	shalt  }
0x7a: {  	_ =	shalt  }
0x7b: {  	_ =	shalt  }
0x7c: {  	_ =	shalt  }
0x7d: {  	_ =	shalt  }
0x7e: {  	_ =	shalt  }
0x7f: {  	_ =	shalt  }
0x80: {  	_ =	shalt  }
0x81: {  	_ =	shalt  }
0x82: {  	_ =	shalt  }
0x83: {  	_ =	shalt  }
0x84: {  	_ =	shalt  }
0x85: {  	_ =	shalt  }
0x86: {  	_ =	shalt  }
0x87: {  	_ =	shalt  }
.Lfunc_end0:
.L_simem_size_0:
called_computation.3_lowered:
.L_overlay_start_0:
0x88: {  	s0 =	sld [smem:$0x3FD9]  }
0x89: {  	s1 =	sld [smem:$0x3FFE];
	_ =	sdelay $0x3  }
0x8a: {  	s0 =	sadd.s32 s1, s0  }
0x8b: {  	[smem:$0x3FBD] =	sst s0  }
0x8c: {  	_ = 	snop  }
0x8d: {  	s0 =	sld [smem:$0x3FD0];
	_ =	sdelay $0x2  }
0x8e: {  	s13 =	simm.s32 $0xC;
	s2 =	simm.s32 $0x10  }
0x8f: {  	[smem:s2], [sflag:s13] =	dma.local [hbm:s0], $0x1  }
0x90: {  	_ =	swait.eq [sflag:s13], $0x1  }
0x91: {  	[sflag:s13] =	ssyncset.done $0x0  }
0x92: {  	[sflag:s13] =	ssyncadd.s32 $0xFFFFFFFF  }
0x93: {  	s14 =	sld [smem:$0x11];
	(tm) =	ssettm $0x1  }
0x94: {  	s15 =	sld [smem:$0x3FFB];
	_ =	sdelay $0x3  }
0x95: {  	_ =	strace s15  }
0x96: {  	s1 =	sld [smem:$0x3FFC];
	_ =	sdelay $0x3  }
0x97: {  	_ =	strace s1  }
0x98: {  	s1 =	sld [smem:$0x3FFD];
	_ =	sdelay $0x3  }
0x99: {  	_ =	strace s1  }
0x9a: {  	_ =	strace $0x8FFFFFFF  }
0x9b: {  	s16 =	sld [smem:$0x3FDB];
	_ =	sdelay $0x1  }
0x9c: {  	s17 =	simm.s32 $_scs_section_size  }
0x9d: {  	s3 =	simm.s32 $_size__tile_overlayer_lowered;
	s4 =	simm.s32 $_tile_overlayer_lowered  }
0x9e: {  	s20 =	simm.s32 $0x1BFF;
	s19 =	sshll.u32 s4, $0x1;
	s1 =	sadd.s32 s17, s16  }
0x9f: {  	s5 =	simm.s32 $0x0;
	s18 =	sshll.u32 s3, $0x1;
	s3 =	sadd.s32 s19, s1  }
0xa0: {  	[timem:s5], [sflag:s20] =	dma.local [hbm:s3], s18  }
0xa1: {  	_ =	swait.ge [sflag:s20], s18  }
0xa2: {  	s2 =	ssub.s32 $0x0, s18;
	[sflag:s20] =	ssyncset.done $0x0  }
0xa3: {  	[sflag:s20] =	ssyncadd.s32 s2;
	_ =	sdelay $0x1  }
0xa4: {  	s21 =	simm.s32 $0x1B8B  }
0xa5: {  	_ =	swait.ge [sflag:s21], $0x1  }
0xa6: {  	[sflag:s21] =	ssyncset.done $0x0  }
0xa7: {  	s23 =	simm.s32 $0x1B8E;
	s22 =	sld [smem:$0x3FFE];
	[sflag:s21] =	ssyncadd.s32 $0xFFFFFFFF  }
0xa8: {  	s24 =	simm.s32 $execute0_lowered;
	[smem:$0x3FD2] =	sst s23  }
0xa9: {  	s3 =	sshll.u32 s24, $0x1;
	_ =	strace $0x8000004F;
	[dreg:$0x1] =	wrdreg $0xFFFFFFFF  }
0xaa: {  	s25 =	simm.s32 $_size_execute0_lowered;
	s1 =	sadd.s32 s1, s3;
	[dreg:$0x0] =	wrdreg $0x0  }
0xab: {  	s3 =	sshll.u32 s25, $0x1;
	[dreg:$0x2] =	wrdreg s1  }
0xac: {  	[dreg:$0x3] =	wrdreg s3  }
0xad: {  	[dreg:$0x4] =	wrdreg $0xC0  }
0xae: {  	_ =	task [dreg:s5], $0x5FFFF  }
0xaf: {  	[dreg:$0x1] =	wrdreg $0xFFFFFFFF  }
0xb0: {  	[dreg:$0x0] =	wrdreg $0x60  }
0xb1: {  	[dreg:$0x2] =	wrdreg s14  }
0xb2: {  	[dreg:$0x3] =	wrdreg s22  }
0xb3: {  	[dreg:$0x4] =	wrdreg $0x9  }
0xb4: {  	_ =	task.clear_ibuf [dreg:s5], $0x5FFFF;
	_ =	strace $0x9000004F  }
0xb5: {  	s26 =	simm.s32 $0x9;
	_ =	strace $0x80000051  }
0xb6: {  	_ =	swait.ge [sflag:s26], $0x1  }
0xb7: {  	[sflag:s26] =	ssyncadd.s32 $0xFFFFFFFF  }
0xb8: {  	_ =	strace $0x90000051  }
0xb9: {  	_ =	sfence  }
0xba: {  	s28 =	sld [smem:$0x0];
	_ =	sdelay $0x1  }
0xbb: {  	s29 =	srdreg.scid  }
0xbc: {  	s30 =	sshll.u32 s29, $0xD;
	s31 =	sshrl.u32 s29, $0x2  }
0xbd: {  	s2 =	sand.u32 $0x4000, s30;
	s1 =	sand.u32 $0x1, s29;
	s0 =	sadd.s32 s31, s28  }
0xbe: {  	s1 =	sor.u32 s2, s1;
	s0 =	sshll.u32 s0, $0x11  }
0xbf: {  	s0 =	sor.u32 s0, s1  }
0xc0: {  	s0 =	sadd.s32 $0x8F2B, s0  }
0xc1: {  	[sflag:s0] =	ssyncadd.remote.s32 $0x1  }
0xc2: {  	_ =	sfence.sel $0xFFFF  }
0xc3: {  	[dreg:$0x0] =	wrdreg $0xFFFFFFFF;
	(pc) =	sbr.abs _section_cstart, $3  }
0xc4: {  	[dreg:$0x1] =	wrdreg $0xFFFFFFFF  }
0xc5: {  	_ =	task.clear_ibuf [dreg:s5], $0x2FFFF;
	_ =	strace $0x9FFFFFFF  }
0xc6: {  	(tm) =	ssettm $0x7FFFFFFF  }
0xc7: {  	_ =	shalt  }
tec
execute0_lowered:
.L_overlay_start_1:
0x0: {  	(tag) =	ssettag $0x1  }
0x1: {  	s1 =	rddreg [dreg:$0x0]  }
0x2: {  	s0 =	rddreg [dreg:$0x1];
	_ =	strace $0x80000050;
	s2 =	simm.s32 $0x1  }
0x3: {  	s8 =	simm.s32 $0x208;
	v0 =	vimm.s32 $0x0;
	[sflag:s2] =	ssyncpa.u1 $0x0  }
0x4: {  	[tilespmem:s8+$0x70] =	vst v0  }
0x5: {  	[tilespmem:s8+$0x60] =	vst v0  }
0x6: {  	[tilespmem:s8+$0x50] =	vst v0  }
0x7: {  	[tilespmem:s8+$0x40] =	vst v0  }
0x8: {  	[tilespmem:s8+$0x30] =	vst v0  }
0x9: {  	s10 =	sadd.s32 $0x545200, s0;
	[tilespmem:s8+$0x20] =	vst v0  }
0xa: {  	s4 =	sadd.s32 $0x15000, s0;
	s5 =	sadd.s32 $0x54A600, s0;
	s0 =	simm.s32 $0x40;
	[tilespmem:s8+$0x10] =	vst v0  }
.LBB2_1:
0xb: {  	s0 =	sadd.s32 $0x40, s0;
	[tilespmem:s8+$0x0] =	vst v0;
	s8 =	sadd.s32 $0x80, s8  }
0xc: {  	p0 =	slt.u32 s0, $0x3880;
	[tilespmem:s8+$0x70] =	vst v0  }
0xd: {  	[tilespmem:s8+$0x60] =	vst v0  }
.Ltmp0:
0xe: {  	[tilespmem:s8+$0x50] =	vst v0;
	(pc) =	sbr.rel @p0 .LBB2_1-.Ltmp0, $4  }
0xf: {  	[tilespmem:s8+$0x40] =	vst v0  }
0x10: {  	[tilespmem:s8+$0x30] =	vst v0  }
0x11: {  	[tilespmem:s8+$0x20] =	vst v0  }
0x12: {  	[tilespmem:s8+$0x10] =	vst v0  }
0x13: {  	s3 =	stileid.u32  }
0x14: {  	s0 =	smul.u32 $0x5E, s3  }
0x15: {  	s2 =	smin.u32 s3, $0xE  }
0x16: {  	s0 =	sadd.s32 s2, s0  }
0x17: {  	p0 =	slt.u32 s3, $0xE;
	s6 =	smul.u32 $0x70, s0;
	s0 =	simm.s32 $0x2990  }
0x18: {  	s0 =	simm.s32 @!p0 $0x2920  }
0x19: {  	s0 =	sadd.s32 s0, s6  }
0x1a: {  	s7 =	smin.u32 s0, $0x29810  }
0x1b: {  	s0 =	ssub.s32 s7, s6  }
0x1c: {  	p0 =	sgt.s32 s0, $0x0  }
0x1d: {  	s26 =	simm.s32 $0x2;
	s0 =	simm.s32 @!p0 $0x0  }
0x1e: {  	s29 =	simm.s32 $0x7;
	s30 =	simm.s32 $0x8;
	s28 =	smulhi.u32 $0x92492493, s0  }
0x1f: {  	s31 =	simm.s32 $0x9;
	s11 =	simm.s32 $0x1;
	s21 =	simm.s32 $0x0  }
0x20: {  	p1 =	por $0x0, $0x0;
	s15 =	simm.s32 $0x80;
	s2 =	sshrl.u32 s28, $0x6  }
0x21: {  	s16 =	simm.s32 $0x400;
	s17 =	simm.s32 $0xA;
	s9 =	smul.u32 $0x70, s2  }
.Ltmp1:
0x22: {  	[tilespmem:s8+$0x0] =	vst v0;
	v0 =	vimm.s32 $0xFFFFFFFF;
	s18 =	simm.s32 $0x0;
	[sflag:s26] =	ssyncpa.u1 $0x0;
	(pc) =	sbr.rel .LBB2_3-.Ltmp1, $4  }
0x23: {  	[tilespmem:$0xE408] =	vst v0;
	[sflag:s29] =	ssyncpa.u1 $0x0;
	p0 =	sne.s32 s0, s9;
	s0 =	simm.s32 $0x1  }
0x24: {  	s20 =	simm.s32 $0x0;
	[sflag:s30] =	ssyncpa.u1 $0x0;
	s0 =	simm.s32 @!p0 $0x0  }
0x25: {  	s13 =	sshll.u32 s3, $0x9;
	[sflag:s31] =	ssyncpa.u1 $0x0;
	s12 =	sadd.s32 s0, s2  }
0x26: {  	v0 =	vlaneseq.u32;
	s19 =	smov.u32 s6;
	p0 =	por $0x1, $0x1;
	s14 =	sadd.s32 $0x1, s12  }
.LBB2_24:
0x27: {  	s0 =	sshrl.u32 s30, $0x2  }
.LBB2_26:
0x28: {  	_ =	swait.ge [sflag:s17], s0  }
0x29: {  	s31 =	ssub.s32 $0x0, s0;
	v1 =	vmov s23;
	vm0 =	veq.s32 v0, $0x0;
	[sflag:s17] =	ssyncset.done $0x0  }
0x2a: {  	vm15 =	veq.s32 v0, $0x2;
	v1 =	vsel vm0, s29, v1;
	[sflag:s17] =	ssyncadd.s32 s31  }
0x2b: {  	v1 =	vsel vm15, s21, v1;
	[sflag:s17] =	ssyncpa.u1 $0x1  }
0x2c: {  	[tilespmem:$0xE408] =	vst v1  }
.LBB2_27:
0x2d: {  	s0 =	sadd.s32 $0x70, s19  }
0x2e: {  	s2 =	smov.u32 s6;
	p2 =	slt.s32 s0, s7  }
0x2f: {  	s2 =	smov.u32 @p2 s0;
	p2 =	sne.s32 s20, s14  }
.Ltmp2:
0x30: {  	_ = 	snop;
	(pc) =	sbr.rel @!p2 .LBB2_28-.Ltmp2, $4  }
0x31: {  	_ = 	snop  }
0x32: {  	s21 =	smov.u32 s18  }
0x33: {  	s31 =	sadd.s32 $0x1, s20;
	s18 =	smov.u32 s19;
	p0 =	por !p0, !p0  }
0x34: {  	p1 =	por !p1, !p1;
	s20 =	smov.u32 s31;
	s19 =	smov.u32 s2  }
.LBB2_3:
0x35: {  	p2 =	sge.u32 s20, s12  }
0x36: {  	s0 =	smulhi.u32 @!p2 $0xAAAAAAAB, s20  }
0x37: {  	s2 =	smov.u32 s19;
	p3 =	sgt.s32 @!p2 s19, $0x297A0  }
0x38: {  	s8 =	sshra.s32 @!p2 s19, $0x1F;
	p3 =	por !p3, p2;
	s0 =	sshrl.u32 @!p2 s0, $0x1  }
0x39: {  	s8 =	sand.u32 @!p2 s8, s19;
	s2 =	simm.s32 @p3 $0x297A0;
	s0 =	smul.u32 @!p2 $0x3, s0  }
0x3a: {  	s2 =	ssub.s32 @!p2 s2, s8  }
0x3b: {  	s2 =	sadd.s32 @!p2 $0xFFFD6860, s2;
	s0 =	ssub.s32 @!p2 s20, s0  }
0x3c: {  	s8 =	sshll.u32 @!p2 s2, $0x2;
	p3 =	sgt.s32 @!p2 s2, $0x6F;
	s0 =	smul.u32 @!p2 $0x1C0, s0  }
0x3d: {  	s9 =	sand.u32 @!p2 $0x7, s19;
	s2 =	ssub.s32 @!p2 $0x1C0, s8;
	p3 =	por !p3, p2  }
0x3e: {  	s8 =	sshrl.u32 @!p2 s19, $0x3;
	s2 =	sshrl.u32 @!p2 s2, $0x2;
	s0 =	sshrl.u32 @!p2 s0, $0x2  }
0x3f: {  	s8 =	sadd.s32 @!p2 s5, s8;
	s2 =	simm.s32 @!p3 $0x0;
	s0 =	sadd.s32 @!p2 $0x10438, s0  }
0x40: {  	[tilespmem:s0], [sflag:$0x8] =	stream.linear.gather @!p2 [hbm4b:s8+s9], s2, $0x38;
	[tilespmem:$0x1E668] =	vst v63  }
0x41: {  	s0 =	sadd.s32 $0xFFFFFFFF, s20  }
0x42: {  	p2 =	sge.u32 s0, s12  }
0x43: {  	p3 =	sgt.s32 @!p2 s18, $0x297A0  }
0x44: {  	s2 =	smov.u32 s18;
	s8 =	sshra.s32 @!p2 s18, $0x1F;
	p3 =	por !p3, p2  }
0x45: {  	s8 =	sand.u32 @!p2 s8, s18;
	s2 =	simm.s32 @p3 $0x297A0  }
0x46: {  	s2 =	ssub.s32 @!p2 s2, s8  }
0x47: {  	s2 =	sadd.s32 @!p2 $0xFFFD6860, s2  }
0x48: {  	s8 =	sshll.u32 @!p2 s2, $0x2  }
0x49: {  	p3 =	sgt.s32 @!p2 s2, $0x6F;
	s2 =	ssub.s32 @!p2 $0x1C0, s8  }
0x4a: {  	p3 =	por !p3, p2;
	s2 =	sshrl.u32 @!p2 s2, $0x2  }
0x4b: {  	s9 =	simm.s32 @!p2 $0x8;
	s8 =	sand.u32 @!p2 $0x1, s0;
	s2 =	simm.s32 @!p3 $0x0  }
0x4c: {  	s8 =	smul.u32 @!p2 $0x1C0, s8;
	_ =	swait.ge @!p2 [sflag:s9], s2  }
0x4d: {  	s22 =	ssub.s32 @!p2 $0x0, s2;
	[sflag:s9] =	ssyncset.done @!p2 $0x0  }
0x4e: {  	s8 =	sshrl.u32 @!p2 s8, $0x2;
	[sflag:s9] =	ssyncadd.s32 @!p2 s22;
	s9 =	sshrl.u32 @!p2 s18, $0x3  }
0x4f: {  	s8 =	sor.u32 @!p2 $0x10588, s8;
	s22 =	sand.u32 @!p2 $0x7, s18;
	s9 =	sadd.s32 @!p2 s10, s9  }
0x50: {  	[tilespmem:s8], [sflag:$0x9] =	stream.linear.gather @!p2 [hbm4b:s9+s22], s2, $0x38;
	[tilespmem:$0x1E668] =	vst v63  }
0x51: {  	s22 =	ssub.s32 @!p2 $0x29810, s18  }
0x52: {  	p3 =	slt.s32 @!p2 s22, $0x1  }
0x53: {  	p3 =	por p2, p3  }
.Ltmp3:
0x54: {  	_ = 	snop;
	(pc) =	sbr.rel @p3 .LBB2_9-.Ltmp3, $1  }
0x55: {  	_ =	sdelay $0x3  }
0x56: {  	s2 =	smulhi.u32 $0xAAAAAAAB, s0;
	_ =	sdelay $0x1  }
0x57: {  	s2 =	sshrl.u32 s2, $0x1  }
0x58: {  	s2 =	smul.u32 $0x3, s2;
	_ =	sdelay $0x1  }
0x59: {  	s29 =	ssub.s32 s0, s2  }
0x5a: {  	s8 =	simm.s32 $0x1;
	s0 =	smul.u32 $0x1C0, s29  }
.Ltmp4:
0x5b: {  	s8 =	simm.s32 @!p0 $0x0;
	(pc) =	sbr.rel .LBB2_6-.Ltmp4, $4  }
0x5c: {  	s30 =	smul.u32 $0x1C000, s8  }
0x5d: {  	p3 =	slt.s32 @!p2 s22, $0x70;
	s0 =	sshrl.u32 s0, $0x2  }
0x5e: {  	p2 =	por !p3, p2;
	s2 =	sshrl.u32 s30, $0x2;
	s31 =	sadd.s32 $0x10438, s0  }
0x5f: {  	s22 =	simm.s32 @p2 $0x70;
	s23 =	sor.u32 $0x10668, s2;
	s0 =	simm.s32 $0x0;
	v1 =	vmov s31  }
.LBB2_5:
0x60: {  	p2 =	sge.s32 s0, s22  }
.Ltmp5:
0x61: {  	_ = 	snop;
	(pc) =	sbr.rel @p2 .LBB2_9-.Ltmp5, $2  }
0x62: {  	_ =	sdelay $0x2  }
0x63: {  	s23 =	sadd.s32 $0x1000, s23  }
.LBB2_6:
0x64: {  	p2 =	sle.s32 s22, s0  }
.Ltmp6:
0x65: {  	_ = 	snop;
	(pc) =	sbr.rel @p2 .LBB2_5-.Ltmp6, $2  }
0x66: {  	_ =	sdelay $0x2  }
0x67: {  	s24 =	smov.u32 s0;
	s0 =	sadd.s32 $0x10, s0  }
0x68: {  	s2 =	ssub.s32 s22, s24  }
0x69: {  	p2 =	slt.s32 s2, $0x10  }
0x6a: {  	s2 =	simm.s32 @!p2 $0x10  }
0x6b: {  	v2 =	vmov s2  }
0x6c: {  	vm0 =	vgt.s32 v2, v0;
	_ =	sdelay $0x5  }
0x6d: {  	v2 =	vld.idx.msk [tilespmem:v1+s24+$0x0 ss:$0x1], vm0;
	_ =	sdelay $0x2  }
0x6e: {  	p2 =	slt.s32 s0, s22;
	s2 =	smov.u32 s22  }
0x6f: {  	s8 =	smov.u32 s23;
	s25 =	simm.s32 $0x0;
	s2 =	smov.u32 @p2 s0  }
.LBB2_8:
0x70: {  	(v2sf) =	vpush v2, s25;
	_ =	sdelay $0xe  }
0x71: {  	s25 =	sadd.s32 $0x1, s25;
	s9 =	spop (v2sf)  }
0x72: {  	s31 =	sadd.s32 s25, s24;
	s26 =	sshll.u32 s9, $0x8;
	s9 =	sshll.u32 s9, $0x7  }
0x73: {  	p2 =	slt.s32 s31, s2;
	s26 =	sand.u32 $0xFFFFF800, s26;
	s9 =	sand.u32 $0x380, s9  }
.Ltmp7:
0x74: {  	s9 =	sor.u32 s9, s26;
	(pc) =	sbr.rel @p2 .LBB2_8-.Ltmp7, $4  }
0x75: {  	s9 =	sshrl.u32 s9, $0x3  }
0x76: {  	s9 =	sadd.s32 s4, s9  }
0x77: {  	[tilespmem:s8], [sflag:$0x7] =	stream.strided.gather [hbm4b:s9+s15], $0x100, s16, s15, $0x38;
	[tilespmem:$0x1E668] =	vst v63  }
0x78: {  	s8 =	sadd.s32 $0x100, s8  }
.Ltmp8:
0x79: {  	_ = 	snop;
	(pc) =	sbr.rel .LBB2_5-.Ltmp8, $1  }
0x7a: {  	_ =	sdelay $0x3  }
.LBB2_9:
0x7b: {  	p2 =	slt.u32 s20, $0x2  }
.Ltmp9:
0x7c: {  	_ = 	snop;
	(pc) =	sbr.rel @p2 .LBB2_27-.Ltmp9, $1  }
0x7d: {  	_ =	sdelay $0x3  }
0x7e: {  	p2 =	sgt.s32 s21, $0x297A0;
	s0 =	smov.u32 s21  }
0x7f: {  	s2 =	sshra.s32 s21, $0x1F;
	s8 =	ssub.s32 $0x29810, s21;
	s0 =	simm.s32 @!p2 $0x297A0  }
0x80: {  	s2 =	sand.u32 s2, s21;
	p2 =	slt.s32 s8, $0x70;
	s9 =	smov.u32 s8  }
0x81: {  	s0 =	ssub.s32 s0, s2;
	s9 =	simm.s32 @!p2 $0x70  }
0x82: {  	s0 =	sadd.s32 $0xFFFD6860, s0;
	s25 =	sshll.u32 s9, $0x8  }
0x83: {  	s3 =	simm.s32 $0x7;
	s26 =	sshll.u32 s0, $0x2;
	s2 =	sand.u32 $0x3FFFFF00, s25  }
0x84: {  	p2 =	sgt.s32 s0, $0x6F;
	s28 =	ssub.s32 $0x1C0, s26;
	_ =	swait.ge [sflag:s3], s2  }
0x85: {  	s2 =	ssub.s32 $0x0, s2;
	[sflag:s3] =	ssyncset.done $0x0;
	s0 =	sshrl.u32 s28, $0x2  }
0x86: {  	s30 =	simm.s32 $0x9;
	[sflag:s3] =	ssyncadd.s32 s2;
	s0 =	simm.s32 @p2 $0x0  }
0x87: {  	_ =	swait.ge [sflag:s30], s0  }
0x88: {  	s0 =	ssub.s32 $0x0, s0;
	[sflag:s30] =	ssyncset.done $0x0  }
0x89: {  	[sflag:s30] =	ssyncadd.s32 s0  }
0x8a: {  	v1 =	vld [tilespmem:$0xE408];
	_ =	sdelay $0x4  }
0x8b: {  	(v2sf) =	vpush v1, $0x0  }
0x8c: {  	(v2sf) =	vpush v1, $0x1  }
0x8d: {  	(v2sf) =	vpush v1, $0x2;
	_ =	sdelay $0x3  }
0x8e: {  	s0 =	sadd.s32 $0x70, s21  }
0x8f: {  	p2 =	slt.s32 s7, s0  }
0x90: {  	s0 =	smov.u32 @p2 s7;
	p2 =	sgt.s32 s8, $0x0  }
0x91: {  	s25 =	ssub.s32 s0, s21;
	s8 =	simm.s32 @!p2 $0x0  }
0x92: {  	p2 =	slt.s32 s8, s25  }
0x93: {  	s25 =	smov.u32 @p2 s8  }
0x94: {  	s24 =	simm.s32 $0x1;
	p2 =	slt.s32 s25, $0x1  }
.Ltmp10:
0x95: {  	s24 =	simm.s32 @!p1 $0x0;
	(pc) =	sbr.rel @p2 .LBB2_14-.Ltmp10, $4  }
0x96: {  	s31 =	smul.u32 $0x1C0, s24  }
0x97: {  	s26 =	spop (v2sf)  }
0x98: {  	s0 =	sshrl.u32 s31, $0x2;
	s29 =	spop (v2sf)  }
0x99: {  	s22 =	sor.u32 $0x10588, s0;
	s21 =	spop (v2sf)  }
0x9a: {  	s0 =	smin.u32 s25, $0x10  }
0x9b: {  	v1 =	vmov s0  }
0x9c: {  	vm1 =	vgt.u32 v1, v0  }
0x9d: {  	p3 =	sgt.s32 s25, $0x10  }
.Ltmp11:
0x9e: {  	_ = 	snop;
	(pc) =	sbr.rel @!p3 .LBB2_13-.Ltmp11, $2  }
0x9f: {  	_ =	sdelay $0x2  }
0xa0: {  	s23 =	simm.s32 $0x10;
	s28 =	sadd.s32 $0xFFFFFFF0, s25;
	s0 =	smov.u32 s22;
	vm0 =	vmmov vm1;
	v1 =	vld.msk [tilespmem:s22+$0x0 ss:$0x1], vm1  }
.LBB2_12:
0xa1: {  	s2 =	smin.u32 s28, $0x10;
	s23 =	sadd.s32 $0x10, s23  }
0xa2: {  	v2 =	vmov s2;
	p3 =	slt.s32 s23, s25  }
0xa3: {  	vm1 =	vgt.u32 v2, v0;
	_ =	sdelay $0x1  }
0xa4: {  	v2 =	vshll.u32 v1, $0x5;
	v1 =	vshll.u32 v1, $0x4  }
.Ltmp12:
0xa5: {  	v2 =	vand.u32 $0xFFFFFF00, v2;
	v1 =	vand.u32 $0x70, v1;
	(pc) =	sbr.rel @p3 .LBB2_12-.Ltmp12, $4  }
0xa6: {  	v1 =	vor.u32 v1, v2  }
0xa7: {  	[tilespmem:s0+$0x0] =	vst.msk vm0, v1;
	s0 =	sadd.s32 $0x10, s0;
	vm0 =	vmmov vm1  }
0xa8: {  	v1 =	vld.msk [tilespmem:s0+$0x0 ss:$0x1], vm1  }
0xa9: {  	s28 =	sadd.s32 $0xFFFFFFF0, s28  }
.LBB2_13:
0xaa: {  	_ =	sdelay $0x3  }
0xab: {  	v2 =	vshll.u32 v1, $0x5;
	v1 =	vshll.u32 v1, $0x4  }
0xac: {  	v2 =	vand.u32 $0xFFFFFF00, v2;
	v1 =	vand.u32 $0x70, v1  }
0xad: {  	v1 =	vor.u32 v1, v2  }
0xae: {  	[tilespmem:s0+$0x0] =	vst.msk vm0, v1  }
.LBB2_14:
0xaf: {  	s0 =	sand.u32 $0x1, s20  }
0xb0: {  	s0 =	smul.u32 $0x70, s0  }
0xb1: {  	p3 =	sne.s32 s29, $0xFFFFFFFF  }
0xb2: {  	v1 =	vld.msk @!p3 [tilespmem:s0+$0x10588], $0x1;
	_ =	sdelay $0x4  }
0xb3: {  	(v2sf) =	vpush @!p3 v1, $0x0;
	_ =	sdelay $0xc  }
.Ltmp13:
0xb4: {  	_ = 	snop;
	(pc) =	sbr.rel @p2 .LBB2_25-.Ltmp13, $4  }
0xb5: {  	_ = 	snop  }
0xb6: {  	s28 =	spop @!p3 (v2sf)  }
0xb7: {  	s21 =	simm.s32 @!p3 $0x0;
	s23 =	smov.u32 s28  }
0xb8: {  	[sflag:s17] =	ssyncpa.u1 $0x0;
	s28 =	smov.u32 @p3 s26;
	s23 =	smov.u32 @p3 s29  }
0xb9: {  	v1 =	vld.msk [tilespmem:s22+$0x0], $0x1;
	_ =	sdelay $0x4  }
0xba: {  	(v2sf) =	vpush v1, $0x0;
	_ =	sdelay $0xd  }
0xbb: {  	s17 =	smov.u32 s6  }
0xbc: {  	s6 =	smov.u32 s14;
	s14 =	smov.u32 s5;
	s30 =	spop (v2sf)  }
0xbd: {  	s5 =	smov.u32 s10;
	s0 =	smul.u32 $0x1C000, s24;
	p2 =	seq.s32 s28, s30  }
0xbe: {  	s2 =	smov.u32 s28;
	s25 =	ssub.s32 $0x0, s25;
	p3 =	sgt.s32 @!p2 s28, $0x0  }
0xbf: {  	s26 =	simm.s32 $0x0;
	s0 =	sshrl.u32 s0, $0x2;
	p3 =	por !p3, p2  }
0xc0: {  	s29 =	sadd.s32 $0x1, s25;
	s24 =	sor.u32 $0x106E8, s0;
	s2 =	simm.s32 @p3 $0x0  }
0xc1: {  	s0 =	simm.s32 @!p2 $0x1;
	p3 =	seq.s32 s29, $0x0;
	s2 =	smin.u32 @!p2 s2, $0x4E170  }
.Ltmp14:
0xc2: {  	s9 =	simm.s32 @!p2 $0x7308;
	s8 =	sand.u32 @!p2 $0x7FFF8, s2;
	(pc) =	sbr.rel @p3 .LBB2_17-.Ltmp14, $4  }
0xc3: {  	s31 =	sadd.s32 @!p2 $0x80, s2;
	s10 =	sadd.s32 @!p2 s1, s8;
	s8 =	sand.u32 @!p2 $0x7, s2  }
0xc4: {  	[tilespmem:s9], [sflag:$0x2] =	stream.linear.gather @!p2 [hbm4b:s10+s8], $0x80, $0x38;
	[tilespmem:$0x1E668] =	vst v63  }
0xc5: {  	s0 =	smov.u32 @p2 s26;
	s9 =	sand.u32 @!p2 $0xFFFF8, s31  }
0xc6: {  	s2 =	simm.s32 @!p2 $0x7388;
	s31 =	sadd.s32 $0x1, s22;
	s9 =	sadd.s32 @!p2 s1, s9  }
.LBB2_16:
0xc7: {  	s10 =	smov.u32 s0  }
0xc8: {  	[tilespmem:s2], [sflag:$0x2] =	stream.linear.gather @!p2 [hbm4b:s9+s8], $0x80, $0x38;
	[tilespmem:$0x1E668] =	vst v63  }
0xc9: {  	s29 =	sadd.s32 $0x1, s29;
	s8 =	smov.u32 s30;
	v1 =	vld.msk [tilespmem:s31+$0x0], $0x1  }
0xca: {  	p3 =	seq.s32 s29, $0x0;
	_ =	sdelay $0x3  }
0xcb: {  	(v2sf) =	vpush v1, $0x0;
	_ =	sdelay $0xe  }
0xcc: {  	s30 =	spop (v2sf)  }
0xcd: {  	p2 =	seq.s32 s8, s30  }
0xce: {  	p4 =	sgt.s32 @!p2 s8, $0x0;
	s2 =	sshll.u32 @!p2 s0, $0xA;
	s0 =	sadd.s32 @!p2 $0x1, s0  }
0xcf: {  	p4 =	por !p4, p2;
	s2 =	sshra.s32 @!p2 s2, $0x2;
	s0 =	smov.u32 @p2 s10  }
0xd0: {  	s8 =	simm.s32 @p4 $0x0;
	s9 =	sadd.s32 @!p2 $0x7308, s2;
	s2 =	sadd.s32 @!p2 $0x7388, s2  }
.Ltmp15:
0xd1: {  	s8 =	smin.u32 @!p2 s8, $0x4E170;
	(pc) =	sbr.rel @!p3 .LBB2_16-.Ltmp15, $4  }
0xd2: {  	s10 =	sand.u32 @!p2 $0x7FFF8, s8;
	s3 =	sadd.s32 @!p2 $0x80, s8  }
0xd3: {  	s8 =	sand.u32 @!p2 $0x7, s8;
	s10 =	sadd.s32 @!p2 s1, s10;
	s3 =	sand.u32 @!p2 $0xFFFF8, s3  }
0xd4: {  	[tilespmem:s9], [sflag:$0x2] =	stream.linear.gather @!p2 [hbm4b:s10+s8], $0x80, $0x38;
	[tilespmem:$0x1E668] =	vst v63  }
0xd5: {  	s31 =	sadd.s32 $0x1, s31;
	s9 =	sadd.s32 @!p2 s1, s3  }
.LBB2_17:
0xd6: {  	[tilespmem:s2], [sflag:$0x2] =	stream.linear.gather @!p2 [hbm4b:s9+s8], $0x80, $0x38;
	[tilespmem:$0x1E668] =	vst v63  }
.Ltmp16:
0xd7: {  	s0 =	sshll.u32 s0, $0x8;
	(pc) =	sbr.rel .LBB2_18-.Ltmp16, $4  }
0xd8: {  	s31 =	simm.s32 $0x2;
	s30 =	simm.s32 $0x0;
	s0 =	sand.u32 $0x3FFFFF00, s0  }
0xd9: {  	s10 =	smov.u32 s5;
	s5 =	smov.u32 s14;
	_ =	swait.ge [sflag:s31], s0  }
0xda: {  	s14 =	smov.u32 s6;
	s0 =	ssub.s32 $0x0, s0;
	[sflag:s31] =	ssyncset.done $0x0  }
0xdb: {  	s6 =	smov.u32 s17;
	s17 =	simm.s32 $0xA;
	[sflag:s31] =	ssyncadd.s32 s0  }
.LBB2_19:
0xdc: {  	v1 =	vld [tilespmem:s24+$0xFFFFFF80];
	_ =	sdelay $0x4  }
0xdd: {  	[tilespmem:s31+$0x208] =	vst.add.f32.msk $0xffff, v1  }
0xde: {  	v1 =	vld [tilespmem:s24+$0xFFFFFF90];
	_ =	sdelay $0x4  }
0xdf: {  	[tilespmem:s31+$0x218] =	vst.add.f32.msk $0xffff, v1  }
0xe0: {  	v1 =	vld [tilespmem:s24+$0xFFFFFFA0];
	_ =	sdelay $0x4  }
0xe1: {  	[tilespmem:s31+$0x228] =	vst.add.f32.msk $0xffff, v1  }
0xe2: {  	v1 =	vld [tilespmem:s24+$0xFFFFFFB0];
	_ =	sdelay $0x4  }
0xe3: {  	[tilespmem:s31+$0x238] =	vst.add.f32.msk $0xffff, v1  }
0xe4: {  	v1 =	vld [tilespmem:s24+$0xFFFFFFC0];
	_ =	sdelay $0x4  }
0xe5: {  	[tilespmem:s31+$0x248] =	vst.add.f32.msk $0xffff, v1  }
0xe6: {  	v1 =	vld [tilespmem:s24+$0xFFFFFFD0];
	_ =	sdelay $0x4  }
0xe7: {  	[tilespmem:s31+$0x258] =	vst.add.f32.msk $0xffff, v1  }
0xe8: {  	v1 =	vld [tilespmem:s24+$0xFFFFFFE0];
	_ =	sdelay $0x4  }
0xe9: {  	[tilespmem:s31+$0x268] =	vst.add.f32.msk $0xffff, v1  }
0xea: {  	v1 =	vld [tilespmem:s24+$0xFFFFFFF0];
	_ =	sdelay $0x4  }
0xeb: {  	[tilespmem:s31+$0x278] =	vst.add.f32.msk $0xffff, v1  }
0xec: {  	v1 =	vld [tilespmem:s24+$0x0];
	_ =	sdelay $0x4  }
0xed: {  	[tilespmem:s31+$0x288] =	vst.add.f32.msk $0xffff, v1  }
0xee: {  	v1 =	vld [tilespmem:s24+$0x10];
	_ =	sdelay $0x4  }
0xef: {  	[tilespmem:s31+$0x298] =	vst.add.f32.msk $0xffff, v1  }
0xf0: {  	v1 =	vld [tilespmem:s24+$0x20];
	_ =	sdelay $0x4  }
0xf1: {  	[tilespmem:s31+$0x2A8] =	vst.add.f32.msk $0xffff, v1  }
0xf2: {  	v1 =	vld [tilespmem:s24+$0x30];
	_ =	sdelay $0x4  }
0xf3: {  	[tilespmem:s31+$0x2B8] =	vst.add.f32.msk $0xffff, v1  }
0xf4: {  	v1 =	vld [tilespmem:s24+$0x40];
	_ =	sdelay $0x4  }
0xf5: {  	[tilespmem:s31+$0x2C8] =	vst.add.f32.msk $0xffff, v1  }
0xf6: {  	v1 =	vld [tilespmem:s24+$0x50];
	_ =	sdelay $0x4  }
0xf7: {  	[tilespmem:s31+$0x2D8] =	vst.add.f32.msk $0xffff, v1  }
0xf8: {  	v1 =	vld [tilespmem:s24+$0x60];
	_ =	sdelay $0x4  }
0xf9: {  	[tilespmem:s31+$0x2E8] =	vst.add.f32.msk $0xffff, v1  }
0xfa: {  	v1 =	vld [tilespmem:s24+$0x70];
	_ =	sdelay $0x4  }
0xfb: {  	[tilespmem:s31+$0x2F8] =	vst.add.f32.msk $0xffff, v1  }
.LBB2_23:
0xfc: {  	s25 =	sadd.s32 $0x1, s25  }
0xfd: {  	p2 =	seq.s32 s25, $0x0  }
.Ltmp17:
0xfe: {  	_ = 	snop;
	(pc) =	sbr.rel @p2 .LBB2_24-.Ltmp17, $2  }
0xff: {  	_ =	sdelay $0x2  }
0x100: {  	s22 =	sadd.s32 $0x1, s22;
	s24 =	sadd.s32 $0x100, s24;
	s28 =	smov.u32 s29  }
.LBB2_18:
0x101: {  	v1 =	vld.msk [tilespmem:s22+$0x0], $0x1;
	_ =	sdelay $0x4  }
0x102: {  	(v2sf) =	vpush v1, $0x0;
	_ =	sdelay $0xe  }
0x103: {  	s29 =	spop (v2sf)  }
0x104: {  	p2 =	sne.s32 s28, s29  }
.Ltmp18:
0x105: {  	_ = 	snop;
	(pc) =	sbr.rel @!p2 .LBB2_19-.Ltmp18, $3  }
0x106: {  	_ =	sdelay $0x1  }
0x107: {  	s0 =	sshll.u32 s21, $0xA  }
0x108: {  	s31 =	sshra.s32 s0, $0x2  }
0x109: {  	p2 =	seq.s32 s28, s23  }
.Ltmp19:
0x10a: {  	_ = 	snop;
	(pc) =	sbr.rel @!p2 .LBB2_21-.Ltmp19, $1  }
0x10b: {  	_ =	sdelay $0x3  }
.Ltmp20:
0x10c: {  	s0 =	sadd.s32 $0x208, s31;
	(pc) =	sbr.rel .LBB2_22-.Ltmp20, $4  }
0x10d: {  	[spmem:s13] =	stream.linear.scatter [tilespmem:s0], [sflag:$0x1], $0x100, $0x38;
	[tilespmem:$0x1E668] =	vst v63  }
0x10e: {  	_ =	swait.ge [sflag:s11], $0x100  }
0x10f: {  	[sflag:s11] =	ssyncset.done $0x0  }
0x110: {  	[sflag:s11] =	ssyncadd.s32 $0xFFFFFF00  }
.LBB2_21:
0x111: {  	s0 =	sshll.u32 s26, $0xA  }
0x112: {  	s0 =	sshra.s32 s0, $0x2  }
0x113: {  	v1 =	vld [tilespmem:s0+$0x7308];
	_ =	sdelay $0x4  }
0x114: {  	[tilespmem:s31+$0x208] =	vst.add.f32.msk $0xffff, v1  }
0x115: {  	v1 =	vld [tilespmem:s0+$0x7318];
	_ =	sdelay $0x4  }
0x116: {  	[tilespmem:s31+$0x218] =	vst.add.f32.msk $0xffff, v1  }
0x117: {  	v1 =	vld [tilespmem:s0+$0x7328];
	_ =	sdelay $0x4  }
0x118: {  	[tilespmem:s31+$0x228] =	vst.add.f32.msk $0xffff, v1  }
0x119: {  	v1 =	vld [tilespmem:s0+$0x7338];
	_ =	sdelay $0x4  }
0x11a: {  	[tilespmem:s31+$0x238] =	vst.add.f32.msk $0xffff, v1  }
0x11b: {  	v1 =	vld [tilespmem:s0+$0x7348];
	_ =	sdelay $0x4  }
0x11c: {  	[tilespmem:s31+$0x248] =	vst.add.f32.msk $0xffff, v1  }
0x11d: {  	v1 =	vld [tilespmem:s0+$0x7358];
	_ =	sdelay $0x4  }
0x11e: {  	[tilespmem:s31+$0x258] =	vst.add.f32.msk $0xffff, v1  }
0x11f: {  	v1 =	vld [tilespmem:s0+$0x7368];
	_ =	sdelay $0x4  }
0x120: {  	[tilespmem:s31+$0x268] =	vst.add.f32.msk $0xffff, v1  }
0x121: {  	v1 =	vld [tilespmem:s0+$0x7378];
	_ =	sdelay $0x4  }
0x122: {  	[tilespmem:s31+$0x278] =	vst.add.f32.msk $0xffff, v1  }
0x123: {  	v1 =	vld [tilespmem:s0+$0x7388];
	_ =	sdelay $0x4  }
0x124: {  	[tilespmem:s31+$0x288] =	vst.add.f32.msk $0xffff, v1  }
0x125: {  	v1 =	vld [tilespmem:s0+$0x7398];
	_ =	sdelay $0x4  }
0x126: {  	[tilespmem:s31+$0x298] =	vst.add.f32.msk $0xffff, v1  }
0x127: {  	v1 =	vld [tilespmem:s0+$0x73A8];
	_ =	sdelay $0x4  }
0x128: {  	[tilespmem:s31+$0x2A8] =	vst.add.f32.msk $0xffff, v1  }
0x129: {  	v1 =	vld [tilespmem:s0+$0x73B8];
	_ =	sdelay $0x4  }
0x12a: {  	[tilespmem:s31+$0x2B8] =	vst.add.f32.msk $0xffff, v1  }
0x12b: {  	v1 =	vld [tilespmem:s0+$0x73C8];
	_ =	sdelay $0x4  }
0x12c: {  	[tilespmem:s31+$0x2C8] =	vst.add.f32.msk $0xffff, v1  }
0x12d: {  	v1 =	vld [tilespmem:s0+$0x73D8];
	_ =	sdelay $0x4  }
0x12e: {  	[tilespmem:s31+$0x2D8] =	vst.add.f32.msk $0xffff, v1  }
0x12f: {  	v1 =	vld [tilespmem:s0+$0x73E8];
	_ =	sdelay $0x4  }
0x130: {  	[tilespmem:s31+$0x2E8] =	vst.add.f32.msk $0xffff, v1  }
0x131: {  	v1 =	vld [tilespmem:s0+$0x73F8];
	_ =	sdelay $0x2  }
0x132: {  	p2 =	sgt.u32 s28, $0x4E170  }
0x133: {  	s0 =	sand.u32 @!p2 $0x7FFF8, s28  }
0x134: {  	s2 =	sadd.s32 $0x208, s31;
	s3 =	sand.u32 @!p2 $0x7, s28;
	s0 =	sadd.s32 @!p2 s1, s0;
	[tilespmem:s31+$0x2F8] =	vst.add.f32.msk $0xffff, v1  }
0x135: {  	[hbm4b:s0+s3] =	stream.linear.scatter @!p2 [tilespmem:s2], [sflag:$0xA], $0x80, $0x38;
	[tilespmem:$0x1E668] =	vst v63  }
0x136: {  	s0 =	sadd.s32 @!p2 $0x80, s28  }
0x137: {  	s0 =	sand.u32 @!p2 $0xFFFF8, s0  }
0x138: {  	s2 =	sadd.s32 $0x288, s31;
	s0 =	sadd.s32 @!p2 s1, s0  }
0x139: {  	[hbm4b:s0+s3] =	stream.linear.scatter @!p2 [tilespmem:s2], [sflag:$0xA], $0x80, $0x38;
	[tilespmem:$0x1E668] =	vst v63  }
0x13a: {  	s0 =	simm.s32 $0x0  }
0x13b: {  	s0 =	simm.s32 @!p2 $0x400  }
0x13c: {  	s30 =	sadd.s32 s0, s30  }
.LBB2_22:
0x13d: {  	s0 =	sadd.s32 $0x1, s21  }
0x13e: {  	s2 =	sshrl.u32 s0, $0x4  }
0x13f: {  	s2 =	smulhi.u32 $0x24924925, s2  }
0x140: {  	v1 =	vld [tilespmem:s24+$0xFFFFFF80]  }
0x141: {  	s2 =	smul.u32 $0x70, s2;
	_ =	sdelay $0x1  }
0x142: {  	s21 =	ssub.s32 s0, s2  }
0x143: {  	s0 =	sshll.u32 s21, $0x8  }
0x144: {  	[tilespmem:s0+$0x208] =	vst v1  }
0x145: {  	v1 =	vld [tilespmem:s24+$0xFFFFFF90];
	_ =	sdelay $0x4  }
0x146: {  	[tilespmem:s0+$0x218] =	vst v1  }
0x147: {  	v1 =	vld [tilespmem:s24+$0xFFFFFFA0];
	_ =	sdelay $0x4  }
0x148: {  	[tilespmem:s0+$0x228] =	vst v1  }
0x149: {  	v1 =	vld [tilespmem:s24+$0xFFFFFFB0];
	_ =	sdelay $0x4  }
0x14a: {  	[tilespmem:s0+$0x238] =	vst v1  }
0x14b: {  	v1 =	vld [tilespmem:s24+$0xFFFFFFC0];
	_ =	sdelay $0x4  }
0x14c: {  	[tilespmem:s0+$0x248] =	vst v1  }
0x14d: {  	v1 =	vld [tilespmem:s24+$0xFFFFFFD0];
	_ =	sdelay $0x4  }
0x14e: {  	[tilespmem:s0+$0x258] =	vst v1  }
0x14f: {  	v1 =	vld [tilespmem:s24+$0xFFFFFFE0];
	_ =	sdelay $0x4  }
0x150: {  	[tilespmem:s0+$0x268] =	vst v1  }
0x151: {  	v1 =	vld [tilespmem:s24+$0xFFFFFFF0];
	_ =	sdelay $0x4  }
0x152: {  	[tilespmem:s0+$0x278] =	vst v1  }
0x153: {  	v1 =	vld [tilespmem:s24+$0x0];
	_ =	sdelay $0x4  }
0x154: {  	[tilespmem:s0+$0x288] =	vst v1  }
0x155: {  	v1 =	vld [tilespmem:s24+$0x10];
	_ =	sdelay $0x4  }
0x156: {  	[tilespmem:s0+$0x298] =	vst v1  }
0x157: {  	v1 =	vld [tilespmem:s24+$0x20];
	_ =	sdelay $0x4  }
0x158: {  	[tilespmem:s0+$0x2A8] =	vst v1  }
0x159: {  	v1 =	vld [tilespmem:s24+$0x30];
	_ =	sdelay $0x4  }
0x15a: {  	[tilespmem:s0+$0x2B8] =	vst v1  }
0x15b: {  	v1 =	vld [tilespmem:s24+$0x40];
	_ =	sdelay $0x4  }
0x15c: {  	[tilespmem:s0+$0x2C8] =	vst v1  }
0x15d: {  	v1 =	vld [tilespmem:s24+$0x50];
	_ =	sdelay $0x4  }
0x15e: {  	[tilespmem:s0+$0x2D8] =	vst v1  }
0x15f: {  	v1 =	vld [tilespmem:s24+$0x60];
	_ =	sdelay $0x4  }
0x160: {  	[tilespmem:s0+$0x2E8] =	vst v1  }
0x161: {  	v1 =	vld [tilespmem:s24+$0x70]  }
.Ltmp21:
0x162: {  	_ = 	snop;
	(pc) =	sbr.rel .LBB2_23-.Ltmp21, $2  }
0x163: {  	_ =	sdelay $0x2  }
0x164: {  	s26 =	sadd.s32 $0x1, s26;
	[tilespmem:s0+$0x2F8] =	vst v1  }
.LBB2_25:
.Ltmp22:
0x165: {  	(pc) =	sbr.rel .LBB2_26-.Ltmp22, $4  }
0x166: {  	_ = 	snop  }
0x167: {  	s0 =	simm.s32 $0x2  }
0x168: {  	_ =	swait.ge [sflag:s0], $0x0  }
0x169: {  	s29 =	smov.u32 s28;
	[sflag:s0] =	ssyncset.done $0x0;
	s0 =	simm.s32 $0x0  }
.LBB2_28:
0x16a: {  	_ =	sfence.sel $0x180000  }
0x16b: {  	s0 =	simm.s32 $0x7;
	[bflag:$0x0] =	sbarrier.arrive $0xFFFF  }
0x16c: {  	s25 =	simm.s32 $0x8;
	[sflag:s0] =	ssyncpa.u1 $0x1  }
0x16d: {  	s26 =	simm.s32 $0x9;
	[sflag:s25] =	ssyncpa.u1 $0x1  }
0x16e: {  	s28 =	simm.s32 $0x2;
	[sflag:s26] =	ssyncpa.u1 $0x1  }
0x16f: {  	[sflag:s28] =	ssyncpa.u1 $0x1  }
0x170: {  	v0 =	vld [tilespmem:$0xE408];
	_ =	sdelay $0x4  }
0x171: {  	(v2sf) =	vpush v0, $0x0  }
0x172: {  	(v2sf) =	vpush v0, $0x1;
	_ =	sdelay $0x1  }
0x173: {  	(v2sf) =	vpush v0, $0x2;
	_ =	sdelay $0xb  }
0x174: {  	s0 =	spop (v2sf)  }
0x175: {  	s2 =	spop (v2sf)  }
0x176: {  	s3 =	smov.u32 s0;
	p0 =	sne.s32 s0, s2  }
0x177: {  	s4 =	spop (v2sf);
	s3 =	simm.s32 @!p0 $0xFFFFFFFF  }
0x178: {  	v2 =	vimm.s32 $0x1;
	v3 =	vlaneseq.u32;
	p0 =	seq.s32 s4, $0xFFFFFFFF;
	v1 =	vmov s3  }
0x179: {  	s7 =	stileid.u32;
	v0 =	vperm.xlane v0, v2;
	p1 =	sne.s32 @!p0 s0, s2;
	v1 =	vperm.xlane v1, v3  }
0x17a: {  	vm0 =	vcmask $0x3F04;
	s6 =	simm.s32 $0xE408;
	s0 =	simm.s32 @!p0 $0x1;
	p1 =	por !p1, p0  }
0x17b: {  	s3 =	sshll.u32 s7, $0x1;
	s2 =	sshll.u32 @!p0 s4, $0xA;
	s0 =	simm.s32 @p1 $0x0;
	v0 =	vsel vm0, v1, v0  }
0x17c: {  	s5 =	sor.u32 $0x2000, s3;
	s2 =	sshra.s32 @!p0 s2, $0x2;
	s0 =	sor.u32 @!p0 s0, s3;
	[tilespmem:$0xE408] =	vst v0  }
0x17d: {  	[spmem:s5] =	stream.linear.scatter [tilespmem:s6], [sflag:$0x1], $0x2, $0x38;
	[tilespmem:$0x1E668] =	vst v63  }
0x17e: {  	s2 =	sadd.s32 @!p0 $0x208, s2;
	s0 =	sshll.u32 @!p0 s0, $0x8  }
0x17f: {  	[spmem:s0] =	stream.linear.scatter @!p0 [tilespmem:s2], [sflag:$0x1], $0x100, $0x38;
	[tilespmem:$0x1E668] =	vst v63  }
0x180: {  	s2 =	simm.s32 @!p0 $0x102  }
0x181: {  	s0 =	simm.s32 $0x1;
	s2 =	simm.s32 @p0 $0x2  }
0x182: {  	_ =	swait.ge [sflag:s0], s2  }
0x183: {  	s2 =	ssub.s32 $0x0, s2;
	[sflag:s0] =	ssyncset.done $0x0  }
0x184: {  	[sflag:s0] =	ssyncadd.s32 s2  }
0x185: {  	_ =	sfence.stream.spmem  }
0x186: {  	s29 =	simm.s32 $0x3;
	[bflag:$0x0] =	sbarrier.arrive $0xFFFF  }
0x187: {  	s30 =	simm.s32 $0x4;
	[sflag:s29] =	ssyncpa.u1 $0x1  }
0x188: {  	s31 =	simm.s32 $0x3C;
	[sflag:s30] =	ssyncpa.u1 $0x1  }
0x189: {  	p0 =	sne.s32 s7, $0x0;
	[sflag:s31] =	ssyncpa.u1 $0x1  }
0x18a: {  	_ =	sfence @p0  }
0x18b: {  	[sflag:s0] =	ssyncpa.u1 @p0 $0x1  }
0x18c: {  	_ =	strace @p0 $0x90000050  }
0x18d: {  	[bflag:$0x2] =	sbarrier.arrive @p0 $0xFFFF  }
0x18e: {  	_ =	shalt @p0  }
.LBB2_29:
0x18f: {  	_ =	sfence.stream.spmem;
	s0 =	simm.s32 $0x5  }
0x190: {  	s2 =	simm.s32 $0x2000;
	s3 =	simm.s32 $0xE418;
	[sflag:s0] =	ssyncpa.u1 $0x0  }
0x191: {  	[tilespmem:s3], [sflag:$0x5] =	stream.linear.gather [spmem:s2], $0x20, $0x38;
	[tilespmem:$0x1E668] =	vst v63  }
0x192: {  	s30 =	simm.s32 $0xE438;
	s2 =	simm.s32 $0x0  }
0x193: {  	[tilespmem:s30], [sflag:$0x5] =	stream.linear.gather [spmem:s2], $0x2000, $0x38;
	[tilespmem:$0x1E668] =	vst v63  }
.Ltmp23:
0x194: {  	_ = 	snop;
	(pc) =	sbr.rel .LBB2_30-.Ltmp23, $4  }
0x195: {  	_ =	swait.ge [sflag:s0], $0x2020  }
0x196: {  	[sflag:s0] =	ssyncset.done $0x0  }
0x197: {  	s31 =	simm.s32 $0x6;
	[sflag:s0] =	ssyncadd.s32 $0xFFFFDFE0  }
0x198: {  	s3 =	simm.s32 $0x0;
	[sflag:s31] =	ssyncpa.u1 $0x0  }
.LBB2_36:
0x199: {  	p0 =	slt.u32 s4, $0x4E171  }
0x19a: {  	s0 =	sand.u32 @p0 $0x7FFF8, s4  }
0x19b: {  	s5 =	sand.u32 @p0 $0x7, s4;
	s6 =	simm.s32 @p0 $0xE308;
	s0 =	sadd.s32 @p0 s1, s0  }
0x19c: {  	[tilespmem:s6], [sflag:$0x6] =	stream.linear.gather @p0 [hbm4b:s0+s5], $0x80, $0x38;
	[tilespmem:$0x1E668] =	vst v63  }
0x19d: {  	s0 =	sadd.s32 @p0 $0x80, s4  }
0x19e: {  	s0 =	sand.u32 @p0 $0xFFFF8, s0  }
0x19f: {  	s4 =	simm.s32 @p0 $0xE388;
	s0 =	sadd.s32 @p0 s1, s0  }
0x1a0: {  	[tilespmem:s4], [sflag:$0x6] =	stream.linear.gather @p0 [hbm4b:s0+s5], $0x80, $0x38;
	[tilespmem:$0x1E668] =	vst v63  }
0x1a1: {  	s0 =	simm.s32 @p0 $0x6  }
0x1a2: {  	_ =	swait.ge @p0 [sflag:s0], $0x100  }
0x1a3: {  	[sflag:s0] =	ssyncset.done @p0 $0x0  }
0x1a4: {  	[sflag:s0] =	ssyncadd.s32 @p0 $0xFFFFFF00  }
0x1a5: {  	v1 =	vld @p0 [tilespmem:$0xE308];
	_ =	sdelay $0x2  }
0x1a6: {  	s0 =	sshll.u32 @p0 s3, $0xA  }
0x1a7: {  	s4 =	sshrl.u32 @p0 s0, $0x2  }
0x1a8: {  	[tilespmem:s4+$0xE438] =	vst.add.f32.msk @p0 $0xffff, v1  }
0x1a9: {  	v1 =	vld @p0 [tilespmem:$0xE318];
	_ =	sdelay $0x4  }
0x1aa: {  	[tilespmem:s4+$0xE448] =	vst.add.f32.msk @p0 $0xffff, v1  }
0x1ab: {  	v1 =	vld @p0 [tilespmem:$0xE328];
	_ =	sdelay $0x4  }
0x1ac: {  	[tilespmem:s4+$0xE458] =	vst.add.f32.msk @p0 $0xffff, v1  }
0x1ad: {  	v1 =	vld @p0 [tilespmem:$0xE338];
	_ =	sdelay $0x4  }
0x1ae: {  	[tilespmem:s4+$0xE468] =	vst.add.f32.msk @p0 $0xffff, v1  }
0x1af: {  	v1 =	vld @p0 [tilespmem:$0xE348];
	_ =	sdelay $0x4  }
0x1b0: {  	[tilespmem:s4+$0xE478] =	vst.add.f32.msk @p0 $0xffff, v1  }
0x1b1: {  	v1 =	vld @p0 [tilespmem:$0xE358];
	_ =	sdelay $0x4  }
0x1b2: {  	[tilespmem:s4+$0xE488] =	vst.add.f32.msk @p0 $0xffff, v1  }
0x1b3: {  	v1 =	vld @p0 [tilespmem:$0xE368];
	_ =	sdelay $0x4  }
0x1b4: {  	[tilespmem:s4+$0xE498] =	vst.add.f32.msk @p0 $0xffff, v1  }
0x1b5: {  	v1 =	vld @p0 [tilespmem:$0xE378];
	_ =	sdelay $0x4  }
0x1b6: {  	[tilespmem:s4+$0xE4A8] =	vst.add.f32.msk @p0 $0xffff, v1  }
0x1b7: {  	v1 =	vld @p0 [tilespmem:$0xE388];
	_ =	sdelay $0x4  }
0x1b8: {  	[tilespmem:s4+$0xE4B8] =	vst.add.f32.msk @p0 $0xffff, v1  }
0x1b9: {  	v1 =	vld @p0 [tilespmem:$0xE398];
	_ =	sdelay $0x4  }
0x1ba: {  	[tilespmem:s4+$0xE4C8] =	vst.add.f32.msk @p0 $0xffff, v1  }
0x1bb: {  	v1 =	vld @p0 [tilespmem:$0xE3A8];
	_ =	sdelay $0x4  }
0x1bc: {  	[tilespmem:s4+$0xE4D8] =	vst.add.f32.msk @p0 $0xffff, v1  }
0x1bd: {  	v1 =	vld @p0 [tilespmem:$0xE3B8];
	_ =	sdelay $0x4  }
0x1be: {  	[tilespmem:s4+$0xE4E8] =	vst.add.f32.msk @p0 $0xffff, v1  }
0x1bf: {  	v1 =	vld @p0 [tilespmem:$0xE3C8];
	_ =	sdelay $0x4  }
0x1c0: {  	[tilespmem:s4+$0xE4F8] =	vst.add.f32.msk @p0 $0xffff, v1  }
0x1c1: {  	v1 =	vld @p0 [tilespmem:$0xE3D8];
	_ =	sdelay $0x4  }
0x1c2: {  	[tilespmem:s4+$0xE508] =	vst.add.f32.msk @p0 $0xffff, v1  }
0x1c3: {  	v1 =	vld @p0 [tilespmem:$0xE3E8];
	_ =	sdelay $0x4  }
0x1c4: {  	[tilespmem:s4+$0xE518] =	vst.add.f32.msk @p0 $0xffff, v1  }
0x1c5: {  	v1 =	vld @p0 [tilespmem:$0xE3F8];
	_ =	sdelay $0x3  }
0x1c6: {  	s5 =	sshll.u32 @!p0 s3, $0xA  }
0x1c7: {  	s5 =	smov.u32 @p0 s0;
	[tilespmem:s4+$0xE528] =	vst.add.f32.msk @p0 $0xffff, v1  }
0x1c8: {  	s0 =	sshrl.u32 s5, $0x2;
	[tilespmem:s2+$0xE418] =	vst.msk $0x1, v0  }
0x1c9: {  	v0 =	vld [tilespmem:s0+$0xE438];
	_ =	sdelay $0x2  }
0x1ca: {  	s31 =	sshll.u32 s2, $0xA  }
0x1cb: {  	s4 =	sshra.s32 s31, $0x2  }
0x1cc: {  	[tilespmem:s4+$0xE438] =	vst v0  }
0x1cd: {  	v0 =	vld [tilespmem:s0+$0xE448];
	_ =	sdelay $0x4  }
0x1ce: {  	[tilespmem:s4+$0xE448] =	vst v0  }
0x1cf: {  	v0 =	vld [tilespmem:s0+$0xE458];
	_ =	sdelay $0x4  }
0x1d0: {  	[tilespmem:s4+$0xE458] =	vst v0  }
0x1d1: {  	v0 =	vld [tilespmem:s0+$0xE468];
	_ =	sdelay $0x4  }
0x1d2: {  	[tilespmem:s4+$0xE468] =	vst v0  }
0x1d3: {  	v0 =	vld [tilespmem:s0+$0xE478];
	_ =	sdelay $0x4  }
0x1d4: {  	[tilespmem:s4+$0xE478] =	vst v0  }
0x1d5: {  	v0 =	vld [tilespmem:s0+$0xE488];
	_ =	sdelay $0x4  }
0x1d6: {  	[tilespmem:s4+$0xE488] =	vst v0  }
0x1d7: {  	v0 =	vld [tilespmem:s0+$0xE498];
	_ =	sdelay $0x4  }
0x1d8: {  	[tilespmem:s4+$0xE498] =	vst v0  }
0x1d9: {  	v0 =	vld [tilespmem:s0+$0xE4A8];
	_ =	sdelay $0x4  }
0x1da: {  	[tilespmem:s4+$0xE4A8] =	vst v0  }
0x1db: {  	v0 =	vld [tilespmem:s0+$0xE4B8];
	_ =	sdelay $0x4  }
0x1dc: {  	[tilespmem:s4+$0xE4B8] =	vst v0  }
0x1dd: {  	v0 =	vld [tilespmem:s0+$0xE4C8];
	_ =	sdelay $0x4  }
0x1de: {  	[tilespmem:s4+$0xE4C8] =	vst v0  }
0x1df: {  	v0 =	vld [tilespmem:s0+$0xE4D8];
	_ =	sdelay $0x4  }
0x1e0: {  	[tilespmem:s4+$0xE4D8] =	vst v0  }
0x1e1: {  	v0 =	vld [tilespmem:s0+$0xE4E8];
	_ =	sdelay $0x4  }
0x1e2: {  	[tilespmem:s4+$0xE4E8] =	vst v0  }
0x1e3: {  	v0 =	vld [tilespmem:s0+$0xE4F8];
	_ =	sdelay $0x4  }
0x1e4: {  	[tilespmem:s4+$0xE4F8] =	vst v0  }
0x1e5: {  	v0 =	vld [tilespmem:s0+$0xE508];
	_ =	sdelay $0x4  }
0x1e6: {  	[tilespmem:s4+$0xE508] =	vst v0  }
0x1e7: {  	v0 =	vld [tilespmem:s0+$0xE518];
	_ =	sdelay $0x4  }
0x1e8: {  	[tilespmem:s4+$0xE518] =	vst v0  }
0x1e9: {  	v0 =	vld [tilespmem:s0+$0xE528];
	_ =	sdelay $0x4  }
0x1ea: {  	s2 =	sadd.s32 $0x1, s2;
	[tilespmem:s4+$0xE528] =	vst v0  }
.LBB2_37:
0x1eb: {  	s3 =	sadd.s32 $0x1, s3  }
0x1ec: {  	p0 =	sne.s32 s3, $0x20  }
.Ltmp24:
0x1ed: {  	_ = 	snop;
	(pc) =	sbr.rel @!p0 .LBB2_38-.Ltmp24, $1  }
0x1ee: {  	_ =	sdelay $0x3  }
.LBB2_30:
0x1ef: {  	v0 =	vld.msk [tilespmem:s3+$0xE418], $0x1;
	_ =	sdelay $0x4  }
0x1f0: {  	(v2sf) =	vpush v0, $0x0;
	_ =	sdelay $0xe  }
0x1f1: {  	s4 =	spop (v2sf)  }
0x1f2: {  	p0 =	seq.s32 s4, $0xFFFFFFFF  }
.Ltmp25:
0x1f3: {  	_ = 	snop;
	(pc) =	sbr.rel @p0 .LBB2_37-.Ltmp25, $1  }
0x1f4: {  	_ =	sdelay $0x3  }
0x1f5: {  	p0 =	slt.s32 s2, $0x1  }
.Ltmp26:
0x1f6: {  	_ = 	snop;
	(pc) =	sbr.rel @p0 .LBB2_36-.Ltmp26, $1  }
0x1f7: {  	_ =	sdelay $0x3  }
0x1f8: {  	s5 =	simm.s32 $0xE418;
	p0 =	por $0x0, $0x0  }
0x1f9: {  	v1 =	vld.msk @!p0 [tilespmem:s5+$0x0], $0x1;
	_ =	sdelay $0x4  }
0x1fa: {  	(v2sf) =	vpush @!p0 v1, $0x0;
	_ =	sdelay $0xd  }
0x1fb: {  	p2 =	sne.s32 s2, $0x1  }
.Ltmp27:
0x1fc: {  	s0 =	spop @!p0 (v2sf);
	(pc) =	sbr.rel @!p2 .LBB2_34-.Ltmp27, $4  }
0x1fd: {  	p1 =	seq.s32 @!p0 s4, s0  }
0x1fe: {  	s6 =	simm.s32 $0x0;
	p1 =	por !p1, p0  }
0x1ff: {  	s0 =	simm.s32 $0xFFFFFFFF;
	s6 =	simm.s32 @p1 $0xFFFFFFFF  }
0x200: {  	s7 =	simm.s32 $0x1;
	s6 =	smov.u32 @p0 s0  }
.LBB2_33:
0x201: {  	s0 =	smov.u32 s6;
	p0 =	sne.s32 s6, $0xFFFFFFFF  }
0x202: {  	s5 =	sadd.s32 $0x1, s5;
	s6 =	smov.u32 s7;
	s7 =	sadd.s32 $0x1, s7  }
0x203: {  	p1 =	sne.s32 s2, s7;
	v1 =	vld.msk @!p0 [tilespmem:s5+$0x0], $0x1;
	_ =	sdelay $0x4  }
0x204: {  	(v2sf) =	vpush @!p0 v1, $0x0;
	_ =	sdelay $0xe  }
.Ltmp28:
0x205: {  	s8 =	spop @!p0 (v2sf);
	(pc) =	sbr.rel @p1 .LBB2_33-.Ltmp28, $4  }
0x206: {  	p2 =	seq.s32 @!p0 s4, s8  }
0x207: {  	p2 =	por !p2, p0  }
0x208: {  	s6 =	simm.s32 @p2 $0xFFFFFFFF  }
0x209: {  	s6 =	smov.u32 @p0 s0  }
.LBB2_34:
0x20a: {  	p0 =	seq.s32 s6, $0xFFFFFFFF  }
.Ltmp29:
0x20b: {  	_ = 	snop;
	(pc) =	sbr.rel @p0 .LBB2_36-.Ltmp29, $1  }
0x20c: {  	_ =	sdelay $0x3  }
0x20d: {  	s0 =	sshll.u32 s3, $0x8  }
0x20e: {  	s0 =	sand.u32 $0x3FFFFF00, s0  }
0x20f: {  	v0 =	vld [tilespmem:s0+$0xE438];
	_ =	sdelay $0x2  }
0x210: {  	s4 =	sshll.u32 s6, $0xA  }
0x211: {  	s4 =	sshra.s32 s4, $0x2  }
0x212: {  	[tilespmem:s4+$0xE438] =	vst.add.f32.msk $0xffff, v0  }
0x213: {  	v0 =	vld [tilespmem:s0+$0xE448];
	_ =	sdelay $0x4  }
0x214: {  	[tilespmem:s4+$0xE448] =	vst.add.f32.msk $0xffff, v0  }
0x215: {  	v0 =	vld [tilespmem:s0+$0xE458];
	_ =	sdelay $0x4  }
0x216: {  	[tilespmem:s4+$0xE458] =	vst.add.f32.msk $0xffff, v0  }
0x217: {  	v0 =	vld [tilespmem:s0+$0xE468];
	_ =	sdelay $0x4  }
0x218: {  	[tilespmem:s4+$0xE468] =	vst.add.f32.msk $0xffff, v0  }
0x219: {  	v0 =	vld [tilespmem:s0+$0xE478];
	_ =	sdelay $0x4  }
0x21a: {  	[tilespmem:s4+$0xE478] =	vst.add.f32.msk $0xffff, v0  }
0x21b: {  	v0 =	vld [tilespmem:s0+$0xE488];
	_ =	sdelay $0x4  }
0x21c: {  	[tilespmem:s4+$0xE488] =	vst.add.f32.msk $0xffff, v0  }
0x21d: {  	v0 =	vld [tilespmem:s0+$0xE498];
	_ =	sdelay $0x4  }
0x21e: {  	[tilespmem:s4+$0xE498] =	vst.add.f32.msk $0xffff, v0  }
0x21f: {  	v0 =	vld [tilespmem:s0+$0xE4A8];
	_ =	sdelay $0x4  }
0x220: {  	[tilespmem:s4+$0xE4A8] =	vst.add.f32.msk $0xffff, v0  }
0x221: {  	v0 =	vld [tilespmem:s0+$0xE4B8];
	_ =	sdelay $0x4  }
0x222: {  	[tilespmem:s4+$0xE4B8] =	vst.add.f32.msk $0xffff, v0  }
0x223: {  	v0 =	vld [tilespmem:s0+$0xE4C8];
	_ =	sdelay $0x4  }
0x224: {  	[tilespmem:s4+$0xE4C8] =	vst.add.f32.msk $0xffff, v0  }
0x225: {  	v0 =	vld [tilespmem:s0+$0xE4D8];
	_ =	sdelay $0x4  }
0x226: {  	[tilespmem:s4+$0xE4D8] =	vst.add.f32.msk $0xffff, v0  }
0x227: {  	v0 =	vld [tilespmem:s0+$0xE4E8];
	_ =	sdelay $0x4  }
0x228: {  	[tilespmem:s4+$0xE4E8] =	vst.add.f32.msk $0xffff, v0  }
0x229: {  	v0 =	vld [tilespmem:s0+$0xE4F8];
	_ =	sdelay $0x4  }
0x22a: {  	[tilespmem:s4+$0xE4F8] =	vst.add.f32.msk $0xffff, v0  }
0x22b: {  	v0 =	vld [tilespmem:s0+$0xE508];
	_ =	sdelay $0x4  }
0x22c: {  	[tilespmem:s4+$0xE508] =	vst.add.f32.msk $0xffff, v0  }
0x22d: {  	v0 =	vld [tilespmem:s0+$0xE518];
	_ =	sdelay $0x4  }
0x22e: {  	[tilespmem:s4+$0xE518] =	vst.add.f32.msk $0xffff, v0  }
0x22f: {  	v0 =	vld [tilespmem:s0+$0xE528]  }
.Ltmp30:
0x230: {  	_ = 	snop;
	(pc) =	sbr.rel .LBB2_37-.Ltmp30, $2  }
0x231: {  	_ =	sdelay $0x2  }
0x232: {  	[tilespmem:s4+$0xE528] =	vst.add.f32.msk $0xffff, v0  }
.LBB2_38:
0x233: {  	p0 =	slt.s32 s2, $0x1  }
.Ltmp31:
0x234: {  	_ = 	snop;
	(pc) =	sbr.rel @p0 .LBB2_42-.Ltmp31, $3  }
0x235: {  	_ =	sdelay $0x1  }
0x236: {  	s0 =	simm.s32 $0x6  }
0x237: {  	[sflag:s0] =	ssyncpa.u1 $0x1;
	s0 =	simm.s32 $0x0  }
0x238: {  	s3 =	simm.s32 $0xE418  }
0x239: {  	v0 =	vld.msk [tilespmem:s3+$0x0], $0x1;
	_ =	sdelay $0x4  }
0x23a: {  	(v2sf) =	vpush v0, $0x0;
	_ =	sdelay $0xe  }
0x23b: {  	s2 =	sadd.s32 $0xFFFFFFFF, s2;
	s4 =	spop (v2sf)  }
0x23c: {  	s5 =	simm.s32 $0xE438;
	p0 =	sne.s32 s2, $0x0;
	p1 =	sgt.u32 s4, $0x4E170  }
.Ltmp32:
0x23d: {  	s3 =	simm.s32 $0xE538;
	s6 =	sand.u32 @!p1 $0x7FFF8, s4;
	(pc) =	sbr.rel @!p0 .LBB2_41-.Ltmp32, $4  }
0x23e: {  	s7 =	sadd.s32 @!p1 $0x80, s4;
	s8 =	sadd.s32 @!p1 s1, s6;
	s6 =	sand.u32 @!p1 $0x7, s4  }
0x23f: {  	[hbm4b:s8+s6] =	stream.linear.scatter @!p1 [tilespmem:s5], [sflag:$0x5], $0x80, $0x38;
	[tilespmem:$0x1E668] =	vst v63  }
0x240: {  	s0 =	simm.s32 @!p1 $0x400;
	s4 =	simm.s32 $0xE419;
	s5 =	sand.u32 @!p1 $0xFFFF8, s7  }
0x241: {  	s7 =	simm.s32 @!p1 $0xE4B8;
	s8 =	sadd.s32 @!p1 s1, s5;
	s5 =	sadd.s32 $0x0, s0  }
.LBB2_40:
0x242: {  	[hbm4b:s8+s6] =	stream.linear.scatter @!p1 [tilespmem:s7], [sflag:$0x5], $0x80, $0x38;
	[tilespmem:$0x1E668] =	vst v63  }
0x243: {  	s2 =	sadd.s32 $0xFFFFFFFF, s2;
	s0 =	smov.u32 s3;
	v0 =	vld.msk [tilespmem:s4+$0x0], $0x1  }
0x244: {  	p0 =	sne.s32 s2, $0x0;
	_ =	sdelay $0x3  }
0x245: {  	(v2sf) =	vpush v0, $0x0;
	_ =	sdelay $0xe  }
0x246: {  	s3 =	sadd.s32 $0x100, s3;
	s9 =	simm.s32 $0x0;
	s6 =	spop (v2sf)  }
.Ltmp33:
0x247: {  	s4 =	sadd.s32 $0x1, s4;
	p1 =	sgt.u32 s6, $0x4E170;
	(pc) =	sbr.rel @p0 .LBB2_40-.Ltmp33, $4  }
0x248: {  	s9 =	simm.s32 @!p1 $0x400;
	s7 =	sand.u32 @!p1 $0x7FFF8, s6;
	s8 =	sadd.s32 @!p1 $0x80, s6  }
0x249: {  	s6 =	sand.u32 @!p1 $0x7, s6;
	s7 =	sadd.s32 @!p1 s1, s7;
	s8 =	sand.u32 @!p1 $0xFFFF8, s8  }
0x24a: {  	[hbm4b:s7+s6] =	stream.linear.scatter @!p1 [tilespmem:s0], [sflag:$0x5], $0x80, $0x38;
	[tilespmem:$0x1E668] =	vst v63  }
0x24b: {  	s5 =	sadd.s32 s5, s9;
	s7 =	sadd.s32 @!p1 $0x80, s0;
	s8 =	sadd.s32 @!p1 s1, s8  }
.LBB2_41:
0x24c: {  	[hbm4b:s8+s6] =	stream.linear.scatter @!p1 [tilespmem:s7], [sflag:$0x5], $0x80, $0x38;
	[tilespmem:$0x1E668] =	vst v63  }
0x24d: {  	s0 =	sshrl.u32 s5, $0x2  }
.LBB2_42:
0x24e: {  	s1 =	simm.s32 $0x5  }
0x24f: {  	_ =	swait.ge [sflag:s1], s0  }
0x250: {  	s29 =	ssub.s32 $0x0, s0;
	[sflag:s1] =	ssyncset.done $0x0  }
0x251: {  	[sflag:s1] =	ssyncadd.s32 s29  }
0x252: {  	[sflag:s1] =	ssyncpa.u1 $0x1  }
0x253: {  	s30 =	simm.s32 $0x1;
	_ =	sfence  }
0x254: {  	[sflag:s30] =	ssyncpa.u1 $0x1  }
0x255: {  	_ =	strace $0x90000050  }
0x256: {  	[bflag:$0x2] =	sbarrier.arrive $0xFFFF  }
0x257: {  	s31 =	rddreg [dreg:$0x2]  }
0x258: {  	s0 =	sadd.s32 $0x100000, s31  }
0x259: {  	[sflag:s0] =	ssyncadd.tile.s32 $0x1;
	_ =	shalt  }
.Lfunc_end2:
_tile_overlayer_lowered:
.L_overlay_start_2:
0x25a: {  	(tag) =	ssettag $0x2  }
0x25b: {  	s0 =	rddreg [dreg:$0x0];
	s2 =	stileid.u32  }
0x25c: {  	s1 =	rddreg [dreg:$0x1];
	p0 =	sne.s32 s2, $0x0  }
0x25d: {  	s3 =	rddreg [dreg:$0x2];
	[bflag:$0x3] =	sbarrier.arrive $0xFFFF;
	s2 =	simm.s32 @!p0 $0x1C01  }
0x25e: {  	[timem:s3], [sflag:s2] =	dma.local @!p0 [hbm:s0], s1  }
0x25f: {  	s0 =	simm.s32 @!p0 $0x1  }
0x260: {  	_ =	swait.ge @!p0 [sflag:s0], s1  }
0x261: {  	s1 =	ssub.s32 @!p0 $0x0, s1;
	[sflag:s0] =	ssyncset.done @!p0 $0x0  }
0x262: {  	[sflag:s0] =	ssyncadd.s32 @!p0 s1  }
0x263: {  	[bflag:$0x3] =	sbarrier.arrive $0xFFFF  }
0x264: {  	_ =	shalt  }

// kernel: scatter_offload_async_start.4
scs
__scs_entry_jumppad:
0x0: {  	(pc) =	sbr.rel $0x88, $3  }
0x1: {  	(tag) =	ssettag $0x0;
	lr =	simm.s32 $0x1  }
0x2: {  	[smem:$0x3F96] =	sst lr;
	_ =	strace $0xD0000000  }
0x3: {  	_ = 	snop  }
0x4: {  	_ = 	snop  }
0x5: {  	_ = 	snop  }
0x6: {  	_ = 	snop  }
0x7: {  	_ = 	snop  }
__scs_overlays_trampoline_lowered:
0x8: {  	[smem:$0x3FA5] =	sst s0  }
0x9: {  	[smem:$0x3FA6] =	sst s1  }
0xa: {  	[smem:$0x3FA7] =	sst s2  }
0xb: {  	[smem:$0x3FA8] =	sst s3  }
0xc: {  	[smem:$0x3FA9] =	sst s4  }
0xd: {  	[smem:$0x3FAA] =	sst s5  }
0xe: {  	[smem:$0x3FAB] =	sst s6  }
0xf: {  	[smem:$0x3FAC] =	sst s7  }
0x10: {  	[smem:$0x3FAD] =	sst s8  }
0x11: {  	[smem:$0x3FAE] =	sst s9;
	s0 =	simm.s32 @!p0 $0x0  }
0x12: {  	s1 =	sld [smem:$0x3F94];
	s0 =	simm.s32 @p0 $0x1  }
0x13: {  	[smem:$0x3FAF] =	sst s0;
	s0 =	simm.s32 @!p1 $0x0  }
0x14: {  	s2 =	sld [smem:$0x3F93];
	s0 =	simm.s32 @p1 $0x1  }
0x15: {  	[smem:$0x3FB0] =	sst s0;
	s0 =	simm.s32 @!p2 $0x0  }
0x16: {  	s3 =	sld [smem:$0x3FDB];
	s0 =	simm.s32 @p2 $0x1  }
0x17: {  	s4 =	simm.s32 $0x1BF5;
	[smem:$0x3FB2] =	sst s0  }
0x18: {  	s0 =	sld [smem:$0x3F95];
	_ =	swait.ge [sflag:s4], $0x0  }
0x19: {  	s7 =	sld [smem:$0x3F96]  }
0x1a: {  	s8 =	sadd.s32 $0xFFFFE003, lr  }
0x1b: {  	s9 =	sadd.s32 $0xFFFFFEF7, lr;
	s5 =	simm.s32 $0xFFFFFFFF;
	p2 =	slt.u32 s8, $0xFFFFF086  }
0x1c: {  	p1 =	slt.u32 s9, $0xF7A;
	s5 =	simm.s32 @!p2 $0x0  }
0x1d: {  	s5 =	simm.s32 @p1 $0x1;
	p0 =	seq.s32 s7, s2  }
0x1e: {  	s7 =	smul.u32 @!p0 $0xF7A, s2;
	p2 =	seq.s32 @!p0 s5, $0x0  }
0x1f: {  	s9 =	smul.u32 $0xF7A, s1;
	s8 =	simm.s32 @!p0 $0x1BF5;
	p2 =	por !p2, p0  }
0x20: {  	[sflag:s8] =	ssyncset.s32 @!p0 $0xFFFFF086;
	s6 =	sadd.s32 @!p0 s3, s7;
	s7 =	simm.s32 @!p0 $0x108  }
0x21: {  	s3 =	sadd.s32 s3, s9;
	s6 =	sadd.s32 @!p0 $0x88, s6;
	s7 =	simm.s32 @p2 $0x1082  }
0x22: {  	[simem:s7], [sflag:s8] =	dma.local @!p0 [hbm:s6], $0xF7A  }
0x23: {  	s9 =	sor.u32 $0xD0000000, s2;
	s6 =	simm.s32 $0x108;
	_ =	swait.ge @!p0 [sflag:s8], $0x0  }
0x24: {  	s3 =	sadd.s32 $0x88, s3;
	s6 =	simm.s32 @!p1 $0x1082;
	[sflag:s4] =	ssyncset.s32 $0xFFFFF086  }
0x25: {  	[simem:s6], [sflag:s4] =	dma.local [hbm:s3], $0xF7A  }
0x26: {  	[smem:$0x3F96] =	sst s1;
	(tag) =	ssettag s2;
	_ =	strace s9  }
0x27: {  	s1 =	sld [smem:$0x3FA6]  }
0x28: {  	s2 =	sld [smem:$0x3FA7]  }
0x29: {  	s4 =	sld [smem:$0x3FA9]  }
0x2a: {  	p0 =	seq.s32 s5, $0x0;
	s5 =	sld [smem:$0x3FAA]  }
0x2b: {  	s6 =	sld [smem:$0x3FAB]  }
0x2c: {  	s7 =	sld [smem:$0x3FAC]  }
0x2d: {  	s3 =	simm.s32 $0x108;
	s8 =	sld [smem:$0x3FAD]  }
0x2e: {  	s3 =	simm.s32 @!p0 $0x1082;
	s9 =	sld [smem:$0x3FAE]  }
0x2f: {  	lr =	sadd.s32 s0, s3;
	s0 =	sld [smem:$0x3FA5]  }
0x30: {  	s3 =	sld [smem:$0x3FA8]  }
0x31: {  	[smem:$0x3FB1] =	sst s10  }
0x32: {  	s10 =	sld [smem:$0x3FAF];
	_ =	sdelay $0x3  }
0x33: {  	p0 =	seq.s32 s10, $0x1;
	s10 =	sld [smem:$0x3FB1];
	_ =	sdelay $0x3  }
0x34: {  	[smem:$0x3FB1] =	sst s10  }
0x35: {  	s10 =	sld [smem:$0x3FB0];
	_ =	sdelay $0x3  }
0x36: {  	p1 =	seq.s32 s10, $0x1;
	s10 =	sld [smem:$0x3FB1];
	_ =	sdelay $0x3  }
0x37: {  	[smem:$0x3FB1] =	sst s10  }
0x38: {  	s10 =	sld [smem:$0x3FB2]  }
0x39: {  	_ = 	snop;
	(pc) =	sbr.ind lr, $3  }
0x3a: {  	_ = 	snop  }
0x3b: {  	_ = 	snop  }
0x3c: {  	p2 =	seq.s32 s10, $0x1;
	s10 =	sld [smem:$0x3FB1]  }
0x3d: {  	_ =	shalt  }
0x3e: {  	_ =	shalt  }
0x3f: {  	_ =	shalt  }
0x40: {  	_ =	shalt  }
0x41: {  	_ =	shalt  }
0x42: {  	_ =	shalt  }
0x43: {  	_ =	shalt  }
0x44: {  	_ =	shalt  }
0x45: {  	_ =	shalt  }
0x46: {  	_ =	shalt  }
0x47: {  	_ =	shalt  }
0x48: {  	_ =	shalt  }
0x49: {  	_ =	shalt  }
0x4a: {  	_ =	shalt  }
0x4b: {  	_ =	shalt  }
0x4c: {  	_ =	shalt  }
0x4d: {  	_ =	shalt  }
0x4e: {  	_ =	shalt  }
0x4f: {  	_ =	shalt  }
0x50: {  	_ =	shalt  }
0x51: {  	_ =	shalt  }
0x52: {  	_ =	shalt  }
0x53: {  	_ =	shalt  }
0x54: {  	_ =	shalt  }
0x55: {  	_ =	shalt  }
0x56: {  	_ =	shalt  }
0x57: {  	_ =	shalt  }
0x58: {  	_ =	shalt  }
0x59: {  	_ =	shalt  }
0x5a: {  	_ =	shalt  }
0x5b: {  	_ =	shalt  }
0x5c: {  	_ =	shalt  }
0x5d: {  	_ =	shalt  }
0x5e: {  	_ =	shalt  }
0x5f: {  	_ =	shalt  }
0x60: {  	_ =	shalt  }
0x61: {  	_ =	shalt  }
0x62: {  	_ =	shalt  }
0x63: {  	_ =	shalt  }
0x64: {  	_ =	shalt  }
0x65: {  	_ =	shalt  }
0x66: {  	_ =	shalt  }
0x67: {  	_ =	shalt  }
0x68: {  	_ =	shalt  }
0x69: {  	_ =	shalt  }
0x6a: {  	_ =	shalt  }
0x6b: {  	_ =	shalt  }
0x6c: {  	_ =	shalt  }
0x6d: {  	_ =	shalt  }
0x6e: {  	_ =	shalt  }
0x6f: {  	_ =	shalt  }
0x70: {  	_ =	shalt  }
0x71: {  	_ =	shalt  }
0x72: {  	_ =	shalt  }
0x73: {  	_ =	shalt  }
0x74: {  	_ =	shalt  }
0x75: {  	_ =	shalt  }
0x76: {  	_ =	shalt  }
0x77: {  	_ =	shalt  }
0x78: {  	_ =	shalt  }
0x79: {  	_ =	shalt  }
0x7a: {  	_ =	shalt  }
0x7b: {  	_ =	shalt  }
0x7c: {  	_ =	shalt  }
0x7d: {  	_ =	shalt  }
0x7e: {  	_ =	shalt  }
0x7f: {  	_ =	shalt  }
0x80: {  	_ =	shalt  }
0x81: {  	_ =	shalt  }
0x82: {  	_ =	shalt  }
0x83: {  	_ =	shalt  }
0x84: {  	_ =	shalt  }
0x85: {  	_ =	shalt  }
0x86: {  	_ =	shalt  }
0x87: {  	_ =	shalt  }
.Lfunc_end0:
.L_simem_size_0:
called_computation.4_lowered:
.L_overlay_start_0:
0x88: {  	s0 =	sld [smem:$0x3FD9]  }
0x89: {  	s1 =	sld [smem:$0x3FFE];
	_ =	sdelay $0x3  }
0x8a: {  	s0 =	sadd.s32 s1, s0  }
0x8b: {  	[smem:$0x3FBD] =	sst s0  }
0x8c: {  	_ = 	snop  }
0x8d: {  	s0 =	sld [smem:$0x3FD0];
	_ =	sdelay $0x2  }
0x8e: {  	s13 =	simm.s32 $0xC;
	s2 =	simm.s32 $0x10  }
0x8f: {  	[smem:s2], [sflag:s13] =	dma.local [hbm:s0], $0x1  }
0x90: {  	_ =	swait.eq [sflag:s13], $0x1  }
0x91: {  	[sflag:s13] =	ssyncset.done $0x0  }
0x92: {  	[sflag:s13] =	ssyncadd.s32 $0xFFFFFFFF  }
0x93: {  	s14 =	sld [smem:$0x10];
	(tm) =	ssettm $0x1  }
0x94: {  	s15 =	sld [smem:$0x3FFB];
	_ =	sdelay $0x3  }
0x95: {  	_ =	strace s15  }
0x96: {  	s1 =	sld [smem:$0x3FFC];
	_ =	sdelay $0x3  }
0x97: {  	_ =	strace s1  }
0x98: {  	s1 =	sld [smem:$0x3FFD];
	_ =	sdelay $0x3  }
0x99: {  	_ =	strace s1  }
0x9a: {  	_ =	strace $0x8FFFFFFF  }
0x9b: {  	s16 =	sld [smem:$0x3FDB];
	_ =	sdelay $0x1  }
0x9c: {  	s17 =	simm.s32 $_scs_section_size  }
0x9d: {  	s3 =	simm.s32 $_size__tile_overlayer_lowered;
	s4 =	simm.s32 $_tile_overlayer_lowered  }
0x9e: {  	s20 =	simm.s32 $0x1BFF;
	s19 =	sshll.u32 s4, $0x1;
	s1 =	sadd.s32 s17, s16  }
0x9f: {  	s5 =	simm.s32 $0x0;
	s18 =	sshll.u32 s3, $0x1;
	s3 =	sadd.s32 s19, s1  }
0xa0: {  	[timem:s5], [sflag:s20] =	dma.local [hbm:s3], s18  }
0xa1: {  	_ =	swait.ge [sflag:s20], s18  }
0xa2: {  	s2 =	ssub.s32 $0x0, s18;
	[sflag:s20] =	ssyncset.done $0x0  }
0xa3: {  	[sflag:s20] =	ssyncadd.s32 s2;
	_ =	sdelay $0x1  }
0xa4: {  	s21 =	simm.s32 $0x1B8B  }
0xa5: {  	_ =	swait.ge [sflag:s21], $0x1  }
0xa6: {  	[sflag:s21] =	ssyncset.done $0x0  }
0xa7: {  	s23 =	simm.s32 $0x1B8E;
	s22 =	sld [smem:$0x3FFE];
	[sflag:s21] =	ssyncadd.s32 $0xFFFFFFFF  }
0xa8: {  	s24 =	simm.s32 $execute0_lowered;
	[smem:$0x3FD2] =	sst s23  }
0xa9: {  	s3 =	sshll.u32 s24, $0x1;
	_ =	strace $0x80000052;
	[dreg:$0x1] =	wrdreg $0xFFFFFFFF  }
0xaa: {  	s25 =	simm.s32 $_size_execute0_lowered;
	s1 =	sadd.s32 s1, s3;
	[dreg:$0x0] =	wrdreg $0x0  }
0xab: {  	s3 =	sshll.u32 s25, $0x1;
	[dreg:$0x2] =	wrdreg s1  }
0xac: {  	[dreg:$0x3] =	wrdreg s3  }
0xad: {  	[dreg:$0x4] =	wrdreg $0xC0  }
0xae: {  	_ =	task [dreg:s5], $0x5FFFF  }
0xaf: {  	[dreg:$0x1] =	wrdreg $0xFFFFFFFF  }
0xb0: {  	[dreg:$0x0] =	wrdreg $0x60  }
0xb1: {  	[dreg:$0x2] =	wrdreg s22  }
0xb2: {  	[dreg:$0x3] =	wrdreg s14  }
0xb3: {  	[dreg:$0x4] =	wrdreg $0x9  }
0xb4: {  	_ =	task.clear_ibuf [dreg:s5], $0x5FFFF;
	_ =	strace $0x90000052  }
0xb5: {  	s26 =	simm.s32 $0x9;
	_ =	strace $0x80000054  }
0xb6: {  	_ =	swait.ge [sflag:s26], $0x1  }
0xb7: {  	[sflag:s26] =	ssyncadd.s32 $0xFFFFFFFF  }
0xb8: {  	_ =	strace $0x90000054  }
0xb9: {  	_ =	sfence  }
0xba: {  	s28 =	sld [smem:$0x0];
	_ =	sdelay $0x1  }
0xbb: {  	s29 =	srdreg.scid  }
0xbc: {  	s30 =	sshll.u32 s29, $0xD;
	s31 =	sshrl.u32 s29, $0x2  }
0xbd: {  	s2 =	sand.u32 $0x4000, s30;
	s1 =	sand.u32 $0x1, s29;
	s0 =	sadd.s32 s31, s28  }
0xbe: {  	s1 =	sor.u32 s2, s1;
	s0 =	sshll.u32 s0, $0x11  }
0xbf: {  	s0 =	sor.u32 s0, s1  }
0xc0: {  	s0 =	sadd.s32 $0x8F2B, s0  }
0xc1: {  	[sflag:s0] =	ssyncadd.remote.s32 $0x1  }
0xc2: {  	_ =	sfence.sel $0xFFFF  }
0xc3: {  	[dreg:$0x0] =	wrdreg $0xFFFFFFFF;
	(pc) =	sbr.abs _section_cstart, $3  }
0xc4: {  	[dreg:$0x1] =	wrdreg $0xFFFFFFFF  }
0xc5: {  	_ =	task.clear_ibuf [dreg:s5], $0x2FFFF;
	_ =	strace $0x9FFFFFFF  }
0xc6: {  	(tm) =	ssettm $0x7FFFFFFF  }
0xc7: {  	_ =	shalt  }
tec
execute0_lowered:
.L_overlay_start_1:
0x0: {  	(tag) =	ssettag $0x1  }
0x1: {  	s0 =	rddreg [dreg:$0x0];
	s3 =	stileid.u32  }
0x2: {  	_ =	strace $0x80000053;
	s2 =	simm.s32 $0x1;
	s1 =	smin.u32 s3, $0x9  }
0x3: {  	[sflag:s2] =	ssyncpa.u1 $0x0;
	s1 =	sadd.s32 s3, s1  }
0x4: {  	v1 =	vimm.s32 $0xFFFFFFFF;
	p0 =	slt.u32 s3, $0x9;
	s4 =	smul.u32 $0x1A90, s1;
	s1 =	simm.s32 $0x3520  }
0x5: {  	[tilespmem:$0x10] =	vst v1;
	s1 =	simm.s32 @!p0 $0x1A90  }
0x6: {  	v0 =	vimm.f32 $0.0e+00;
	[tilespmem:$0x20] =	vst v1;
	s1 =	sadd.s32 s1, s4  }
0x7: {  	[tilespmem:$0x30] =	vst v0;
	s5 =	smin.u32 s1, $0x29810  }
0x8: {  	[tilespmem:$0x40] =	vst v0;
	s9 =	ssub.s32 s5, s4  }
0x9: {  	s7 =	simm.s32 $0x2;
	[tilespmem:$0x50] =	vst v0;
	p0 =	sgt.s32 s9, $0x0  }
0xa: {  	s8 =	simm.s32 $0x8;
	s31 =	simm.s32 $0x9;
	[tilespmem:$0x60] =	vst v1;
	s9 =	simm.s32 @!p0 $0x0  }
0xb: {  	s16 =	simm.s32 $0x0;
	s17 =	simm.s32 $0xF0;
	[tilespmem:$0x70] =	vst v1;
	s30 =	smulhi.u32 $0x134679AD, s9  }
0xc: {  	s18 =	simm.s32 $0xFFFFFFFF;
	s19 =	simm.s32 $0xFFFFCBE0;
	s20 =	simm.s32 $0xFFFFFFFE;
	[tilespmem:$0x80] =	vst v1  }
0xd: {  	s21 =	simm.s32 $0xF;
	s25 =	simm.s32 $0x0;
	v1 =	vimm.s32 $0x0;
	[tilespmem:$0xB0] =	vst v0;
	s10 =	sshrl.u32 s30, $0x9  }
0xe: {  	s24 =	simm.s32 $0x0;
	s6 =	sadd.s32 $0xFC00, s0;
	[tilespmem:$0x90] =	vst v1;
	s11 =	smul.u32 $0x1A90, s10  }
0xf: {  	s14 =	sshllo.u32 s3, $0x1;
	[tilespmem:$0xA0] =	vst v1;
	[sflag:s7] =	ssyncpa.u1 $0x0;
	s7 =	simm.s32 $0x7  }
.Ltmp0:
0x10: {  	[sflag:s7] =	ssyncpa.u1 $0x0;
	p0 =	sne.s32 s9, s11;
	(pc) =	sbr.rel .LBB2_1-.Ltmp0, $4  }
0x11: {  	[sflag:s8] =	ssyncpa.u1 $0x0;
	s23 =	smov.u32 s4;
	s2 =	simm.s32 @!p0 $0x0  }
0x12: {  	s1 =	sadd.s32 $0x15000, s0;
	[sflag:s31] =	ssyncpa.u1 $0x0;
	s9 =	sadd.s32 s2, s10  }
0x13: {  	vm0 =	vmmov $0xffff;
	v2 =	vlaneseq.u32;
	p0 =	por $0x0, $0x0;
	s10 =	sshll.u32 s3, $0x1;
	s11 =	sadd.s32 $0x1, s9  }
0x14: {  	vm1 =	vmxor vm1, vm1;
	vm2 =	vmmov $0x1;
	vm3 =	vcmask $0x3F3C;
	s12 =	sadd.s32 $0x2, s9;
	s13 =	sor.u32 $0x81, s10;
	s15 =	sor.u32 $0x80, s10  }
.LBB2_9:
0x15: {  	p1 =	slt.u32 s24, $0x3  }
0x16: {  	s0 =	simm.s32 @!p1 $0x2  }
0x17: {  	_ =	swait.ge @!p1 [sflag:s0], $0x1A90  }
0x18: {  	[sflag:s0] =	ssyncset.done @!p1 $0x0  }
0x19: {  	[sflag:s0] =	ssyncadd.s32 @!p1 $0xFFFFE570;
	s0 =	simm.s32 @!p1 $0x9  }
0x1a: {  	_ =	swait.ge @!p1 [sflag:s0], $0x10  }
0x1b: {  	[sflag:s0] =	ssyncset.done @!p1 $0x0  }
0x1c: {  	[sflag:s0] =	ssyncadd.s32 @!p1 $0xFFFFFFF0;
	p1 =	sne.s32 s24, s12  }
.Ltmp1:
0x1d: {  	s2 =	sadd.s32 $0x1A90, s23;
	(pc) =	sbr.rel @!p1 .LBB2_10-.Ltmp1, $4  }
0x1e: {  	s3 =	smov.u32 s4;
	s31 =	sadd.s32 $0x1, s24;
	s17 =	sadd.s32 $0x1A90, s17  }
0x1f: {  	s18 =	sadd.s32 $0x1, s18;
	s25 =	smov.u32 s23;
	p2 =	slt.s32 s2, s5  }
0x20: {  	p0 =	por !p0, !p0;
	s19 =	sadd.s32 $0x1A90, s19;
	s3 =	smov.u32 @p2 s2  }
0x21: {  	s20 =	sadd.s32 $0x1, s20;
	s23 =	smov.u32 s3;
	s24 =	smov.u32 s31  }
.LBB2_1:
0x22: {  	p1 =	sge.u32 s24, s9  }
0x23: {  	s0 =	smulhi.u32 @!p1 $0xAAAAAAAB, s24;
	_ =	sdelay $0x1  }
0x24: {  	s0 =	sshrl.u32 @!p1 s0, $0x1  }
0x25: {  	s0 =	smul.u32 @!p1 $0x3, s0;
	_ =	sdelay $0x1  }
0x26: {  	s0 =	ssub.s32 @!p1 s24, s0  }
0x27: {  	s0 =	smul.u32 @!p1 $0x6A40, s0;
	_ =	sdelay $0x1  }
0x28: {  	s3 =	rddreg [dreg:$0x1];
	s2 =	sshrl.u32 @!p1 s23, $0x3;
	s0 =	sshrl.u32 @!p1 s0, $0x2  }
0x29: {  	s22 =	sand.u32 @!p1 $0x7, s23;
	s2 =	sadd.s32 @!p1 s3, s2;
	s0 =	sadd.s32 @!p1 $0x100, s0  }
0x2a: {  	[tilespmem:s0], [sflag:$0x7] =	stream.linear.gather @!p1 [hbm4b:s2+s22], $0x1A90, $0x38;
	[tilespmem:$0xF030] =	vst v63  }
0x2b: {  	s0 =	sadd.s32 $0xFFFFFFFF, s24  }
0x2c: {  	p1 =	sge.u32 s0, s9  }
.Ltmp2:
0x2d: {  	_ = 	snop;
	(pc) =	sbr.rel @p1 .LBB2_5-.Ltmp2, $1  }
0x2e: {  	_ =	sdelay $0x3  }
0x2f: {  	s2 =	smulhi.u32 $0xAAAAAAAB, s0;
	_ =	sdelay $0x1  }
0x30: {  	s2 =	sshrl.u32 s2, $0x1  }
0x31: {  	s2 =	smul.u32 $0x3, s2;
	_ =	sdelay $0x1  }
0x32: {  	s2 =	ssub.s32 s0, s2  }
0x33: {  	s2 =	smul.u32 $0x6A40, s2  }
0x34: {  	_ =	swait.ge [sflag:s7], $0x1A90  }
0x35: {  	[sflag:s7] =	ssyncset.done $0x0;
	s2 =	sshrl.u32 s2, $0x2  }
0x36: {  	[sflag:s7] =	ssyncadd.s32 $0xFFFFE570;
	(ifvalue) =	ssetifvalue $0xFFFFFFFF;
	v3 =	vld.msk [tilespmem:s2+$0x100 ss:$0x1], $0xffff;
	_ =	sdelay $0x2  }
0x37: {  	s30 =	smulhi.u32 $0xAAAAAAAB, s18;
	p1 =	sne.s32 s24, $0x1  }
0x38: {  	v4 =	vimm.s32 @!p1 $0x0  }
0x39: {  	s2 =	sshrl.u32 s30, $0x1;
	v4 =	vperm.xlane @!p1 v3, v4  }
0x3a: {  	s22 =	sshll.u32 s24, $0x4;
	s2 =	smul.u32 $0xFFFEC140, s2;
	vm4 =	vlt.u32 v3, $0x2800  }
0x3b: {  	s22 =	sand.u32 $0x10, s22;
	v3 =	vnsel vm4, $0xFFFFFFFE, v3;
	vm4 =	vlt.u32 @!p1 v4, $0x2800  }
0x3c: {  	s2 =	sshra.s32 s2, $0x2;
	[tilespmem:s22+$0x60] =	vst v3;
	v3 =	vnsel @!p1 vm4, $0xFFFFFFFE, v4  }
0x3d: {  	s28 =	sadd.s32 s2, s17;
	[tilespmem:$0x80] =	vst @!p1 v3  }
0x3e: {  	v3 =	vld.msk [tilespmem:s28+$0x0 ss:$0x1], $0xffff;
	_ =	sdelay $0x4  }
0x3f: {  	(xrf1) =	vunique.msk.u32 $0xffff, v3;
	_ =	sdelay $0xd  }
0x40: {  	v4 =	vimm.s32 $0xFFFFFFFF;
	v5, _, _ =	vpop (xrf1)  }
0x41: {  	vm5 =	vne.s32 v3, v4;
	vm4 =	veq.s32 v5, v2  }
0x42: {  	vm6 =	vlt.u32 v3, $0x2800;
	vm4 =	vmand vm5, vm4  }
0x43: {  	vm4 =	vmand vm6, vm4  }
0x44: {  	v4 =	vnsel vm4, $0xFFFFFFFF, v3  }
0x45: {  	s31 =	sand.u32 $0x1, s0  }
0x46: {  	s0 =	simm.s32 $0x1A90;
	p1 =	seq.s32 s31, $0x1  }
0x47: {  	s0 =	simm.s32 @!p1 $0x0  }
0x48: {  	s26 =	sadd.s32 $0x6B30, s0;
	(ifvalue) =	ssetifvalue $0xFFFFFFFF  }
0x49: {  	v3 =	vperm.xlane v3, v1;
	[tilespmem:s26], [sflag:$0x8] =	stream.indirect_vreg.gather [hbm4b:s1+s16], $0x1, v4, vm0, $0x4038;
	v4 =	vnsel vm6, $0xFFFFFFFE, v4;
	[tilespmem:$0xF030] =	vst v63  }
0x4a: {  	s2 =	simm.s32 $0x0;
	s22 =	sadd.s32 $0xFFFFFFF0, s28;
	[tilespmem:s28+$0x0] =	vst v4  }
.LBB2_3:
0x4b: {  	v4 =	vld.msk [tilespmem:s22+$0x0 ss:$0x1], $0xffff;
	s2 =	sadd.s32 $0x10, s2;
	v5 =	vmov v3;
	s28 =	smov.u32 s22  }
0x4c: {  	p1 =	slt.u32 s2, $0x1A80;
	_ =	sdelay $0x4  }
0x4d: {  	v3 =	vperm.xlane v4, v1;
	(xrf1) =	vunique.msk.u32 $0xffff, v4;
	_ =	sdelay $0xd  }
0x4e: {  	v6, _, _ =	vpop (xrf1)  }
0x4f: {  	vm5 =	vne.s32 v4, v5;
	vm4 =	veq.s32 v6, v2  }
0x50: {  	vm6 =	vlt.u32 v4, $0x2800;
	vm4 =	vmand vm5, vm4  }
0x51: {  	vm4 =	vmand vm6, vm4  }
0x52: {  	v4 =	vnsel vm4, $0xFFFFFFFF, v4  }
.Ltmp3:
0x53: {  	v5 =	vnsel vm6, $0xFFFFFFFE, v4;
	(pc) =	sbr.rel @p1 .LBB2_3-.Ltmp3, $3  }
0x54: {  	_ =	sdelay $0x1  }
0x55: {  	s22 =	sadd.s32 $0xFFFFFFF0, s22;
	s26 =	sadd.s32 $0xFFFFFFF0, s26;
	(ifvalue) =	ssetifvalue $0xFFFFFFFF  }
0x56: {  	[tilespmem:s26], [sflag:$0x8] =	stream.indirect_vreg.gather [hbm4b:s1+s16], $0x1, v4, vm0, $0x4038;
	[tilespmem:s28+$0x0] =	vst v5  }
0x57: {  	s2 =	sshrl.u32 s25, $0x3  }
0x58: {  	s0 =	sadd.s32 $0x85D0, s0;
	s2 =	sadd.s32 s6, s2  }
0x59: {  	[tilespmem:s0], [sflag:$0x8] =	stream.linear.gather [hbm:s2], $0x1A90, $0x38;
	[tilespmem:$0xF030] =	vst v63  }
.LBB2_5:
0x5a: {  	p1 =	slt.u32 s24, $0x2  }
0x5b: {  	p2 =	sge.u32 @!p1 s24, s12  }
0x5c: {  	p1 =	por p1, p2  }
.Ltmp4:
0x5d: {  	_ = 	snop;
	(pc) =	sbr.rel @p1 .LBB2_9-.Ltmp4, $1  }
0x5e: {  	_ =	sdelay $0x3  }
0x5f: {  	s0 =	sadd.s32 $0xFFFFFFFE, s24  }
0x60: {  	s2 =	smulhi.u32 $0xAAAAAAAB, s0;
	_ =	sdelay $0x1  }
0x61: {  	s2 =	sshrl.u32 s2, $0x1  }
0x62: {  	s2 =	smul.u32 $0x3, s2;
	_ =	sdelay $0x1  }
0x63: {  	s0 =	ssub.s32 s0, s2  }
0x64: {  	_ =	swait.ge [sflag:s8], $0x3520;
	s0 =	smul.u32 $0x1A90, s0  }
0x65: {  	p1 =	sne.s32 s24, s11;
	[sflag:s8] =	ssyncset.done $0x0  }
0x66: {  	[sflag:s8] =	ssyncadd.s32 $0xFFFFCAE0;
	s2 =	sadd.s32 @!p1 $0x1B8F, s0  }
0x67: {  	[spmem:s13] =	stream.linear.scatter @!p1 [tilespmem:s2], [sflag:$0x1], $0x1, $0x38;
	[tilespmem:$0xF030] =	vst v63  }
0x68: {  	s2 =	simm.s32 @!p1 $0x1  }
0x69: {  	_ =	swait.ge @!p1 [sflag:s2], $0x1  }
0x6a: {  	s22 =	sshll.u32 s24, $0x4;
	[sflag:s2] =	ssyncset.done @!p1 $0x0  }
0x6b: {  	s25 =	sand.u32 $0x10, s22;
	[sflag:s2] =	ssyncadd.s32 @!p1 $0xFFFFFFFF  }
0x6c: {  	s2 =	sxor.u32 $0x10, s25;
	v4 =	vld [tilespmem:s25+$0x10]  }
0x6d: {  	v5 =	vld [tilespmem:s2+$0x60]  }
0x6e: {  	v3 =	vld [tilespmem:$0x80];
	_ =	sdelay $0x2  }
0x6f: {  	(v2sf) =	vpush v4, $0x0  }
0x70: {  	(v2sf) =	vpush v5, $0x0  }
0x71: {  	(v2sf) =	vpush v3, $0x0;
	_ =	sdelay $0xc  }
0x72: {  	s3 =	spop (v2sf)  }
0x73: {  	s28 =	spop (v2sf)  }
0x74: {  	s26 =	spop (v2sf)  }
0x75: {  	p2 =	seq.s32 s3, s28;
	p3 =	seq.s32 s26, s3  }
0x76: {  	p3 =	por p2, p3  }
0x77: {  	s3 =	sand.u32 $0x1, s24;
	v4 =	vpsel p3, $0xFFFFFFFF, v4  }
0x78: {  	s28 =	smul.u32 $0x1A90, s3;
	[tilespmem:s25+$0x10] =	vst.msk $0x1, v4  }
0x79: {  	v4 =	vld [tilespmem:$0x30]  }
0x7a: {  	v5 =	vld [tilespmem:s28+$0x85D0]  }
0x7b: {  	v6 =	vld [tilespmem:s25+$0x40];
	_ =	sdelay $0x3  }
0x7c: {  	vm4 =	vmmov vm1;
	v5 =	vadd.f32 v5, v4  }
0x7d: {  	vm5 =	vmmov vm2;
	vm4 =	vmmov @p2 vm2;
	v4 =	vadd.f32 v6, v4  }
0x7e: {  	s22 =	sshll.u32 s3, $0x4;
	vm5 =	vmmov @p3 vm1;
	[tilespmem:s28+$0x85D0] =	vst.msk vm4, v5  }
0x7f: {  	[tilespmem:s22+$0xF010] =	vst.msk vm5, v4  }
0x80: {  	v4 =	vld [tilespmem:s28+$0x6B30];
	_ =	sdelay $0x3  }
0x81: {  	v5 =	vimm.f32 $0.0e+00  }
0x82: {  	v4 =	vshift.insert v4, v5, s21  }
0x83: {  	s29 =	sor.u32 $0x40, s2  }
0x84: {  	[tilespmem:s29+$0x0] =	vst.msk $0x1, v4  }
0x85: {  	[tilespmem:s28+$0x6B3F] =	vst.msk $0x1, v5  }
0x86: {  	v4 =	vld [tilespmem:s0+$0x1B80];
	_ =	sdelay $0x1  }
0x87: {  	s29 =	smulhi.u32 $0xAAAAAAAB, s20;
	s0 =	simm.s32 $0x1  }
0x88: {  	s0 =	simm.s32 @!p0 $0x0  }
0x89: {  	s29 =	sshrl.u32 s29, $0x1;
	s0 =	smul.u32 $0x6A40, s0  }
0x8a: {  	s29 =	smul.u32 $0xFFFEC140, s29;
	v4 =	vshift.insert v4, v1, s21  }
0x8b: {  	s0 =	sshrl.u32 s0, $0x2  }
0x8c: {  	s29 =	sshra.s32 s29, $0x2;
	s30 =	sadd.s32 $0x85D0, s0;
	[tilespmem:s2+$0x10] =	vst.msk $0x1, v4  }
0x8d: {  	s3 =	sadd.s32 s29, s19;
	v6 =	vld [tilespmem:s30+$0x0]  }
0x8e: {  	v7 =	vld [tilespmem:s3+$0x0];
	_ =	sdelay $0x3  }
0x8f: {  	v5 =	vadd.f32 v6, v5  }
0x90: {  	vm4 =	vne.s32 v7, $0xFFFFFFFF  }
0x91: {  	(xrf2) =	vadd.seg.scan.f32 vm4, v5;
	_ =	sdelay $0x3  }
0x92: {  	s31 =	sadd.s32 $0x50B0, s0;
	v5 =	vperm.xlane v4, v1  }
0x93: {  	v6 =	vld [tilespmem:s31+$0x0]  }
0x94: {  	vm5 =	veq.s32 v7, v3;
	vm6 =	veq.s32 v7, v5  }
0x95: {  	vm7 =	vgt.u32 v7, $0xFFFFFFFD;
	vm6 =	vmor vm6, vm5  }
0x96: {  	vm6 =	vmor vm6, vm7  }
0x97: {  	v9 =	vld [tilespmem:$0xA0];
	v7 =	vsel vm6, $0xFFFFFFFF, v7  }
0x98: {  	v10 =	vld [tilespmem:$0x90];
	v6 =	vsel vm5, $0x0, v6;
	v8, _, _ =	vpop (xrf2)  }
0x99: {  	v6 =	vadd.f32 v8, v6  }
0x9a: {  	s0 =	sadd.s32 $0xBAF0, s0  }
0x9b: {  	vm4 =	vmand vm4, vm3;
	[tilespmem:s0+$0x0] =	vst v6;
	(ifvalue) =	ssetifvalue $0xFFFFFFFF  }
0x9c: {  	vm6 =	veq.s32 v9, $0x1;
	[hbm4b:s1+s16] =	stream.indirect_vreg.scatter [tilespmem:s0], [sflag:$0x2], $0x1, v7, vm0, $0x4038;
	v7 =	vsel vm4, $0x0, v8;
	[tilespmem:$0xF030] =	vst v63  }
0x9d: {  	s29 =	sadd.s32 $0xF010, s22;
	s22 =	sadd.s32 $0x10, s3;
	s2 =	simm.s32 $0x0;
	vm4 =	vmor vm6, vm5;
	v6 =	vsel vm5, v8, v10;
	v7 =	vshift.insert v7, v0, s21  }
.LBB2_7:
0x9e: {  	v8 =	vld [tilespmem:s22+$0x0];
	s30 =	sadd.s32 $0x10, s30  }
0x9f: {  	s31 =	sadd.s32 $0x10, s31;
	v9 =	vld [tilespmem:s30+$0x0]  }
0xa0: {  	s2 =	sadd.s32 $0x10, s2;
	v10 =	vld [tilespmem:s31+$0x0]  }
0xa1: {  	p2 =	slt.u32 s2, $0x1A80;
	_ =	sdelay $0x2  }
0xa2: {  	v7 =	vadd.f32 v9, v7  }
0xa3: {  	vm5 =	vne.s32 v8, $0xFFFFFFFF  }
0xa4: {  	vm6 =	vmand vm5, vm3;
	(xrf2) =	vadd.seg.scan.f32 vm5, v7;
	_ =	sdelay $0x5  }
0xa5: {  	vm7 =	veq.s32 v8, v5;
	vm5 =	veq.s32 v8, v3  }
0xa6: {  	vm8 =	vgt.u32 v8, $0xFFFFFFFD;
	vm4 =	vmor vm4, vm5;
	vm7 =	vmor vm7, vm5  }
0xa7: {  	vm7 =	vmor vm7, vm8  }
0xa8: {  	v8 =	vsel vm7, $0xFFFFFFFF, v8  }
.Ltmp5:
0xa9: {  	v7 =	vsel vm5, $0x0, v10;
	v9, _, _ =	vpop (xrf2);
	(pc) =	sbr.rel @p2 .LBB2_7-.Ltmp5, $4  }
0xaa: {  	v6 =	vsel vm5, v9, v6;
	v10 =	vadd.f32 v9, v7;
	v7 =	vsel vm6, $0x0, v9  }
0xab: {  	s0 =	sadd.s32 $0x10, s0;
	v7 =	vshift.insert v7, v0, s21  }
0xac: {  	s22 =	sadd.s32 $0x10, s22;
	[tilespmem:s0+$0x0] =	vst v10;
	(ifvalue) =	ssetifvalue $0xFFFFFFFF  }
0xad: {  	[hbm4b:s1+s16] =	stream.indirect_vreg.scatter [tilespmem:s0], [sflag:$0x2], $0x1, v8, vm0, $0x4038;
	[tilespmem:$0xF030] =	vst v63  }
0xae: {  	v3 =	vld [tilespmem:s28+$0xD570];
	_ =	sdelay $0x4  }
0xaf: {  	v3 =	vshift.insert v3, v0, s21  }
0xb0: {  	s0 =	simm.s32 $0x30  }
0xb1: {  	[tilespmem:s0+$0x0] =	vst.msk $0x1, v3  }
0xb2: {  	v3 =	vsel vm4, $0x1, v1;
	[tilespmem:$0x90] =	vst v6  }
0xb3: {  	s0 =	sadd.s32 @!p1 $0xD57F, s28;
	[tilespmem:$0xA0] =	vst v3  }
0xb4: {  	[spmem:s14] =	stream.linear.scatter @!p1 [tilespmem:s0], [sflag:$0x1], $0x1, $0x38;
	[tilespmem:$0xF030] =	vst v63  }
0xb5: {  	s0 =	simm.s32 @!p1 $0x1  }
0xb6: {  	v3 =	vmctz.xlane @!p1 vm4;
	_ =	swait.ge @!p1 [sflag:s0], $0x1  }
0xb7: {  	(v2sf) =	vpush @!p1 v4, $0x0  }
0xb8: {  	(v2sf) =	vpush @!p1 v3, $0x0;
	_ =	sdelay $0xd  }
0xb9: {  	s2 =	spop @!p1 (v2sf)  }
0xba: {  	s3 =	spop @!p1 (v2sf)  }
0xbb: {  	p2 =	sne.s32 @!p1 s26, s2;
	p3 =	slt.s32 @!p1 s3, $0xF  }
0xbc: {  	[sflag:s0] =	ssyncset.done @!p1 $0x0;
	p2 =	por p2, p1;
	p3 =	por !p3, p1  }
0xbd: {  	[sflag:s0] =	ssyncadd.s32 @!p1 $0xFFFFFFFF;
	v3 =	vimm.s32 @!p2 $0xFFFFFFFF;
	s3 =	simm.s32 @p3 $0xF  }
0xbe: {  	[tilespmem:$0x80] =	vst @!p2 v3;
	s2 =	sadd.s32 @!p1 $0x90, s3  }
0xbf: {  	[spmem:s10] =	stream.linear.scatter @!p1 [tilespmem:s2], [sflag:$0x1], $0x1, $0x38;
	[tilespmem:$0xF030] =	vst v63  }
0xc0: {  	_ =	swait.ge @!p1 [sflag:s0], $0x1  }
0xc1: {  	[sflag:s0] =	ssyncset.done @!p1 $0x0  }
0xc2: {  	s2 =	simm.s32 @!p1 $0x80;
	[sflag:s0] =	ssyncadd.s32 @!p1 $0xFFFFFFFF  }
0xc3: {  	[spmem:s15] =	stream.linear.scatter @!p1 [tilespmem:s2], [sflag:$0x1], $0x1, $0x38;
	[tilespmem:$0xF030] =	vst v63  }
0xc4: {  	_ =	swait.ge @!p1 [sflag:s0], $0x1  }
0xc5: {  	[sflag:s0] =	ssyncset.done @!p1 $0x0  }
0xc6: {  	[sflag:s0] =	ssyncadd.s32 @!p1 $0xFFFFFFFF;
	(ifvalue) =	ssetifvalue $0xFFFFFFFF;
	v3 =	vld [tilespmem:s25+$0x10];
	_ =	sdelay $0x3  }
.Ltmp6:
0xc7: {  	_ = 	snop;
	(pc) =	sbr.rel .LBB2_9-.Ltmp6, $3  }
0xc8: {  	_ =	sdelay $0x1  }
0xc9: {  	(ifvalue) =	ssetifvalue $0xFFFFFFFF  }
0xca: {  	[hbm4b:s1+s16] =	stream.indirect_vreg.scatter [tilespmem:s29], [sflag:$0x9], $0x1, v3, vm0, $0x4038;
	[tilespmem:$0xF030] =	vst v63  }
.LBB2_10:
0xcb: {  	_ =	sfence.sel $0x180000  }
0xcc: {  	s0 =	simm.s32 $0x7;
	[bflag:$0x0] =	sbarrier.arrive $0xFFFF  }
0xcd: {  	s26 =	simm.s32 $0x8;
	[sflag:s0] =	ssyncpa.u1 $0x1  }
0xce: {  	s28 =	simm.s32 $0x9;
	[sflag:s26] =	ssyncpa.u1 $0x1  }
0xcf: {  	[sflag:s28] =	ssyncpa.u1 $0x1  }
0xd0: {  	_ =	sfence.stream.spmem  }
0xd1: {  	s29 =	simm.s32 $0x3;
	[bflag:$0x0] =	sbarrier.arrive $0xFFFF  }
0xd2: {  	s30 =	simm.s32 $0x4;
	[sflag:s29] =	ssyncpa.u1 $0x1  }
0xd3: {  	s31 =	simm.s32 $0x3C;
	s2 =	stileid.u32;
	[sflag:s30] =	ssyncpa.u1 $0x1  }
0xd4: {  	p0 =	sne.s32 s2, $0x0;
	[sflag:s31] =	ssyncpa.u1 $0x1  }
0xd5: {  	s0 =	simm.s32 @p0 $0x1;
	_ =	sfence @p0  }
0xd6: {  	[sflag:s0] =	ssyncpa.u1 @p0 $0x1;
	s0 =	simm.s32 @p0 $0x2  }
0xd7: {  	[sflag:s0] =	ssyncpa.u1 @p0 $0x1  }
0xd8: {  	_ =	strace @p0 $0x90000053  }
0xd9: {  	[bflag:$0x2] =	sbarrier.arrive @p0 $0xFFFF  }
0xda: {  	_ =	shalt @p0  }
.LBB2_11:
0xdb: {  	_ =	sfence.stream.spmem;
	s0 =	simm.s32 $0x5  }
0xdc: {  	s2 =	simm.s32 $0x80;
	s3 =	simm.s32 $0xC0;
	[sflag:s0] =	ssyncpa.u1 $0x0  }
0xdd: {  	[tilespmem:s3], [sflag:$0x5] =	stream.linear.gather [spmem:s2], $0x20, $0x38;
	[tilespmem:$0xF030] =	vst v63  }
0xde: {  	s2 =	simm.s32 $0x0;
	s3 =	simm.s32 $0xE0  }
0xdf: {  	[tilespmem:s3], [sflag:$0x5] =	stream.linear.gather [spmem:s2], $0x20, $0x38;
	[tilespmem:$0xF030] =	vst v63  }
.Ltmp7:
0xe0: {  	_ = 	snop;
	(pc) =	sbr.rel .LBB2_12-.Ltmp7, $4  }
0xe1: {  	_ =	swait.ge [sflag:s0], $0x40  }
0xe2: {  	[sflag:s0] =	ssyncset.done $0x0  }
0xe3: {  	s31 =	simm.s32 $0x6;
	[sflag:s0] =	ssyncadd.s32 $0xFFFFFFC0  }
0xe4: {  	s4 =	simm.s32 $0x0;
	[sflag:s31] =	ssyncpa.u1 $0x0  }
.LBB2_17:
0xe5: {  	p0 =	sgt.u32 s5, $0x27FF  }
0xe6: {  	s0 =	sshrl.u32 @!p0 s5, $0x3  }
0xe7: {  	s5 =	sand.u32 @!p0 $0x7, s5;
	s6 =	simm.s32 @!p0 $0xB0;
	s0 =	sadd.s32 @!p0 s1, s0  }
0xe8: {  	[tilespmem:s6], [sflag:$0x6] =	stream.linear.gather @!p0 [hbm4b:s0+s5], $0x1, $0x38;
	[tilespmem:$0xF030] =	vst v63  }
0xe9: {  	s0 =	simm.s32 @!p0 $0x6  }
0xea: {  	_ =	swait.ge @!p0 [sflag:s0], $0x1  }
0xeb: {  	[sflag:s0] =	ssyncset.done @!p0 $0x0  }
0xec: {  	[sflag:s0] =	ssyncadd.s32 @!p0 $0xFFFFFFFF  }
0xed: {  	v2 =	vmov @!p0 s4;
	v1 =	vld.msk @!p0 [tilespmem:$0xB0], $0x1;
	_ =	sdelay $0x3  }
0xee: {  	s0 =	simm.s32 @!p0 $0xE0  }
0xef: {  	[tilespmem:v2+s0+$0x0], v1 =	vst.idx.ret.add.f32.msk @!p0 $0x1, v1  }
0xf0: {  	[tilespmem:s2+$0xC0] =	vst.msk $0x1, v0  }
0xf1: {  	v0 =	vld.msk [tilespmem:s4+$0xE0], $0x1;
	_ =	sdelay $0x4  }
0xf2: {  	[tilespmem:s2+$0xE0] =	vst.msk $0x1, v0;
	s2 =	sadd.s32 $0x1, s2  }
.LBB2_19:
0xf3: {  	s4 =	sadd.s32 $0x1, s4  }
0xf4: {  	p0 =	sne.s32 s4, $0x20  }
.Ltmp8:
0xf5: {  	_ = 	snop;
	(pc) =	sbr.rel @!p0 .LBB2_20-.Ltmp8, $1  }
0xf6: {  	_ =	sdelay $0x3  }
.LBB2_12:
0xf7: {  	v0 =	vld.msk [tilespmem:s4+$0xC0], $0x1;
	_ =	sdelay $0x4  }
0xf8: {  	(v2sf) =	vpush v0, $0x0;
	_ =	sdelay $0xe  }
0xf9: {  	s5 =	spop (v2sf)  }
0xfa: {  	p0 =	seq.s32 s5, $0xFFFFFFFF  }
.Ltmp9:
0xfb: {  	_ = 	snop;
	(pc) =	sbr.rel @p0 .LBB2_19-.Ltmp9, $1  }
0xfc: {  	_ =	sdelay $0x3  }
0xfd: {  	p0 =	slt.s32 s2, $0x1  }
.Ltmp10:
0xfe: {  	_ = 	snop;
	(pc) =	sbr.rel @p0 .LBB2_17-.Ltmp10, $1  }
0xff: {  	_ =	sdelay $0x3  }
0x100: {  	s0 =	simm.s32 $0xC0;
	p0 =	por $0x0, $0x0  }
0x101: {  	v1 =	vld.msk @!p0 [tilespmem:s0+$0x0], $0x1;
	_ =	sdelay $0x4  }
0x102: {  	(v2sf) =	vpush @!p0 v1, $0x0;
	_ =	sdelay $0xd  }
0x103: {  	p2 =	sne.s32 s2, $0x1  }
.Ltmp11:
0x104: {  	s6 =	spop @!p0 (v2sf);
	(pc) =	sbr.rel @!p2 .LBB2_16-.Ltmp11, $4  }
0x105: {  	p1 =	seq.s32 @!p0 s5, s6  }
0x106: {  	s6 =	simm.s32 $0x0;
	p1 =	por !p1, p0  }
0x107: {  	s8 =	simm.s32 $0xFFFFFFFF;
	s6 =	simm.s32 @p1 $0xFFFFFFFF  }
0x108: {  	s7 =	simm.s32 $0x1;
	s6 =	smov.u32 @p0 s8  }
.LBB2_15:
0x109: {  	s8 =	smov.u32 s6;
	p0 =	sne.s32 s6, $0xFFFFFFFF  }
0x10a: {  	s0 =	sadd.s32 $0x1, s0;
	s6 =	smov.u32 s7;
	s7 =	sadd.s32 $0x1, s7  }
0x10b: {  	p1 =	sne.s32 s2, s7;
	v1 =	vld.msk @!p0 [tilespmem:s0+$0x0], $0x1;
	_ =	sdelay $0x4  }
0x10c: {  	(v2sf) =	vpush @!p0 v1, $0x0;
	_ =	sdelay $0xe  }
.Ltmp12:
0x10d: {  	s9 =	spop @!p0 (v2sf);
	(pc) =	sbr.rel @p1 .LBB2_15-.Ltmp12, $4  }
0x10e: {  	p2 =	seq.s32 @!p0 s5, s9  }
0x10f: {  	p2 =	por !p2, p0  }
0x110: {  	s6 =	simm.s32 @p2 $0xFFFFFFFF  }
0x111: {  	s6 =	smov.u32 @p0 s8  }
.LBB2_16:
0x112: {  	p0 =	sne.s32 s6, $0xFFFFFFFF  }
.Ltmp13:
0x113: {  	_ = 	snop;
	(pc) =	sbr.rel @!p0 .LBB2_17-.Ltmp13, $1  }
0x114: {  	_ =	sdelay $0x3  }
0x115: {  	v0 =	vld.msk [tilespmem:s4+$0xE0], $0x1;
	v1 =	vmov s6  }
.Ltmp14:
0x116: {  	_ = 	snop;
	(pc) =	sbr.rel .LBB2_19-.Ltmp14, $2  }
0x117: {  	_ =	sdelay $0x2  }
0x118: {  	[tilespmem:v1+s3+$0x0], v0 =	vst.idx.ret.add.f32.msk $0x1, v0  }
.LBB2_20:
0x119: {  	p0 =	slt.s32 s2, $0x1  }
.Ltmp15:
0x11a: {  	_ = 	snop;
	(pc) =	sbr.rel @p0 .LBB2_24-.Ltmp15, $3  }
0x11b: {  	_ =	sdelay $0x1  }
0x11c: {  	s0 =	simm.s32 $0x6  }
0x11d: {  	s3 =	simm.s32 $0x0;
	[sflag:s0] =	ssyncpa.u1 $0x1  }
0x11e: {  	s0 =	simm.s32 $0xC0  }
0x11f: {  	v0 =	vld.msk [tilespmem:s0+$0x0], $0x1;
	_ =	sdelay $0x4  }
0x120: {  	(v2sf) =	vpush v0, $0x0;
	_ =	sdelay $0xe  }
0x121: {  	s2 =	sadd.s32 $0xFFFFFFFF, s2;
	s4 =	spop (v2sf)  }
0x122: {  	p1 =	sne.s32 s2, $0x0;
	p0 =	sgt.u32 s4, $0x27FF  }
.Ltmp16:
0x123: {  	s5 =	sshrl.u32 @!p0 s4, $0x3;
	(pc) =	sbr.rel @!p1 .LBB2_23-.Ltmp16, $4  }
0x124: {  	s0 =	simm.s32 $0xE0;
	s4 =	sand.u32 @!p0 $0x7, s4;
	s5 =	sadd.s32 @!p0 s1, s5  }
0x125: {  	[hbm4b:s5+s4] =	stream.linear.scatter @!p0 [tilespmem:s0], [sflag:$0x5], $0x1, $0x38;
	[tilespmem:$0xF030] =	vst v63  }
0x126: {  	s5 =	simm.s32 $0x0  }
0x127: {  	s4 =	simm.s32 $0xC1;
	s5 =	simm.s32 @!p0 $0x4  }
.LBB2_22:
0x128: {  	v0 =	vld.msk [tilespmem:s4+$0x0], $0x1;
	s2 =	sadd.s32 $0xFFFFFFFF, s2;
	s3 =	sadd.s32 s3, s5  }
0x129: {  	p0 =	sne.s32 s2, $0x0;
	_ =	sdelay $0x3  }
0x12a: {  	(v2sf) =	vpush v0, $0x0;
	_ =	sdelay $0xe  }
.Ltmp17:
0x12b: {  	s6 =	spop (v2sf);
	(pc) =	sbr.rel @p0 .LBB2_22-.Ltmp17, $4  }
0x12c: {  	s5 =	simm.s32 $0x0;
	p1 =	sgt.u32 s6, $0x27FF  }
0x12d: {  	s0 =	sadd.s32 $0x1, s0;
	s5 =	simm.s32 @!p1 $0x4;
	s7 =	sshrl.u32 @!p1 s6, $0x3  }
0x12e: {  	s4 =	sadd.s32 $0x1, s4;
	s6 =	sand.u32 @!p1 $0x7, s6;
	s7 =	sadd.s32 @!p1 s1, s7  }
0x12f: {  	[hbm4b:s7+s6] =	stream.linear.scatter @!p1 [tilespmem:s0], [sflag:$0x5], $0x1, $0x38;
	[tilespmem:$0xF030] =	vst v63  }
.LBB2_23:
0x130: {  	s0 =	sadd.s32 s3, s5  }
0x131: {  	s3 =	sshrl.u32 s0, $0x2  }
.LBB2_24:
0x132: {  	s0 =	simm.s32 $0x5  }
0x133: {  	_ =	swait.ge [sflag:s0], s3  }
0x134: {  	s1 =	ssub.s32 $0x0, s3;
	[sflag:s0] =	ssyncset.done $0x0  }
0x135: {  	[sflag:s0] =	ssyncadd.s32 s1  }
0x136: {  	[sflag:s0] =	ssyncpa.u1 $0x1  }
0x137: {  	s29 =	simm.s32 $0x1;
	_ =	sfence  }
0x138: {  	s30 =	simm.s32 $0x2;
	[sflag:s29] =	ssyncpa.u1 $0x1  }
0x139: {  	[sflag:s30] =	ssyncpa.u1 $0x1  }
0x13a: {  	_ =	strace $0x90000053  }
0x13b: {  	[bflag:$0x2] =	sbarrier.arrive $0xFFFF  }
0x13c: {  	s31 =	rddreg [dreg:$0x2]  }
0x13d: {  	s0 =	sadd.s32 $0x100000, s31  }
0x13e: {  	[sflag:s0] =	ssyncadd.tile.s32 $0x1;
	_ =	shalt  }
.Lfunc_end2:
_tile_overlayer_lowered:
.L_overlay_start_2:
0x13f: {  	(tag) =	ssettag $0x2  }
0x140: {  	s0 =	rddreg [dreg:$0x0];
	s2 =	stileid.u32  }
0x141: {  	s1 =	rddreg [dreg:$0x1];
	p0 =	sne.s32 s2, $0x0  }
0x142: {  	s3 =	rddreg [dreg:$0x2];
	[bflag:$0x3] =	sbarrier.arrive $0xFFFF;
	s2 =	simm.s32 @!p0 $0x1C01  }
0x143: {  	[timem:s3], [sflag:s2] =	dma.local @!p0 [hbm:s0], s1  }
0x144: {  	s0 =	simm.s32 @!p0 $0x1  }
0x145: {  	_ =	swait.ge @!p0 [sflag:s0], s1  }
0x146: {  	s1 =	ssub.s32 @!p0 $0x0, s1;
	[sflag:s0] =	ssyncset.done @!p0 $0x0  }
0x147: {  	[sflag:s0] =	ssyncadd.s32 @!p0 s1  }
0x148: {  	[bflag:$0x3] =	sbarrier.arrive $0xFFFF  }
0x149: {  	_ =	shalt  }

// kernel: scatter_offload_async_start
scs
__scs_entry_jumppad:
0x0: {  	(pc) =	sbr.rel $0x88, $3  }
0x1: {  	(tag) =	ssettag $0x0;
	lr =	simm.s32 $0x1  }
0x2: {  	[smem:$0x3F96] =	sst lr;
	_ =	strace $0xD0000000  }
0x3: {  	_ = 	snop  }
0x4: {  	_ = 	snop  }
0x5: {  	_ = 	snop  }
0x6: {  	_ = 	snop  }
0x7: {  	_ = 	snop  }
__scs_overlays_trampoline_lowered:
0x8: {  	[smem:$0x3FA5] =	sst s0  }
0x9: {  	[smem:$0x3FA6] =	sst s1  }
0xa: {  	[smem:$0x3FA7] =	sst s2  }
0xb: {  	[smem:$0x3FA8] =	sst s3  }
0xc: {  	[smem:$0x3FA9] =	sst s4  }
0xd: {  	[smem:$0x3FAA] =	sst s5  }
0xe: {  	[smem:$0x3FAB] =	sst s6  }
0xf: {  	[smem:$0x3FAC] =	sst s7  }
0x10: {  	[smem:$0x3FAD] =	sst s8  }
0x11: {  	[smem:$0x3FAE] =	sst s9;
	s0 =	simm.s32 @!p0 $0x0  }
0x12: {  	s1 =	sld [smem:$0x3F94];
	s0 =	simm.s32 @p0 $0x1  }
0x13: {  	[smem:$0x3FAF] =	sst s0;
	s0 =	simm.s32 @!p1 $0x0  }
0x14: {  	s2 =	sld [smem:$0x3F93];
	s0 =	simm.s32 @p1 $0x1  }
0x15: {  	[smem:$0x3FB0] =	sst s0;
	s0 =	simm.s32 @!p2 $0x0  }
0x16: {  	s3 =	sld [smem:$0x3FDB];
	s0 =	simm.s32 @p2 $0x1  }
0x17: {  	s4 =	simm.s32 $0x1BF5;
	[smem:$0x3FB2] =	sst s0  }
0x18: {  	s0 =	sld [smem:$0x3F95];
	_ =	swait.ge [sflag:s4], $0x0  }
0x19: {  	s7 =	sld [smem:$0x3F96]  }
0x1a: {  	s8 =	sadd.s32 $0xFFFFE003, lr  }
0x1b: {  	s9 =	sadd.s32 $0xFFFFFEF7, lr;
	s5 =	simm.s32 $0xFFFFFFFF;
	p2 =	slt.u32 s8, $0xFFFFF086  }
0x1c: {  	p1 =	slt.u32 s9, $0xF7A;
	s5 =	simm.s32 @!p2 $0x0  }
0x1d: {  	s5 =	simm.s32 @p1 $0x1;
	p0 =	seq.s32 s7, s2  }
0x1e: {  	s7 =	smul.u32 @!p0 $0xF7A, s2;
	p2 =	seq.s32 @!p0 s5, $0x0  }
0x1f: {  	s9 =	smul.u32 $0xF7A, s1;
	s8 =	simm.s32 @!p0 $0x1BF5;
	p2 =	por !p2, p0  }
0x20: {  	[sflag:s8] =	ssyncset.s32 @!p0 $0xFFFFF086;
	s6 =	sadd.s32 @!p0 s3, s7;
	s7 =	simm.s32 @!p0 $0x108  }
0x21: {  	s3 =	sadd.s32 s3, s9;
	s6 =	sadd.s32 @!p0 $0x88, s6;
	s7 =	simm.s32 @p2 $0x1082  }
0x22: {  	[simem:s7], [sflag:s8] =	dma.local @!p0 [hbm:s6], $0xF7A  }
0x23: {  	s9 =	sor.u32 $0xD0000000, s2;
	s6 =	simm.s32 $0x108;
	_ =	swait.ge @!p0 [sflag:s8], $0x0  }
0x24: {  	s3 =	sadd.s32 $0x88, s3;
	s6 =	simm.s32 @!p1 $0x1082;
	[sflag:s4] =	ssyncset.s32 $0xFFFFF086  }
0x25: {  	[simem:s6], [sflag:s4] =	dma.local [hbm:s3], $0xF7A  }
0x26: {  	[smem:$0x3F96] =	sst s1;
	(tag) =	ssettag s2;
	_ =	strace s9  }
0x27: {  	s1 =	sld [smem:$0x3FA6]  }
0x28: {  	s2 =	sld [smem:$0x3FA7]  }
0x29: {  	s4 =	sld [smem:$0x3FA9]  }
0x2a: {  	p0 =	seq.s32 s5, $0x0;
	s5 =	sld [smem:$0x3FAA]  }
0x2b: {  	s6 =	sld [smem:$0x3FAB]  }
0x2c: {  	s7 =	sld [smem:$0x3FAC]  }
0x2d: {  	s3 =	simm.s32 $0x108;
	s8 =	sld [smem:$0x3FAD]  }
0x2e: {  	s3 =	simm.s32 @!p0 $0x1082;
	s9 =	sld [smem:$0x3FAE]  }
0x2f: {  	lr =	sadd.s32 s0, s3;
	s0 =	sld [smem:$0x3FA5]  }
0x30: {  	s3 =	sld [smem:$0x3FA8]  }
0x31: {  	[smem:$0x3FB1] =	sst s10  }
0x32: {  	s10 =	sld [smem:$0x3FAF];
	_ =	sdelay $0x3  }
0x33: {  	p0 =	seq.s32 s10, $0x1;
	s10 =	sld [smem:$0x3FB1];
	_ =	sdelay $0x3  }
0x34: {  	[smem:$0x3FB1] =	sst s10  }
0x35: {  	s10 =	sld [smem:$0x3FB0];
	_ =	sdelay $0x3  }
0x36: {  	p1 =	seq.s32 s10, $0x1;
	s10 =	sld [smem:$0x3FB1];
	_ =	sdelay $0x3  }
0x37: {  	[smem:$0x3FB1] =	sst s10  }
0x38: {  	s10 =	sld [smem:$0x3FB2]  }
0x39: {  	_ = 	snop;
	(pc) =	sbr.ind lr, $3  }
0x3a: {  	_ = 	snop  }
0x3b: {  	_ = 	snop  }
0x3c: {  	p2 =	seq.s32 s10, $0x1;
	s10 =	sld [smem:$0x3FB1]  }
0x3d: {  	_ =	shalt  }
0x3e: {  	_ =	shalt  }
0x3f: {  	_ =	shalt  }
0x40: {  	_ =	shalt  }
0x41: {  	_ =	shalt  }
0x42: {  	_ =	shalt  }
0x43: {  	_ =	shalt  }
0x44: {  	_ =	shalt  }
0x45: {  	_ =	shalt  }
0x46: {  	_ =	shalt  }
0x47: {  	_ =	shalt  }
0x48: {  	_ =	shalt  }
0x49: {  	_ =	shalt  }
0x4a: {  	_ =	shalt  }
0x4b: {  	_ =	shalt  }
0x4c: {  	_ =	shalt  }
0x4d: {  	_ =	shalt  }
0x4e: {  	_ =	shalt  }
0x4f: {  	_ =	shalt  }
0x50: {  	_ =	shalt  }
0x51: {  	_ =	shalt  }
0x52: {  	_ =	shalt  }
0x53: {  	_ =	shalt  }
0x54: {  	_ =	shalt  }
0x55: {  	_ =	shalt  }
0x56: {  	_ =	shalt  }
0x57: {  	_ =	shalt  }
0x58: {  	_ =	shalt  }
0x59: {  	_ =	shalt  }
0x5a: {  	_ =	shalt  }
0x5b: {  	_ =	shalt  }
0x5c: {  	_ =	shalt  }
0x5d: {  	_ =	shalt  }
0x5e: {  	_ =	shalt  }
0x5f: {  	_ =	shalt  }
0x60: {  	_ =	shalt  }
0x61: {  	_ =	shalt  }
0x62: {  	_ =	shalt  }
0x63: {  	_ =	shalt  }
0x64: {  	_ =	shalt  }
0x65: {  	_ =	shalt  }
0x66: {  	_ =	shalt  }
0x67: {  	_ =	shalt  }
0x68: {  	_ =	shalt  }
0x69: {  	_ =	shalt  }
0x6a: {  	_ =	shalt  }
0x6b: {  	_ =	shalt  }
0x6c: {  	_ =	shalt  }
0x6d: {  	_ =	shalt  }
0x6e: {  	_ =	shalt  }
0x6f: {  	_ =	shalt  }
0x70: {  	_ =	shalt  }
0x71: {  	_ =	shalt  }
0x72: {  	_ =	shalt  }
0x73: {  	_ =	shalt  }
0x74: {  	_ =	shalt  }
0x75: {  	_ =	shalt  }
0x76: {  	_ =	shalt  }
0x77: {  	_ =	shalt  }
0x78: {  	_ =	shalt  }
0x79: {  	_ =	shalt  }
0x7a: {  	_ =	shalt  }
0x7b: {  	_ =	shalt  }
0x7c: {  	_ =	shalt  }
0x7d: {  	_ =	shalt  }
0x7e: {  	_ =	shalt  }
0x7f: {  	_ =	shalt  }
0x80: {  	_ =	shalt  }
0x81: {  	_ =	shalt  }
0x82: {  	_ =	shalt  }
0x83: {  	_ =	shalt  }
0x84: {  	_ =	shalt  }
0x85: {  	_ =	shalt  }
0x86: {  	_ =	shalt  }
0x87: {  	_ =	shalt  }
.Lfunc_end0:
.L_simem_size_0:
called_computation_lowered:
.L_overlay_start_0:
0x88: {  	s0 =	sld [smem:$0x3FD9]  }
0x89: {  	s1 =	sld [smem:$0x3FFE];
	_ =	sdelay $0x3  }
0x8a: {  	s0 =	sadd.s32 s1, s0  }
0x8b: {  	[smem:$0x3FBD] =	sst s0  }
0x8c: {  	_ = 	snop  }
0x8d: {  	s0 =	sld [smem:$0x3FD0];
	_ =	sdelay $0x2  }
0x8e: {  	s13 =	simm.s32 $0xC;
	s2 =	simm.s32 $0x10  }
0x8f: {  	[smem:s2], [sflag:s13] =	dma.local [hbm:s0], $0x1  }
0x90: {  	_ =	swait.eq [sflag:s13], $0x1  }
0x91: {  	[sflag:s13] =	ssyncset.done $0x0  }
0x92: {  	[sflag:s13] =	ssyncadd.s32 $0xFFFFFFFF  }
0x93: {  	s14 =	sld [smem:$0x11];
	(tm) =	ssettm $0x1  }
0x94: {  	s15 =	sld [smem:$0x3FFB];
	_ =	sdelay $0x3  }
0x95: {  	_ =	strace s15  }
0x96: {  	s1 =	sld [smem:$0x3FFC];
	_ =	sdelay $0x3  }
0x97: {  	_ =	strace s1  }
0x98: {  	s1 =	sld [smem:$0x3FFD];
	_ =	sdelay $0x3  }
0x99: {  	_ =	strace s1  }
0x9a: {  	_ =	strace $0x8FFFFFFF  }
0x9b: {  	s16 =	sld [smem:$0x3FDB];
	_ =	sdelay $0x1  }
0x9c: {  	s17 =	simm.s32 $_scs_section_size  }
0x9d: {  	s3 =	simm.s32 $_size__tile_overlayer_lowered;
	s4 =	simm.s32 $_tile_overlayer_lowered  }
0x9e: {  	s20 =	simm.s32 $0x1BFF;
	s19 =	sshll.u32 s4, $0x1;
	s1 =	sadd.s32 s17, s16  }
0x9f: {  	s5 =	simm.s32 $0x0;
	s18 =	sshll.u32 s3, $0x1;
	s3 =	sadd.s32 s19, s1  }
0xa0: {  	[timem:s5], [sflag:s20] =	dma.local [hbm:s3], s18  }
0xa1: {  	_ =	swait.ge [sflag:s20], s18  }
0xa2: {  	s2 =	ssub.s32 $0x0, s18;
	[sflag:s20] =	ssyncset.done $0x0  }
0xa3: {  	[sflag:s20] =	ssyncadd.s32 s2;
	_ =	sdelay $0x1  }
0xa4: {  	s21 =	simm.s32 $0x1B8B  }
0xa5: {  	_ =	swait.ge [sflag:s21], $0x1  }
0xa6: {  	[sflag:s21] =	ssyncset.done $0x0  }
0xa7: {  	s23 =	simm.s32 $0x1B8E;
	s22 =	sld [smem:$0x3FFE];
	[sflag:s21] =	ssyncadd.s32 $0xFFFFFFFF  }
0xa8: {  	s24 =	simm.s32 $execute0_lowered;
	[smem:$0x3FD2] =	sst s23  }
0xa9: {  	s3 =	sshll.u32 s24, $0x1;
	_ =	strace $0x80000046;
	[dreg:$0x1] =	wrdreg $0xFFFFFFFF  }
0xaa: {  	s25 =	simm.s32 $_size_execute0_lowered;
	s1 =	sadd.s32 s1, s3;
	[dreg:$0x0] =	wrdreg $0x0  }
0xab: {  	s3 =	sshll.u32 s25, $0x1;
	[dreg:$0x2] =	wrdreg s1  }
0xac: {  	[dreg:$0x3] =	wrdreg s3  }
0xad: {  	[dreg:$0x4] =	wrdreg $0xC0  }
0xae: {  	_ =	task [dreg:s5], $0x5FFFF  }
0xaf: {  	[dreg:$0x1] =	wrdreg $0xFFFFFFFF  }
0xb0: {  	[dreg:$0x0] =	wrdreg $0x60  }
0xb1: {  	[dreg:$0x2] =	wrdreg s14  }
0xb2: {  	[dreg:$0x3] =	wrdreg s22  }
0xb3: {  	[dreg:$0x4] =	wrdreg $0x9  }
0xb4: {  	_ =	task.clear_ibuf [dreg:s5], $0x5FFFF;
	_ =	strace $0x90000046  }
0xb5: {  	s26 =	simm.s32 $0x9;
	_ =	strace $0x80000048  }
0xb6: {  	_ =	swait.ge [sflag:s26], $0x1  }
0xb7: {  	[sflag:s26] =	ssyncadd.s32 $0xFFFFFFFF  }
0xb8: {  	_ =	strace $0x90000048  }
0xb9: {  	_ =	sfence  }
0xba: {  	s28 =	sld [smem:$0x0];
	_ =	sdelay $0x1  }
0xbb: {  	s29 =	srdreg.scid  }
0xbc: {  	s30 =	sshll.u32 s29, $0xD;
	s31 =	sshrl.u32 s29, $0x2  }
0xbd: {  	s2 =	sand.u32 $0x4000, s30;
	s1 =	sand.u32 $0x1, s29;
	s0 =	sadd.s32 s31, s28  }
0xbe: {  	s1 =	sor.u32 s2, s1;
	s0 =	sshll.u32 s0, $0x11  }
0xbf: {  	s0 =	sor.u32 s0, s1  }
0xc0: {  	s0 =	sadd.s32 $0x8F2B, s0  }
0xc1: {  	[sflag:s0] =	ssyncadd.remote.s32 $0x1  }
0xc2: {  	_ =	sfence.sel $0xFFFF  }
0xc3: {  	[dreg:$0x0] =	wrdreg $0xFFFFFFFF;
	(pc) =	sbr.abs _section_cstart, $3  }
0xc4: {  	[dreg:$0x1] =	wrdreg $0xFFFFFFFF  }
0xc5: {  	_ =	task.clear_ibuf [dreg:s5], $0x2FFFF;
	_ =	strace $0x9FFFFFFF  }
0xc6: {  	(tm) =	ssettm $0x7FFFFFFF  }
0xc7: {  	_ =	shalt  }
tec
execute0_lowered:
.L_overlay_start_1:
0x0: {  	(tag) =	ssettag $0x1  }
0x1: {  	s1 =	rddreg [dreg:$0x0]  }
0x2: {  	s0 =	rddreg [dreg:$0x1];
	_ =	strace $0x80000047;
	s2 =	simm.s32 $0x1  }
0x3: {  	s8 =	simm.s32 $0x208;
	v0 =	vimm.s32 $0x0;
	[sflag:s2] =	ssyncpa.u1 $0x0  }
0x4: {  	[tilespmem:s8+$0x70] =	vst v0  }
0x5: {  	[tilespmem:s8+$0x60] =	vst v0  }
0x6: {  	[tilespmem:s8+$0x50] =	vst v0  }
0x7: {  	[tilespmem:s8+$0x40] =	vst v0  }
0x8: {  	[tilespmem:s8+$0x30] =	vst v0  }
0x9: {  	s10 =	sadd.s32 $0x545200, s0;
	[tilespmem:s8+$0x20] =	vst v0  }
0xa: {  	s4 =	sadd.s32 $0x15000, s0;
	s5 =	sadd.s32 $0x54A600, s0;
	s0 =	simm.s32 $0x40;
	[tilespmem:s8+$0x10] =	vst v0  }
.LBB2_1:
0xb: {  	s0 =	sadd.s32 $0x40, s0;
	[tilespmem:s8+$0x0] =	vst v0;
	s8 =	sadd.s32 $0x80, s8  }
0xc: {  	p0 =	slt.u32 s0, $0x3880;
	[tilespmem:s8+$0x70] =	vst v0  }
0xd: {  	[tilespmem:s8+$0x60] =	vst v0  }
.Ltmp0:
0xe: {  	[tilespmem:s8+$0x50] =	vst v0;
	(pc) =	sbr.rel @p0 .LBB2_1-.Ltmp0, $4  }
0xf: {  	[tilespmem:s8+$0x40] =	vst v0  }
0x10: {  	[tilespmem:s8+$0x30] =	vst v0  }
0x11: {  	[tilespmem:s8+$0x20] =	vst v0  }
0x12: {  	[tilespmem:s8+$0x10] =	vst v0  }
0x13: {  	s3 =	stileid.u32  }
0x14: {  	s0 =	smul.u32 $0x5E, s3  }
0x15: {  	s2 =	smin.u32 s3, $0xE  }
0x16: {  	s0 =	sadd.s32 s2, s0  }
0x17: {  	p0 =	slt.u32 s3, $0xE;
	s6 =	smul.u32 $0x70, s0;
	s0 =	simm.s32 $0x2990  }
0x18: {  	s0 =	simm.s32 @!p0 $0x2920  }
0x19: {  	s0 =	sadd.s32 s0, s6  }
0x1a: {  	s7 =	smin.u32 s0, $0x29810  }
0x1b: {  	s0 =	ssub.s32 s7, s6  }
0x1c: {  	p0 =	sgt.s32 s0, $0x0  }
0x1d: {  	s26 =	simm.s32 $0x2;
	s0 =	simm.s32 @!p0 $0x0  }
0x1e: {  	s29 =	simm.s32 $0x7;
	s30 =	simm.s32 $0x8;
	s28 =	smulhi.u32 $0x92492493, s0  }
0x1f: {  	s31 =	simm.s32 $0x9;
	s11 =	simm.s32 $0x1;
	s21 =	simm.s32 $0x0  }
0x20: {  	p1 =	por $0x0, $0x0;
	s15 =	simm.s32 $0x80;
	s2 =	sshrl.u32 s28, $0x6  }
0x21: {  	s16 =	simm.s32 $0x400;
	s17 =	simm.s32 $0xA;
	s9 =	smul.u32 $0x70, s2  }
.Ltmp1:
0x22: {  	[tilespmem:s8+$0x0] =	vst v0;
	v0 =	vimm.s32 $0xFFFFFFFF;
	s18 =	simm.s32 $0x0;
	[sflag:s26] =	ssyncpa.u1 $0x0;
	(pc) =	sbr.rel .LBB2_3-.Ltmp1, $4  }
0x23: {  	[tilespmem:$0xE408] =	vst v0;
	[sflag:s29] =	ssyncpa.u1 $0x0;
	p0 =	sne.s32 s0, s9;
	s0 =	simm.s32 $0x1  }
0x24: {  	s20 =	simm.s32 $0x0;
	[sflag:s30] =	ssyncpa.u1 $0x0;
	s0 =	simm.s32 @!p0 $0x0  }
0x25: {  	s13 =	sshll.u32 s3, $0x9;
	[sflag:s31] =	ssyncpa.u1 $0x0;
	s12 =	sadd.s32 s0, s2  }
0x26: {  	v0 =	vlaneseq.u32;
	s19 =	smov.u32 s6;
	p0 =	por $0x1, $0x1;
	s14 =	sadd.s32 $0x1, s12  }
.LBB2_24:
0x27: {  	s0 =	sshrl.u32 s29, $0x2  }
.LBB2_26:
0x28: {  	_ =	swait.ge [sflag:s17], s0  }
0x29: {  	s31 =	ssub.s32 $0x0, s0;
	v1 =	vmov s23;
	vm0 =	veq.s32 v0, $0x0;
	[sflag:s17] =	ssyncset.done $0x0  }
0x2a: {  	vm15 =	veq.s32 v0, $0x2;
	v1 =	vsel vm0, s28, v1;
	[sflag:s17] =	ssyncadd.s32 s31  }
0x2b: {  	v1 =	vsel vm15, s21, v1;
	[sflag:s17] =	ssyncpa.u1 $0x1  }
0x2c: {  	[tilespmem:$0xE408] =	vst v1  }
.LBB2_27:
0x2d: {  	s0 =	sadd.s32 $0x70, s19  }
0x2e: {  	s2 =	smov.u32 s6;
	p2 =	slt.s32 s0, s7  }
0x2f: {  	s2 =	smov.u32 @p2 s0;
	p2 =	sne.s32 s20, s14  }
.Ltmp2:
0x30: {  	_ = 	snop;
	(pc) =	sbr.rel @!p2 .LBB2_28-.Ltmp2, $4  }
0x31: {  	_ = 	snop  }
0x32: {  	s21 =	smov.u32 s18  }
0x33: {  	s31 =	sadd.s32 $0x1, s20;
	s18 =	smov.u32 s19;
	p0 =	por !p0, !p0  }
0x34: {  	p1 =	por !p1, !p1;
	s20 =	smov.u32 s31;
	s19 =	smov.u32 s2  }
.LBB2_3:
0x35: {  	p2 =	sge.u32 s20, s12  }
0x36: {  	s0 =	smulhi.u32 @!p2 $0xAAAAAAAB, s20  }
0x37: {  	s2 =	smov.u32 s19;
	p3 =	sgt.s32 @!p2 s19, $0x297A0  }
0x38: {  	s8 =	sshra.s32 @!p2 s19, $0x1F;
	p3 =	por !p3, p2;
	s0 =	sshrl.u32 @!p2 s0, $0x1  }
0x39: {  	s8 =	sand.u32 @!p2 s8, s19;
	s2 =	simm.s32 @p3 $0x297A0;
	s0 =	smul.u32 @!p2 $0x3, s0  }
0x3a: {  	s2 =	ssub.s32 @!p2 s2, s8  }
0x3b: {  	s2 =	sadd.s32 @!p2 $0xFFFD6860, s2;
	s0 =	ssub.s32 @!p2 s20, s0  }
0x3c: {  	s8 =	sshll.u32 @!p2 s2, $0x2;
	p3 =	sgt.s32 @!p2 s2, $0x6F;
	s0 =	smul.u32 @!p2 $0x1C0, s0  }
0x3d: {  	s9 =	sand.u32 @!p2 $0x7, s19;
	s2 =	ssub.s32 @!p2 $0x1C0, s8;
	p3 =	por !p3, p2  }
0x3e: {  	s8 =	sshrl.u32 @!p2 s19, $0x3;
	s2 =	sshrl.u32 @!p2 s2, $0x2;
	s0 =	sshrl.u32 @!p2 s0, $0x2  }
0x3f: {  	s8 =	sadd.s32 @!p2 s5, s8;
	s2 =	simm.s32 @!p3 $0x0;
	s0 =	sadd.s32 @!p2 $0x10438, s0  }
0x40: {  	[tilespmem:s0], [sflag:$0x8] =	stream.linear.gather @!p2 [hbm4b:s8+s9], s2, $0x38;
	[tilespmem:$0x1E668] =	vst v63  }
0x41: {  	s0 =	sadd.s32 $0xFFFFFFFF, s20  }
0x42: {  	p2 =	sge.u32 s0, s12  }
0x43: {  	p3 =	sgt.s32 @!p2 s18, $0x297A0  }
0x44: {  	s2 =	smov.u32 s18;
	s8 =	sshra.s32 @!p2 s18, $0x1F;
	p3 =	por !p3, p2  }
0x45: {  	s8 =	sand.u32 @!p2 s8, s18;
	s2 =	simm.s32 @p3 $0x297A0  }
0x46: {  	s2 =	ssub.s32 @!p2 s2, s8  }
0x47: {  	s2 =	sadd.s32 @!p2 $0xFFFD6860, s2  }
0x48: {  	s8 =	sshll.u32 @!p2 s2, $0x2  }
0x49: {  	p3 =	sgt.s32 @!p2 s2, $0x6F;
	s2 =	ssub.s32 @!p2 $0x1C0, s8  }
0x4a: {  	p3 =	por !p3, p2;
	s2 =	sshrl.u32 @!p2 s2, $0x2  }
0x4b: {  	s9 =	simm.s32 @!p2 $0x8;
	s8 =	sand.u32 @!p2 $0x1, s0;
	s2 =	simm.s32 @!p3 $0x0  }
0x4c: {  	s8 =	smul.u32 @!p2 $0x1C0, s8;
	_ =	swait.ge @!p2 [sflag:s9], s2  }
0x4d: {  	s22 =	ssub.s32 @!p2 $0x0, s2;
	[sflag:s9] =	ssyncset.done @!p2 $0x0  }
0x4e: {  	s8 =	sshrl.u32 @!p2 s8, $0x2;
	[sflag:s9] =	ssyncadd.s32 @!p2 s22;
	s9 =	sshrl.u32 @!p2 s18, $0x3  }
0x4f: {  	s8 =	sor.u32 @!p2 $0x10588, s8;
	s22 =	sand.u32 @!p2 $0x7, s18;
	s9 =	sadd.s32 @!p2 s10, s9  }
0x50: {  	[tilespmem:s8], [sflag:$0x9] =	stream.linear.gather @!p2 [hbm4b:s9+s22], s2, $0x38;
	[tilespmem:$0x1E668] =	vst v63  }
0x51: {  	s22 =	ssub.s32 @!p2 $0x29810, s18  }
0x52: {  	p3 =	slt.s32 @!p2 s22, $0x1  }
0x53: {  	p3 =	por p2, p3  }
.Ltmp3:
0x54: {  	_ = 	snop;
	(pc) =	sbr.rel @p3 .LBB2_9-.Ltmp3, $1  }
0x55: {  	_ =	sdelay $0x3  }
0x56: {  	s2 =	smulhi.u32 $0xAAAAAAAB, s0;
	_ =	sdelay $0x1  }
0x57: {  	s2 =	sshrl.u32 s2, $0x1  }
0x58: {  	s2 =	smul.u32 $0x3, s2;
	_ =	sdelay $0x1  }
0x59: {  	s29 =	ssub.s32 s0, s2  }
0x5a: {  	s8 =	simm.s32 $0x1;
	s0 =	smul.u32 $0x1C0, s29  }
.Ltmp4:
0x5b: {  	s8 =	simm.s32 @!p0 $0x0;
	(pc) =	sbr.rel .LBB2_6-.Ltmp4, $4  }
0x5c: {  	s30 =	smul.u32 $0x1C000, s8  }
0x5d: {  	p3 =	slt.s32 @!p2 s22, $0x70;
	s0 =	sshrl.u32 s0, $0x2  }
0x5e: {  	p2 =	por !p3, p2;
	s2 =	sshrl.u32 s30, $0x2;
	s31 =	sadd.s32 $0x10438, s0  }
0x5f: {  	s22 =	simm.s32 @p2 $0x70;
	s23 =	sor.u32 $0x10668, s2;
	s0 =	simm.s32 $0x0;
	v1 =	vmov s31  }
.LBB2_5:
0x60: {  	p2 =	sge.s32 s0, s22  }
.Ltmp5:
0x61: {  	_ = 	snop;
	(pc) =	sbr.rel @p2 .LBB2_9-.Ltmp5, $2  }
0x62: {  	_ =	sdelay $0x2  }
0x63: {  	s23 =	sadd.s32 $0x1000, s23  }
.LBB2_6:
0x64: {  	p2 =	sle.s32 s22, s0  }
.Ltmp6:
0x65: {  	_ = 	snop;
	(pc) =	sbr.rel @p2 .LBB2_5-.Ltmp6, $2  }
0x66: {  	_ =	sdelay $0x2  }
0x67: {  	s24 =	smov.u32 s0;
	s0 =	sadd.s32 $0x10, s0  }
0x68: {  	s2 =	ssub.s32 s22, s24  }
0x69: {  	p2 =	slt.s32 s2, $0x10  }
0x6a: {  	s2 =	simm.s32 @!p2 $0x10  }
0x6b: {  	v2 =	vmov s2  }
0x6c: {  	vm0 =	vgt.s32 v2, v0;
	_ =	sdelay $0x5  }
0x6d: {  	v2 =	vld.idx.msk [tilespmem:v1+s24+$0x0 ss:$0x1], vm0;
	_ =	sdelay $0x2  }
0x6e: {  	p2 =	slt.s32 s0, s22;
	s2 =	smov.u32 s22  }
0x6f: {  	s8 =	smov.u32 s23;
	s25 =	simm.s32 $0x0;
	s2 =	smov.u32 @p2 s0  }
.LBB2_8:
0x70: {  	(v2sf) =	vpush v2, s25;
	_ =	sdelay $0xe  }
0x71: {  	s25 =	sadd.s32 $0x1, s25;
	s9 =	spop (v2sf)  }
0x72: {  	s31 =	sadd.s32 s25, s24;
	s26 =	sshll.u32 s9, $0x8;
	s9 =	sshll.u32 s9, $0x7  }
0x73: {  	p2 =	slt.s32 s31, s2;
	s26 =	sand.u32 $0xFFFFF800, s26;
	s9 =	sand.u32 $0x380, s9  }
.Ltmp7:
0x74: {  	s9 =	sor.u32 s9, s26;
	(pc) =	sbr.rel @p2 .LBB2_8-.Ltmp7, $4  }
0x75: {  	s9 =	sshrl.u32 s9, $0x3  }
0x76: {  	s9 =	sadd.s32 s4, s9  }
0x77: {  	[tilespmem:s8], [sflag:$0x7] =	stream.strided.gather [hbm4b:s9+s15], $0x100, s16, s15, $0x38;
	[tilespmem:$0x1E668] =	vst v63  }
0x78: {  	s8 =	sadd.s32 $0x100, s8  }
.Ltmp8:
0x79: {  	_ = 	snop;
	(pc) =	sbr.rel .LBB2_5-.Ltmp8, $1  }
0x7a: {  	_ =	sdelay $0x3  }
.LBB2_9:
0x7b: {  	p2 =	slt.u32 s20, $0x2  }
.Ltmp9:
0x7c: {  	_ = 	snop;
	(pc) =	sbr.rel @p2 .LBB2_27-.Ltmp9, $1  }
0x7d: {  	_ =	sdelay $0x3  }
0x7e: {  	p2 =	sgt.s32 s21, $0x297A0;
	s0 =	smov.u32 s21  }
0x7f: {  	s2 =	sshra.s32 s21, $0x1F;
	s8 =	ssub.s32 $0x29810, s21;
	s0 =	simm.s32 @!p2 $0x297A0  }
0x80: {  	s2 =	sand.u32 s2, s21;
	p2 =	slt.s32 s8, $0x70;
	s9 =	smov.u32 s8  }
0x81: {  	s0 =	ssub.s32 s0, s2;
	s9 =	simm.s32 @!p2 $0x70  }
0x82: {  	s0 =	sadd.s32 $0xFFFD6860, s0;
	s25 =	sshll.u32 s9, $0x8  }
0x83: {  	s3 =	simm.s32 $0x7;
	s26 =	sshll.u32 s0, $0x2;
	s2 =	sand.u32 $0x3FFFFF00, s25  }
0x84: {  	p2 =	sgt.s32 s0, $0x6F;
	s29 =	ssub.s32 $0x1C0, s26;
	_ =	swait.ge [sflag:s3], s2  }
0x85: {  	s2 =	ssub.s32 $0x0, s2;
	[sflag:s3] =	ssyncset.done $0x0;
	s0 =	sshrl.u32 s29, $0x2  }
0x86: {  	s30 =	simm.s32 $0x9;
	[sflag:s3] =	ssyncadd.s32 s2;
	s0 =	simm.s32 @p2 $0x0  }
0x87: {  	_ =	swait.ge [sflag:s30], s0  }
0x88: {  	s0 =	ssub.s32 $0x0, s0;
	[sflag:s30] =	ssyncset.done $0x0  }
0x89: {  	[sflag:s30] =	ssyncadd.s32 s0  }
0x8a: {  	v1 =	vld [tilespmem:$0xE408];
	_ =	sdelay $0x4  }
0x8b: {  	(v2sf) =	vpush v1, $0x0  }
0x8c: {  	(v2sf) =	vpush v1, $0x1  }
0x8d: {  	(v2sf) =	vpush v1, $0x2;
	_ =	sdelay $0x3  }
0x8e: {  	s0 =	sadd.s32 $0x70, s21  }
0x8f: {  	p2 =	slt.s32 s7, s0  }
0x90: {  	s0 =	smov.u32 @p2 s7;
	p2 =	sgt.s32 s8, $0x0  }
0x91: {  	s25 =	ssub.s32 s0, s21;
	s8 =	simm.s32 @!p2 $0x0  }
0x92: {  	p2 =	slt.s32 s8, s25  }
0x93: {  	s25 =	smov.u32 @p2 s8  }
0x94: {  	s24 =	simm.s32 $0x1;
	p2 =	slt.s32 s25, $0x1  }
.Ltmp10:
0x95: {  	s24 =	simm.s32 @!p1 $0x0;
	(pc) =	sbr.rel @p2 .LBB2_14-.Ltmp10, $4  }
0x96: {  	s31 =	smul.u32 $0x1C0, s24  }
0x97: {  	s26 =	spop (v2sf)  }
0x98: {  	s0 =	sshrl.u32 s31, $0x2;
	s28 =	spop (v2sf)  }
0x99: {  	s22 =	sor.u32 $0x10588, s0;
	s21 =	spop (v2sf)  }
0x9a: {  	s0 =	smin.u32 s25, $0x10  }
0x9b: {  	v1 =	vmov s0  }
0x9c: {  	vm1 =	vgt.u32 v1, v0  }
0x9d: {  	p3 =	sgt.s32 s25, $0x10  }
.Ltmp11:
0x9e: {  	_ = 	snop;
	(pc) =	sbr.rel @!p3 .LBB2_13-.Ltmp11, $2  }
0x9f: {  	_ =	sdelay $0x2  }
0xa0: {  	s23 =	simm.s32 $0x10;
	s29 =	sadd.s32 $0xFFFFFFF0, s25;
	s0 =	smov.u32 s22;
	vm0 =	vmmov vm1;
	v1 =	vld.msk [tilespmem:s22+$0x0 ss:$0x1], vm1  }
.LBB2_12:
0xa1: {  	s2 =	smin.u32 s29, $0x10;
	s23 =	sadd.s32 $0x10, s23  }
0xa2: {  	v2 =	vmov s2;
	p3 =	slt.s32 s23, s25  }
0xa3: {  	vm1 =	vgt.u32 v2, v0;
	_ =	sdelay $0x1  }
0xa4: {  	v2 =	vshll.u32 v1, $0x5;
	v1 =	vshll.u32 v1, $0x4  }
.Ltmp12:
0xa5: {  	v2 =	vand.u32 $0xFFFFFF00, v2;
	v1 =	vand.u32 $0x70, v1;
	(pc) =	sbr.rel @p3 .LBB2_12-.Ltmp12, $4  }
0xa6: {  	v1 =	vor.u32 v1, v2  }
0xa7: {  	[tilespmem:s0+$0x0] =	vst.msk vm0, v1;
	s0 =	sadd.s32 $0x10, s0;
	vm0 =	vmmov vm1  }
0xa8: {  	v1 =	vld.msk [tilespmem:s0+$0x0 ss:$0x1], vm1  }
0xa9: {  	s29 =	sadd.s32 $0xFFFFFFF0, s29  }
.LBB2_13:
0xaa: {  	_ =	sdelay $0x3  }
0xab: {  	v2 =	vshll.u32 v1, $0x5;
	v1 =	vshll.u32 v1, $0x4  }
0xac: {  	v2 =	vand.u32 $0xFFFFFF00, v2;
	v1 =	vand.u32 $0x70, v1  }
0xad: {  	v1 =	vor.u32 v1, v2  }
0xae: {  	[tilespmem:s0+$0x0] =	vst.msk vm0, v1  }
.LBB2_14:
0xaf: {  	s0 =	sand.u32 $0x1, s20  }
0xb0: {  	s2 =	smul.u32 $0x7000, s0  }
0xb1: {  	p3 =	sne.s32 s28, $0xFFFFFFFF  }
0xb2: {  	v1 =	vld @!p3 [tilespmem:s2+$0x10668];
	_ =	sdelay $0x2  }
0xb3: {  	s0 =	smul.u32 $0x70, s0;
	_ =	sdelay $0x1  }
0xb4: {  	v2 =	vld.msk @!p3 [tilespmem:s0+$0x10588], $0x1;
	[tilespmem:$0x208] =	vst @!p3 v1  }
0xb5: {  	v1 =	vld @!p3 [tilespmem:s2+$0x10678];
	_ =	sdelay $0x4  }
0xb6: {  	[tilespmem:$0x218] =	vst @!p3 v1  }
0xb7: {  	v1 =	vld @!p3 [tilespmem:s2+$0x10688];
	_ =	sdelay $0x4  }
0xb8: {  	[tilespmem:$0x228] =	vst @!p3 v1  }
0xb9: {  	v1 =	vld @!p3 [tilespmem:s2+$0x10698];
	_ =	sdelay $0x4  }
0xba: {  	[tilespmem:$0x238] =	vst @!p3 v1  }
0xbb: {  	v1 =	vld @!p3 [tilespmem:s2+$0x106A8];
	_ =	sdelay $0x4  }
0xbc: {  	[tilespmem:$0x248] =	vst @!p3 v1  }
0xbd: {  	v1 =	vld @!p3 [tilespmem:s2+$0x106B8];
	_ =	sdelay $0x4  }
0xbe: {  	[tilespmem:$0x258] =	vst @!p3 v1  }
0xbf: {  	v1 =	vld @!p3 [tilespmem:s2+$0x106C8];
	_ =	sdelay $0x4  }
0xc0: {  	[tilespmem:$0x268] =	vst @!p3 v1  }
0xc1: {  	v1 =	vld @!p3 [tilespmem:s2+$0x106D8];
	_ =	sdelay $0x4  }
0xc2: {  	[tilespmem:$0x278] =	vst @!p3 v1  }
0xc3: {  	v1 =	vld @!p3 [tilespmem:s2+$0x106E8];
	_ =	sdelay $0x4  }
0xc4: {  	[tilespmem:$0x288] =	vst @!p3 v1  }
0xc5: {  	v1 =	vld @!p3 [tilespmem:s2+$0x106F8];
	_ =	sdelay $0x4  }
0xc6: {  	[tilespmem:$0x298] =	vst @!p3 v1  }
0xc7: {  	v1 =	vld @!p3 [tilespmem:s2+$0x10708];
	_ =	sdelay $0x4  }
0xc8: {  	[tilespmem:$0x2A8] =	vst @!p3 v1  }
0xc9: {  	v1 =	vld @!p3 [tilespmem:s2+$0x10718];
	_ =	sdelay $0x4  }
0xca: {  	[tilespmem:$0x2B8] =	vst @!p3 v1  }
0xcb: {  	v1 =	vld @!p3 [tilespmem:s2+$0x10728];
	_ =	sdelay $0x4  }
0xcc: {  	[tilespmem:$0x2C8] =	vst @!p3 v1  }
0xcd: {  	(v2sf) =	vpush @!p3 v2, $0x0;
	v1 =	vld @!p3 [tilespmem:s2+$0x10738];
	_ =	sdelay $0x4  }
0xce: {  	[tilespmem:$0x2D8] =	vst @!p3 v1  }
0xcf: {  	v1 =	vld @!p3 [tilespmem:s2+$0x10748];
	_ =	sdelay $0x4  }
0xd0: {  	[tilespmem:$0x2E8] =	vst @!p3 v1  }
0xd1: {  	v1 =	vld @!p3 [tilespmem:s2+$0x10758]  }
.Ltmp13:
0xd2: {  	_ = 	snop;
	(pc) =	sbr.rel @p2 .LBB2_25-.Ltmp13, $4  }
0xd3: {  	_ = 	snop  }
0xd4: {  	s30 =	spop @!p3 (v2sf)  }
0xd5: {  	s21 =	simm.s32 @!p3 $0x0;
	s23 =	smov.u32 s30  }
0xd6: {  	s30 =	smov.u32 @p3 s26;
	s23 =	smov.u32 @p3 s28;
	[tilespmem:$0x2F8] =	vst @!p3 v1;
	[sflag:s17] =	ssyncpa.u1 $0x0  }
0xd7: {  	v1 =	vld.msk [tilespmem:s22+$0x0], $0x1;
	_ =	sdelay $0x4  }
0xd8: {  	(v2sf) =	vpush v1, $0x0;
	_ =	sdelay $0xd  }
0xd9: {  	s17 =	smov.u32 s6  }
0xda: {  	s6 =	smov.u32 s14;
	s14 =	smov.u32 s5;
	s29 =	spop (v2sf)  }
0xdb: {  	s5 =	smov.u32 s10;
	s0 =	smul.u32 $0x1C000, s24;
	p2 =	seq.s32 s30, s29  }
0xdc: {  	s2 =	smov.u32 s30;
	s25 =	ssub.s32 $0x0, s25;
	p3 =	sgt.s32 @!p2 s30, $0x0  }
0xdd: {  	s26 =	simm.s32 $0x0;
	s0 =	sshrl.u32 s0, $0x2;
	p3 =	por !p3, p2  }
0xde: {  	s28 =	sadd.s32 $0x1, s25;
	s24 =	sor.u32 $0x106E8, s0;
	s2 =	simm.s32 @p3 $0x0  }
0xdf: {  	s0 =	simm.s32 @!p2 $0x1;
	p3 =	seq.s32 s28, $0x0;
	s2 =	smin.u32 @!p2 s2, $0x4E170  }
.Ltmp14:
0xe0: {  	s9 =	simm.s32 @!p2 $0x7308;
	s8 =	sand.u32 @!p2 $0x7FFF8, s2;
	(pc) =	sbr.rel @p3 .LBB2_17-.Ltmp14, $4  }
0xe1: {  	s31 =	sadd.s32 @!p2 $0x80, s2;
	s10 =	sadd.s32 @!p2 s1, s8;
	s8 =	sand.u32 @!p2 $0x7, s2  }
0xe2: {  	[tilespmem:s9], [sflag:$0x2] =	stream.linear.gather @!p2 [hbm4b:s10+s8], $0x80, $0x38;
	[tilespmem:$0x1E668] =	vst v63  }
0xe3: {  	s0 =	smov.u32 @p2 s26;
	s9 =	sand.u32 @!p2 $0xFFFF8, s31  }
0xe4: {  	s2 =	simm.s32 @!p2 $0x7388;
	s31 =	sadd.s32 $0x1, s22;
	s9 =	sadd.s32 @!p2 s1, s9  }
.LBB2_16:
0xe5: {  	s10 =	smov.u32 s0  }
0xe6: {  	[tilespmem:s2], [sflag:$0x2] =	stream.linear.gather @!p2 [hbm4b:s9+s8], $0x80, $0x38;
	[tilespmem:$0x1E668] =	vst v63  }
0xe7: {  	s28 =	sadd.s32 $0x1, s28;
	s8 =	smov.u32 s29;
	v1 =	vld.msk [tilespmem:s31+$0x0], $0x1  }
0xe8: {  	p3 =	seq.s32 s28, $0x0;
	_ =	sdelay $0x3  }
0xe9: {  	(v2sf) =	vpush v1, $0x0;
	_ =	sdelay $0xe  }
0xea: {  	s29 =	spop (v2sf)  }
0xeb: {  	p2 =	seq.s32 s8, s29  }
0xec: {  	p4 =	sgt.s32 @!p2 s8, $0x0;
	s2 =	sshll.u32 @!p2 s0, $0xA;
	s0 =	sadd.s32 @!p2 $0x1, s0  }
0xed: {  	p4 =	por !p4, p2;
	s2 =	sshra.s32 @!p2 s2, $0x2;
	s0 =	smov.u32 @p2 s10  }
0xee: {  	s8 =	simm.s32 @p4 $0x0;
	s9 =	sadd.s32 @!p2 $0x7308, s2;
	s2 =	sadd.s32 @!p2 $0x7388, s2  }
.Ltmp15:
0xef: {  	s8 =	smin.u32 @!p2 s8, $0x4E170;
	(pc) =	sbr.rel @!p3 .LBB2_16-.Ltmp15, $4  }
0xf0: {  	s10 =	sand.u32 @!p2 $0x7FFF8, s8;
	s3 =	sadd.s32 @!p2 $0x80, s8  }
0xf1: {  	s8 =	sand.u32 @!p2 $0x7, s8;
	s10 =	sadd.s32 @!p2 s1, s10;
	s3 =	sand.u32 @!p2 $0xFFFF8, s3  }
0xf2: {  	[tilespmem:s9], [sflag:$0x2] =	stream.linear.gather @!p2 [hbm4b:s10+s8], $0x80, $0x38;
	[tilespmem:$0x1E668] =	vst v63  }
0xf3: {  	s31 =	sadd.s32 $0x1, s31;
	s9 =	sadd.s32 @!p2 s1, s3  }
.LBB2_17:
0xf4: {  	[tilespmem:s2], [sflag:$0x2] =	stream.linear.gather @!p2 [hbm4b:s9+s8], $0x80, $0x38;
	[tilespmem:$0x1E668] =	vst v63  }
.Ltmp16:
0xf5: {  	s0 =	sshll.u32 s0, $0x8;
	(pc) =	sbr.rel .LBB2_18-.Ltmp16, $4  }
0xf6: {  	s31 =	simm.s32 $0x2;
	s29 =	simm.s32 $0x0;
	s0 =	sand.u32 $0x3FFFFF00, s0  }
0xf7: {  	s10 =	smov.u32 s5;
	s5 =	smov.u32 s14;
	_ =	swait.ge [sflag:s31], s0  }
0xf8: {  	s14 =	smov.u32 s6;
	s0 =	ssub.s32 $0x0, s0;
	[sflag:s31] =	ssyncset.done $0x0  }
0xf9: {  	s6 =	smov.u32 s17;
	s17 =	simm.s32 $0xA;
	[sflag:s31] =	ssyncadd.s32 s0  }
.LBB2_19:
0xfa: {  	v1 =	vld [tilespmem:s24+$0xFFFFFF80]  }
0xfb: {  	v2 =	vld [tilespmem:s31+$0x208];
	_ =	sdelay $0x4  }
0xfc: {  	v1 =	vmax.f32 v1, v2  }
0xfd: {  	v2 =	vld [tilespmem:s31+$0x218];
	[tilespmem:s31+$0x208] =	vst v1  }
0xfe: {  	v1 =	vld [tilespmem:s24+$0xFFFFFF90];
	_ =	sdelay $0x4  }
0xff: {  	v1 =	vmax.f32 v1, v2  }
0x100: {  	v2 =	vld [tilespmem:s31+$0x228];
	[tilespmem:s31+$0x218] =	vst v1  }
0x101: {  	v1 =	vld [tilespmem:s24+$0xFFFFFFA0];
	_ =	sdelay $0x4  }
0x102: {  	v1 =	vmax.f32 v1, v2  }
0x103: {  	v2 =	vld [tilespmem:s31+$0x238];
	[tilespmem:s31+$0x228] =	vst v1  }
0x104: {  	v1 =	vld [tilespmem:s24+$0xFFFFFFB0];
	_ =	sdelay $0x4  }
0x105: {  	v1 =	vmax.f32 v1, v2  }
0x106: {  	v2 =	vld [tilespmem:s31+$0x248];
	[tilespmem:s31+$0x238] =	vst v1  }
0x107: {  	v1 =	vld [tilespmem:s24+$0xFFFFFFC0];
	_ =	sdelay $0x4  }
0x108: {  	v1 =	vmax.f32 v1, v2  }
0x109: {  	v2 =	vld [tilespmem:s31+$0x258];
	[tilespmem:s31+$0x248] =	vst v1  }
0x10a: {  	v1 =	vld [tilespmem:s24+$0xFFFFFFD0];
	_ =	sdelay $0x4  }
0x10b: {  	v1 =	vmax.f32 v1, v2  }
0x10c: {  	v2 =	vld [tilespmem:s31+$0x268];
	[tilespmem:s31+$0x258] =	vst v1  }
0x10d: {  	v1 =	vld [tilespmem:s24+$0xFFFFFFE0];
	_ =	sdelay $0x4  }
0x10e: {  	v1 =	vmax.f32 v1, v2  }
0x10f: {  	v2 =	vld [tilespmem:s31+$0x278];
	[tilespmem:s31+$0x268] =	vst v1  }
0x110: {  	v1 =	vld [tilespmem:s24+$0xFFFFFFF0];
	_ =	sdelay $0x4  }
0x111: {  	v1 =	vmax.f32 v1, v2  }
0x112: {  	v2 =	vld [tilespmem:s31+$0x288];
	[tilespmem:s31+$0x278] =	vst v1  }
0x113: {  	v1 =	vld [tilespmem:s24+$0x0];
	_ =	sdelay $0x4  }
0x114: {  	v1 =	vmax.f32 v1, v2  }
0x115: {  	v2 =	vld [tilespmem:s31+$0x298];
	[tilespmem:s31+$0x288] =	vst v1  }
0x116: {  	v1 =	vld [tilespmem:s24+$0x10];
	_ =	sdelay $0x4  }
0x117: {  	v1 =	vmax.f32 v1, v2  }
0x118: {  	v2 =	vld [tilespmem:s31+$0x2A8];
	[tilespmem:s31+$0x298] =	vst v1  }
0x119: {  	v1 =	vld [tilespmem:s24+$0x20];
	_ =	sdelay $0x4  }
0x11a: {  	v1 =	vmax.f32 v1, v2  }
0x11b: {  	v2 =	vld [tilespmem:s31+$0x2B8];
	[tilespmem:s31+$0x2A8] =	vst v1  }
0x11c: {  	v1 =	vld [tilespmem:s24+$0x30];
	_ =	sdelay $0x4  }
0x11d: {  	v1 =	vmax.f32 v1, v2  }
0x11e: {  	v2 =	vld [tilespmem:s31+$0x2C8];
	[tilespmem:s31+$0x2B8] =	vst v1  }
0x11f: {  	v1 =	vld [tilespmem:s24+$0x40];
	_ =	sdelay $0x4  }
0x120: {  	v1 =	vmax.f32 v1, v2  }
0x121: {  	v2 =	vld [tilespmem:s31+$0x2D8];
	[tilespmem:s31+$0x2C8] =	vst v1  }
0x122: {  	v1 =	vld [tilespmem:s24+$0x50];
	_ =	sdelay $0x4  }
0x123: {  	v1 =	vmax.f32 v1, v2  }
0x124: {  	v2 =	vld [tilespmem:s31+$0x2E8];
	[tilespmem:s31+$0x2D8] =	vst v1  }
0x125: {  	v1 =	vld [tilespmem:s24+$0x60];
	_ =	sdelay $0x4  }
0x126: {  	v1 =	vmax.f32 v1, v2  }
0x127: {  	v2 =	vld [tilespmem:s31+$0x2F8];
	[tilespmem:s31+$0x2E8] =	vst v1  }
0x128: {  	v1 =	vld [tilespmem:s24+$0x70];
	_ =	sdelay $0x4  }
0x129: {  	v1 =	vmax.f32 v1, v2  }
0x12a: {  	[tilespmem:s31+$0x2F8] =	vst v1  }
.LBB2_23:
0x12b: {  	s25 =	sadd.s32 $0x1, s25  }
0x12c: {  	p2 =	seq.s32 s25, $0x0  }
.Ltmp17:
0x12d: {  	_ = 	snop;
	(pc) =	sbr.rel @p2 .LBB2_24-.Ltmp17, $2  }
0x12e: {  	_ =	sdelay $0x2  }
0x12f: {  	s22 =	sadd.s32 $0x1, s22;
	s24 =	sadd.s32 $0x100, s24;
	s30 =	smov.u32 s28  }
.LBB2_18:
0x130: {  	v1 =	vld.msk [tilespmem:s22+$0x0], $0x1;
	_ =	sdelay $0x4  }
0x131: {  	(v2sf) =	vpush v1, $0x0;
	_ =	sdelay $0xe  }
0x132: {  	s28 =	spop (v2sf)  }
0x133: {  	p2 =	sne.s32 s30, s28  }
.Ltmp18:
0x134: {  	_ = 	snop;
	(pc) =	sbr.rel @!p2 .LBB2_19-.Ltmp18, $3  }
0x135: {  	_ =	sdelay $0x1  }
0x136: {  	s0 =	sshll.u32 s21, $0xA  }
0x137: {  	s31 =	sshra.s32 s0, $0x2  }
0x138: {  	p2 =	seq.s32 s30, s23  }
.Ltmp19:
0x139: {  	_ = 	snop;
	(pc) =	sbr.rel @!p2 .LBB2_21-.Ltmp19, $1  }
0x13a: {  	_ =	sdelay $0x3  }
.Ltmp20:
0x13b: {  	s0 =	sadd.s32 $0x208, s31;
	(pc) =	sbr.rel .LBB2_22-.Ltmp20, $4  }
0x13c: {  	[spmem:s13] =	stream.linear.scatter [tilespmem:s0], [sflag:$0x1], $0x100, $0x38;
	[tilespmem:$0x1E668] =	vst v63  }
0x13d: {  	_ =	swait.ge [sflag:s11], $0x100  }
0x13e: {  	[sflag:s11] =	ssyncset.done $0x0  }
0x13f: {  	[sflag:s11] =	ssyncadd.s32 $0xFFFFFF00  }
.LBB2_21:
0x140: {  	s0 =	sshll.u32 s26, $0xA  }
0x141: {  	v2 =	vld [tilespmem:s31+$0x208];
	s0 =	sshra.s32 s0, $0x2  }
0x142: {  	v1 =	vld [tilespmem:s0+$0x7308];
	_ =	sdelay $0x4  }
0x143: {  	v1 =	vmax.f32 v1, v2  }
0x144: {  	v2 =	vld [tilespmem:s31+$0x218];
	[tilespmem:s31+$0x208] =	vst v1  }
0x145: {  	v1 =	vld [tilespmem:s0+$0x7318];
	_ =	sdelay $0x4  }
0x146: {  	v1 =	vmax.f32 v1, v2  }
0x147: {  	v2 =	vld [tilespmem:s31+$0x228];
	[tilespmem:s31+$0x218] =	vst v1  }
0x148: {  	v1 =	vld [tilespmem:s0+$0x7328];
	_ =	sdelay $0x4  }
0x149: {  	v1 =	vmax.f32 v1, v2  }
0x14a: {  	v2 =	vld [tilespmem:s31+$0x238];
	[tilespmem:s31+$0x228] =	vst v1  }
0x14b: {  	v1 =	vld [tilespmem:s0+$0x7338];
	_ =	sdelay $0x4  }
0x14c: {  	v1 =	vmax.f32 v1, v2  }
0x14d: {  	v2 =	vld [tilespmem:s31+$0x248];
	[tilespmem:s31+$0x238] =	vst v1  }
0x14e: {  	v1 =	vld [tilespmem:s0+$0x7348];
	_ =	sdelay $0x4  }
0x14f: {  	v1 =	vmax.f32 v1, v2  }
0x150: {  	v2 =	vld [tilespmem:s31+$0x258];
	[tilespmem:s31+$0x248] =	vst v1  }
0x151: {  	v1 =	vld [tilespmem:s0+$0x7358];
	_ =	sdelay $0x4  }
0x152: {  	v1 =	vmax.f32 v1, v2  }
0x153: {  	v2 =	vld [tilespmem:s31+$0x268];
	[tilespmem:s31+$0x258] =	vst v1  }
0x154: {  	v1 =	vld [tilespmem:s0+$0x7368];
	_ =	sdelay $0x4  }
0x155: {  	v1 =	vmax.f32 v1, v2  }
0x156: {  	v2 =	vld [tilespmem:s31+$0x278];
	[tilespmem:s31+$0x268] =	vst v1  }
0x157: {  	v1 =	vld [tilespmem:s0+$0x7378];
	_ =	sdelay $0x4  }
0x158: {  	v1 =	vmax.f32 v1, v2  }
0x159: {  	v2 =	vld [tilespmem:s31+$0x288];
	[tilespmem:s31+$0x278] =	vst v1  }
0x15a: {  	v1 =	vld [tilespmem:s0+$0x7388];
	_ =	sdelay $0x4  }
0x15b: {  	v1 =	vmax.f32 v1, v2  }
0x15c: {  	v2 =	vld [tilespmem:s31+$0x298];
	[tilespmem:s31+$0x288] =	vst v1  }
0x15d: {  	v1 =	vld [tilespmem:s0+$0x7398];
	_ =	sdelay $0x4  }
0x15e: {  	v1 =	vmax.f32 v1, v2  }
0x15f: {  	v2 =	vld [tilespmem:s31+$0x2A8];
	[tilespmem:s31+$0x298] =	vst v1  }
0x160: {  	v1 =	vld [tilespmem:s0+$0x73A8];
	_ =	sdelay $0x4  }
0x161: {  	v1 =	vmax.f32 v1, v2  }
0x162: {  	v2 =	vld [tilespmem:s31+$0x2B8];
	[tilespmem:s31+$0x2A8] =	vst v1  }
0x163: {  	v1 =	vld [tilespmem:s0+$0x73B8];
	_ =	sdelay $0x4  }
0x164: {  	v1 =	vmax.f32 v1, v2  }
0x165: {  	v2 =	vld [tilespmem:s31+$0x2C8];
	[tilespmem:s31+$0x2B8] =	vst v1  }
0x166: {  	v1 =	vld [tilespmem:s0+$0x73C8];
	_ =	sdelay $0x4  }
0x167: {  	v1 =	vmax.f32 v1, v2  }
0x168: {  	v2 =	vld [tilespmem:s31+$0x2D8];
	[tilespmem:s31+$0x2C8] =	vst v1  }
0x169: {  	v1 =	vld [tilespmem:s0+$0x73D8];
	_ =	sdelay $0x4  }
0x16a: {  	v1 =	vmax.f32 v1, v2  }
0x16b: {  	v2 =	vld [tilespmem:s31+$0x2E8];
	[tilespmem:s31+$0x2D8] =	vst v1  }
0x16c: {  	v1 =	vld [tilespmem:s0+$0x73E8];
	_ =	sdelay $0x4  }
0x16d: {  	v1 =	vmax.f32 v1, v2  }
0x16e: {  	v2 =	vld [tilespmem:s31+$0x2F8];
	[tilespmem:s31+$0x2E8] =	vst v1  }
0x16f: {  	v1 =	vld [tilespmem:s0+$0x73F8];
	_ =	sdelay $0x3  }
0x170: {  	p2 =	sgt.u32 s30, $0x4E170  }
0x171: {  	s0 =	sand.u32 @!p2 $0x7FFF8, s30;
	v1 =	vmax.f32 v1, v2  }
0x172: {  	s2 =	sadd.s32 $0x208, s31;
	s3 =	sand.u32 @!p2 $0x7, s30;
	s0 =	sadd.s32 @!p2 s1, s0;
	[tilespmem:s31+$0x2F8] =	vst v1  }
0x173: {  	[hbm4b:s0+s3] =	stream.linear.scatter @!p2 [tilespmem:s2], [sflag:$0xA], $0x80, $0x38;
	[tilespmem:$0x1E668] =	vst v63  }
0x174: {  	s0 =	sadd.s32 @!p2 $0x80, s30  }
0x175: {  	s0 =	sand.u32 @!p2 $0xFFFF8, s0  }
0x176: {  	s2 =	sadd.s32 $0x288, s31;
	s0 =	sadd.s32 @!p2 s1, s0  }
0x177: {  	[hbm4b:s0+s3] =	stream.linear.scatter @!p2 [tilespmem:s2], [sflag:$0xA], $0x80, $0x38;
	[tilespmem:$0x1E668] =	vst v63  }
0x178: {  	s0 =	simm.s32 $0x0  }
0x179: {  	s0 =	simm.s32 @!p2 $0x400  }
0x17a: {  	s29 =	sadd.s32 s0, s29  }
.LBB2_22:
0x17b: {  	s0 =	sadd.s32 $0x1, s21  }
0x17c: {  	s2 =	sshrl.u32 s0, $0x4  }
0x17d: {  	s2 =	smulhi.u32 $0x24924925, s2  }
0x17e: {  	v1 =	vld [tilespmem:s24+$0xFFFFFF80]  }
0x17f: {  	s2 =	smul.u32 $0x70, s2;
	_ =	sdelay $0x1  }
0x180: {  	s21 =	ssub.s32 s0, s2  }
0x181: {  	s0 =	sshll.u32 s21, $0x8  }
0x182: {  	[tilespmem:s0+$0x208] =	vst v1  }
0x183: {  	v1 =	vld [tilespmem:s24+$0xFFFFFF90];
	_ =	sdelay $0x4  }
0x184: {  	[tilespmem:s0+$0x218] =	vst v1  }
0x185: {  	v1 =	vld [tilespmem:s24+$0xFFFFFFA0];
	_ =	sdelay $0x4  }
0x186: {  	[tilespmem:s0+$0x228] =	vst v1  }
0x187: {  	v1 =	vld [tilespmem:s24+$0xFFFFFFB0];
	_ =	sdelay $0x4  }
0x188: {  	[tilespmem:s0+$0x238] =	vst v1  }
0x189: {  	v1 =	vld [tilespmem:s24+$0xFFFFFFC0];
	_ =	sdelay $0x4  }
0x18a: {  	[tilespmem:s0+$0x248] =	vst v1  }
0x18b: {  	v1 =	vld [tilespmem:s24+$0xFFFFFFD0];
	_ =	sdelay $0x4  }
0x18c: {  	[tilespmem:s0+$0x258] =	vst v1  }
0x18d: {  	v1 =	vld [tilespmem:s24+$0xFFFFFFE0];
	_ =	sdelay $0x4  }
0x18e: {  	[tilespmem:s0+$0x268] =	vst v1  }
0x18f: {  	v1 =	vld [tilespmem:s24+$0xFFFFFFF0];
	_ =	sdelay $0x4  }
0x190: {  	[tilespmem:s0+$0x278] =	vst v1  }
0x191: {  	v1 =	vld [tilespmem:s24+$0x0];
	_ =	sdelay $0x4  }
0x192: {  	[tilespmem:s0+$0x288] =	vst v1  }
0x193: {  	v1 =	vld [tilespmem:s24+$0x10];
	_ =	sdelay $0x4  }
0x194: {  	[tilespmem:s0+$0x298] =	vst v1  }
0x195: {  	v1 =	vld [tilespmem:s24+$0x20];
	_ =	sdelay $0x4  }
0x196: {  	[tilespmem:s0+$0x2A8] =	vst v1  }
0x197: {  	v1 =	vld [tilespmem:s24+$0x30];
	_ =	sdelay $0x4  }
0x198: {  	[tilespmem:s0+$0x2B8] =	vst v1  }
0x199: {  	v1 =	vld [tilespmem:s24+$0x40];
	_ =	sdelay $0x4  }
0x19a: {  	[tilespmem:s0+$0x2C8] =	vst v1  }
0x19b: {  	v1 =	vld [tilespmem:s24+$0x50];
	_ =	sdelay $0x4  }
0x19c: {  	[tilespmem:s0+$0x2D8] =	vst v1  }
0x19d: {  	v1 =	vld [tilespmem:s24+$0x60];
	_ =	sdelay $0x4  }
0x19e: {  	[tilespmem:s0+$0x2E8] =	vst v1  }
0x19f: {  	v1 =	vld [tilespmem:s24+$0x70]  }
.Ltmp21:
0x1a0: {  	_ = 	snop;
	(pc) =	sbr.rel .LBB2_23-.Ltmp21, $2  }
0x1a1: {  	_ =	sdelay $0x2  }
0x1a2: {  	s26 =	sadd.s32 $0x1, s26;
	[tilespmem:s0+$0x2F8] =	vst v1  }
.LBB2_25:
.Ltmp22:
0x1a3: {  	(pc) =	sbr.rel .LBB2_26-.Ltmp22, $4  }
0x1a4: {  	_ = 	snop  }
0x1a5: {  	s0 =	simm.s32 $0x2  }
0x1a6: {  	_ =	swait.ge [sflag:s0], $0x0  }
0x1a7: {  	s28 =	smov.u32 s30;
	[sflag:s0] =	ssyncset.done $0x0;
	s0 =	simm.s32 $0x0  }
.LBB2_28:
0x1a8: {  	_ =	sfence.sel $0x180000  }
0x1a9: {  	s0 =	simm.s32 $0x7;
	[bflag:$0x0] =	sbarrier.arrive $0xFFFF  }
0x1aa: {  	s25 =	simm.s32 $0x8;
	[sflag:s0] =	ssyncpa.u1 $0x1  }
0x1ab: {  	s26 =	simm.s32 $0x9;
	[sflag:s25] =	ssyncpa.u1 $0x1  }
0x1ac: {  	s28 =	simm.s32 $0x2;
	[sflag:s26] =	ssyncpa.u1 $0x1  }
0x1ad: {  	[sflag:s28] =	ssyncpa.u1 $0x1  }
0x1ae: {  	v0 =	vld [tilespmem:$0xE408];
	_ =	sdelay $0x4  }
0x1af: {  	(v2sf) =	vpush v0, $0x0  }
0x1b0: {  	(v2sf) =	vpush v0, $0x1;
	_ =	sdelay $0x1  }
0x1b1: {  	(v2sf) =	vpush v0, $0x2;
	_ =	sdelay $0xb  }
0x1b2: {  	s0 =	spop (v2sf)  }
0x1b3: {  	s2 =	spop (v2sf)  }
0x1b4: {  	s3 =	smov.u32 s0;
	p0 =	sne.s32 s0, s2  }
0x1b5: {  	s4 =	spop (v2sf);
	s3 =	simm.s32 @!p0 $0xFFFFFFFF  }
0x1b6: {  	v2 =	vimm.s32 $0x1;
	v3 =	vlaneseq.u32;
	p0 =	seq.s32 s4, $0xFFFFFFFF;
	v1 =	vmov s3  }
0x1b7: {  	s7 =	stileid.u32;
	v0 =	vperm.xlane v0, v2;
	p1 =	sne.s32 @!p0 s0, s2;
	v1 =	vperm.xlane v1, v3  }
0x1b8: {  	vm0 =	vcmask $0x3F04;
	s6 =	simm.s32 $0xE408;
	s0 =	simm.s32 @!p0 $0x1;
	p1 =	por !p1, p0  }
0x1b9: {  	s3 =	sshll.u32 s7, $0x1;
	s2 =	sshll.u32 @!p0 s4, $0xA;
	s0 =	simm.s32 @p1 $0x0;
	v0 =	vsel vm0, v1, v0  }
0x1ba: {  	s5 =	sor.u32 $0x2000, s3;
	s2 =	sshra.s32 @!p0 s2, $0x2;
	s0 =	sor.u32 @!p0 s0, s3;
	[tilespmem:$0xE408] =	vst v0  }
0x1bb: {  	[spmem:s5] =	stream.linear.scatter [tilespmem:s6], [sflag:$0x1], $0x2, $0x38;
	[tilespmem:$0x1E668] =	vst v63  }
0x1bc: {  	s2 =	sadd.s32 @!p0 $0x208, s2;
	s0 =	sshll.u32 @!p0 s0, $0x8  }
0x1bd: {  	[spmem:s0] =	stream.linear.scatter @!p0 [tilespmem:s2], [sflag:$0x1], $0x100, $0x38;
	[tilespmem:$0x1E668] =	vst v63  }
0x1be: {  	s2 =	simm.s32 @!p0 $0x102  }
0x1bf: {  	s0 =	simm.s32 $0x1;
	s2 =	simm.s32 @p0 $0x2  }
0x1c0: {  	_ =	swait.ge [sflag:s0], s2  }
0x1c1: {  	s2 =	ssub.s32 $0x0, s2;
	[sflag:s0] =	ssyncset.done $0x0  }
0x1c2: {  	[sflag:s0] =	ssyncadd.s32 s2  }
0x1c3: {  	_ =	sfence.stream.spmem  }
0x1c4: {  	s29 =	simm.s32 $0x3;
	[bflag:$0x0] =	sbarrier.arrive $0xFFFF  }
0x1c5: {  	s30 =	simm.s32 $0x4;
	[sflag:s29] =	ssyncpa.u1 $0x1  }
0x1c6: {  	s31 =	simm.s32 $0x3C;
	[sflag:s30] =	ssyncpa.u1 $0x1  }
0x1c7: {  	p0 =	sne.s32 s7, $0x0;
	[sflag:s31] =	ssyncpa.u1 $0x1  }
0x1c8: {  	_ =	sfence @p0  }
0x1c9: {  	[sflag:s0] =	ssyncpa.u1 @p0 $0x1  }
0x1ca: {  	_ =	strace @p0 $0x90000047  }
0x1cb: {  	[bflag:$0x2] =	sbarrier.arrive @p0 $0xFFFF  }
0x1cc: {  	_ =	shalt @p0  }
.LBB2_29:
0x1cd: {  	_ =	sfence.stream.spmem;
	s0 =	simm.s32 $0x5  }
0x1ce: {  	s2 =	simm.s32 $0x2000;
	s3 =	simm.s32 $0xE418;
	[sflag:s0] =	ssyncpa.u1 $0x0  }
0x1cf: {  	[tilespmem:s3], [sflag:$0x5] =	stream.linear.gather [spmem:s2], $0x20, $0x38;
	[tilespmem:$0x1E668] =	vst v63  }
0x1d0: {  	s31 =	simm.s32 $0xE438;
	s2 =	simm.s32 $0x0  }
0x1d1: {  	[tilespmem:s31], [sflag:$0x5] =	stream.linear.gather [spmem:s2], $0x2000, $0x38;
	[tilespmem:$0x1E668] =	vst v63  }
.Ltmp23:
0x1d2: {  	_ = 	snop;
	(pc) =	sbr.rel .LBB2_30-.Ltmp23, $4  }
0x1d3: {  	_ =	swait.ge [sflag:s0], $0x2020  }
0x1d4: {  	[sflag:s0] =	ssyncset.done $0x0  }
0x1d5: {  	s4 =	simm.s32 $0xE308;
	s3 =	simm.s32 $0x6;
	[sflag:s0] =	ssyncadd.s32 $0xFFFFDFE0  }
0x1d6: {  	s5 =	simm.s32 $0xE388;
	s6 =	simm.s32 $0x0;
	[sflag:s3] =	ssyncpa.u1 $0x0  }
.LBB2_38:
0x1d7: {  	s0 =	sand.u32 $0x7FFF8, s7  }
0x1d8: {  	s8 =	sand.u32 $0x7, s7;
	s30 =	sadd.s32 $0x80, s7;
	s0 =	sadd.s32 s1, s0  }
0x1d9: {  	[tilespmem:s4], [sflag:$0x6] =	stream.linear.gather [hbm4b:s0+s8], $0x80, $0x38;
	[tilespmem:$0x1E668] =	vst v63  }
0x1da: {  	s0 =	sand.u32 $0xFFFF8, s30  }
0x1db: {  	s0 =	sadd.s32 s1, s0  }
0x1dc: {  	[tilespmem:s5], [sflag:$0x6] =	stream.linear.gather [hbm4b:s0+s8], $0x80, $0x38;
	[tilespmem:$0x1E668] =	vst v63  }
0x1dd: {  	_ =	swait.ge [sflag:s3], $0x100  }
0x1de: {  	[sflag:s3] =	ssyncset.done $0x0  }
0x1df: {  	s7 =	sshll.u32 s6, $0xA;
	[sflag:s3] =	ssyncadd.s32 $0xFFFFFF00  }
0x1e0: {  	s31 =	sshrl.u32 s7, $0x2;
	v1 =	vld [tilespmem:$0xE308]  }
0x1e1: {  	v2 =	vld [tilespmem:s31+$0xE438];
	_ =	sdelay $0x4  }
0x1e2: {  	v1 =	vmax.f32 v1, v2  }
0x1e3: {  	v2 =	vld [tilespmem:s31+$0xE448];
	[tilespmem:s31+$0xE438] =	vst v1  }
0x1e4: {  	v1 =	vld [tilespmem:$0xE318];
	_ =	sdelay $0x4  }
0x1e5: {  	v1 =	vmax.f32 v1, v2  }
0x1e6: {  	v2 =	vld [tilespmem:s31+$0xE458];
	[tilespmem:s31+$0xE448] =	vst v1  }
0x1e7: {  	v1 =	vld [tilespmem:$0xE328];
	_ =	sdelay $0x4  }
0x1e8: {  	v1 =	vmax.f32 v1, v2  }
0x1e9: {  	v2 =	vld [tilespmem:s31+$0xE468];
	[tilespmem:s31+$0xE458] =	vst v1  }
0x1ea: {  	v1 =	vld [tilespmem:$0xE338];
	_ =	sdelay $0x4  }
0x1eb: {  	v1 =	vmax.f32 v1, v2  }
0x1ec: {  	v2 =	vld [tilespmem:s31+$0xE478];
	[tilespmem:s31+$0xE468] =	vst v1  }
0x1ed: {  	v1 =	vld [tilespmem:$0xE348];
	_ =	sdelay $0x4  }
0x1ee: {  	v1 =	vmax.f32 v1, v2  }
0x1ef: {  	v2 =	vld [tilespmem:s31+$0xE488];
	[tilespmem:s31+$0xE478] =	vst v1  }
0x1f0: {  	v1 =	vld [tilespmem:$0xE358];
	_ =	sdelay $0x4  }
0x1f1: {  	v1 =	vmax.f32 v1, v2  }
0x1f2: {  	v2 =	vld [tilespmem:s31+$0xE498];
	[tilespmem:s31+$0xE488] =	vst v1  }
0x1f3: {  	v1 =	vld [tilespmem:$0xE368];
	_ =	sdelay $0x4  }
0x1f4: {  	v1 =	vmax.f32 v1, v2  }
0x1f5: {  	v2 =	vld [tilespmem:s31+$0xE4A8];
	[tilespmem:s31+$0xE498] =	vst v1  }
0x1f6: {  	v1 =	vld [tilespmem:$0xE378];
	_ =	sdelay $0x4  }
0x1f7: {  	v1 =	vmax.f32 v1, v2  }
0x1f8: {  	v2 =	vld [tilespmem:s31+$0xE4B8];
	[tilespmem:s31+$0xE4A8] =	vst v1  }
0x1f9: {  	v1 =	vld [tilespmem:$0xE388];
	_ =	sdelay $0x4  }
0x1fa: {  	v1 =	vmax.f32 v1, v2  }
0x1fb: {  	v2 =	vld [tilespmem:s31+$0xE4C8];
	[tilespmem:s31+$0xE4B8] =	vst v1  }
0x1fc: {  	v1 =	vld [tilespmem:$0xE398];
	_ =	sdelay $0x4  }
0x1fd: {  	v1 =	vmax.f32 v1, v2  }
0x1fe: {  	v2 =	vld [tilespmem:s31+$0xE4D8];
	[tilespmem:s31+$0xE4C8] =	vst v1  }
0x1ff: {  	v1 =	vld [tilespmem:$0xE3A8];
	_ =	sdelay $0x4  }
0x200: {  	v1 =	vmax.f32 v1, v2  }
0x201: {  	v2 =	vld [tilespmem:s31+$0xE4E8];
	[tilespmem:s31+$0xE4D8] =	vst v1  }
0x202: {  	v1 =	vld [tilespmem:$0xE3B8];
	_ =	sdelay $0x4  }
0x203: {  	v1 =	vmax.f32 v1, v2  }
0x204: {  	v2 =	vld [tilespmem:s31+$0xE4F8];
	[tilespmem:s31+$0xE4E8] =	vst v1  }
0x205: {  	v1 =	vld [tilespmem:$0xE3C8];
	_ =	sdelay $0x4  }
0x206: {  	v1 =	vmax.f32 v1, v2  }
0x207: {  	v2 =	vld [tilespmem:s31+$0xE508];
	[tilespmem:s31+$0xE4F8] =	vst v1  }
0x208: {  	v1 =	vld [tilespmem:$0xE3D8];
	_ =	sdelay $0x4  }
0x209: {  	v1 =	vmax.f32 v1, v2  }
0x20a: {  	v2 =	vld [tilespmem:s31+$0xE518];
	[tilespmem:s31+$0xE508] =	vst v1  }
0x20b: {  	v1 =	vld [tilespmem:$0xE3E8];
	_ =	sdelay $0x4  }
0x20c: {  	v1 =	vmax.f32 v1, v2  }
0x20d: {  	v2 =	vld [tilespmem:s31+$0xE528];
	[tilespmem:s31+$0xE518] =	vst v1  }
0x20e: {  	v1 =	vld [tilespmem:$0xE3F8];
	_ =	sdelay $0x4  }
0x20f: {  	v1 =	vmax.f32 v1, v2  }
0x210: {  	[tilespmem:s31+$0xE528] =	vst v1  }
.LBB2_39:
0x211: {  	[tilespmem:s2+$0xE418] =	vst.msk $0x1, v0;
	s0 =	sshrl.u32 s7, $0x2  }
0x212: {  	v0 =	vld [tilespmem:s0+$0xE438];
	_ =	sdelay $0x2  }
0x213: {  	s31 =	sshll.u32 s2, $0xA  }
0x214: {  	s7 =	sshra.s32 s31, $0x2  }
0x215: {  	[tilespmem:s7+$0xE438] =	vst v0  }
0x216: {  	v0 =	vld [tilespmem:s0+$0xE448];
	_ =	sdelay $0x4  }
0x217: {  	[tilespmem:s7+$0xE448] =	vst v0  }
0x218: {  	v0 =	vld [tilespmem:s0+$0xE458];
	_ =	sdelay $0x4  }
0x219: {  	[tilespmem:s7+$0xE458] =	vst v0  }
0x21a: {  	v0 =	vld [tilespmem:s0+$0xE468];
	_ =	sdelay $0x4  }
0x21b: {  	[tilespmem:s7+$0xE468] =	vst v0  }
0x21c: {  	v0 =	vld [tilespmem:s0+$0xE478];
	_ =	sdelay $0x4  }
0x21d: {  	[tilespmem:s7+$0xE478] =	vst v0  }
0x21e: {  	v0 =	vld [tilespmem:s0+$0xE488];
	_ =	sdelay $0x4  }
0x21f: {  	[tilespmem:s7+$0xE488] =	vst v0  }
0x220: {  	v0 =	vld [tilespmem:s0+$0xE498];
	_ =	sdelay $0x4  }
0x221: {  	[tilespmem:s7+$0xE498] =	vst v0  }
0x222: {  	v0 =	vld [tilespmem:s0+$0xE4A8];
	_ =	sdelay $0x4  }
0x223: {  	[tilespmem:s7+$0xE4A8] =	vst v0  }
0x224: {  	v0 =	vld [tilespmem:s0+$0xE4B8];
	_ =	sdelay $0x4  }
0x225: {  	[tilespmem:s7+$0xE4B8] =	vst v0  }
0x226: {  	v0 =	vld [tilespmem:s0+$0xE4C8];
	_ =	sdelay $0x4  }
0x227: {  	[tilespmem:s7+$0xE4C8] =	vst v0  }
0x228: {  	v0 =	vld [tilespmem:s0+$0xE4D8];
	_ =	sdelay $0x4  }
0x229: {  	[tilespmem:s7+$0xE4D8] =	vst v0  }
0x22a: {  	v0 =	vld [tilespmem:s0+$0xE4E8];
	_ =	sdelay $0x4  }
0x22b: {  	[tilespmem:s7+$0xE4E8] =	vst v0  }
0x22c: {  	v0 =	vld [tilespmem:s0+$0xE4F8];
	_ =	sdelay $0x4  }
0x22d: {  	[tilespmem:s7+$0xE4F8] =	vst v0  }
0x22e: {  	v0 =	vld [tilespmem:s0+$0xE508];
	_ =	sdelay $0x4  }
0x22f: {  	[tilespmem:s7+$0xE508] =	vst v0  }
0x230: {  	v0 =	vld [tilespmem:s0+$0xE518];
	_ =	sdelay $0x4  }
0x231: {  	[tilespmem:s7+$0xE518] =	vst v0  }
0x232: {  	v0 =	vld [tilespmem:s0+$0xE528];
	_ =	sdelay $0x4  }
0x233: {  	s2 =	sadd.s32 $0x1, s2;
	[tilespmem:s7+$0xE528] =	vst v0  }
.LBB2_40:
0x234: {  	s6 =	sadd.s32 $0x1, s6  }
0x235: {  	p0 =	sne.s32 s6, $0x20  }
.Ltmp24:
0x236: {  	_ = 	snop;
	(pc) =	sbr.rel @!p0 .LBB2_41-.Ltmp24, $1  }
0x237: {  	_ =	sdelay $0x3  }
.LBB2_30:
0x238: {  	v0 =	vld.msk [tilespmem:s6+$0xE418], $0x1;
	_ =	sdelay $0x4  }
0x239: {  	(v2sf) =	vpush v0, $0x0;
	_ =	sdelay $0xe  }
0x23a: {  	s7 =	spop (v2sf)  }
0x23b: {  	p0 =	seq.s32 s7, $0xFFFFFFFF  }
.Ltmp25:
0x23c: {  	_ = 	snop;
	(pc) =	sbr.rel @p0 .LBB2_40-.Ltmp25, $1  }
0x23d: {  	_ =	sdelay $0x3  }
0x23e: {  	p0 =	slt.s32 s2, $0x1  }
.Ltmp26:
0x23f: {  	_ = 	snop;
	(pc) =	sbr.rel @p0 .LBB2_36-.Ltmp26, $1  }
0x240: {  	_ =	sdelay $0x3  }
0x241: {  	s8 =	simm.s32 $0xE418;
	p0 =	por $0x0, $0x0  }
0x242: {  	v1 =	vld.msk @!p0 [tilespmem:s8+$0x0], $0x1;
	_ =	sdelay $0x4  }
0x243: {  	(v2sf) =	vpush @!p0 v1, $0x0;
	_ =	sdelay $0xd  }
0x244: {  	p2 =	sne.s32 s2, $0x1  }
.Ltmp27:
0x245: {  	s0 =	spop @!p0 (v2sf);
	(pc) =	sbr.rel @!p2 .LBB2_34-.Ltmp27, $4  }
0x246: {  	p1 =	seq.s32 @!p0 s7, s0  }
0x247: {  	s9 =	simm.s32 $0x0;
	p1 =	por !p1, p0  }
0x248: {  	s0 =	simm.s32 $0xFFFFFFFF;
	s9 =	simm.s32 @p1 $0xFFFFFFFF  }
0x249: {  	s10 =	simm.s32 $0x1;
	s9 =	smov.u32 @p0 s0  }
.LBB2_33:
0x24a: {  	s0 =	smov.u32 s9;
	p0 =	sne.s32 s9, $0xFFFFFFFF  }
0x24b: {  	s8 =	sadd.s32 $0x1, s8;
	s9 =	smov.u32 s10;
	s10 =	sadd.s32 $0x1, s10  }
0x24c: {  	p1 =	sne.s32 s2, s10;
	v1 =	vld.msk @!p0 [tilespmem:s8+$0x0], $0x1;
	_ =	sdelay $0x4  }
0x24d: {  	(v2sf) =	vpush @!p0 v1, $0x0;
	_ =	sdelay $0xe  }
.Ltmp28:
0x24e: {  	s11 =	spop @!p0 (v2sf);
	(pc) =	sbr.rel @p1 .LBB2_33-.Ltmp28, $4  }
0x24f: {  	p2 =	seq.s32 @!p0 s7, s11  }
0x250: {  	p2 =	por !p2, p0  }
0x251: {  	s9 =	simm.s32 @p2 $0xFFFFFFFF  }
0x252: {  	s9 =	smov.u32 @p0 s0  }
.LBB2_34:
0x253: {  	p0 =	seq.s32 s9, $0xFFFFFFFF  }
.Ltmp29:
0x254: {  	_ = 	snop;
	(pc) =	sbr.rel @p0 .LBB2_36-.Ltmp29, $1  }
0x255: {  	_ =	sdelay $0x3  }
0x256: {  	s0 =	sshll.u32 s6, $0x8  }
0x257: {  	s31 =	sshll.u32 s9, $0xA;
	s8 =	sand.u32 $0x3FFFFF00, s0  }
0x258: {  	s7 =	sshra.s32 s31, $0x2;
	v0 =	vld [tilespmem:s8+$0xE438]  }
0x259: {  	v1 =	vld [tilespmem:s7+$0xE438];
	_ =	sdelay $0x4  }
0x25a: {  	v0 =	vmax.f32 v0, v1  }
0x25b: {  	v49 =	vld [tilespmem:s7+$0xE448];
	[tilespmem:s7+$0xE438] =	vst v0  }
0x25c: {  	v0 =	vld [tilespmem:s8+$0xE448];
	_ =	sdelay $0x4  }
0x25d: {  	v0 =	vmax.f32 v0, v49  }
0x25e: {  	v50 =	vld [tilespmem:s7+$0xE458];
	[tilespmem:s7+$0xE448] =	vst v0  }
0x25f: {  	v0 =	vld [tilespmem:s8+$0xE458];
	_ =	sdelay $0x4  }
0x260: {  	v0 =	vmax.f32 v0, v50  }
0x261: {  	v51 =	vld [tilespmem:s7+$0xE468];
	[tilespmem:s7+$0xE458] =	vst v0  }
0x262: {  	v0 =	vld [tilespmem:s8+$0xE468];
	_ =	sdelay $0x4  }
0x263: {  	v0 =	vmax.f32 v0, v51  }
0x264: {  	v52 =	vld [tilespmem:s7+$0xE478];
	[tilespmem:s7+$0xE468] =	vst v0  }
0x265: {  	v0 =	vld [tilespmem:s8+$0xE478];
	_ =	sdelay $0x4  }
0x266: {  	v0 =	vmax.f32 v0, v52  }
0x267: {  	v53 =	vld [tilespmem:s7+$0xE488];
	[tilespmem:s7+$0xE478] =	vst v0  }
0x268: {  	v0 =	vld [tilespmem:s8+$0xE488];
	_ =	sdelay $0x4  }
0x269: {  	v0 =	vmax.f32 v0, v53  }
0x26a: {  	v54 =	vld [tilespmem:s7+$0xE498];
	[tilespmem:s7+$0xE488] =	vst v0  }
0x26b: {  	v0 =	vld [tilespmem:s8+$0xE498];
	_ =	sdelay $0x4  }
0x26c: {  	v0 =	vmax.f32 v0, v54  }
0x26d: {  	v55 =	vld [tilespmem:s7+$0xE4A8];
	[tilespmem:s7+$0xE498] =	vst v0  }
0x26e: {  	v0 =	vld [tilespmem:s8+$0xE4A8];
	_ =	sdelay $0x4  }
0x26f: {  	v0 =	vmax.f32 v0, v55  }
0x270: {  	v56 =	vld [tilespmem:s7+$0xE4B8];
	[tilespmem:s7+$0xE4A8] =	vst v0  }
0x271: {  	v0 =	vld [tilespmem:s8+$0xE4B8];
	_ =	sdelay $0x4  }
0x272: {  	v0 =	vmax.f32 v0, v56  }
0x273: {  	v57 =	vld [tilespmem:s7+$0xE4C8];
	[tilespmem:s7+$0xE4B8] =	vst v0  }
0x274: {  	v0 =	vld [tilespmem:s8+$0xE4C8];
	_ =	sdelay $0x4  }
0x275: {  	v0 =	vmax.f32 v0, v57  }
0x276: {  	v58 =	vld [tilespmem:s7+$0xE4D8];
	[tilespmem:s7+$0xE4C8] =	vst v0  }
0x277: {  	v0 =	vld [tilespmem:s8+$0xE4D8];
	_ =	sdelay $0x4  }
0x278: {  	v0 =	vmax.f32 v0, v58  }
0x279: {  	v59 =	vld [tilespmem:s7+$0xE4E8];
	[tilespmem:s7+$0xE4D8] =	vst v0  }
0x27a: {  	v0 =	vld [tilespmem:s8+$0xE4E8];
	_ =	sdelay $0x4  }
0x27b: {  	v0 =	vmax.f32 v0, v59  }
0x27c: {  	v60 =	vld [tilespmem:s7+$0xE4F8];
	[tilespmem:s7+$0xE4E8] =	vst v0  }
0x27d: {  	v0 =	vld [tilespmem:s8+$0xE4F8];
	_ =	sdelay $0x4  }
0x27e: {  	v0 =	vmax.f32 v0, v60  }
0x27f: {  	v61 =	vld [tilespmem:s7+$0xE508];
	[tilespmem:s7+$0xE4F8] =	vst v0  }
0x280: {  	v0 =	vld [tilespmem:s8+$0xE508];
	_ =	sdelay $0x4  }
0x281: {  	v0 =	vmax.f32 v0, v61  }
0x282: {  	v62 =	vld [tilespmem:s7+$0xE518];
	[tilespmem:s7+$0xE508] =	vst v0  }
0x283: {  	v0 =	vld [tilespmem:s8+$0xE518];
	_ =	sdelay $0x4  }
0x284: {  	v0 =	vmax.f32 v0, v62  }
0x285: {  	v63 =	vld [tilespmem:s7+$0xE528];
	[tilespmem:s7+$0xE518] =	vst v0  }
0x286: {  	v0 =	vld [tilespmem:s8+$0xE528];
	_ =	sdelay $0x1  }
.Ltmp30:
0x287: {  	_ = 	snop;
	(pc) =	sbr.rel .LBB2_40-.Ltmp30, $3  }
0x288: {  	_ =	sdelay $0x1  }
0x289: {  	v0 =	vmax.f32 v0, v63  }
0x28a: {  	[tilespmem:s7+$0xE528] =	vst v0  }
.LBB2_36:
0x28b: {  	p0 =	slt.u32 s7, $0x4E171  }
.Ltmp31:
0x28c: {  	_ = 	snop;
	(pc) =	sbr.rel @p0 .LBB2_38-.Ltmp31, $1  }
0x28d: {  	_ =	sdelay $0x3  }
.Ltmp32:
0x28e: {  	(pc) =	sbr.rel .LBB2_39-.Ltmp32, $2  }
0x28f: {  	_ =	sdelay $0x2  }
0x290: {  	s7 =	sshll.u32 s6, $0xA  }
.LBB2_41:
0x291: {  	p0 =	slt.s32 s2, $0x1  }
.Ltmp33:
0x292: {  	_ = 	snop;
	(pc) =	sbr.rel @p0 .LBB2_45-.Ltmp33, $3  }
0x293: {  	_ =	sdelay $0x1  }
0x294: {  	s0 =	simm.s32 $0x6  }
0x295: {  	[sflag:s0] =	ssyncpa.u1 $0x1;
	s0 =	simm.s32 $0x0  }
0x296: {  	s3 =	simm.s32 $0xE418  }
0x297: {  	v0 =	vld.msk [tilespmem:s3+$0x0], $0x1;
	_ =	sdelay $0x4  }
0x298: {  	(v2sf) =	vpush v0, $0x0;
	_ =	sdelay $0xe  }
0x299: {  	s2 =	sadd.s32 $0xFFFFFFFF, s2;
	s4 =	spop (v2sf)  }
0x29a: {  	s5 =	simm.s32 $0xE438;
	p0 =	sne.s32 s2, $0x0;
	p1 =	sgt.u32 s4, $0x4E170  }
.Ltmp34:
0x29b: {  	s3 =	simm.s32 $0xE538;
	s6 =	sand.u32 @!p1 $0x7FFF8, s4;
	(pc) =	sbr.rel @!p0 .LBB2_44-.Ltmp34, $4  }
0x29c: {  	s7 =	sadd.s32 @!p1 $0x80, s4;
	s8 =	sadd.s32 @!p1 s1, s6;
	s6 =	sand.u32 @!p1 $0x7, s4  }
0x29d: {  	[hbm4b:s8+s6] =	stream.linear.scatter @!p1 [tilespmem:s5], [sflag:$0x5], $0x80, $0x38;
	[tilespmem:$0x1E668] =	vst v63  }
0x29e: {  	s0 =	simm.s32 @!p1 $0x400;
	s4 =	simm.s32 $0xE419;
	s5 =	sand.u32 @!p1 $0xFFFF8, s7  }
0x29f: {  	s7 =	simm.s32 @!p1 $0xE4B8;
	s8 =	sadd.s32 @!p1 s1, s5;
	s5 =	sadd.s32 $0x0, s0  }
.LBB2_43:
0x2a0: {  	[hbm4b:s8+s6] =	stream.linear.scatter @!p1 [tilespmem:s7], [sflag:$0x5], $0x80, $0x38;
	[tilespmem:$0x1E668] =	vst v63  }
0x2a1: {  	s2 =	sadd.s32 $0xFFFFFFFF, s2;
	s0 =	smov.u32 s3;
	v0 =	vld.msk [tilespmem:s4+$0x0], $0x1  }
0x2a2: {  	p0 =	sne.s32 s2, $0x0;
	_ =	sdelay $0x3  }
0x2a3: {  	(v2sf) =	vpush v0, $0x0;
	_ =	sdelay $0xe  }
0x2a4: {  	s3 =	sadd.s32 $0x100, s3;
	s9 =	simm.s32 $0x0;
	s6 =	spop (v2sf)  }
.Ltmp35:
0x2a5: {  	s4 =	sadd.s32 $0x1, s4;
	p1 =	sgt.u32 s6, $0x4E170;
	(pc) =	sbr.rel @p0 .LBB2_43-.Ltmp35, $4  }
0x2a6: {  	s9 =	simm.s32 @!p1 $0x400;
	s7 =	sand.u32 @!p1 $0x7FFF8, s6;
	s8 =	sadd.s32 @!p1 $0x80, s6  }
0x2a7: {  	s6 =	sand.u32 @!p1 $0x7, s6;
	s7 =	sadd.s32 @!p1 s1, s7;
	s8 =	sand.u32 @!p1 $0xFFFF8, s8  }
0x2a8: {  	[hbm4b:s7+s6] =	stream.linear.scatter @!p1 [tilespmem:s0], [sflag:$0x5], $0x80, $0x38;
	[tilespmem:$0x1E668] =	vst v63  }
0x2a9: {  	s5 =	sadd.s32 s5, s9;
	s7 =	sadd.s32 @!p1 $0x80, s0;
	s8 =	sadd.s32 @!p1 s1, s8  }
.LBB2_44:
0x2aa: {  	[hbm4b:s8+s6] =	stream.linear.scatter @!p1 [tilespmem:s7], [sflag:$0x5], $0x80, $0x38;
	[tilespmem:$0x1E668] =	vst v63  }
0x2ab: {  	s0 =	sshrl.u32 s5, $0x2  }
.LBB2_45:
0x2ac: {  	s1 =	simm.s32 $0x5  }
0x2ad: {  	_ =	swait.ge [sflag:s1], s0  }
0x2ae: {  	s29 =	ssub.s32 $0x0, s0;
	[sflag:s1] =	ssyncset.done $0x0  }
0x2af: {  	[sflag:s1] =	ssyncadd.s32 s29  }
0x2b0: {  	[sflag:s1] =	ssyncpa.u1 $0x1  }
0x2b1: {  	s30 =	simm.s32 $0x1;
	_ =	sfence  }
0x2b2: {  	[sflag:s30] =	ssyncpa.u1 $0x1  }
0x2b3: {  	_ =	strace $0x90000047  }
0x2b4: {  	[bflag:$0x2] =	sbarrier.arrive $0xFFFF  }
0x2b5: {  	s31 =	rddreg [dreg:$0x2]  }
0x2b6: {  	s0 =	sadd.s32 $0x100000, s31  }
0x2b7: {  	[sflag:s0] =	ssyncadd.tile.s32 $0x1;
	_ =	shalt  }
.Lfunc_end2:
_tile_overlayer_lowered:
.L_overlay_start_2:
0x2b8: {  	(tag) =	ssettag $0x2  }
0x2b9: {  	s0 =	rddreg [dreg:$0x0];
	s2 =	stileid.u32  }
0x2ba: {  	s1 =	rddreg [dreg:$0x1];
	p0 =	sne.s32 s2, $0x0  }
0x2bb: {  	s3 =	rddreg [dreg:$0x2];
	[bflag:$0x3] =	sbarrier.arrive $0xFFFF;
	s2 =	simm.s32 @!p0 $0x1C01  }
0x2bc: {  	[timem:s3], [sflag:s2] =	dma.local @!p0 [hbm:s0], s1  }
0x2bd: {  	s0 =	simm.s32 @!p0 $0x1  }
0x2be: {  	_ =	swait.ge @!p0 [sflag:s0], s1  }
0x2bf: {  	s1 =	ssub.s32 @!p0 $0x0, s1;
	[sflag:s0] =	ssyncset.done @!p0 $0x0  }
0x2c0: {  	[sflag:s0] =	ssyncadd.s32 @!p0 s1  }
0x2c1: {  	[bflag:$0x3] =	sbarrier.arrive $0xFFFF  }
0x2c2: {  	_ =	shalt  }

// kernel: sparse-core-data-format-call.cloned.1.call-start
scs
called_computation.5_lowered:
.L_overlay_start_0:
0x0: {  	s2 =	sld [smem:$0x3FD9]  }
0x1: {  	s3 =	sld [smem:$0x3FFE];
	_ =	sdelay $0x1  }
0x2: {  	s1 =	srdreg.scid  }
0x3: {  	s0 =	sand.u32 $0x1, s1  }
0x4: {  	s18 =	sshll.u32 s0, $0xA;
	s2 =	sadd.s32 s3, s2  }
0x5: {  	s2 =	sadd.s32 s2, s18  }
0x6: {  	[smem:$0x3FBD] =	sst s2  }
0x7: {  	_ = 	snop  }
0x8: {  	(tm) =	ssettm $0x1  }
0x9: {  	s19 =	sld [smem:$0x3FFB];
	_ =	sdelay $0x3  }
0xa: {  	_ =	strace s19  }
0xb: {  	s2 =	sld [smem:$0x3FFC];
	_ =	sdelay $0x3  }
0xc: {  	_ =	strace s2  }
0xd: {  	s2 =	sld [smem:$0x3FFD];
	_ =	sdelay $0x3  }
0xe: {  	_ =	strace s2  }
0xf: {  	_ =	strace $0x8FFFFFFF  }
0x10: {  	s20 =	sld [smem:$0x3FDB];
	_ =	sdelay $0x1  }
0x11: {  	s21 =	simm.s32 $_scs_section_size  }
0x12: {  	s4 =	simm.s32 $_size__tile_overlayer_lowered;
	s5 =	simm.s32 $_tile_overlayer_lowered  }
0x13: {  	s6 =	simm.s32 $0x1BFF;
	s22 =	sshll.u32 s5, $0x1;
	s3 =	sadd.s32 s21, s20  }
0x14: {  	s23 =	simm.s32 $0x0;
	s4 =	sshll.u32 s4, $0x1;
	s5 =	sadd.s32 s22, s3  }
0x15: {  	[timem:s23], [sflag:s6] =	dma.local [hbm:s5], s4  }
0x16: {  	_ =	swait.ge [sflag:s6], s4  }
0x17: {  	s4 =	ssub.s32 $0x0, s4;
	[sflag:s6] =	ssyncset.done $0x0  }
0x18: {  	[sflag:s6] =	ssyncadd.s32 s4;
	_ =	sdelay $0x1  }
0x19: {  	s24 =	simm.s32 $0x1B8B  }
0x1a: {  	_ =	swait.ge [sflag:s24], $0x1  }
0x1b: {  	[sflag:s24] =	ssyncset.done $0x0  }
0x1c: {  	[sflag:s24] =	ssyncadd.s32 $0xFFFFFFFF  }
0x1d: {  	s4 =	sld [smem:$0x0]  }
0x1e: {  	s5 =	sand.u32 $0xFFFFFFFE, s1  }
0x1f: {  	p0 =	sne.s32 s1, s5  }
0x20: {  	s5 =	sshll.u32 @p0 s5, $0xE  }
0x21: {  	s5 =	sadd.s32 @p0 $0x11B8D, s5;
	s6 =	sshll.u32 @p0 s4, $0x11  }
0x22: {  	s5 =	sor.u32 @p0 s6, s5  }
0x23: {  	[sflag:s5] =	ssyncadd.remote.s32 @p0 $0x1;
	_ =	sdelay $0x1  }
0x24: {  	s5 =	simm.s32 @p0 $0x1B8D  }
0x25: {  	_ =	swait.eq @p0 [sflag:s5], $0x1  }
0x26: {  	[sflag:s5] =	ssyncadd.s32 @p0 $0xFFFFFFFF  }
0x27: {  	s6 =	sshll.u32 @!p0 s1, $0xE  }
0x28: {  	s6 =	sor.u32 @!p0 $0x4000, s6;
	s5 =	simm.s32 @!p0 $0x1B8D  }
0x29: {  	s4 =	sshll.u32 @!p0 s4, $0x11;
	s6 =	sadd.s32 @!p0 $0x11B8D, s6;
	_ =	swait.eq @!p0 [sflag:s5], $0x1  }
0x2a: {  	s4 =	sor.u32 @!p0 s4, s6;
	[sflag:s5] =	ssyncadd.s32 @!p0 $0xFFFFFFFF  }
0x2b: {  	s26 =	simm.s32 $0x1B8E;
	s25 =	sld [smem:$0x3FFE];
	[sflag:s4] =	ssyncadd.remote.s32 @!p0 $0x1  }
0x2c: {  	s27 =	simm.s32 $execute0_lowered;
	[smem:$0x3FD2] =	sst s26  }
0x2d: {  	s5 =	sshll.u32 s27, $0x1;
	_ =	strace $0x8000005B;
	[dreg:$0x1] =	wrdreg $0xFFFFFFFF  }
0x2e: {  	s28 =	simm.s32 $_size_execute0_lowered;
	s3 =	sadd.s32 s3, s5;
	[dreg:$0x0] =	wrdreg $0x0  }
0x2f: {  	s5 =	sshll.u32 s28, $0x1;
	[dreg:$0x2] =	wrdreg s3  }
0x30: {  	[dreg:$0x3] =	wrdreg s5  }
0x31: {  	[dreg:$0x4] =	wrdreg $0xC0  }
0x32: {  	_ =	task [dreg:s23], $0x5FFFF  }
0x33: {  	[dreg:$0x1] =	wrdreg $0xFFFFFFFF  }
0x34: {  	[dreg:$0x0] =	wrdreg $0x60  }
0x35: {  	[dreg:$0x2] =	wrdreg s25  }
0x36: {  	[dreg:$0x3] =	wrdreg $0x9  }
0x37: {  	_ =	task.clear_ibuf [dreg:s23], $0x4FFFF;
	_ =	strace $0x9000005B  }
0x38: {  	s29 =	simm.s32 $0x9;
	_ =	strace $0x8000005D  }
0x39: {  	_ =	swait.ge [sflag:s29], $0x1  }
0x3a: {  	[sflag:s29] =	ssyncadd.s32 $0xFFFFFFFF  }
0x3b: {  	_ =	strace $0x9000005D  }
0x3c: {  	_ =	sfence  }
0x3d: {  	s30 =	sld [smem:$0x0];
	_ =	sdelay $0x2  }
0x3e: {  	s31 =	sshll.u32 s1, $0xD;
	s1 =	sshrl.u32 s1, $0x2  }
0x3f: {  	s4 =	sand.u32 $0x4000, s31;
	s1 =	sadd.s32 s1, s30  }
0x40: {  	s0 =	sor.u32 s4, s0;
	s1 =	sshll.u32 s1, $0x11  }
0x41: {  	s0 =	sor.u32 s1, s0  }
0x42: {  	s0 =	sadd.s32 $0x8F2B, s0  }
0x43: {  	[sflag:s0] =	ssyncadd.remote.s32 $0x1  }
0x44: {  	_ =	sfence.sel $0xFFFF  }
0x45: {  	[dreg:$0x0] =	wrdreg $0xFFFFFFFF;
	(pc) =	sbr.abs _section_cstart, $3  }
0x46: {  	[dreg:$0x1] =	wrdreg $0xFFFFFFFF  }
0x47: {  	_ =	task.clear_ibuf [dreg:s23], $0x2FFFF;
	_ =	strace $0x9FFFFFFF  }
0x48: {  	(tm) =	ssettm $0x7FFFFFFF  }
0x49: {  	_ =	shalt  }
tec
execute0_lowered:
.L_overlay_start_1:
0x0: {  	(tag) =	ssettag $0x1  }
0x1: {  	s0 =	srdreg.scid  }
0x2: {  	s1 =	sshll.u32 s0, $0x4  }
0x3: {  	s0 =	stileid.u32;
	s1 =	sand.u32 $0x10, s1  }
0x4: {  	s1 =	sor.u32 s0, s1  }
0x5: {  	s6 =	rddreg [dreg:$0x0];
	s7 =	simm.s32 $0x2;
	s2 =	sshll.u32 s1, $0x7  }
0x6: {  	s12 =	simm.s32 $0x0;
	s8 =	simm.s32 $0xA000;
	s1 =	ssub.s32 $0x2800, s2  }
0x7: {  	s13 =	simm.s32 $0x0;
	s9 =	simm.s32 $0x0;
	s3 =	sand.u32 $0xF80, s1  }
0x8: {  	s11 =	simm.s32 $0x0;
	p0 =	sne.s32 s3, $0x0;
	s3 =	simm.s32 $0x1  }
.Ltmp0:
0x9: {  	s4 =	sshrl.u32 s1, $0xC;
	s3 =	simm.s32 @!p0 $0x0;
	(pc) =	sbr.rel .LBB1_1-.Ltmp0, $4  }
0xa: {  	s5 =	sadd.s32 $0x555200, s6;
	s1 =	rddreg [dreg:$0x1];
	s4 =	sadd.s32 s3, s4  }
0xb: {  	_ =	strace $0x8000005C;
	s3 =	simm.s32 $0x1;
	s4 =	smul.u32 $0x14, s4  }
0xc: {  	s6 =	sadd.s32 $0x10200, s6;
	s10 =	smov.u32 s2;
	[sflag:s3] =	ssyncpa.u1 $0x0  }
0xd: {  	p0 =	por $0x0, $0x0;
	[sflag:s7] =	ssyncpa.u1 $0x0;
	s7 =	sor.u32 $0x1, s4  }
.LBB1_4:
0xe: {  	s15 =	sshrl.u32 s12, $0x3  }
0xf: {  	s19 =	sand.u32 $0x1, s12;
	s20 =	sshll.u32 s13, $0x1;
	s27 =	sshll.u32 s13, $0x3  }
0x10: {  	[tilespmem:s17+$0x1 ss:$0x81] =	vst.msk $0xffff, v12;
	v8 =	vcombine.high v8, v10;
	v6 =	vperm.xlane.i2c.b16 v6;
	v50 =	vld [tilespmem:s16+$0x230];
	s28 =	sshll.u32 s12, $0x7;
	s15 =	smul.u32 $0x14000, s15;
	s20 =	sand.u32 $0xFE, s20  }
0x11: {  	[tilespmem:s17+$0x810 ss:$0x81] =	vst.msk $0xffff, v11;
	v51 =	vcombine.low v7, v9;
	v3 =	vperm.xlane.i2c.b16 v3;
	v52 =	vld [tilespmem:s16+$0x240];
	s13 =	sand.u32 $0xFFFFFC00, s27;
	s12 =	sand.u32 $0x300, s28;
	s19 =	sor.u32 s19, s20  }
0x12: {  	v53 =	vcombine.high v7, v9;
	v54 =	vld [tilespmem:s16+$0x250];
	v0 =	vcombine.high v0, v1;
	[tilespmem:s17+$0x811 ss:$0x81] =	vst.msk $0xffff, v8;
	s13 =	sadd.s32 s13, s15;
	s12 =	sor.u32 s12, s19  }
0x13: {  	v4 =	vperm.xlane.i2c.b16 v4;
	v2 =	vperm.xlane.i2c.b16 v2;
	[tilespmem:s17+$0x1020 ss:$0x81] =	vst.msk $0xffff, v51;
	s12 =	sor.u32 s13, s12;
	s13 =	smulhi.u32 $0xCCCCCCCD, s13  }
0x14: {  	v5 =	vperm.xlane.i2c.b16 v5;
	v55 =	vcombine.low v6, v3;
	[tilespmem:s14+$0x3061 ss:$0x81] =	vst.msk $0xffff, v0;
	s29 =	smulhi.u32 $0xCCCCCCCD, s12  }
0x15: {  	v3 =	vcombine.high v6, v3;
	v56 =	vcombine.low v4, v2;
	[tilespmem:s17+$0x1021 ss:$0x81] =	vst.msk $0xffff, v53;
	s13 =	sshrl.u32 s13, $0xD  }
0x16: {  	v2 =	vcombine.high v4, v2;
	[tilespmem:s17+$0x1830 ss:$0x81] =	vst.msk $0xffff, v55;
	v57 =	vperm.xlane.i2c.b16 v50;
	s15 =	sshrl.u32 s29, $0xD;
	s30 =	smulhi.u32 $0xCCCCD, s13  }
0x17: {  	[tilespmem:s17+$0x2040 ss:$0x81] =	vst.msk $0xffff, v56;
	v58 =	vperm.xlane.i2c.b16 v52;
	v60 =	vperm.xlane.i2c.b16 v54;
	s15 =	smul.u32 $0x2800, s15  }
0x18: {  	[tilespmem:s17+$0x1831 ss:$0x81] =	vst.msk $0xffff, v3;
	v59 =	vcombine.low v5, v57;
	s16 =	smul.u32 $0x1400, s30  }
0x19: {  	[tilespmem:s17+$0x2041 ss:$0x81] =	vst.msk $0xffff, v2;
	v62 =	vcombine.low v58, v60  }
0x1a: {  	v61 =	vcombine.high v5, v57;
	[tilespmem:s17+$0x2850 ss:$0x81] =	vst.msk $0xffff, v59;
	s12 =	ssub.s32 s12, s15;
	s13 =	ssub.s32 s13, s16  }
0x1b: {  	v63 =	vcombine.high v58, v60;
	[tilespmem:s17+$0x3060 ss:$0x81] =	vst.msk $0xffff, v62;
	s31 =	sshrl.u32 s12, $0x4;
	s12 =	sshll.u32 s12, $0x11;
	s13 =	smul.u32 $0x280, s13  }
0x1c: {  	[tilespmem:s17+$0x2851 ss:$0x81] =	vst.msk $0xffff, v61;
	s14 =	sadd.s32 s6, s31;
	s12 =	sand.u32 $0x1C0000, s12  }
0x1d: {  	[tilespmem:s17+$0x3061 ss:$0x81] =	vst.msk $0xffff, v63;
	s12 =	sor.u32 $0x200, s12;
	s13 =	sadd.s32 s13, s14  }
0x1e: {  	[hbm4b:s13+s12] =	stream.strided.scatter [tilespmem:s18], [sflag:$0x2], $0x4000, s8, s12, $0x20;
	[tilespmem:$0x10100] =	vst v63  }
.LBB1_5:
0x1f: {  	s14 =	sadd.s32 $0x100, s9  }
0x20: {  	s12 =	sadd.s32 $0x1000, s10;
	s16 =	smov.u32 s10;
	p2 =	sgt.s32 s14, $0x13FF  }
0x21: {  	s16 =	smov.u32 @p2 s12  }
0x22: {  	s14 =	simm.s32 @p2 $0x0;
	p2 =	sgt.s32 s16, $0x27FF  }
0x23: {  	s16 =	smov.u32 @p2 s2;
	p2 =	sne.s32 s11, s7  }
.Ltmp1:
0x24: {  	p1 =	slt.u32 s11, $0x2;
	(pc) =	sbr.rel @!p2 .LBB1_6-.Ltmp1, $4  }
0x25: {  	s15 =	simm.s32 @!p1 $0x2  }
0x26: {  	s13 =	smov.u32 s10;
	p0 =	por !p0, !p0;
	_ =	swait.ge @!p1 [sflag:s15], $0x4000  }
0x27: {  	s12 =	smov.u32 s9;
	[sflag:s15] =	ssyncset.done @!p1 $0x0;
	s9 =	smov.u32 s14  }
0x28: {  	s11 =	sadd.s32 $0x1, s11;
	[sflag:s15] =	ssyncadd.s32 @!p1 $0xFFFFC000;
	s10 =	smov.u32 s16  }
.LBB1_1:
0x29: {  	p1 =	sge.u32 s11, s4  }
0x2a: {  	s14 =	sshrl.u32 @!p1 s10, $0x3;
	s15 =	sand.u32 @!p1 $0x1, s10  }
0x2b: {  	s16 =	sshll.u32 @!p1 s9, $0x3;
	s17 =	sshll.u32 @!p1 s10, $0x7;
	s14 =	smul.u32 @!p1 $0xA000, s14  }
0x2c: {  	s18 =	sshll.u32 @!p1 s9, $0x1;
	s16 =	sand.u32 @!p1 $0xFFFFFC00, s16;
	s17 =	sand.u32 @!p1 $0x300, s17  }
0x2d: {  	s15 =	sor.u32 @!p1 s15, s17;
	s14 =	sadd.s32 @!p1 s14, s16;
	s16 =	sand.u32 @!p1 $0xFE, s18  }
0x2e: {  	s15 =	sor.u32 @!p1 s16, s15;
	s16 =	smulhi.u32 @!p1 $0xCCCCCCCD, s14  }
0x2f: {  	s14 =	sor.u32 @!p1 s14, s15  }
0x30: {  	s15 =	smulhi.u32 @!p1 $0xCCCCCCCD, s14;
	s16 =	sshrl.u32 @!p1 s16, $0xC  }
0x31: {  	s17 =	smulhi.u32 @!p1 $0xCCCCD, s16  }
0x32: {  	s15 =	sshrl.u32 @!p1 s15, $0xC  }
0x33: {  	s15 =	smul.u32 @!p1 $0x1400, s15;
	s17 =	sshrl.u32 @!p1 s17, $0x1  }
0x34: {  	s17 =	smul.u32 @!p1 $0x2800, s17;
	_ =	sdelay $0x1  }
0x35: {  	s14 =	ssub.s32 @!p1 s14, s15;
	s15 =	ssub.s32 @!p1 s16, s17  }
0x36: {  	s31 =	sadd.s32 $0xFFFFFFFF, s11;
	s16 =	sshrl.u32 @!p1 s14, $0x4;
	s15 =	smul.u32 @!p1 $0x140, s15  }
0x37: {  	s17 =	sxor.u32 @!p1 $0xFFFFFFFF, s11;
	s14 =	sshll.u32 @!p1 s14, $0x11;
	s16 =	sadd.s32 @!p1 s5, s16  }
0x38: {  	s14 =	sand.u32 @!p1 $0x1C0000, s14;
	s15 =	sadd.s32 @!p1 s15, s16;
	s16 =	sshll.u32 @!p1 s17, $0xE  }
0x39: {  	s14 =	sor.u32 @!p1 $0x400, s14;
	s17 =	simm.s32 @!p1 $0x5000;
	s16 =	sand.u32 @!p1 $0x4000, s16  }
0x3a: {  	[tilespmem:s16], [sflag:$0x1] =	stream.strided.gather @!p1 [hbm4b:s15+s14], $0x4000, s17, s14, $0x38;
	[tilespmem:$0x10100] =	vst v63  }
0x3b: {  	p1 =	sge.u32 s31, s4  }
.Ltmp2:
0x3c: {  	_ = 	snop;
	(pc) =	sbr.rel @p1 .LBB1_5-.Ltmp2, $1  }
0x3d: {  	_ =	sdelay $0x3  }
0x3e: {  	s17 =	sand.u32 $0x1, s11;
	s14 =	simm.s32 $0x0  }
0x3f: {  	_ =	swait.ge [sflag:s3], $0x4000;
	s15 =	sshll.u32 s17, $0xE;
	s16 =	sand.u32 $0x3C00, s14  }
0x40: {  	[sflag:s3] =	ssyncset.done $0x0;
	s14 =	sand.u32 $0x180, s14;
	s16 =	sadd.s32 s16, s15  }
0x41: {  	[sflag:s3] =	ssyncadd.s32 $0xFFFFC000;
	s18 =	sadd.s32 s14, s16  }
0x42: {  	v0 =	vld [tilespmem:s18+$0x260]  }
0x43: {  	v1 =	vld [tilespmem:s18+$0x270]  }
0x44: {  	v2 =	vld [tilespmem:s18+$0x0]  }
0x45: {  	v3 =	vld [tilespmem:s18+$0x10]  }
0x46: {  	v4 =	vld [tilespmem:s18+$0x20]  }
0x47: {  	s14 =	simm.s32 $0x1;
	v5 =	vld [tilespmem:s18+$0x30]  }
0x48: {  	s14 =	simm.s32 @!p0 $0x0;
	v6 =	vld [tilespmem:s18+$0x40]  }
0x49: {  	v7 =	vld [tilespmem:s18+$0x50];
	s14 =	smul.u32 $0x10200, s14;
	v1 =	vperm.xlane.i2c.b16 v1;
	v0 =	vperm.xlane.i2c.b16 v0  }
0x4a: {  	v8 =	vld [tilespmem:s18+$0x60];
	v2 =	vperm.xlane.i2c.b16 v2;
	v3 =	vperm.xlane.i2c.b16 v3  }
0x4b: {  	v10 =	vld [tilespmem:s18+$0x70];
	s14 =	sshrl.u32 s14, $0x2;
	v9 =	vcombine.low v0, v1;
	v0 =	vcombine.high v0, v1  }
0x4c: {  	s14 =	sor.u32 $0x8000, s14;
	v1 =	vperm.xlane.i2c.b16 v5;
	v5 =	vld [tilespmem:s18+$0x200];
	v11 =	vcombine.low v2, v3  }
0x4d: {  	v4 =	vperm.xlane.i2c.b16 v4;
	v2 =	vcombine.high v2, v3;
	v3 =	vld [tilespmem:s18+$0x210];
	[tilespmem:s14+$0x3870 ss:$0x81] =	vst.msk $0xffff, v9  }
0x4e: {  	s30 =	simm.s32 $0x100;
	v6 =	vperm.xlane.i2c.b16 v6;
	v7 =	vperm.xlane.i2c.b16 v7;
	v9 =	vld [tilespmem:s18+$0x220];
	[tilespmem:s14+$0x0 ss:$0x81] =	vst.msk $0xffff, v11  }
0x4f: {  	s19 =	simm.s32 $0x80;
	s16 =	sand.u32 $0x3C00, s30;
	[tilespmem:s14+$0x3871 ss:$0x81] =	vst.msk $0xffff, v0;
	v0 =	vcombine.low v4, v1;
	v1 =	vcombine.high v4, v1;
	v4 =	vld [tilespmem:s18+$0x230]  }
0x50: {  	s20 =	sand.u32 $0x180, s19;
	s16 =	sadd.s32 s16, s15;
	[tilespmem:s14+$0x1 ss:$0x81] =	vst.msk $0xffff, v2;
	v2 =	vperm.xlane.i2c.b16 v8;
	v8 =	vperm.xlane.i2c.b16 v10;
	v10 =	vld [tilespmem:s18+$0x240]  }
0x51: {  	s16 =	sadd.s32 s20, s16;
	[tilespmem:s14+$0x810 ss:$0x81] =	vst.msk $0xffff, v0;
	v0 =	vcombine.low v6, v7;
	v6 =	vcombine.high v6, v7;
	v7 =	vld [tilespmem:s18+$0x250]  }
0x52: {  	v11 =	vcombine.low v2, v8;
	v2 =	vcombine.high v2, v8;
	v8 =	vld [tilespmem:s16+$0x0];
	[tilespmem:s14+$0x811 ss:$0x81] =	vst.msk $0xffff, v1  }
0x53: {  	v1 =	vperm.xlane.i2c.b16 v5;
	v5 =	vld [tilespmem:s16+$0x260];
	[tilespmem:s14+$0x1020 ss:$0x81] =	vst.msk $0xffff, v0;
	v0 =	vperm.xlane.i2c.b16 v3  }
0x54: {  	v3 =	vld [tilespmem:s16+$0x270];
	[tilespmem:s14+$0x1021 ss:$0x81] =	vst.msk $0xffff, v6;
	v6 =	vperm.xlane.i2c.b16 v9  }
0x55: {  	[tilespmem:s14+$0x1830 ss:$0x81] =	vst.msk $0xffff, v11;
	v11 =	vld [tilespmem:s16+$0x10];
	v4 =	vperm.xlane.i2c.b16 v4;
	v9 =	vcombine.low v1, v0  }
0x56: {  	v12 =	vcombine.high v1, v0;
	v0 =	vperm.xlane.i2c.b16 v10  }
0x57: {  	[tilespmem:s14+$0x1831 ss:$0x81] =	vst.msk $0xffff, v2;
	v2 =	vld [tilespmem:s16+$0x20];
	v10 =	vcombine.low v6, v4;
	v1 =	vperm.xlane.i2c.b16 v7  }
0x58: {  	v7 =	vld [tilespmem:s16+$0x30];
	v4 =	vcombine.high v6, v4;
	v13 =	vperm.xlane.i2c.b16 v8;
	[tilespmem:s14+$0x2040 ss:$0x81] =	vst.msk $0xffff, v9  }
0x59: {  	v9 =	vld [tilespmem:s16+$0x40];
	v5 =	vperm.xlane.i2c.b16 v5;
	[tilespmem:s14+$0x2041 ss:$0x81] =	vst.msk $0xffff, v12;
	v12 =	vperm.xlane.i2c.b16 v3  }
0x5a: {  	v14 =	vld [tilespmem:s16+$0x50];
	[tilespmem:s14+$0x2850 ss:$0x81] =	vst.msk $0xffff, v10;
	v10 =	vcombine.low v0, v1;
	v11 =	vperm.xlane.i2c.b16 v11  }
0x5b: {  	v6 =	vld [tilespmem:s16+$0x60];
	[tilespmem:s14+$0x2851 ss:$0x81] =	vst.msk $0xffff, v4;
	v15 =	vcombine.low v5, v12  }
0x5c: {  	s31 =	smul.u32 $0x10200, s17;
	s17 =	sadd.s32 $0x2, s14;
	v3 =	vld [tilespmem:s16+$0x70];
	v8 =	vperm.xlane.i2c.b16 v2;
	[tilespmem:s14+$0x3060 ss:$0x81] =	vst.msk $0xffff, v10;
	v16 =	vcombine.low v13, v11  }
0x5d: {  	v4 =	vld [tilespmem:s16+$0x200];
	v5 =	vcombine.high v5, v12;
	v10 =	vperm.xlane.i2c.b16 v7;
	[tilespmem:s17+$0x3870 ss:$0x81] =	vst.msk $0xffff, v15  }
0x5e: {  	s18 =	sshrl.u32 s31, $0x2;
	v2 =	vld [tilespmem:s16+$0x210];
	v12 =	vcombine.high v13, v11;
	v7 =	vperm.xlane.i2c.b16 v9;
	[tilespmem:s17+$0x0 ss:$0x81] =	vst.msk $0xffff, v16  }
0x5f: {  	s21 =	simm.s32 $0x200;
	s20 =	simm.s32 $0x2;
	s18 =	sor.u32 $0x8000, s18;
	v9 =	vperm.xlane.i2c.b16 v14;
	[tilespmem:s17+$0x3871 ss:$0x81] =	vst.msk $0xffff, v5;
	v11 =	vcombine.low v8, v10;
	v5 =	vld [tilespmem:s16+$0x220]  }
.LBB1_3:
0x60: {  	s22 =	sand.u32 $0x3C00, s21;
	[tilespmem:s17+$0x1 ss:$0x81] =	vst.msk $0xffff, v12;
	v8 =	vcombine.high v8, v10;
	v6 =	vperm.xlane.i2c.b16 v6;
	v10 =	vld [tilespmem:s16+$0x230];
	s19 =	sadd.s32 $0x80, s19  }
0x61: {  	v3 =	vperm.xlane.i2c.b16 v3;
	s23 =	sand.u32 $0x180, s19;
	s22 =	sadd.s32 s22, s15;
	[tilespmem:s17+$0x810 ss:$0x81] =	vst.msk $0xffff, v11;
	v11 =	vcombine.low v7, v9;
	v12 =	vld [tilespmem:s16+$0x240]  }
0x62: {  	s20 =	sadd.s32 $0x2, s20;
	v4 =	vperm.xlane.i2c.b16 v4;
	v7 =	vcombine.high v7, v9;
	[tilespmem:s17+$0x811 ss:$0x81] =	vst.msk $0xffff, v8;
	v8 =	vld [tilespmem:s16+$0x250];
	s16 =	sadd.s32 s23, s22  }
0x63: {  	v2 =	vperm.xlane.i2c.b16 v2;
	p1 =	slt.u32 s20, $0x7E;
	v9 =	vld [tilespmem:s16+$0x260];
	[tilespmem:s17+$0x1020 ss:$0x81] =	vst.msk $0xffff, v11;
	v11 =	vcombine.low v6, v3  }
0x64: {  	v5 =	vperm.xlane.i2c.b16 v5;
	v3 =	vcombine.high v6, v3;
	v13 =	vld [tilespmem:s16+$0x270];
	[tilespmem:s17+$0x1021 ss:$0x81] =	vst.msk $0xffff, v7  }
0x65: {  	v7 =	vcombine.low v4, v2;
	v6 =	vld [tilespmem:s16+$0x0];
	[tilespmem:s17+$0x1830 ss:$0x81] =	vst.msk $0xffff, v11;
	v10 =	vperm.xlane.i2c.b16 v10  }
0x66: {  	v2 =	vcombine.high v4, v2;
	v11 =	vld [tilespmem:s16+$0x10];
	[tilespmem:s17+$0x1831 ss:$0x81] =	vst.msk $0xffff, v3;
	v3 =	vperm.xlane.i2c.b16 v12  }
0x67: {  	v4 =	vld [tilespmem:s16+$0x20];
	[tilespmem:s17+$0x2040 ss:$0x81] =	vst.msk $0xffff, v7;
	v7 =	vcombine.low v5, v10;
	v8 =	vperm.xlane.i2c.b16 v8  }
0x68: {  	v12 =	vld [tilespmem:s16+$0x30];
	[tilespmem:s17+$0x2041 ss:$0x81] =	vst.msk $0xffff, v2;
	v2 =	vcombine.high v5, v10;
	v5 =	vcombine.high v0, v1;
	v0 =	vmov v3  }
0x69: {  	v9 =	vperm.xlane.i2c.b16 v9;
	v14 =	vld [tilespmem:s16+$0x40];
	v10 =	vperm.xlane.i2c.b16 v13;
	[tilespmem:s17+$0x2850 ss:$0x81] =	vst.msk $0xffff, v7;
	v1 =	vmov v8  }
0x6a: {  	v7 =	vperm.xlane.i2c.b16 v6;
	v13 =	vld [tilespmem:s16+$0x50];
	[tilespmem:s17+$0x2851 ss:$0x81] =	vst.msk $0xffff, v2;
	v2 =	vcombine.low v0, v1  }
.Ltmp3:
0x6b: {  	v11 =	vperm.xlane.i2c.b16 v11;
	v6 =	vld [tilespmem:s16+$0x60];
	v15 =	vcombine.low v9, v10;
	[tilespmem:s14+$0x3061 ss:$0x81] =	vst.msk $0xffff, v5;
	s14 =	smov.u32 s17;
	(pc) =	sbr.rel @p1 .LBB1_3-.Ltmp3, $4  }
0x6c: {  	v5 =	vcombine.high v9, v10;
	s17 =	sadd.s32 $0x2, s17;
	v8 =	vperm.xlane.i2c.b16 v4;
	v3 =	vld [tilespmem:s16+$0x70];
	[tilespmem:s14+$0x3060 ss:$0x81] =	vst.msk $0xffff, v2  }
0x6d: {  	v9 =	vcombine.low v7, v11;
	v10 =	vperm.xlane.i2c.b16 v12;
	v4 =	vld [tilespmem:s16+$0x200];
	[tilespmem:s17+$0x3870 ss:$0x81] =	vst.msk $0xffff, v15  }
0x6e: {  	v12 =	vcombine.high v7, v11;
	v7 =	vperm.xlane.i2c.b16 v14;
	v2 =	vld [tilespmem:s16+$0x210];
	[tilespmem:s17+$0x3871 ss:$0x81] =	vst.msk $0xffff, v5  }
0x6f: {  	s21 =	sadd.s32 $0x100, s21;
	[tilespmem:s17+$0x0 ss:$0x81] =	vst.msk $0xffff, v9;
	v11 =	vcombine.low v8, v10;
	v9 =	vperm.xlane.i2c.b16 v13;
	v5 =	vld [tilespmem:s16+$0x220]  }
.Ltmp4:
0x70: {  	_ = 	snop;
	(pc) =	sbr.rel .LBB1_4-.Ltmp4, $1  }
0x71: {  	_ =	sdelay $0x3  }
.LBB1_6:
0x72: {  	_ =	sfence.sel $0x180000  }
0x73: {  	s2 =	simm.s32 $0x1;
	[bflag:$0x0] =	sbarrier.arrive $0xFFFF  }
0x74: {  	s31 =	simm.s32 $0x2;
	[sflag:s2] =	ssyncpa.u1 $0x1  }
0x75: {  	[sflag:s31] =	ssyncpa.u1 $0x1  }
0x76: {  	p0 =	sne.s32 s0, $0x0;
	_ =	strace $0x9000005C  }
0x77: {  	s0 =	sadd.s32 @!p0 $0x100000, s1;
	[bflag:$0x2] =	sbarrier.arrive $0xFFFF  }
0x78: {  	[sflag:s0] =	ssyncadd.tile.s32 @!p0 $0x1;
	_ =	shalt  }
.Lfunc_end1:
_tile_overlayer_lowered:
.L_overlay_start_2:
0x79: {  	(tag) =	ssettag $0x2  }
0x7a: {  	s0 =	rddreg [dreg:$0x0];
	s2 =	stileid.u32  }
0x7b: {  	s1 =	rddreg [dreg:$0x1];
	p0 =	sne.s32 s2, $0x0  }
0x7c: {  	s3 =	rddreg [dreg:$0x2];
	[bflag:$0x3] =	sbarrier.arrive $0xFFFF;
	s2 =	simm.s32 @!p0 $0x1C01  }
0x7d: {  	[timem:s3], [sflag:s2] =	dma.local @!p0 [hbm:s0], s1  }
0x7e: {  	s0 =	simm.s32 @!p0 $0x1  }
0x7f: {  	_ =	swait.ge @!p0 [sflag:s0], s1  }
0x80: {  	s1 =	ssub.s32 @!p0 $0x0, s1;
	[sflag:s0] =	ssyncset.done @!p0 $0x0  }
0x81: {  	[sflag:s0] =	ssyncadd.s32 @!p0 s1  }
0x82: {  	[bflag:$0x3] =	sbarrier.arrive $0xFFFF  }
0x83: {  	_ =	shalt  }

</sc_bundles>
